<compile_context>
chip_gen: v7x
topology: tpu7x:2x2x1
jax: 0.10.2.dev20260603
libtpu: 0.0.44.dev20260713+nightly
codegen_flags: <defaults>
</compile_context>

<pallas_src>
import dataclasses
import functools

import jax
import jax.numpy as jnp
from jax import lax
from jax.experimental import pallas as pl
from jax.experimental.pallas import tpu as pltpu
from jax.experimental.pallas import tpu_sc as plsc

N_NODES = 10000
N_FEAT = 128
N_EDGES = 320000

NC = 2
NS = 16
NW = NC * NS

NP = 10112
CH = 128
CPT = -(-N_EDGES // (NW * CH))
CPT += CPT % 2
EP = NW * CH * CPT
G = 16
ROWS_PT = NP // NS

_mesh = plsc.VectorSubcoreMesh(core_axis_name="c", subcore_axis_name="s")

_cp = pltpu.CompilerParams()
if "needs_layout_passes" in pltpu.CompilerParams.__dataclass_fields__:
    _cp = dataclasses.replace(_cp, needs_layout_passes=False)



@functools.partial(
    pl.kernel,
    mesh=_mesh,
    out_type=jax.ShapeDtypeStruct((NW * NP,), jnp.float32),
    compiler_params=_cp,
    scratch_types=[
        pltpu.VMEM((CPT, CH), jnp.int32),
        pltpu.VMEM((NP,), jnp.float32),
    ],
)
def _sc_degree(dst_hbm, out_hbm, dst_v, hist):
    c = lax.axis_index("c")
    s = lax.axis_index("s")
    w = s * NC + c

    pltpu.sync_copy(dst_hbm.at[w], dst_v)

    zero = jnp.zeros((16,), jnp.float32)
    one = jnp.ones((16,), jnp.float32)

    @pl.loop(0, NP // 16)
    def _(i):
        hist[pl.ds(i * 16, 16)] = zero

    @pl.loop(0, CPT)
    def _(j):
        @pl.loop(0, CH // 16)
        def _(k):
            idx = dst_v[j, pl.ds(k * 16, 16)]
            plsc.addupdate_scatter(hist, [idx], one)

    pltpu.sync_copy(hist, out_hbm.at[pl.ds(w * NP, NP)])


@functools.partial(
    pl.kernel,
    mesh=_mesh,
    out_type=jax.ShapeDtypeStruct((NC, NP, N_FEAT), jnp.float32),
    scratch_types=[
        pltpu.VMEM((G, CH), jnp.int32),
        pltpu.VMEM((G, CH), jnp.int32),
        pltpu.VMEM((G, CH), jnp.int32),
        pltpu.VMEM((G, CH), jnp.int32),
        pltpu.VMEM((CH, N_FEAT), jnp.float32),
        pltpu.VMEM((CH, N_FEAT), jnp.float32),
        pltpu.VMEM_SHARED((NP, N_FEAT), jnp.float32),
        pltpu.SemaphoreType.DMA,
        pltpu.SemaphoreType.DMA,
        pltpu.SemaphoreType.DMA,
    ],
)
def _sc_scatter(h_hbm, src_hbm, dst_hbm, out_hbm, s0_v, d0_v, s1_v, d1_v,
                bufa, bufb, acc, sema, semb, isem):
    c = lax.axis_index("c")
    s = lax.axis_index("s")
    w = s * NC + c
    r0 = s * ROWS_PT

    NG = CPT // G
    idx_bufs = ((s0_v, d0_v), (s1_v, d1_v))

    pltpu.async_copy(src_hbm.at[w, pl.ds(0, G)], s0_v, isem)
    pltpu.async_copy(dst_hbm.at[w, pl.ds(0, G)], d0_v, isem)

    @pl.when(c == 0)
    def _():
        pltpu.sync_copy(h_hbm.at[pl.ds(r0, ROWS_PT)],
                        acc.at[pl.ds(r0, ROWS_PT)])

    @pl.when(c != 0)
    def _():
        zero = jnp.zeros((16,), jnp.float32)

        @pl.loop(0, CH)
        def _(i):
            @pl.loop(0, N_FEAT // 16)
            def _(j):
                bufa[i, pl.ds(j * 16, 16)] = zero

        n_full = ROWS_PT // CH
        rem = ROWS_PT - n_full * CH
        for t in range(n_full):
            pltpu.sync_copy(bufa, acc.at[pl.ds(r0 + t * CH, CH)])
        if rem:
            pltpu.sync_copy(bufa.at[pl.ds(0, rem)],
                            acc.at[pl.ds(r0 + n_full * CH, rem)])

    pltpu.make_async_copy(src_hbm.at[w, pl.ds(0, G)], s0_v, isem).wait()
    pltpu.make_async_copy(dst_hbm.at[w, pl.ds(0, G)], d0_v, isem).wait()
    pltpu.async_copy(h_hbm.at[s0_v.at[0]], bufb, semb)

    plsc.subcore_barrier()

    for g in range(NG):
        sg, dg = idx_bufs[g % 2]
        sn, dn = idx_bufs[(g + 1) % 2]
        if g + 1 < NG:
            pltpu.async_copy(src_hbm.at[w, pl.ds((g + 1) * G, G)], sn, isem)
            pltpu.async_copy(dst_hbm.at[w, pl.ds((g + 1) * G, G)], dn, isem)

        @pl.loop(0, G - 2, step=2)
        def _(j):
            pltpu.async_copy(h_hbm.at[sg.at[j + 1]], bufa, sema)
            pltpu.make_async_copy(h_hbm.at[sg.at[j]], bufb, semb).wait()
            pltpu.sync_copy(bufb, acc.at[dg.at[j]], add=True)
            pltpu.async_copy(h_hbm.at[sg.at[j + 2]], bufb, semb)
            pltpu.make_async_copy(h_hbm.at[sg.at[j + 1]], bufa, sema).wait()
            pltpu.sync_copy(bufa, acc.at[dg.at[j + 1]], add=True)

        pltpu.async_copy(h_hbm.at[sg.at[G - 1]], bufa, sema)
        pltpu.make_async_copy(h_hbm.at[sg.at[G - 2]], bufb, semb).wait()
        pltpu.sync_copy(bufb, acc.at[dg.at[G - 2]], add=True)
        if g + 1 < NG:
            pltpu.make_async_copy(
                src_hbm.at[w, pl.ds((g + 1) * G, G)], sn, isem).wait()
            pltpu.make_async_copy(
                dst_hbm.at[w, pl.ds((g + 1) * G, G)], dn, isem).wait()
            pltpu.async_copy(h_hbm.at[sn.at[0]], bufb, semb)
        pltpu.make_async_copy(h_hbm.at[sg.at[G - 1]], bufa, sema).wait()
        pltpu.sync_copy(bufa, acc.at[dg.at[G - 1]], add=True)

    plsc.subcore_barrier()

    pltpu.sync_copy(acc.at[pl.ds(r0, ROWS_PT)],
                    out_hbm.at[c, pl.ds(r0, ROWS_PT)])



NB = 8
RB = NP // NB

_row = lambda bs: pl.BlockSpec(bs, lambda i: (0,) * (len(bs) - 2) + (i, 0))
_rep = lambda bs: pl.BlockSpec(bs, lambda i: (0,) * len(bs))


def _tc_l1(degm, x_p, W1):
    def body(p_ref, x_ref, w_ref, dinv_ref, hp_ref):
        deg = 1.0 + jnp.sum(p_ref[...], axis=1, keepdims=True)
        dinv = jnp.broadcast_to(lax.rsqrt(deg), (RB, N_FEAT))
        dinv_ref[...] = dinv
        hp_ref[...] = dinv * jnp.dot(x_ref[...], w_ref[...],
                                     preferred_element_type=jnp.float32)

    return pl.pallas_call(
        body,
        grid=(NB,),
        in_specs=[_row((RB, NW)), _row((RB, N_FEAT)),
                  _rep((N_FEAT, N_FEAT))],
        out_specs=(_row((RB, N_FEAT)), _row((RB, N_FEAT))),
        out_shape=(
            jax.ShapeDtypeStruct((NP, N_FEAT), jnp.float32),
            jax.ShapeDtypeStruct((NP, N_FEAT), jnp.float32),
        ),
    )(degm, x_p, W1)


def _tc_mid(parts, dinv, b1, W2):
    def body(p_ref, d_ref, b_ref, w_ref, o_ref):
        db = d_ref[...]
        z = db * (p_ref[0] + p_ref[1]) + b_ref[...]
        sp = jnp.maximum(z, 0.0) + jnp.log1p(jnp.exp(-jnp.abs(z)))
        o_ref[...] = db * jnp.dot(sp, w_ref[...],
                                  preferred_element_type=jnp.float32)

    return pl.pallas_call(
        body,
        grid=(NB,),
        in_specs=[_row((NC, RB, N_FEAT)), _row((RB, N_FEAT)),
                  _rep((1, N_FEAT)), _rep((N_FEAT, N_FEAT))],
        out_specs=_row((RB, N_FEAT)),
        out_shape=jax.ShapeDtypeStruct((NP, N_FEAT), jnp.float32),
    )(parts, dinv, b1, W2)


def _tc_final(parts, dinv, b2):
    RF = N_NODES // 10

    def body(p_ref, d_ref, b_ref, o_ref):
        o_ref[...] = d_ref[...] * (p_ref[0] + p_ref[1]) + b_ref[...]

    return pl.pallas_call(
        body,
        grid=(10,),
        in_specs=[_row((NC, RF, N_FEAT)), _row((RF, N_FEAT)),
                  _rep((1, N_FEAT))],
        out_specs=_row((RF, N_FEAT)),
        out_shape=jax.ShapeDtypeStruct((N_NODES, N_FEAT), jnp.float32),
    )(parts, dinv, b2)



def kernel(x, edge_index, W1, b1, W2, b2):
    src = edge_index[0]
    dst = edge_index[1]
    pad = EP - N_EDGES
    pad_src = jnp.arange(pad, dtype=jnp.int32) % N_NODES
    pad_dst = N_NODES + jnp.arange(pad, dtype=jnp.int32) % (NP - N_NODES)
    src_t = jnp.concatenate([src, pad_src]).reshape(NW, CPT, CH)
    dst_t = jnp.concatenate([dst, pad_dst]).reshape(NW, CPT, CH)

    x_p = jnp.pad(x, ((0, NP - N_NODES), (0, 0)))
    b1r = b1.reshape(1, N_FEAT)
    b2r = b2.reshape(1, N_FEAT)

    deg_parts = _sc_degree(dst_t)
    degm = deg_parts.reshape(NW, NP).T
    dinv, h1p = _tc_l1(degm, x_p, W1)
    parts1 = _sc_scatter(h1p, src_t, dst_t)
    h2p = _tc_mid(parts1, dinv, b1r, W2)
    parts2 = _sc_scatter(h2p, src_t, dst_t)
    return _tc_final(parts2, dinv, b2r)

# --- scband reference (transcript-rebuilt; emitter-appended) ---
"""Pipeline reference for scband-gcn-body-541165879460 (READ-ONLY COPY).

The authoritative reference and input builder live on the scoring server;
editing this copy changes nothing except your own understanding.
"""

import jax, jax.numpy as jnp
import numpy as np

N_NODES = 10000
N_EDGES = 320000
N_FEAT = 128
N_HID = 128


def gcn_conv(x, edge_index, W, b):
    # Faithful PyG GCNConv: add self-loops, symmetric normalization, linear, scatter-add, bias.
    N = x.shape[0]
    src = edge_index[0]
    dst = edge_index[1]
    loop = jnp.arange(N, dtype=src.dtype)
    src = jnp.concatenate([src, loop])
    dst = jnp.concatenate([dst, loop])
    ones = jnp.ones(src.shape[0], dtype=x.dtype)
    deg = jax.ops.segment_sum(ones, dst, num_segments=N)
    deg_inv_sqrt = jnp.where(deg > 0, deg ** -0.5, 0.0)
    norm = deg_inv_sqrt[src] * deg_inv_sqrt[dst]
    h = x @ W  # [N, out]
    msg = h[src] * norm[:, None]  # gather + scale
    out = jax.ops.segment_sum(msg, dst, num_segments=N)  # scatter-add
    return out + b


def setup_inputs(seed: int = 0) -> dict:
    key = jax.random.key(seed)
    k1, k2, k3, k4, k5, k6 = jax.random.split(key, 6)
    x = jax.random.normal(k1, (N_NODES, N_FEAT), dtype=jnp.float32)
    edge_index = jax.random.randint(k2, (2, N_EDGES), 0, N_NODES, dtype=jnp.int32)
    # GCNConv parameters (glorot-like scale)
    W1 = jax.random.normal(k3, (N_FEAT, N_HID), dtype=jnp.float32) * (1.0 / np.sqrt(N_FEAT))
    b1 = jnp.zeros((N_HID,), dtype=jnp.float32)
    W2 = jax.random.normal(k4, (N_HID, N_HID), dtype=jnp.float32) * (1.0 / np.sqrt(N_HID))
    b2 = jnp.zeros((N_HID,), dtype=jnp.float32)
    return {"x": x, "edge_index": edge_index, "W1": W1, "b1": b1, "W2": W2, "b2": b2}


def reference(x, edge_index, W1, b1, W2, b2):
    h = gcn_conv(x, edge_index, W1, b1)
    # transition: Softplus + Dropout (dropout is identity in eval mode)
    h = jax.nn.softplus(h)
    out = gcn_conv(h, edge_index, W2, b2)
    return out

if __name__ == "__main__":
    import jax
    _d = setup_inputs()
    print(jax.jit(kernel)(*tuple(_d.values())))

</pallas_src>

<mosaic_0001>
#map = affine_map<(d0, d1) -> (0, 0, 0)>
#map1 = affine_map<(d0, d1) -> (0)>
module attributes {stable_mosaic.version = 14 : i64} {
  func.func @_sc_degree(%arg0: i32, %arg1: i32, %arg2: memref<32x80x128xi32, #tpu.memory_space<hbm>>, %arg3: memref<323584xf32, #tpu.memory_space<hbm>>, %arg4: memref<80x128xi32, #tpu.memory_space<vmem>>, %arg5: memref<10112xf32, #tpu.memory_space<vmem>>) attributes {dimension_semantics = [#tpu.dimension_semantics<core_parallel>, #tpu.dimension_semantics<subcore_parallel>], iteration_bounds = array<i64: 2, 16>, scalar_prefetch = 0 : i64, scratch_operands = 2 : i64, tpu.core_type = #tpu.core_type<sc_vector_subcore>, window_params = [{transform_indices = #map}, {transform_indices = #map1}]} {
    %mul3A = arith.constant 2 : i32
    %mul3A_0 = arith.muli %arg1, %mul3A : i32
    %add3A = arith.addi %mul3A_0, %arg0 : i32
    "tpu.region"() ({
      %run_scoped3A = tpu.sem_alloc : memref<!tpu.dma_semaphore, #tpu.memory_space<semaphore_mem>>
      %dma_start3A = arith.constant 0 : i32
      %dma_start3A_15 = arith.constant 0 : i32
      %dma_start3A_16 = tpu.memref_slice %arg2[%add3A, %dma_start3A, %dma_start3A_15] : memref<32x80x128xi32, #tpu.memory_space<hbm>> -> memref<1x80x128xi32, #tpu.memory_space<hbm>>
      %dma_start3A_17 = tpu.memref_squeeze %dma_start3A_16 : memref<1x80x128xi32, #tpu.memory_space<hbm>> -> memref<80x128xi32, #tpu.memory_space<hbm>>
      %dma_start3A_18 = arith.constant 0 : i32
      %dma_start3A_19 = arith.constant 0 : i32
      %dma_start3A_20 = tpu.memref_slice %arg2[%add3A, %dma_start3A_18, %dma_start3A_19] : memref<32x80x128xi32, #tpu.memory_space<hbm>> -> memref<1x80x128xi32, #tpu.memory_space<hbm>>
      %dma_start3A_21 = tpu.memref_squeeze %dma_start3A_20 : memref<1x80x128xi32, #tpu.memory_space<hbm>> -> memref<80x128xi32, #tpu.memory_space<hbm>>
      tpu.enqueue_dma source(%dma_start3A_21 : memref<80x128xi32, #tpu.memory_space<hbm>>) target(%arg4 : memref<80x128xi32, #tpu.memory_space<vmem>>) target_semaphore(%run_scoped3A : memref<!tpu.dma_semaphore, #tpu.memory_space<semaphore_mem>>)
      %dma_wait3A = arith.constant 0 : i32
      %dma_wait3A_22 = arith.constant 0 : i32
      %dma_wait3A_23 = tpu.memref_slice %arg2[%add3A, %dma_wait3A, %dma_wait3A_22] : memref<32x80x128xi32, #tpu.memory_space<hbm>> -> memref<1x80x128xi32, #tpu.memory_space<hbm>>
      %dma_wait3A_24 = tpu.memref_squeeze %dma_wait3A_23 : memref<1x80x128xi32, #tpu.memory_space<hbm>> -> memref<80x128xi32, #tpu.memory_space<hbm>>
      %dma_wait3A_25 = arith.constant 0 : i32
      %dma_wait3A_26 = arith.constant 0 : i32
      %dma_wait3A_27 = tpu.memref_slice %arg2[%add3A, %dma_wait3A_25, %dma_wait3A_26] : memref<32x80x128xi32, #tpu.memory_space<hbm>> -> memref<1x80x128xi32, #tpu.memory_space<hbm>>
      %dma_wait3A_28 = tpu.memref_squeeze %dma_wait3A_27 : memref<1x80x128xi32, #tpu.memory_space<hbm>> -> memref<80x128xi32, #tpu.memory_space<hbm>>
      tpu.wait_dma2 semaphore(%run_scoped3A : memref<!tpu.dma_semaphore, #tpu.memory_space<semaphore_mem>>) src(%dma_wait3A_28 : memref<80x128xi32, #tpu.memory_space<hbm>>) dst(%arg4 : memref<80x128xi32, #tpu.memory_space<vmem>>)
      tpu.yield
    }) : () -> ()
    %broadcast_in_dim3A = arith.constant 0.000000e+00 : f32
    %broadcast_in_dim3A_1 = vector.broadcast %broadcast_in_dim3A : f32 to vector<16xf32>
    %broadcast_in_dim3A_2 = arith.constant 1.000000e+00 : f32
    %broadcast_in_dim3A_3 = vector.broadcast %broadcast_in_dim3A_2 : f32 to vector<16xf32>
    %scan3A = arith.constant 0 : i32
    %scan3A_4 = arith.constant 632 : i32
    %scan3A_5 = arith.addi %scan3A, %scan3A_4 : i32
    %scan3A_6 = arith.constant 1 : i32
    scf.for %scan3A_15 = %scan3A to %scan3A_5 step %scan3A_6  : i32 {
      %mul3A_16 = arith.constant 1 : i32
      %mul3A_17 = arith.muli %scan3A_15, %mul3A_16 : i32
      %add3A_18 = arith.constant 0 : i32
      %add3A_19 = arith.addi %add3A_18, %mul3A_17 : i32
      %mul3A_20 = arith.constant 16 : i32
      %mul3A_21 = arith.muli %add3A_19, %mul3A_20 : i32
      %swap3A = arith.index_cast %mul3A_21 : i32 to index
      %swap3A_22 = tpu.vector_load %arg5[%swap3A] {strides = array<i32>} : memref<10112xf32, #tpu.memory_space<vmem>>, vector<16xf32>,
      tpu.vector_store %arg5[%swap3A], %broadcast_in_dim3A_1 {strides = array<i32>} : memref<10112xf32, #tpu.memory_space<vmem>>, vector<16xf32>,
    }
    %scan3A_7 = arith.constant 632 : i32
    %scan3A_8 = arith.constant 0 : i32
    %scan3A_9 = arith.constant 80 : i32
    %scan3A_10 = arith.addi %scan3A_8, %scan3A_9 : i32
    %scan3A_11 = arith.constant 1 : i32
    scf.for %scan3A_15 = %scan3A_8 to %scan3A_10 step %scan3A_11  : i32 {
      %mul3A_16 = arith.constant 1 : i32
      %mul3A_17 = arith.muli %scan3A_15, %mul3A_16 : i32
      %add3A_18 = arith.constant 0 : i32
      %add3A_19 = arith.addi %add3A_18, %mul3A_17 : i32
      %scan3A_20 = arith.constant 0 : i32
      %scan3A_21 = arith.constant 8 : i32
      %scan3A_22 = arith.addi %scan3A_20, %scan3A_21 : i32
      %scan3A_23 = arith.constant 1 : i32
      scf.for %scan3A_25 = %scan3A_20 to %scan3A_22 step %scan3A_23  : i32 {
        %mul3A_26 = arith.constant 1 : i32
        %mul3A_27 = arith.muli %scan3A_25, %mul3A_26 : i32
        %add3A_28 = arith.constant 0 : i32
        %add3A_29 = arith.addi %add3A_28, %mul3A_27 : i32
        %mul3A_30 = arith.constant 16 : i32
        %mul3A_31 = arith.muli %add3A_29, %mul3A_30 : i32
        %get3A = arith.index_cast %add3A_19 : i32 to index
        %get3A_32 = arith.index_cast %mul3A_31 : i32 to index
        %get3A_33 = tpu.vector_load %arg4[%get3A, %get3A_32] {strides = array<i32>} : memref<80x128xi32, #tpu.memory_space<vmem>>, vector<16xi32>,
        tpu.vector_store_idx %arg5[%get3A_33], %broadcast_in_dim3A_3 {add = true} : memref<10112xf32, #tpu.memory_space<vmem>>[vector<16xi32>], vector<16xf32>,
      }
      %scan3A_24 = arith.constant 8 : i32
    }
    %scan3A_12 = arith.constant 80 : i32
    %mul3A_13 = arith.constant 10112 : i32
    %mul3A_14 = arith.muli %add3A, %mul3A_13 : i32
    "tpu.region"() ({
      %run_scoped3A = tpu.sem_alloc : memref<!tpu.dma_semaphore, #tpu.memory_space<semaphore_mem>>
      %dma_start3A = tpu.memref_slice %arg3[%mul3A_14] : memref<323584xf32, #tpu.memory_space<hbm>> -> memref<10112xf32, #tpu.memory_space<hbm>>
      %dma_start3A_15 = tpu.memref_slice %arg3[%mul3A_14] : memref<323584xf32, #tpu.memory_space<hbm>> -> memref<10112xf32, #tpu.memory_space<hbm>>
      tpu.enqueue_dma source(%arg5 : memref<10112xf32, #tpu.memory_space<vmem>>) target(%dma_start3A_15 : memref<10112xf32, #tpu.memory_space<hbm>>) target_semaphore(%run_scoped3A : memref<!tpu.dma_semaphore, #tpu.memory_space<semaphore_mem>>)
      %dma_wait3A = tpu.memref_slice %arg3[%mul3A_14] : memref<323584xf32, #tpu.memory_space<hbm>> -> memref<10112xf32, #tpu.memory_space<hbm>>
      %dma_wait3A_16 = tpu.memref_slice %arg3[%mul3A_14] : memref<323584xf32, #tpu.memory_space<hbm>> -> memref<10112xf32, #tpu.memory_space<hbm>>
      tpu.wait_dma2 semaphore(%run_scoped3A : memref<!tpu.dma_semaphore, #tpu.memory_space<semaphore_mem>>) src(%arg5 : memref<10112xf32, #tpu.memory_space<vmem>>) dst(%dma_wait3A_16 : memref<10112xf32, #tpu.memory_space<hbm>>)
      tpu.yield
    }) : () -> ()
    return
  }
}

#map = affine_map<(d0, d1) -> (0, 0)>
#map1 = affine_map<(d0, d1) -> (0, 0, 0)>
module attributes {stable_mosaic.version = 14 : i64} {
  func.func @_sc_scatter(%arg0: i32, %arg1: i32, %arg2: memref<10112x128xf32, #tpu.memory_space<hbm>>, %arg3: memref<32x80x128xi32, #tpu.memory_space<hbm>>, %arg4: memref<32x80x128xi32, #tpu.memory_space<hbm>>, %arg5: memref<2x10112x128xf32, #tpu.memory_space<hbm>>, %arg6: memref<16x128xi32, #tpu.memory_space<vmem>>, %arg7: memref<16x128xi32, #tpu.memory_space<vmem>>, %arg8: memref<16x128xi32, #tpu.memory_space<vmem>>, %arg9: memref<16x128xi32, #tpu.memory_space<vmem>>, %arg10: memref<128x128xf32, #tpu.memory_space<vmem>>, %arg11: memref<128x128xf32, #tpu.memory_space<vmem>>, %arg12: memref<10112x128xf32, #tpu.memory_space<vmem_shared>>, %arg13: memref<!tpu.dma_semaphore, #tpu.memory_space<semaphore_mem>>, %arg14: memref<!tpu.dma_semaphore, #tpu.memory_space<semaphore_mem>>, %arg15: memref<!tpu.dma_semaphore, #tpu.memory_space<semaphore_mem>>) attributes {dimension_semantics = [#tpu.dimension_semantics<core_parallel>, #tpu.dimension_semantics<subcore_parallel>], iteration_bounds = array<i64: 2, 16>, scalar_prefetch = 0 : i64, scratch_operands = 10 : i64, tpu.core_type = #tpu.core_type<sc_vector_subcore>, window_params = [{transform_indices = #map}, {transform_indices = #map1}, {transform_indices = #map1}, {transform_indices = #map1}]} {
    %mul3A = arith.constant 2 : i32
    %mul3A_0 = arith.muli %arg1, %mul3A : i32
    %add3A = arith.addi %mul3A_0, %arg0 : i32
    %mul3A_1 = arith.constant 632 : i32
    %mul3A_2 = arith.muli %arg1, %mul3A_1 : i32
    %dma_start3A = arith.constant 0 : i32
    %dma_start3A_3 = arith.constant 0 : i32
    %dma_start3A_4 = tpu.memref_slice %arg3[%add3A, %dma_start3A, %dma_start3A_3] : memref<32x80x128xi32, #tpu.memory_space<hbm>> -> memref<1x16x128xi32, #tpu.memory_space<hbm>>
    %dma_start3A_5 = tpu.memref_squeeze %dma_start3A_4 : memref<1x16x128xi32, #tpu.memory_space<hbm>> -> memref<16x128xi32, #tpu.memory_space<hbm>>
    %dma_start3A_6 = arith.constant 0 : i32
    %dma_start3A_7 = arith.constant 0 : i32
    %dma_start3A_8 = tpu.memref_slice %arg3[%add3A, %dma_start3A_6, %dma_start3A_7] : memref<32x80x128xi32, #tpu.memory_space<hbm>> -> memref<1x16x128xi32, #tpu.memory_space<hbm>>
    %dma_start3A_9 = tpu.memref_squeeze %dma_start3A_8 : memref<1x16x128xi32, #tpu.memory_space<hbm>> -> memref<16x128xi32, #tpu.memory_space<hbm>>
    tpu.enqueue_dma source(%dma_start3A_9 : memref<16x128xi32, #tpu.memory_space<hbm>>) target(%arg6 : memref<16x128xi32, #tpu.memory_space<vmem>>) target_semaphore(%arg15 : memref<!tpu.dma_semaphore, #tpu.memory_space<semaphore_mem>>)
    %dma_start3A_10 = arith.constant 0 : i32
    %dma_start3A_11 = arith.constant 0 : i32
    %dma_start3A_12 = tpu.memref_slice %arg4[%add3A, %dma_start3A_10, %dma_start3A_11] : memref<32x80x128xi32, #tpu.memory_space<hbm>> -> memref<1x16x128xi32, #tpu.memory_space<hbm>>
    %dma_start3A_13 = tpu.memref_squeeze %dma_start3A_12 : memref<1x16x128xi32, #tpu.memory_space<hbm>> -> memref<16x128xi32, #tpu.memory_space<hbm>>
    %dma_start3A_14 = arith.constant 0 : i32
    %dma_start3A_15 = arith.constant 0 : i32
    %dma_start3A_16 = tpu.memref_slice %arg4[%add3A, %dma_start3A_14, %dma_start3A_15] : memref<32x80x128xi32, #tpu.memory_space<hbm>> -> memref<1x16x128xi32, #tpu.memory_space<hbm>>
    %dma_start3A_17 = tpu.memref_squeeze %dma_start3A_16 : memref<1x16x128xi32, #tpu.memory_space<hbm>> -> memref<16x128xi32, #tpu.memory_space<hbm>>
    tpu.enqueue_dma source(%dma_start3A_17 : memref<16x128xi32, #tpu.memory_space<hbm>>) target(%arg7 : memref<16x128xi32, #tpu.memory_space<vmem>>) target_semaphore(%arg15 : memref<!tpu.dma_semaphore, #tpu.memory_space<semaphore_mem>>)
    %eq3A = arith.constant 0 : i32
    %eq3A_18 = arith.cmpi eq, %arg0, %eq3A : i32
    %convert_element_type3A = arith.extui %eq3A_18 : i1 to i32
    %cond3A = arith.constant 0 : i32
    %cond3A_19 = arith.cmpi ne, %convert_element_type3A, %cond3A : i32
    scf.if %cond3A_19 {
      "tpu.region"() ({
        %run_scoped3A_341 = tpu.sem_alloc : memref<!tpu.dma_semaphore, #tpu.memory_space<semaphore_mem>>
        %dma_start3A_342 = arith.constant 0 : i32
        %dma_start3A_343 = tpu.memref_slice %arg12[%mul3A_2, %dma_start3A_342] : memref<10112x128xf32, #tpu.memory_space<vmem_shared>> -> memref<632x128xf32, #tpu.memory_space<vmem_shared>>
        %dma_start3A_344 = arith.constant 0 : i32
        %dma_start3A_345 = tpu.memref_slice %arg2[%mul3A_2, %dma_start3A_344] : memref<10112x128xf32, #tpu.memory_space<hbm>> -> memref<632x128xf32, #tpu.memory_space<hbm>>
        tpu.enqueue_dma source(%dma_start3A_345 : memref<632x128xf32, #tpu.memory_space<hbm>>) target(%dma_start3A_343 : memref<632x128xf32, #tpu.memory_space<vmem_shared>>) target_semaphore(%run_scoped3A_341 : memref<!tpu.dma_semaphore, #tpu.memory_space<semaphore_mem>>)
        %dma_wait3A_346 = arith.constant 0 : i32
        %dma_wait3A_347 = tpu.memref_slice %arg12[%mul3A_2, %dma_wait3A_346] : memref<10112x128xf32, #tpu.memory_space<vmem_shared>> -> memref<632x128xf32, #tpu.memory_space<vmem_shared>>
        %dma_wait3A_348 = arith.constant 0 : i32
        %dma_wait3A_349 = tpu.memref_slice %arg2[%mul3A_2, %dma_wait3A_348] : memref<10112x128xf32, #tpu.memory_space<hbm>> -> memref<632x128xf32, #tpu.memory_space<hbm>>
        tpu.wait_dma2 semaphore(%run_scoped3A_341 : memref<!tpu.dma_semaphore, #tpu.memory_space<semaphore_mem>>) src(%dma_wait3A_349 : memref<632x128xf32, #tpu.memory_space<hbm>>) dst(%dma_wait3A_347 : memref<632x128xf32, #tpu.memory_space<vmem_shared>>)
        tpu.yield
      }) : () -> ()
    } else {
    }
    %ne3A = arith.constant 0 : i32
    %ne3A_20 = arith.cmpi ne, %arg0, %ne3A : i32
    %convert_element_type3A_21 = arith.extui %ne3A_20 : i1 to i32
    %cond3A_22 = arith.constant 0 : i32
    %cond3A_23 = arith.cmpi ne, %convert_element_type3A_21, %cond3A_22 : i32
    scf.if %cond3A_23 {
      %broadcast_in_dim3A = arith.constant 0.000000e+00 : f32
      %broadcast_in_dim3A_341 = vector.broadcast %broadcast_in_dim3A : f32 to vector<16xf32>
      %scan3A_342 = arith.constant 0 : i32
      %scan3A_343 = arith.constant 128 : i32
      %scan3A_344 = arith.addi %scan3A_342, %scan3A_343 : i32
      %scan3A_345 = arith.constant 1 : i32
      scf.for %scan3A_357 = %scan3A_342 to %scan3A_344 step %scan3A_345  : i32 {
        %mul3A_358 = arith.constant 1 : i32
        %mul3A_359 = arith.muli %scan3A_357, %mul3A_358 : i32
        %add3A_360 = arith.constant 0 : i32
        %add3A_361 = arith.addi %add3A_360, %mul3A_359 : i32
        %scan3A_362 = arith.constant 0 : i32
        %scan3A_363 = arith.constant 8 : i32
        %scan3A_364 = arith.addi %scan3A_362, %scan3A_363 : i32
        %scan3A_365 = arith.constant 1 : i32
        scf.for %scan3A_367 = %scan3A_362 to %scan3A_364 step %scan3A_365  : i32 {
          %mul3A_368 = arith.constant 1 : i32
          %mul3A_369 = arith.muli %scan3A_367, %mul3A_368 : i32
          %add3A_370 = arith.constant 0 : i32
          %add3A_371 = arith.addi %add3A_370, %mul3A_369 : i32
          %mul3A_372 = arith.constant 16 : i32
          %mul3A_373 = arith.muli %add3A_371, %mul3A_372 : i32
          %swap3A = arith.index_cast %add3A_361 : i32 to index
          %swap3A_374 = arith.index_cast %mul3A_373 : i32 to index
          %swap3A_375 = tpu.vector_load %arg10[%swap3A, %swap3A_374] {strides = array<i32>} : memref<128x128xf32, #tpu.memory_space<vmem>>, vector<1x16xf32>,
          %swap3A_376 = vector.shape_cast %swap3A_375 : vector<1x16xf32> to vector<16xf32>
          %swap3A_377 = vector.shape_cast %broadcast_in_dim3A_341 : vector<16xf32> to vector<1x16xf32>
          tpu.vector_store %arg10[%swap3A, %swap3A_374], %swap3A_377 {strides = array<i32>} : memref<128x128xf32, #tpu.memory_space<vmem>>, vector<1x16xf32>,
        }
        %scan3A_366 = arith.constant 8 : i32
      }
      %scan3A_346 = arith.constant 128 : i32
      %add3A_347 = arith.constant 0 : i32
      %add3A_348 = arith.addi %mul3A_2, %add3A_347 : i32
      "tpu.region"() ({
        %run_scoped3A_357 = tpu.sem_alloc : memref<!tpu.dma_semaphore, #tpu.memory_space<semaphore_mem>>
        %dma_start3A_358 = arith.constant 0 : i32
        %dma_start3A_359 = tpu.memref_slice %arg12[%add3A_348, %dma_start3A_358] : memref<10112x128xf32, #tpu.memory_space<vmem_shared>> -> memref<128x128xf32, #tpu.memory_space<vmem_shared>>
        %dma_start3A_360 = arith.constant 0 : i32
        %dma_start3A_361 = tpu.memref_slice %arg12[%add3A_348, %dma_start3A_360] : memref<10112x128xf32, #tpu.memory_space<vmem_shared>> -> memref<128x128xf32, #tpu.memory_space<vmem_shared>>
        tpu.enqueue_dma source(%arg10 : memref<128x128xf32, #tpu.memory_space<vmem>>) target(%dma_start3A_361 : memref<128x128xf32, #tpu.memory_space<vmem_shared>>) target_semaphore(%run_scoped3A_357 : memref<!tpu.dma_semaphore, #tpu.memory_space<semaphore_mem>>)
        %dma_wait3A_362 = arith.constant 0 : i32
        %dma_wait3A_363 = tpu.memref_slice %arg12[%add3A_348, %dma_wait3A_362] : memref<10112x128xf32, #tpu.memory_space<vmem_shared>> -> memref<128x128xf32, #tpu.memory_space<vmem_shared>>
        %dma_wait3A_364 = arith.constant 0 : i32
        %dma_wait3A_365 = tpu.memref_slice %arg12[%add3A_348, %dma_wait3A_364] : memref<10112x128xf32, #tpu.memory_space<vmem_shared>> -> memref<128x128xf32, #tpu.memory_space<vmem_shared>>
        tpu.wait_dma2 semaphore(%run_scoped3A_357 : memref<!tpu.dma_semaphore, #tpu.memory_space<semaphore_mem>>) src(%arg10 : memref<128x128xf32, #tpu.memory_space<vmem>>) dst(%dma_wait3A_365 : memref<128x128xf32, #tpu.memory_space<vmem_shared>>)
        tpu.yield
      }) : () -> ()
      %add3A_349 = arith.constant 128 : i32
      %add3A_350 = arith.addi %mul3A_2, %add3A_349 : i32
      "tpu.region"() ({
        %run_scoped3A_357 = tpu.sem_alloc : memref<!tpu.dma_semaphore, #tpu.memory_space<semaphore_mem>>
        %dma_start3A_358 = arith.constant 0 : i32
        %dma_start3A_359 = tpu.memref_slice %arg12[%add3A_350, %dma_start3A_358] : memref<10112x128xf32, #tpu.memory_space<vmem_shared>> -> memref<128x128xf32, #tpu.memory_space<vmem_shared>>
        %dma_start3A_360 = arith.constant 0 : i32
        %dma_start3A_361 = tpu.memref_slice %arg12[%add3A_350, %dma_start3A_360] : memref<10112x128xf32, #tpu.memory_space<vmem_shared>> -> memref<128x128xf32, #tpu.memory_space<vmem_shared>>
        tpu.enqueue_dma source(%arg10 : memref<128x128xf32, #tpu.memory_space<vmem>>) target(%dma_start3A_361 : memref<128x128xf32, #tpu.memory_space<vmem_shared>>) target_semaphore(%run_scoped3A_357 : memref<!tpu.dma_semaphore, #tpu.memory_space<semaphore_mem>>)
        %dma_wait3A_362 = arith.constant 0 : i32
        %dma_wait3A_363 = tpu.memref_slice %arg12[%add3A_350, %dma_wait3A_362] : memref<10112x128xf32, #tpu.memory_space<vmem_shared>> -> memref<128x128xf32, #tpu.memory_space<vmem_shared>>
        %dma_wait3A_364 = arith.constant 0 : i32
        %dma_wait3A_365 = tpu.memref_slice %arg12[%add3A_350, %dma_wait3A_364] : memref<10112x128xf32, #tpu.memory_space<vmem_shared>> -> memref<128x128xf32, #tpu.memory_space<vmem_shared>>
        tpu.wait_dma2 semaphore(%run_scoped3A_357 : memref<!tpu.dma_semaphore, #tpu.memory_space<semaphore_mem>>) src(%arg10 : memref<128x128xf32, #tpu.memory_space<vmem>>) dst(%dma_wait3A_365 : memref<128x128xf32, #tpu.memory_space<vmem_shared>>)
        tpu.yield
      }) : () -> ()
      %add3A_351 = arith.constant 256 : i32
      %add3A_352 = arith.addi %mul3A_2, %add3A_351 : i32
      "tpu.region"() ({
        %run_scoped3A_357 = tpu.sem_alloc : memref<!tpu.dma_semaphore, #tpu.memory_space<semaphore_mem>>
        %dma_start3A_358 = arith.constant 0 : i32
        %dma_start3A_359 = tpu.memref_slice %arg12[%add3A_352, %dma_start3A_358] : memref<10112x128xf32, #tpu.memory_space<vmem_shared>> -> memref<128x128xf32, #tpu.memory_space<vmem_shared>>
        %dma_start3A_360 = arith.constant 0 : i32
        %dma_start3A_361 = tpu.memref_slice %arg12[%add3A_352, %dma_start3A_360] : memref<10112x128xf32, #tpu.memory_space<vmem_shared>> -> memref<128x128xf32, #tpu.memory_space<vmem_shared>>
        tpu.enqueue_dma source(%arg10 : memref<128x128xf32, #tpu.memory_space<vmem>>) target(%dma_start3A_361 : memref<128x128xf32, #tpu.memory_space<vmem_shared>>) target_semaphore(%run_scoped3A_357 : memref<!tpu.dma_semaphore, #tpu.memory_space<semaphore_mem>>)
        %dma_wait3A_362 = arith.constant 0 : i32
        %dma_wait3A_363 = tpu.memref_slice %arg12[%add3A_352, %dma_wait3A_362] : memref<10112x128xf32, #tpu.memory_space<vmem_shared>> -> memref<128x128xf32, #tpu.memory_space<vmem_shared>>
        %dma_wait3A_364 = arith.constant 0 : i32
        %dma_wait3A_365 = tpu.memref_slice %arg12[%add3A_352, %dma_wait3A_364] : memref<10112x128xf32, #tpu.memory_space<vmem_shared>> -> memref<128x128xf32, #tpu.memory_space<vmem_shared>>
        tpu.wait_dma2 semaphore(%run_scoped3A_357 : memref<!tpu.dma_semaphore, #tpu.memory_space<semaphore_mem>>) src(%arg10 : memref<128x128xf32, #tpu.memory_space<vmem>>) dst(%dma_wait3A_365 : memref<128x128xf32, #tpu.memory_space<vmem_shared>>)
        tpu.yield
      }) : () -> ()
      %add3A_353 = arith.constant 384 : i32
      %add3A_354 = arith.addi %mul3A_2, %add3A_353 : i32
      "tpu.region"() ({
        %run_scoped3A_357 = tpu.sem_alloc : memref<!tpu.dma_semaphore, #tpu.memory_space<semaphore_mem>>
        %dma_start3A_358 = arith.constant 0 : i32
        %dma_start3A_359 = tpu.memref_slice %arg12[%add3A_354, %dma_start3A_358] : memref<10112x128xf32, #tpu.memory_space<vmem_shared>> -> memref<128x128xf32, #tpu.memory_space<vmem_shared>>
        %dma_start3A_360 = arith.constant 0 : i32
        %dma_start3A_361 = tpu.memref_slice %arg12[%add3A_354, %dma_start3A_360] : memref<10112x128xf32, #tpu.memory_space<vmem_shared>> -> memref<128x128xf32, #tpu.memory_space<vmem_shared>>
        tpu.enqueue_dma source(%arg10 : memref<128x128xf32, #tpu.memory_space<vmem>>) target(%dma_start3A_361 : memref<128x128xf32, #tpu.memory_space<vmem_shared>>) target_semaphore(%run_scoped3A_357 : memref<!tpu.dma_semaphore, #tpu.memory_space<semaphore_mem>>)
        %dma_wait3A_362 = arith.constant 0 : i32
        %dma_wait3A_363 = tpu.memref_slice %arg12[%add3A_354, %dma_wait3A_362] : memref<10112x128xf32, #tpu.memory_space<vmem_shared>> -> memref<128x128xf32, #tpu.memory_space<vmem_shared>>
        %dma_wait3A_364 = arith.constant 0 : i32
        %dma_wait3A_365 = tpu.memref_slice %arg12[%add3A_354, %dma_wait3A_364] : memref<10112x128xf32, #tpu.memory_space<vmem_shared>> -> memref<128x128xf32, #tpu.memory_space<vmem_shared>>
        tpu.wait_dma2 semaphore(%run_scoped3A_357 : memref<!tpu.dma_semaphore, #tpu.memory_space<semaphore_mem>>) src(%arg10 : memref<128x128xf32, #tpu.memory_space<vmem>>) dst(%dma_wait3A_365 : memref<128x128xf32, #tpu.memory_space<vmem_shared>>)
        tpu.yield
      }) : () -> ()
      %add3A_355 = arith.constant 512 : i32
      %add3A_356 = arith.addi %mul3A_2, %add3A_355 : i32
      "tpu.region"() ({
        %run_scoped3A_357 = tpu.sem_alloc : memref<!tpu.dma_semaphore, #tpu.memory_space<semaphore_mem>>
        %dma_start3A_358 = arith.constant 0 : i32
        %dma_start3A_359 = arith.constant 0 : i32
        %dma_start3A_360 = tpu.memref_slice %arg10[%dma_start3A_358, %dma_start3A_359] : memref<128x128xf32, #tpu.memory_space<vmem>> -> memref<120x128xf32, #tpu.memory_space<vmem>>
        %dma_start3A_361 = arith.constant 0 : i32
        %dma_start3A_362 = tpu.memref_slice %arg12[%add3A_356, %dma_start3A_361] : memref<10112x128xf32, #tpu.memory_space<vmem_shared>> -> memref<120x128xf32, #tpu.memory_space<vmem_shared>>
        %dma_start3A_363 = arith.constant 0 : i32
        %dma_start3A_364 = tpu.memref_slice %arg12[%add3A_356, %dma_start3A_363] : memref<10112x128xf32, #tpu.memory_space<vmem_shared>> -> memref<120x128xf32, #tpu.memory_space<vmem_shared>>
        %dma_start3A_365 = arith.constant 0 : i32
        %dma_start3A_366 = arith.constant 0 : i32
        %dma_start3A_367 = tpu.memref_slice %arg10[%dma_start3A_365, %dma_start3A_366] : memref<128x128xf32, #tpu.memory_space<vmem>> -> memref<120x128xf32, #tpu.memory_space<vmem>>
        tpu.enqueue_dma source(%dma_start3A_367 : memref<120x128xf32, #tpu.memory_space<vmem>>) target(%dma_start3A_364 : memref<120x128xf32, #tpu.memory_space<vmem_shared>>) target_semaphore(%run_scoped3A_357 : memref<!tpu.dma_semaphore, #tpu.memory_space<semaphore_mem>>)
        %dma_wait3A_368 = arith.constant 0 : i32
        %dma_wait3A_369 = arith.constant 0 : i32
        %dma_wait3A_370 = tpu.memref_slice %arg10[%dma_wait3A_368, %dma_wait3A_369] : memref<128x128xf32, #tpu.memory_space<vmem>> -> memref<120x128xf32, #tpu.memory_space<vmem>>
        %dma_wait3A_371 = arith.constant 0 : i32
        %dma_wait3A_372 = tpu.memref_slice %arg12[%add3A_356, %dma_wait3A_371] : memref<10112x128xf32, #tpu.memory_space<vmem_shared>> -> memref<120x128xf32, #tpu.memory_space<vmem_shared>>
        %dma_wait3A_373 = arith.constant 0 : i32
        %dma_wait3A_374 = tpu.memref_slice %arg12[%add3A_356, %dma_wait3A_373] : memref<10112x128xf32, #tpu.memory_space<vmem_shared>> -> memref<120x128xf32, #tpu.memory_space<vmem_shared>>
        %dma_wait3A_375 = arith.constant 0 : i32
        %dma_wait3A_376 = arith.constant 0 : i32
        %dma_wait3A_377 = tpu.memref_slice %arg10[%dma_wait3A_375, %dma_wait3A_376] : memref<128x128xf32, #tpu.memory_space<vmem>> -> memref<120x128xf32, #tpu.memory_space<vmem>>
        tpu.wait_dma2 semaphore(%run_scoped3A_357 : memref<!tpu.dma_semaphore, #tpu.memory_space<semaphore_mem>>) src(%dma_wait3A_377 : memref<120x128xf32, #tpu.memory_space<vmem>>) dst(%dma_wait3A_374 : memref<120x128xf32, #tpu.memory_space<vmem_shared>>)
        tpu.yield
      }) : () -> ()
    } else {
    }
    %dma_wait3A = arith.constant 0 : i32
    %dma_wait3A_24 = arith.constant 0 : i32
    %dma_wait3A_25 = tpu.memref_slice %arg3[%add3A, %dma_wait3A, %dma_wait3A_24] : memref<32x80x128xi32, #tpu.memory_space<hbm>> -> memref<1x16x128xi32, #tpu.memory_space<hbm>>
    %dma_wait3A_26 = tpu.memref_squeeze %dma_wait3A_25 : memref<1x16x128xi32, #tpu.memory_space<hbm>> -> memref<16x128xi32, #tpu.memory_space<hbm>>
    %dma_wait3A_27 = arith.constant 0 : i32
    %dma_wait3A_28 = arith.constant 0 : i32
    %dma_wait3A_29 = tpu.memref_slice %arg3[%add3A, %dma_wait3A_27, %dma_wait3A_28] : memref<32x80x128xi32, #tpu.memory_space<hbm>> -> memref<1x16x128xi32, #tpu.memory_space<hbm>>
    %dma_wait3A_30 = tpu.memref_squeeze %dma_wait3A_29 : memref<1x16x128xi32, #tpu.memory_space<hbm>> -> memref<16x128xi32, #tpu.memory_space<hbm>>
    tpu.wait_dma2 semaphore(%arg15 : memref<!tpu.dma_semaphore, #tpu.memory_space<semaphore_mem>>) src(%dma_wait3A_30 : memref<16x128xi32, #tpu.memory_space<hbm>>) dst(%arg6 : memref<16x128xi32, #tpu.memory_space<vmem>>)
    %dma_wait3A_31 = arith.constant 0 : i32
    %dma_wait3A_32 = arith.constant 0 : i32
    %dma_wait3A_33 = tpu.memref_slice %arg4[%add3A, %dma_wait3A_31, %dma_wait3A_32] : memref<32x80x128xi32, #tpu.memory_space<hbm>> -> memref<1x16x128xi32, #tpu.memory_space<hbm>>
    %dma_wait3A_34 = tpu.memref_squeeze %dma_wait3A_33 : memref<1x16x128xi32, #tpu.memory_space<hbm>> -> memref<16x128xi32, #tpu.memory_space<hbm>>
    %dma_wait3A_35 = arith.constant 0 : i32
    %dma_wait3A_36 = arith.constant 0 : i32
    %dma_wait3A_37 = tpu.memref_slice %arg4[%add3A, %dma_wait3A_35, %dma_wait3A_36] : memref<32x80x128xi32, #tpu.memory_space<hbm>> -> memref<1x16x128xi32, #tpu.memory_space<hbm>>
    %dma_wait3A_38 = tpu.memref_squeeze %dma_wait3A_37 : memref<1x16x128xi32, #tpu.memory_space<hbm>> -> memref<16x128xi32, #tpu.memory_space<hbm>>
    tpu.wait_dma2 semaphore(%arg15 : memref<!tpu.dma_semaphore, #tpu.memory_space<semaphore_mem>>) src(%dma_wait3A_38 : memref<16x128xi32, #tpu.memory_space<hbm>>) dst(%arg7 : memref<16x128xi32, #tpu.memory_space<vmem>>)
    %dma_start3A_39 = arith.constant 0 : i32
    %dma_start3A_40 = arith.constant 0 : i32
    %dma_start3A_41 = tpu.memref_slice %arg6[%dma_start3A_39, %dma_start3A_40] : memref<16x128xi32, #tpu.memory_space<vmem>> -> memref<1x128xi32, #tpu.memory_space<vmem>>
    %dma_start3A_42 = tpu.memref_squeeze %dma_start3A_41 : memref<1x128xi32, #tpu.memory_space<vmem>> -> memref<128xi32, #tpu.memory_space<vmem>>
    %dma_start3A_43 = arith.constant 0 : i32
    %dma_start3A_44 = arith.constant 0 : i32
    %dma_start3A_45 = tpu.memref_slice %arg2[%dma_start3A_43, %dma_start3A_44] : memref<10112x128xf32, #tpu.memory_space<hbm>> -> memref<10112x128xf32, #tpu.memory_space<hbm>>
    tpu.enqueue_indirect_dma source(%dma_start3A_45 : memref<10112x128xf32, #tpu.memory_space<hbm>>) target(%arg11 : memref<128x128xf32, #tpu.memory_space<vmem>>) offsets(%dma_start3A_42 : memref<128xi32, #tpu.memory_space<vmem>>) semaphore(%arg14 : memref<!tpu.dma_semaphore, #tpu.memory_space<semaphore_mem>>)
    %barrier3A = arith.constant 0 : index
    tpu.barrier barrier_id(%barrier3A)
    %dma_start3A_46 = arith.constant 16 : i32
    %dma_start3A_47 = arith.constant 0 : i32
    %dma_start3A_48 = tpu.memref_slice %arg3[%add3A, %dma_start3A_46, %dma_start3A_47] : memref<32x80x128xi32, #tpu.memory_space<hbm>> -> memref<1x16x128xi32, #tpu.memory_space<hbm>>
    %dma_start3A_49 = tpu.memref_squeeze %dma_start3A_48 : memref<1x16x128xi32, #tpu.memory_space<hbm>> -> memref<16x128xi32, #tpu.memory_space<hbm>>
    %dma_start3A_50 = arith.constant 16 : i32
    %dma_start3A_51 = arith.constant 0 : i32
    %dma_start3A_52 = tpu.memref_slice %arg3[%add3A, %dma_start3A_50, %dma_start3A_51] : memref<32x80x128xi32, #tpu.memory_space<hbm>> -> memref<1x16x128xi32, #tpu.memory_space<hbm>>
    %dma_start3A_53 = tpu.memref_squeeze %dma_start3A_52 : memref<1x16x128xi32, #tpu.memory_space<hbm>> -> memref<16x128xi32, #tpu.memory_space<hbm>>
    tpu.enqueue_dma source(%dma_start3A_53 : memref<16x128xi32, #tpu.memory_space<hbm>>) target(%arg8 : memref<16x128xi32, #tpu.memory_space<vmem>>) target_semaphore(%arg15 : memref<!tpu.dma_semaphore, #tpu.memory_space<semaphore_mem>>)
    %dma_start3A_54 = arith.constant 16 : i32
    %dma_start3A_55 = arith.constant 0 : i32
    %dma_start3A_56 = tpu.memref_slice %arg4[%add3A, %dma_start3A_54, %dma_start3A_55] : memref<32x80x128xi32, #tpu.memory_space<hbm>> -> memref<1x16x128xi32, #tpu.memory_space<hbm>>
    %dma_start3A_57 = tpu.memref_squeeze %dma_start3A_56 : memref<1x16x128xi32, #tpu.memory_space<hbm>> -> memref<16x128xi32, #tpu.memory_space<hbm>>
    %dma_start3A_58 = arith.constant 16 : i32
    %dma_start3A_59 = arith.constant 0 : i32
    %dma_start3A_60 = tpu.memref_slice %arg4[%add3A, %dma_start3A_58, %dma_start3A_59] : memref<32x80x128xi32, #tpu.memory_space<hbm>> -> memref<1x16x128xi32, #tpu.memory_space<hbm>>
    %dma_start3A_61 = tpu.memref_squeeze %dma_start3A_60 : memref<1x16x128xi32, #tpu.memory_space<hbm>> -> memref<16x128xi32, #tpu.memory_space<hbm>>
    tpu.enqueue_dma source(%dma_start3A_61 : memref<16x128xi32, #tpu.memory_space<hbm>>) target(%arg9 : memref<16x128xi32, #tpu.memory_space<vmem>>) target_semaphore(%arg15 : memref<!tpu.dma_semaphore, #tpu.memory_space<semaphore_mem>>)
    %scan3A = arith.constant 0 : i32
    %scan3A_62 = arith.constant 7 : i32
    %scan3A_63 = arith.addi %scan3A, %scan3A_62 : i32
    %scan3A_64 = arith.constant 1 : i32
    scf.for %scan3A_341 = %scan3A to %scan3A_63 step %scan3A_64  : i32 {
      %mul3A_342 = arith.constant 2 : i32
      %mul3A_343 = arith.muli %scan3A_341, %mul3A_342 : i32
      %add3A_344 = arith.constant 0 : i32
      %add3A_345 = arith.addi %add3A_344, %mul3A_343 : i32
      %add3A_346 = arith.constant 1 : i32
      %add3A_347 = arith.addi %add3A_345, %add3A_346 : i32
      %dma_start3A_348 = arith.constant 0 : i32
      %dma_start3A_349 = tpu.memref_slice %arg6[%add3A_347, %dma_start3A_348] : memref<16x128xi32, #tpu.memory_space<vmem>> -> memref<1x128xi32, #tpu.memory_space<vmem>>
      %dma_start3A_350 = tpu.memref_squeeze %dma_start3A_349 : memref<1x128xi32, #tpu.memory_space<vmem>> -> memref<128xi32, #tpu.memory_space<vmem>>
      %dma_start3A_351 = arith.constant 0 : i32
      %dma_start3A_352 = arith.constant 0 : i32
      %dma_start3A_353 = tpu.memref_slice %arg2[%dma_start3A_351, %dma_start3A_352] : memref<10112x128xf32, #tpu.memory_space<hbm>> -> memref<10112x128xf32, #tpu.memory_space<hbm>>
      tpu.enqueue_indirect_dma source(%dma_start3A_353 : memref<10112x128xf32, #tpu.memory_space<hbm>>) target(%arg10 : memref<128x128xf32, #tpu.memory_space<vmem>>) offsets(%dma_start3A_350 : memref<128xi32, #tpu.memory_space<vmem>>) semaphore(%arg13 : memref<!tpu.dma_semaphore, #tpu.memory_space<semaphore_mem>>)
      %dma_wait3A_354 = arith.constant 0 : i32
      %dma_wait3A_355 = tpu.memref_slice %arg6[%add3A_345, %dma_wait3A_354] : memref<16x128xi32, #tpu.memory_space<vmem>> -> memref<1x128xi32, #tpu.memory_space<vmem>>
      %dma_wait3A_356 = tpu.memref_squeeze %dma_wait3A_355 : memref<1x128xi32, #tpu.memory_space<vmem>> -> memref<128xi32, #tpu.memory_space<vmem>>
      %dma_wait3A_357 = arith.constant 0 : i32
      %dma_wait3A_358 = arith.constant 0 : i32
      %dma_wait3A_359 = tpu.memref_slice %arg2[%dma_wait3A_357, %dma_wait3A_358] : memref<10112x128xf32, #tpu.memory_space<hbm>> -> memref<10112x128xf32, #tpu.memory_space<hbm>>
      tpu.wait_indirect_dma semaphore(%arg14 : memref<!tpu.dma_semaphore, #tpu.memory_space<semaphore_mem>>) src(%dma_wait3A_359 : memref<10112x128xf32, #tpu.memory_space<hbm>>) dst(%arg11 : memref<128x128xf32, #tpu.memory_space<vmem>>)
      "tpu.region"() ({
        %run_scoped3A_378 = tpu.sem_alloc : memref<!tpu.dma_semaphore, #tpu.memory_space<semaphore_mem>>
        %dma_start3A_379 = arith.constant 0 : i32
        %dma_start3A_380 = tpu.memref_slice %arg7[%add3A_345, %dma_start3A_379] : memref<16x128xi32, #tpu.memory_space<vmem>> -> memref<1x128xi32, #tpu.memory_space<vmem>>
        %dma_start3A_381 = tpu.memref_squeeze %dma_start3A_380 : memref<1x128xi32, #tpu.memory_space<vmem>> -> memref<128xi32, #tpu.memory_space<vmem>>
        %dma_start3A_382 = arith.constant 0 : i32
        %dma_start3A_383 = arith.constant 0 : i32
        %dma_start3A_384 = tpu.memref_slice %arg12[%dma_start3A_382, %dma_start3A_383] : memref<10112x128xf32, #tpu.memory_space<vmem_shared>> -> memref<10112x128xf32, #tpu.memory_space<vmem_shared>>
        tpu.enqueue_indirect_dma source(%arg11 : memref<128x128xf32, #tpu.memory_space<vmem>>) target(%dma_start3A_384 : memref<10112x128xf32, #tpu.memory_space<vmem_shared>>) offsets(%dma_start3A_381 : memref<128xi32, #tpu.memory_space<vmem>>) semaphore(%run_scoped3A_378 : memref<!tpu.dma_semaphore, #tpu.memory_space<semaphore_mem>>) {add = true}
        %dma_wait3A_385 = arith.constant 0 : i32
        %dma_wait3A_386 = tpu.memref_slice %arg7[%add3A_345, %dma_wait3A_385] : memref<16x128xi32, #tpu.memory_space<vmem>> -> memref<1x128xi32, #tpu.memory_space<vmem>>
        %dma_wait3A_387 = tpu.memref_squeeze %dma_wait3A_386 : memref<1x128xi32, #tpu.memory_space<vmem>> -> memref<128xi32, #tpu.memory_space<vmem>>
        %dma_wait3A_388 = arith.constant 0 : i32
        %dma_wait3A_389 = arith.constant 0 : i32
        %dma_wait3A_390 = tpu.memref_slice %arg12[%dma_wait3A_388, %dma_wait3A_389] : memref<10112x128xf32, #tpu.memory_space<vmem_shared>> -> memref<10112x128xf32, #tpu.memory_space<vmem_shared>>
        tpu.wait_indirect_dma semaphore(%run_scoped3A_378 : memref<!tpu.dma_semaphore, #tpu.memory_space<semaphore_mem>>) src(%arg11 : memref<128x128xf32, #tpu.memory_space<vmem>>) dst(%dma_wait3A_390 : memref<10112x128xf32, #tpu.memory_space<vmem_shared>>)
        tpu.yield
      }) : () -> ()
      %add3A_360 = arith.constant 2 : i32
      %add3A_361 = arith.addi %add3A_345, %add3A_360 : i32
      %dma_start3A_362 = arith.constant 0 : i32
      %dma_start3A_363 = tpu.memref_slice %arg6[%add3A_361, %dma_start3A_362] : memref<16x128xi32, #tpu.memory_space<vmem>> -> memref<1x128xi32, #tpu.memory_space<vmem>>
      %dma_start3A_364 = tpu.memref_squeeze %dma_start3A_363 : memref<1x128xi32, #tpu.memory_space<vmem>> -> memref<128xi32, #tpu.memory_space<vmem>>
      %dma_start3A_365 = arith.constant 0 : i32
      %dma_start3A_366 = arith.constant 0 : i32
      %dma_start3A_367 = tpu.memref_slice %arg2[%dma_start3A_365, %dma_start3A_366] : memref<10112x128xf32, #tpu.memory_space<hbm>> -> memref<10112x128xf32, #tpu.memory_space<hbm>>
      tpu.enqueue_indirect_dma source(%dma_start3A_367 : memref<10112x128xf32, #tpu.memory_space<hbm>>) target(%arg11 : memref<128x128xf32, #tpu.memory_space<vmem>>) offsets(%dma_start3A_364 : memref<128xi32, #tpu.memory_space<vmem>>) semaphore(%arg14 : memref<!tpu.dma_semaphore, #tpu.memory_space<semaphore_mem>>)
      %add3A_368 = arith.constant 1 : i32
      %add3A_369 = arith.addi %add3A_345, %add3A_368 : i32
      %dma_wait3A_370 = arith.constant 0 : i32
      %dma_wait3A_371 = tpu.memref_slice %arg6[%add3A_369, %dma_wait3A_370] : memref<16x128xi32, #tpu.memory_space<vmem>> -> memref<1x128xi32, #tpu.memory_space<vmem>>
      %dma_wait3A_372 = tpu.memref_squeeze %dma_wait3A_371 : memref<1x128xi32, #tpu.memory_space<vmem>> -> memref<128xi32, #tpu.memory_space<vmem>>
      %dma_wait3A_373 = arith.constant 0 : i32
      %dma_wait3A_374 = arith.constant 0 : i32
      %dma_wait3A_375 = tpu.memref_slice %arg2[%dma_wait3A_373, %dma_wait3A_374] : memref<10112x128xf32, #tpu.memory_space<hbm>> -> memref<10112x128xf32, #tpu.memory_space<hbm>>
      tpu.wait_indirect_dma semaphore(%arg13 : memref<!tpu.dma_semaphore, #tpu.memory_space<semaphore_mem>>) src(%dma_wait3A_375 : memref<10112x128xf32, #tpu.memory_space<hbm>>) dst(%arg10 : memref<128x128xf32, #tpu.memory_space<vmem>>)
      %add3A_376 = arith.constant 1 : i32
      %add3A_377 = arith.addi %add3A_345, %add3A_376 : i32
      "tpu.region"() ({
        %run_scoped3A_378 = tpu.sem_alloc : memref<!tpu.dma_semaphore, #tpu.memory_space<semaphore_mem>>
        %dma_start3A_379 = arith.constant 0 : i32
        %dma_start3A_380 = tpu.memref_slice %arg7[%add3A_377, %dma_start3A_379] : memref<16x128xi32, #tpu.memory_space<vmem>> -> memref<1x128xi32, #tpu.memory_space<vmem>>
        %dma_start3A_381 = tpu.memref_squeeze %dma_start3A_380 : memref<1x128xi32, #tpu.memory_space<vmem>> -> memref<128xi32, #tpu.memory_space<vmem>>
        %dma_start3A_382 = arith.constant 0 : i32
        %dma_start3A_383 = arith.constant 0 : i32
        %dma_start3A_384 = tpu.memref_slice %arg12[%dma_start3A_382, %dma_start3A_383] : memref<10112x128xf32, #tpu.memory_space<vmem_shared>> -> memref<10112x128xf32, #tpu.memory_space<vmem_shared>>
        tpu.enqueue_indirect_dma source(%arg10 : memref<128x128xf32, #tpu.memory_space<vmem>>) target(%dma_start3A_384 : memref<10112x128xf32, #tpu.memory_space<vmem_shared>>) offsets(%dma_start3A_381 : memref<128xi32, #tpu.memory_space<vmem>>) semaphore(%run_scoped3A_378 : memref<!tpu.dma_semaphore, #tpu.memory_space<semaphore_mem>>) {add = true}
        %dma_wait3A_385 = arith.constant 0 : i32
        %dma_wait3A_386 = tpu.memref_slice %arg7[%add3A_377, %dma_wait3A_385] : memref<16x128xi32, #tpu.memory_space<vmem>> -> memref<1x128xi32, #tpu.memory_space<vmem>>
        %dma_wait3A_387 = tpu.memref_squeeze %dma_wait3A_386 : memref<1x128xi32, #tpu.memory_space<vmem>> -> memref<128xi32, #tpu.memory_space<vmem>>
        %dma_wait3A_388 = arith.constant 0 : i32
        %dma_wait3A_389 = arith.constant 0 : i32
        %dma_wait3A_390 = tpu.memref_slice %arg12[%dma_wait3A_388, %dma_wait3A_389] : memref<10112x128xf32, #tpu.memory_space<vmem_shared>> -> memref<10112x128xf32, #tpu.memory_space<vmem_shared>>
        tpu.wait_indirect_dma semaphore(%run_scoped3A_378 : memref<!tpu.dma_semaphore, #tpu.memory_space<semaphore_mem>>) src(%arg10 : memref<128x128xf32, #tpu.memory_space<vmem>>) dst(%dma_wait3A_390 : memref<10112x128xf32, #tpu.memory_space<vmem_shared>>)
        tpu.yield
      }) : () -> ()
    }
    %scan3A_65 = arith.constant 7 : i32
    %dma_start3A_66 = arith.constant 15 : i32
    %dma_start3A_67 = arith.constant 0 : i32
    %dma_start3A_68 = tpu.memref_slice %arg6[%dma_start3A_66, %dma_start3A_67] : memref<16x128xi32, #tpu.memory_space<vmem>> -> memref<1x128xi32, #tpu.memory_space<vmem>>
    %dma_start3A_69 = tpu.memref_squeeze %dma_start3A_68 : memref<1x128xi32, #tpu.memory_space<vmem>> -> memref<128xi32, #tpu.memory_space<vmem>>
    %dma_start3A_70 = arith.constant 0 : i32
    %dma_start3A_71 = arith.constant 0 : i32
    %dma_start3A_72 = tpu.memref_slice %arg2[%dma_start3A_70, %dma_start3A_71] : memref<10112x128xf32, #tpu.memory_space<hbm>> -> memref<10112x128xf32, #tpu.memory_space<hbm>>
    tpu.enqueue_indirect_dma source(%dma_start3A_72 : memref<10112x128xf32, #tpu.memory_space<hbm>>) target(%arg10 : memref<128x128xf32, #tpu.memory_space<vmem>>) offsets(%dma_start3A_69 : memref<128xi32, #tpu.memory_space<vmem>>) semaphore(%arg13 : memref<!tpu.dma_semaphore, #tpu.memory_space<semaphore_mem>>)
    %dma_wait3A_73 = arith.constant 14 : i32
    %dma_wait3A_74 = arith.constant 0 : i32
    %dma_wait3A_75 = tpu.memref_slice %arg6[%dma_wait3A_73, %dma_wait3A_74] : memref<16x128xi32, #tpu.memory_space<vmem>> -> memref<1x128xi32, #tpu.memory_space<vmem>>
    %dma_wait3A_76 = tpu.memref_squeeze %dma_wait3A_75 : memref<1x128xi32, #tpu.memory_space<vmem>> -> memref<128xi32, #tpu.memory_space<vmem>>
    %dma_wait3A_77 = arith.constant 0 : i32
    %dma_wait3A_78 = arith.constant 0 : i32
    %dma_wait3A_79 = tpu.memref_slice %arg2[%dma_wait3A_77, %dma_wait3A_78] : memref<10112x128xf32, #tpu.memory_space<hbm>> -> memref<10112x128xf32, #tpu.memory_space<hbm>>
    tpu.wait_indirect_dma semaphore(%arg14 : memref<!tpu.dma_semaphore, #tpu.memory_space<semaphore_mem>>) src(%dma_wait3A_79 : memref<10112x128xf32, #tpu.memory_space<hbm>>) dst(%arg11 : memref<128x128xf32, #tpu.memory_space<vmem>>)
    %run_scoped3A = arith.constant 14 : i32
    "tpu.region"() ({
      %run_scoped3A_341 = tpu.sem_alloc : memref<!tpu.dma_semaphore, #tpu.memory_space<semaphore_mem>>
      %dma_start3A_342 = arith.constant 0 : i32
      %dma_start3A_343 = tpu.memref_slice %arg7[%run_scoped3A, %dma_start3A_342] : memref<16x128xi32, #tpu.memory_space<vmem>> -> memref<1x128xi32, #tpu.memory_space<vmem>>
      %dma_start3A_344 = tpu.memref_squeeze %dma_start3A_343 : memref<1x128xi32, #tpu.memory_space<vmem>> -> memref<128xi32, #tpu.memory_space<vmem>>
      %dma_start3A_345 = arith.constant 0 : i32
      %dma_start3A_346 = arith.constant 0 : i32
      %dma_start3A_347 = tpu.memref_slice %arg12[%dma_start3A_345, %dma_start3A_346] : memref<10112x128xf32, #tpu.memory_space<vmem_shared>> -> memref<10112x128xf32, #tpu.memory_space<vmem_shared>>
      tpu.enqueue_indirect_dma source(%arg11 : memref<128x128xf32, #tpu.memory_space<vmem>>) target(%dma_start3A_347 : memref<10112x128xf32, #tpu.memory_space<vmem_shared>>) offsets(%dma_start3A_344 : memref<128xi32, #tpu.memory_space<vmem>>) semaphore(%run_scoped3A_341 : memref<!tpu.dma_semaphore, #tpu.memory_space<semaphore_mem>>) {add = true}
      %dma_wait3A_348 = arith.constant 0 : i32
      %dma_wait3A_349 = tpu.memref_slice %arg7[%run_scoped3A, %dma_wait3A_348] : memref<16x128xi32, #tpu.memory_space<vmem>> -> memref<1x128xi32, #tpu.memory_space<vmem>>
      %dma_wait3A_350 = tpu.memref_squeeze %dma_wait3A_349 : memref<1x128xi32, #tpu.memory_space<vmem>> -> memref<128xi32, #tpu.memory_space<vmem>>
      %dma_wait3A_351 = arith.constant 0 : i32
      %dma_wait3A_352 = arith.constant 0 : i32
      %dma_wait3A_353 = tpu.memref_slice %arg12[%dma_wait3A_351, %dma_wait3A_352] : memref<10112x128xf32, #tpu.memory_space<vmem_shared>> -> memref<10112x128xf32, #tpu.memory_space<vmem_shared>>
      tpu.wait_indirect_dma semaphore(%run_scoped3A_341 : memref<!tpu.dma_semaphore, #tpu.memory_space<semaphore_mem>>) src(%arg11 : memref<128x128xf32, #tpu.memory_space<vmem>>) dst(%dma_wait3A_353 : memref<10112x128xf32, #tpu.memory_space<vmem_shared>>)
      tpu.yield
    }) : () -> ()
    %dma_wait3A_80 = arith.constant 16 : i32
    %dma_wait3A_81 = arith.constant 0 : i32
    %dma_wait3A_82 = tpu.memref_slice %arg3[%add3A, %dma_wait3A_80, %dma_wait3A_81] : memref<32x80x128xi32, #tpu.memory_space<hbm>> -> memref<1x16x128xi32, #tpu.memory_space<hbm>>
    %dma_wait3A_83 = tpu.memref_squeeze %dma_wait3A_82 : memref<1x16x128xi32, #tpu.memory_space<hbm>> -> memref<16x128xi32, #tpu.memory_space<hbm>>
    %dma_wait3A_84 = arith.constant 16 : i32
    %dma_wait3A_85 = arith.constant 0 : i32
    %dma_wait3A_86 = tpu.memref_slice %arg3[%add3A, %dma_wait3A_84, %dma_wait3A_85] : memref<32x80x128xi32, #tpu.memory_space<hbm>> -> memref<1x16x128xi32, #tpu.memory_space<hbm>>
    %dma_wait3A_87 = tpu.memref_squeeze %dma_wait3A_86 : memref<1x16x128xi32, #tpu.memory_space<hbm>> -> memref<16x128xi32, #tpu.memory_space<hbm>>
    tpu.wait_dma2 semaphore(%arg15 : memref<!tpu.dma_semaphore, #tpu.memory_space<semaphore_mem>>) src(%dma_wait3A_87 : memref<16x128xi32, #tpu.memory_space<hbm>>) dst(%arg8 : memref<16x128xi32, #tpu.memory_space<vmem>>)
    %dma_wait3A_88 = arith.constant 16 : i32
    %dma_wait3A_89 = arith.constant 0 : i32
    %dma_wait3A_90 = tpu.memref_slice %arg4[%add3A, %dma_wait3A_88, %dma_wait3A_89] : memref<32x80x128xi32, #tpu.memory_space<hbm>> -> memref<1x16x128xi32, #tpu.memory_space<hbm>>
    %dma_wait3A_91 = tpu.memref_squeeze %dma_wait3A_90 : memref<1x16x128xi32, #tpu.memory_space<hbm>> -> memref<16x128xi32, #tpu.memory_space<hbm>>
    %dma_wait3A_92 = arith.constant 16 : i32
    %dma_wait3A_93 = arith.constant 0 : i32
    %dma_wait3A_94 = tpu.memref_slice %arg4[%add3A, %dma_wait3A_92, %dma_wait3A_93] : memref<32x80x128xi32, #tpu.memory_space<hbm>> -> memref<1x16x128xi32, #tpu.memory_space<hbm>>
    %dma_wait3A_95 = tpu.memref_squeeze %dma_wait3A_94 : memref<1x16x128xi32, #tpu.memory_space<hbm>> -> memref<16x128xi32, #tpu.memory_space<hbm>>
    tpu.wait_dma2 semaphore(%arg15 : memref<!tpu.dma_semaphore, #tpu.memory_space<semaphore_mem>>) src(%dma_wait3A_95 : memref<16x128xi32, #tpu.memory_space<hbm>>) dst(%arg9 : memref<16x128xi32, #tpu.memory_space<vmem>>)
    %dma_start3A_96 = arith.constant 0 : i32
    %dma_start3A_97 = arith.constant 0 : i32
    %dma_start3A_98 = tpu.memref_slice %arg8[%dma_start3A_96, %dma_start3A_97] : memref<16x128xi32, #tpu.memory_space<vmem>> -> memref<1x128xi32, #tpu.memory_space<vmem>>
    %dma_start3A_99 = tpu.memref_squeeze %dma_start3A_98 : memref<1x128xi32, #tpu.memory_space<vmem>> -> memref<128xi32, #tpu.memory_space<vmem>>
    %dma_start3A_100 = arith.constant 0 : i32
    %dma_start3A_101 = arith.constant 0 : i32
    %dma_start3A_102 = tpu.memref_slice %arg2[%dma_start3A_100, %dma_start3A_101] : memref<10112x128xf32, #tpu.memory_space<hbm>> -> memref<10112x128xf32, #tpu.memory_space<hbm>>
    tpu.enqueue_indirect_dma source(%dma_start3A_102 : memref<10112x128xf32, #tpu.memory_space<hbm>>) target(%arg11 : memref<128x128xf32, #tpu.memory_space<vmem>>) offsets(%dma_start3A_99 : memref<128xi32, #tpu.memory_space<vmem>>) semaphore(%arg14 : memref<!tpu.dma_semaphore, #tpu.memory_space<semaphore_mem>>)
    %dma_wait3A_103 = arith.constant 15 : i32
    %dma_wait3A_104 = arith.constant 0 : i32
    %dma_wait3A_105 = tpu.memref_slice %arg6[%dma_wait3A_103, %dma_wait3A_104] : memref<16x128xi32, #tpu.memory_space<vmem>> -> memref<1x128xi32, #tpu.memory_space<vmem>>
    %dma_wait3A_106 = tpu.memref_squeeze %dma_wait3A_105 : memref<1x128xi32, #tpu.memory_space<vmem>> -> memref<128xi32, #tpu.memory_space<vmem>>
    %dma_wait3A_107 = arith.constant 0 : i32
    %dma_wait3A_108 = arith.constant 0 : i32
    %dma_wait3A_109 = tpu.memref_slice %arg2[%dma_wait3A_107, %dma_wait3A_108] : memref<10112x128xf32, #tpu.memory_space<hbm>> -> memref<10112x128xf32, #tpu.memory_space<hbm>>
    tpu.wait_indirect_dma semaphore(%arg13 : memref<!tpu.dma_semaphore, #tpu.memory_space<semaphore_mem>>) src(%dma_wait3A_109 : memref<10112x128xf32, #tpu.memory_space<hbm>>) dst(%arg10 : memref<128x128xf32, #tpu.memory_space<vmem>>)
    %run_scoped3A_110 = arith.constant 15 : i32
    "tpu.region"() ({
      %run_scoped3A_341 = tpu.sem_alloc : memref<!tpu.dma_semaphore, #tpu.memory_space<semaphore_mem>>
      %dma_start3A_342 = arith.constant 0 : i32
      %dma_start3A_343 = tpu.memref_slice %arg7[%run_scoped3A_110, %dma_start3A_342] : memref<16x128xi32, #tpu.memory_space<vmem>> -> memref<1x128xi32, #tpu.memory_space<vmem>>
      %dma_start3A_344 = tpu.memref_squeeze %dma_start3A_343 : memref<1x128xi32, #tpu.memory_space<vmem>> -> memref<128xi32, #tpu.memory_space<vmem>>
      %dma_start3A_345 = arith.constant 0 : i32
      %dma_start3A_346 = arith.constant 0 : i32
      %dma_start3A_347 = tpu.memref_slice %arg12[%dma_start3A_345, %dma_start3A_346] : memref<10112x128xf32, #tpu.memory_space<vmem_shared>> -> memref<10112x128xf32, #tpu.memory_space<vmem_shared>>
      tpu.enqueue_indirect_dma source(%arg10 : memref<128x128xf32, #tpu.memory_space<vmem>>) target(%dma_start3A_347 : memref<10112x128xf32, #tpu.memory_space<vmem_shared>>) offsets(%dma_start3A_344 : memref<128xi32, #tpu.memory_space<vmem>>) semaphore(%run_scoped3A_341 : memref<!tpu.dma_semaphore, #tpu.memory_space<semaphore_mem>>) {add = true}
      %dma_wait3A_348 = arith.constant 0 : i32
      %dma_wait3A_349 = tpu.memref_slice %arg7[%run_scoped3A_110, %dma_wait3A_348] : memref<16x128xi32, #tpu.memory_space<vmem>> -> memref<1x128xi32, #tpu.memory_space<vmem>>
      %dma_wait3A_350 = tpu.memref_squeeze %dma_wait3A_349 : memref<1x128xi32, #tpu.memory_space<vmem>> -> memref<128xi32, #tpu.memory_space<vmem>>
      %dma_wait3A_351 = arith.constant 0 : i32
      %dma_wait3A_352 = arith.constant 0 : i32
      %dma_wait3A_353 = tpu.memref_slice %arg12[%dma_wait3A_351, %dma_wait3A_352] : memref<10112x128xf32, #tpu.memory_space<vmem_shared>> -> memref<10112x128xf32, #tpu.memory_space<vmem_shared>>
      tpu.wait_indirect_dma semaphore(%run_scoped3A_341 : memref<!tpu.dma_semaphore, #tpu.memory_space<semaphore_mem>>) src(%arg10 : memref<128x128xf32, #tpu.memory_space<vmem>>) dst(%dma_wait3A_353 : memref<10112x128xf32, #tpu.memory_space<vmem_shared>>)
      tpu.yield
    }) : () -> ()
    %dma_start3A_111 = arith.constant 32 : i32
    %dma_start3A_112 = arith.constant 0 : i32
    %dma_start3A_113 = tpu.memref_slice %arg3[%add3A, %dma_start3A_111, %dma_start3A_112] : memref<32x80x128xi32, #tpu.memory_space<hbm>> -> memref<1x16x128xi32, #tpu.memory_space<hbm>>
    %dma_start3A_114 = tpu.memref_squeeze %dma_start3A_113 : memref<1x16x128xi32, #tpu.memory_space<hbm>> -> memref<16x128xi32, #tpu.memory_space<hbm>>
    %dma_start3A_115 = arith.constant 32 : i32
    %dma_start3A_116 = arith.constant 0 : i32
    %dma_start3A_117 = tpu.memref_slice %arg3[%add3A, %dma_start3A_115, %dma_start3A_116] : memref<32x80x128xi32, #tpu.memory_space<hbm>> -> memref<1x16x128xi32, #tpu.memory_space<hbm>>
    %dma_start3A_118 = tpu.memref_squeeze %dma_start3A_117 : memref<1x16x128xi32, #tpu.memory_space<hbm>> -> memref<16x128xi32, #tpu.memory_space<hbm>>
    tpu.enqueue_dma source(%dma_start3A_118 : memref<16x128xi32, #tpu.memory_space<hbm>>) target(%arg6 : memref<16x128xi32, #tpu.memory_space<vmem>>) target_semaphore(%arg15 : memref<!tpu.dma_semaphore, #tpu.memory_space<semaphore_mem>>)
    %dma_start3A_119 = arith.constant 32 : i32
    %dma_start3A_120 = arith.constant 0 : i32
    %dma_start3A_121 = tpu.memref_slice %arg4[%add3A, %dma_start3A_119, %dma_start3A_120] : memref<32x80x128xi32, #tpu.memory_space<hbm>> -> memref<1x16x128xi32, #tpu.memory_space<hbm>>
    %dma_start3A_122 = tpu.memref_squeeze %dma_start3A_121 : memref<1x16x128xi32, #tpu.memory_space<hbm>> -> memref<16x128xi32, #tpu.memory_space<hbm>>
    %dma_start3A_123 = arith.constant 32 : i32
    %dma_start3A_124 = arith.constant 0 : i32
    %dma_start3A_125 = tpu.memref_slice %arg4[%add3A, %dma_start3A_123, %dma_start3A_124] : memref<32x80x128xi32, #tpu.memory_space<hbm>> -> memref<1x16x128xi32, #tpu.memory_space<hbm>>
    %dma_start3A_126 = tpu.memref_squeeze %dma_start3A_125 : memref<1x16x128xi32, #tpu.memory_space<hbm>> -> memref<16x128xi32, #tpu.memory_space<hbm>>
    tpu.enqueue_dma source(%dma_start3A_126 : memref<16x128xi32, #tpu.memory_space<hbm>>) target(%arg7 : memref<16x128xi32, #tpu.memory_space<vmem>>) target_semaphore(%arg15 : memref<!tpu.dma_semaphore, #tpu.memory_space<semaphore_mem>>)
    %scan3A_127 = arith.constant 0 : i32
    %scan3A_128 = arith.constant 7 : i32
    %scan3A_129 = arith.addi %scan3A_127, %scan3A_128 : i32
    %scan3A_130 = arith.constant 1 : i32
    scf.for %scan3A_341 = %scan3A_127 to %scan3A_129 step %scan3A_130  : i32 {
      %mul3A_342 = arith.constant 2 : i32
      %mul3A_343 = arith.muli %scan3A_341, %mul3A_342 : i32
      %add3A_344 = arith.constant 0 : i32
      %add3A_345 = arith.addi %add3A_344, %mul3A_343 : i32
      %add3A_346 = arith.constant 1 : i32
      %add3A_347 = arith.addi %add3A_345, %add3A_346 : i32
      %dma_start3A_348 = arith.constant 0 : i32
      %dma_start3A_349 = tpu.memref_slice %arg8[%add3A_347, %dma_start3A_348] : memref<16x128xi32, #tpu.memory_space<vmem>> -> memref<1x128xi32, #tpu.memory_space<vmem>>
      %dma_start3A_350 = tpu.memref_squeeze %dma_start3A_349 : memref<1x128xi32, #tpu.memory_space<vmem>> -> memref<128xi32, #tpu.memory_space<vmem>>
      %dma_start3A_351 = arith.constant 0 : i32
      %dma_start3A_352 = arith.constant 0 : i32
      %dma_start3A_353 = tpu.memref_slice %arg2[%dma_start3A_351, %dma_start3A_352] : memref<10112x128xf32, #tpu.memory_space<hbm>> -> memref<10112x128xf32, #tpu.memory_space<hbm>>
      tpu.enqueue_indirect_dma source(%dma_start3A_353 : memref<10112x128xf32, #tpu.memory_space<hbm>>) target(%arg10 : memref<128x128xf32, #tpu.memory_space<vmem>>) offsets(%dma_start3A_350 : memref<128xi32, #tpu.memory_space<vmem>>) semaphore(%arg13 : memref<!tpu.dma_semaphore, #tpu.memory_space<semaphore_mem>>)
      %dma_wait3A_354 = arith.constant 0 : i32
      %dma_wait3A_355 = tpu.memref_slice %arg8[%add3A_345, %dma_wait3A_354] : memref<16x128xi32, #tpu.memory_space<vmem>> -> memref<1x128xi32, #tpu.memory_space<vmem>>
      %dma_wait3A_356 = tpu.memref_squeeze %dma_wait3A_355 : memref<1x128xi32, #tpu.memory_space<vmem>> -> memref<128xi32, #tpu.memory_space<vmem>>
      %dma_wait3A_357 = arith.constant 0 : i32
      %dma_wait3A_358 = arith.constant 0 : i32
      %dma_wait3A_359 = tpu.memref_slice %arg2[%dma_wait3A_357, %dma_wait3A_358] : memref<10112x128xf32, #tpu.memory_space<hbm>> -> memref<10112x128xf32, #tpu.memory_space<hbm>>
      tpu.wait_indirect_dma semaphore(%arg14 : memref<!tpu.dma_semaphore, #tpu.memory_space<semaphore_mem>>) src(%dma_wait3A_359 : memref<10112x128xf32, #tpu.memory_space<hbm>>) dst(%arg11 : memref<128x128xf32, #tpu.memory_space<vmem>>)
      "tpu.region"() ({
        %run_scoped3A_378 = tpu.sem_alloc : memref<!tpu.dma_semaphore, #tpu.memory_space<semaphore_mem>>
        %dma_start3A_379 = arith.constant 0 : i32
        %dma_start3A_380 = tpu.memref_slice %arg9[%add3A_345, %dma_start3A_379] : memref<16x128xi32, #tpu.memory_space<vmem>> -> memref<1x128xi32, #tpu.memory_space<vmem>>
        %dma_start3A_381 = tpu.memref_squeeze %dma_start3A_380 : memref<1x128xi32, #tpu.memory_space<vmem>> -> memref<128xi32, #tpu.memory_space<vmem>>
        %dma_start3A_382 = arith.constant 0 : i32
        %dma_start3A_383 = arith.constant 0 : i32
        %dma_start3A_384 = tpu.memref_slice %arg12[%dma_start3A_382, %dma_start3A_383] : memref<10112x128xf32, #tpu.memory_space<vmem_shared>> -> memref<10112x128xf32, #tpu.memory_space<vmem_shared>>
        tpu.enqueue_indirect_dma source(%arg11 : memref<128x128xf32, #tpu.memory_space<vmem>>) target(%dma_start3A_384 : memref<10112x128xf32, #tpu.memory_space<vmem_shared>>) offsets(%dma_start3A_381 : memref<128xi32, #tpu.memory_space<vmem>>) semaphore(%run_scoped3A_378 : memref<!tpu.dma_semaphore, #tpu.memory_space<semaphore_mem>>) {add = true}
        %dma_wait3A_385 = arith.constant 0 : i32
        %dma_wait3A_386 = tpu.memref_slice %arg9[%add3A_345, %dma_wait3A_385] : memref<16x128xi32, #tpu.memory_space<vmem>> -> memref<1x128xi32, #tpu.memory_space<vmem>>
        %dma_wait3A_387 = tpu.memref_squeeze %dma_wait3A_386 : memref<1x128xi32, #tpu.memory_space<vmem>> -> memref<128xi32, #tpu.memory_space<vmem>>
        %dma_wait3A_388 = arith.constant 0 : i32
        %dma_wait3A_389 = arith.constant 0 : i32
        %dma_wait3A_390 = tpu.memref_slice %arg12[%dma_wait3A_388, %dma_wait3A_389] : memref<10112x128xf32, #tpu.memory_space<vmem_shared>> -> memref<10112x128xf32, #tpu.memory_space<vmem_shared>>
        tpu.wait_indirect_dma semaphore(%run_scoped3A_378 : memref<!tpu.dma_semaphore, #tpu.memory_space<semaphore_mem>>) src(%arg11 : memref<128x128xf32, #tpu.memory_space<vmem>>) dst(%dma_wait3A_390 : memref<10112x128xf32, #tpu.memory_space<vmem_shared>>)
        tpu.yield
      }) : () -> ()
      %add3A_360 = arith.constant 2 : i32
      %add3A_361 = arith.addi %add3A_345, %add3A_360 : i32
      %dma_start3A_362 = arith.constant 0 : i32
      %dma_start3A_363 = tpu.memref_slice %arg8[%add3A_361, %dma_start3A_362] : memref<16x128xi32, #tpu.memory_space<vmem>> -> memref<1x128xi32, #tpu.memory_space<vmem>>
      %dma_start3A_364 = tpu.memref_squeeze %dma_start3A_363 : memref<1x128xi32, #tpu.memory_space<vmem>> -> memref<128xi32, #tpu.memory_space<vmem>>
      %dma_start3A_365 = arith.constant 0 : i32
      %dma_start3A_366 = arith.constant 0 : i32
      %dma_start3A_367 = tpu.memref_slice %arg2[%dma_start3A_365, %dma_start3A_366] : memref<10112x128xf32, #tpu.memory_space<hbm>> -> memref<10112x128xf32, #tpu.memory_space<hbm>>
      tpu.enqueue_indirect_dma source(%dma_start3A_367 : memref<10112x128xf32, #tpu.memory_space<hbm>>) target(%arg11 : memref<128x128xf32, #tpu.memory_space<vmem>>) offsets(%dma_start3A_364 : memref<128xi32, #tpu.memory_space<vmem>>) semaphore(%arg14 : memref<!tpu.dma_semaphore, #tpu.memory_space<semaphore_mem>>)
      %add3A_368 = arith.constant 1 : i32
      %add3A_369 = arith.addi %add3A_345, %add3A_368 : i32
      %dma_wait3A_370 = arith.constant 0 : i32
      %dma_wait3A_371 = tpu.memref_slice %arg8[%add3A_369, %dma_wait3A_370] : memref<16x128xi32, #tpu.memory_space<vmem>> -> memref<1x128xi32, #tpu.memory_space<vmem>>
      %dma_wait3A_372 = tpu.memref_squeeze %dma_wait3A_371 : memref<1x128xi32, #tpu.memory_space<vmem>> -> memref<128xi32, #tpu.memory_space<vmem>>
      %dma_wait3A_373 = arith.constant 0 : i32
      %dma_wait3A_374 = arith.constant 0 : i32
      %dma_wait3A_375 = tpu.memref_slice %arg2[%dma_wait3A_373, %dma_wait3A_374] : memref<10112x128xf32, #tpu.memory_space<hbm>> -> memref<10112x128xf32, #tpu.memory_space<hbm>>
      tpu.wait_indirect_dma semaphore(%arg13 : memref<!tpu.dma_semaphore, #tpu.memory_space<semaphore_mem>>) src(%dma_wait3A_375 : memref<10112x128xf32, #tpu.memory_space<hbm>>) dst(%arg10 : memref<128x128xf32, #tpu.memory_space<vmem>>)
      %add3A_376 = arith.constant 1 : i32
      %add3A_377 = arith.addi %add3A_345, %add3A_376 : i32
      "tpu.region"() ({
        %run_scoped3A_378 = tpu.sem_alloc : memref<!tpu.dma_semaphore, #tpu.memory_space<semaphore_mem>>
        %dma_start3A_379 = arith.constant 0 : i32
        %dma_start3A_380 = tpu.memref_slice %arg9[%add3A_377, %dma_start3A_379] : memref<16x128xi32, #tpu.memory_space<vmem>> -> memref<1x128xi32, #tpu.memory_space<vmem>>
        %dma_start3A_381 = tpu.memref_squeeze %dma_start3A_380 : memref<1x128xi32, #tpu.memory_space<vmem>> -> memref<128xi32, #tpu.memory_space<vmem>>
        %dma_start3A_382 = arith.constant 0 : i32
        %dma_start3A_383 = arith.constant 0 : i32
        %dma_start3A_384 = tpu.memref_slice %arg12[%dma_start3A_382, %dma_start3A_383] : memref<10112x128xf32, #tpu.memory_space<vmem_shared>> -> memref<10112x128xf32, #tpu.memory_space<vmem_shared>>
        tpu.enqueue_indirect_dma source(%arg10 : memref<128x128xf32, #tpu.memory_space<vmem>>) target(%dma_start3A_384 : memref<10112x128xf32, #tpu.memory_space<vmem_shared>>) offsets(%dma_start3A_381 : memref<128xi32, #tpu.memory_space<vmem>>) semaphore(%run_scoped3A_378 : memref<!tpu.dma_semaphore, #tpu.memory_space<semaphore_mem>>) {add = true}
        %dma_wait3A_385 = arith.constant 0 : i32
        %dma_wait3A_386 = tpu.memref_slice %arg9[%add3A_377, %dma_wait3A_385] : memref<16x128xi32, #tpu.memory_space<vmem>> -> memref<1x128xi32, #tpu.memory_space<vmem>>
        %dma_wait3A_387 = tpu.memref_squeeze %dma_wait3A_386 : memref<1x128xi32, #tpu.memory_space<vmem>> -> memref<128xi32, #tpu.memory_space<vmem>>
        %dma_wait3A_388 = arith.constant 0 : i32
        %dma_wait3A_389 = arith.constant 0 : i32
        %dma_wait3A_390 = tpu.memref_slice %arg12[%dma_wait3A_388, %dma_wait3A_389] : memref<10112x128xf32, #tpu.memory_space<vmem_shared>> -> memref<10112x128xf32, #tpu.memory_space<vmem_shared>>
        tpu.wait_indirect_dma semaphore(%run_scoped3A_378 : memref<!tpu.dma_semaphore, #tpu.memory_space<semaphore_mem>>) src(%arg10 : memref<128x128xf32, #tpu.memory_space<vmem>>) dst(%dma_wait3A_390 : memref<10112x128xf32, #tpu.memory_space<vmem_shared>>)
        tpu.yield
      }) : () -> ()
    }
    %scan3A_131 = arith.constant 7 : i32
    %dma_start3A_132 = arith.constant 15 : i32
    %dma_start3A_133 = arith.constant 0 : i32
    %dma_start3A_134 = tpu.memref_slice %arg8[%dma_start3A_132, %dma_start3A_133] : memref<16x128xi32, #tpu.memory_space<vmem>> -> memref<1x128xi32, #tpu.memory_space<vmem>>
    %dma_start3A_135 = tpu.memref_squeeze %dma_start3A_134 : memref<1x128xi32, #tpu.memory_space<vmem>> -> memref<128xi32, #tpu.memory_space<vmem>>
    %dma_start3A_136 = arith.constant 0 : i32
    %dma_start3A_137 = arith.constant 0 : i32
    %dma_start3A_138 = tpu.memref_slice %arg2[%dma_start3A_136, %dma_start3A_137] : memref<10112x128xf32, #tpu.memory_space<hbm>> -> memref<10112x128xf32, #tpu.memory_space<hbm>>
    tpu.enqueue_indirect_dma source(%dma_start3A_138 : memref<10112x128xf32, #tpu.memory_space<hbm>>) target(%arg10 : memref<128x128xf32, #tpu.memory_space<vmem>>) offsets(%dma_start3A_135 : memref<128xi32, #tpu.memory_space<vmem>>) semaphore(%arg13 : memref<!tpu.dma_semaphore, #tpu.memory_space<semaphore_mem>>)
    %dma_wait3A_139 = arith.constant 14 : i32
    %dma_wait3A_140 = arith.constant 0 : i32
    %dma_wait3A_141 = tpu.memref_slice %arg8[%dma_wait3A_139, %dma_wait3A_140] : memref<16x128xi32, #tpu.memory_space<vmem>> -> memref<1x128xi32, #tpu.memory_space<vmem>>
    %dma_wait3A_142 = tpu.memref_squeeze %dma_wait3A_141 : memref<1x128xi32, #tpu.memory_space<vmem>> -> memref<128xi32, #tpu.memory_space<vmem>>
    %dma_wait3A_143 = arith.constant 0 : i32
    %dma_wait3A_144 = arith.constant 0 : i32
    %dma_wait3A_145 = tpu.memref_slice %arg2[%dma_wait3A_143, %dma_wait3A_144] : memref<10112x128xf32, #tpu.memory_space<hbm>> -> memref<10112x128xf32, #tpu.memory_space<hbm>>
    tpu.wait_indirect_dma semaphore(%arg14 : memref<!tpu.dma_semaphore, #tpu.memory_space<semaphore_mem>>) src(%dma_wait3A_145 : memref<10112x128xf32, #tpu.memory_space<hbm>>) dst(%arg11 : memref<128x128xf32, #tpu.memory_space<vmem>>)
    %run_scoped3A_146 = arith.constant 14 : i32
    "tpu.region"() ({
      %run_scoped3A_341 = tpu.sem_alloc : memref<!tpu.dma_semaphore, #tpu.memory_space<semaphore_mem>>
      %dma_start3A_342 = arith.constant 0 : i32
      %dma_start3A_343 = tpu.memref_slice %arg9[%run_scoped3A_146, %dma_start3A_342] : memref<16x128xi32, #tpu.memory_space<vmem>> -> memref<1x128xi32, #tpu.memory_space<vmem>>
      %dma_start3A_344 = tpu.memref_squeeze %dma_start3A_343 : memref<1x128xi32, #tpu.memory_space<vmem>> -> memref<128xi32, #tpu.memory_space<vmem>>
      %dma_start3A_345 = arith.constant 0 : i32
      %dma_start3A_346 = arith.constant 0 : i32
      %dma_start3A_347 = tpu.memref_slice %arg12[%dma_start3A_345, %dma_start3A_346] : memref<10112x128xf32, #tpu.memory_space<vmem_shared>> -> memref<10112x128xf32, #tpu.memory_space<vmem_shared>>
      tpu.enqueue_indirect_dma source(%arg11 : memref<128x128xf32, #tpu.memory_space<vmem>>) target(%dma_start3A_347 : memref<10112x128xf32, #tpu.memory_space<vmem_shared>>) offsets(%dma_start3A_344 : memref<128xi32, #tpu.memory_space<vmem>>) semaphore(%run_scoped3A_341 : memref<!tpu.dma_semaphore, #tpu.memory_space<semaphore_mem>>) {add = true}
      %dma_wait3A_348 = arith.constant 0 : i32
      %dma_wait3A_349 = tpu.memref_slice %arg9[%run_scoped3A_146, %dma_wait3A_348] : memref<16x128xi32, #tpu.memory_space<vmem>> -> memref<1x128xi32, #tpu.memory_space<vmem>>
      %dma_wait3A_350 = tpu.memref_squeeze %dma_wait3A_349 : memref<1x128xi32, #tpu.memory_space<vmem>> -> memref<128xi32, #tpu.memory_space<vmem>>
      %dma_wait3A_351 = arith.constant 0 : i32
      %dma_wait3A_352 = arith.constant 0 : i32
      %dma_wait3A_353 = tpu.memref_slice %arg12[%dma_wait3A_351, %dma_wait3A_352] : memref<10112x128xf32, #tpu.memory_space<vmem_shared>> -> memref<10112x128xf32, #tpu.memory_space<vmem_shared>>
      tpu.wait_indirect_dma semaphore(%run_scoped3A_341 : memref<!tpu.dma_semaphore, #tpu.memory_space<semaphore_mem>>) src(%arg11 : memref<128x128xf32, #tpu.memory_space<vmem>>) dst(%dma_wait3A_353 : memref<10112x128xf32, #tpu.memory_space<vmem_shared>>)
      tpu.yield
    }) : () -> ()
    %dma_wait3A_147 = arith.constant 32 : i32
    %dma_wait3A_148 = arith.constant 0 : i32
    %dma_wait3A_149 = tpu.memref_slice %arg3[%add3A, %dma_wait3A_147, %dma_wait3A_148] : memref<32x80x128xi32, #tpu.memory_space<hbm>> -> memref<1x16x128xi32, #tpu.memory_space<hbm>>
    %dma_wait3A_150 = tpu.memref_squeeze %dma_wait3A_149 : memref<1x16x128xi32, #tpu.memory_space<hbm>> -> memref<16x128xi32, #tpu.memory_space<hbm>>
    %dma_wait3A_151 = arith.constant 32 : i32
    %dma_wait3A_152 = arith.constant 0 : i32
    %dma_wait3A_153 = tpu.memref_slice %arg3[%add3A, %dma_wait3A_151, %dma_wait3A_152] : memref<32x80x128xi32, #tpu.memory_space<hbm>> -> memref<1x16x128xi32, #tpu.memory_space<hbm>>
    %dma_wait3A_154 = tpu.memref_squeeze %dma_wait3A_153 : memref<1x16x128xi32, #tpu.memory_space<hbm>> -> memref<16x128xi32, #tpu.memory_space<hbm>>
    tpu.wait_dma2 semaphore(%arg15 : memref<!tpu.dma_semaphore, #tpu.memory_space<semaphore_mem>>) src(%dma_wait3A_154 : memref<16x128xi32, #tpu.memory_space<hbm>>) dst(%arg6 : memref<16x128xi32, #tpu.memory_space<vmem>>)
    %dma_wait3A_155 = arith.constant 32 : i32
    %dma_wait3A_156 = arith.constant 0 : i32
    %dma_wait3A_157 = tpu.memref_slice %arg4[%add3A, %dma_wait3A_155, %dma_wait3A_156] : memref<32x80x128xi32, #tpu.memory_space<hbm>> -> memref<1x16x128xi32, #tpu.memory_space<hbm>>
    %dma_wait3A_158 = tpu.memref_squeeze %dma_wait3A_157 : memref<1x16x128xi32, #tpu.memory_space<hbm>> -> memref<16x128xi32, #tpu.memory_space<hbm>>
    %dma_wait3A_159 = arith.constant 32 : i32
    %dma_wait3A_160 = arith.constant 0 : i32
    %dma_wait3A_161 = tpu.memref_slice %arg4[%add3A, %dma_wait3A_159, %dma_wait3A_160] : memref<32x80x128xi32, #tpu.memory_space<hbm>> -> memref<1x16x128xi32, #tpu.memory_space<hbm>>
    %dma_wait3A_162 = tpu.memref_squeeze %dma_wait3A_161 : memref<1x16x128xi32, #tpu.memory_space<hbm>> -> memref<16x128xi32, #tpu.memory_space<hbm>>
    tpu.wait_dma2 semaphore(%arg15 : memref<!tpu.dma_semaphore, #tpu.memory_space<semaphore_mem>>) src(%dma_wait3A_162 : memref<16x128xi32, #tpu.memory_space<hbm>>) dst(%arg7 : memref<16x128xi32, #tpu.memory_space<vmem>>)
    %dma_start3A_163 = arith.constant 0 : i32
    %dma_start3A_164 = arith.constant 0 : i32
    %dma_start3A_165 = tpu.memref_slice %arg6[%dma_start3A_163, %dma_start3A_164] : memref<16x128xi32, #tpu.memory_space<vmem>> -> memref<1x128xi32, #tpu.memory_space<vmem>>
    %dma_start3A_166 = tpu.memref_squeeze %dma_start3A_165 : memref<1x128xi32, #tpu.memory_space<vmem>> -> memref<128xi32, #tpu.memory_space<vmem>>
    %dma_start3A_167 = arith.constant 0 : i32
    %dma_start3A_168 = arith.constant 0 : i32
    %dma_start3A_169 = tpu.memref_slice %arg2[%dma_start3A_167, %dma_start3A_168] : memref<10112x128xf32, #tpu.memory_space<hbm>> -> memref<10112x128xf32, #tpu.memory_space<hbm>>
    tpu.enqueue_indirect_dma source(%dma_start3A_169 : memref<10112x128xf32, #tpu.memory_space<hbm>>) target(%arg11 : memref<128x128xf32, #tpu.memory_space<vmem>>) offsets(%dma_start3A_166 : memref<128xi32, #tpu.memory_space<vmem>>) semaphore(%arg14 : memref<!tpu.dma_semaphore, #tpu.memory_space<semaphore_mem>>)
    %dma_wait3A_170 = arith.constant 15 : i32
    %dma_wait3A_171 = arith.constant 0 : i32
    %dma_wait3A_172 = tpu.memref_slice %arg8[%dma_wait3A_170, %dma_wait3A_171] : memref<16x128xi32, #tpu.memory_space<vmem>> -> memref<1x128xi32, #tpu.memory_space<vmem>>
    %dma_wait3A_173 = tpu.memref_squeeze %dma_wait3A_172 : memref<1x128xi32, #tpu.memory_space<vmem>> -> memref<128xi32, #tpu.memory_space<vmem>>
    %dma_wait3A_174 = arith.constant 0 : i32
    %dma_wait3A_175 = arith.constant 0 : i32
    %dma_wait3A_176 = tpu.memref_slice %arg2[%dma_wait3A_174, %dma_wait3A_175] : memref<10112x128xf32, #tpu.memory_space<hbm>> -> memref<10112x128xf32, #tpu.memory_space<hbm>>
    tpu.wait_indirect_dma semaphore(%arg13 : memref<!tpu.dma_semaphore, #tpu.memory_space<semaphore_mem>>) src(%dma_wait3A_176 : memref<10112x128xf32, #tpu.memory_space<hbm>>) dst(%arg10 : memref<128x128xf32, #tpu.memory_space<vmem>>)
    %run_scoped3A_177 = arith.constant 15 : i32
    "tpu.region"() ({
      %run_scoped3A_341 = tpu.sem_alloc : memref<!tpu.dma_semaphore, #tpu.memory_space<semaphore_mem>>
      %dma_start3A_342 = arith.constant 0 : i32
      %dma_start3A_343 = tpu.memref_slice %arg9[%run_scoped3A_177, %dma_start3A_342] : memref<16x128xi32, #tpu.memory_space<vmem>> -> memref<1x128xi32, #tpu.memory_space<vmem>>
      %dma_start3A_344 = tpu.memref_squeeze %dma_start3A_343 : memref<1x128xi32, #tpu.memory_space<vmem>> -> memref<128xi32, #tpu.memory_space<vmem>>
      %dma_start3A_345 = arith.constant 0 : i32
      %dma_start3A_346 = arith.constant 0 : i32
      %dma_start3A_347 = tpu.memref_slice %arg12[%dma_start3A_345, %dma_start3A_346] : memref<10112x128xf32, #tpu.memory_space<vmem_shared>> -> memref<10112x128xf32, #tpu.memory_space<vmem_shared>>
      tpu.enqueue_indirect_dma source(%arg10 : memref<128x128xf32, #tpu.memory_space<vmem>>) target(%dma_start3A_347 : memref<10112x128xf32, #tpu.memory_space<vmem_shared>>) offsets(%dma_start3A_344 : memref<128xi32, #tpu.memory_space<vmem>>) semaphore(%run_scoped3A_341 : memref<!tpu.dma_semaphore, #tpu.memory_space<semaphore_mem>>) {add = true}
      %dma_wait3A_348 = arith.constant 0 : i32
      %dma_wait3A_349 = tpu.memref_slice %arg9[%run_scoped3A_177, %dma_wait3A_348] : memref<16x128xi32, #tpu.memory_space<vmem>> -> memref<1x128xi32, #tpu.memory_space<vmem>>
      %dma_wait3A_350 = tpu.memref_squeeze %dma_wait3A_349 : memref<1x128xi32, #tpu.memory_space<vmem>> -> memref<128xi32, #tpu.memory_space<vmem>>
      %dma_wait3A_351 = arith.constant 0 : i32
      %dma_wait3A_352 = arith.constant 0 : i32
      %dma_wait3A_353 = tpu.memref_slice %arg12[%dma_wait3A_351, %dma_wait3A_352] : memref<10112x128xf32, #tpu.memory_space<vmem_shared>> -> memref<10112x128xf32, #tpu.memory_space<vmem_shared>>
      tpu.wait_indirect_dma semaphore(%run_scoped3A_341 : memref<!tpu.dma_semaphore, #tpu.memory_space<semaphore_mem>>) src(%arg10 : memref<128x128xf32, #tpu.memory_space<vmem>>) dst(%dma_wait3A_353 : memref<10112x128xf32, #tpu.memory_space<vmem_shared>>)
      tpu.yield
    }) : () -> ()
    %dma_start3A_178 = arith.constant 48 : i32
    %dma_start3A_179 = arith.constant 0 : i32
    %dma_start3A_180 = tpu.memref_slice %arg3[%add3A, %dma_start3A_178, %dma_start3A_179] : memref<32x80x128xi32, #tpu.memory_space<hbm>> -> memref<1x16x128xi32, #tpu.memory_space<hbm>>
    %dma_start3A_181 = tpu.memref_squeeze %dma_start3A_180 : memref<1x16x128xi32, #tpu.memory_space<hbm>> -> memref<16x128xi32, #tpu.memory_space<hbm>>
    %dma_start3A_182 = arith.constant 48 : i32
    %dma_start3A_183 = arith.constant 0 : i32
    %dma_start3A_184 = tpu.memref_slice %arg3[%add3A, %dma_start3A_182, %dma_start3A_183] : memref<32x80x128xi32, #tpu.memory_space<hbm>> -> memref<1x16x128xi32, #tpu.memory_space<hbm>>
    %dma_start3A_185 = tpu.memref_squeeze %dma_start3A_184 : memref<1x16x128xi32, #tpu.memory_space<hbm>> -> memref<16x128xi32, #tpu.memory_space<hbm>>
    tpu.enqueue_dma source(%dma_start3A_185 : memref<16x128xi32, #tpu.memory_space<hbm>>) target(%arg8 : memref<16x128xi32, #tpu.memory_space<vmem>>) target_semaphore(%arg15 : memref<!tpu.dma_semaphore, #tpu.memory_space<semaphore_mem>>)
    %dma_start3A_186 = arith.constant 48 : i32
    %dma_start3A_187 = arith.constant 0 : i32
    %dma_start3A_188 = tpu.memref_slice %arg4[%add3A, %dma_start3A_186, %dma_start3A_187] : memref<32x80x128xi32, #tpu.memory_space<hbm>> -> memref<1x16x128xi32, #tpu.memory_space<hbm>>
    %dma_start3A_189 = tpu.memref_squeeze %dma_start3A_188 : memref<1x16x128xi32, #tpu.memory_space<hbm>> -> memref<16x128xi32, #tpu.memory_space<hbm>>
    %dma_start3A_190 = arith.constant 48 : i32
    %dma_start3A_191 = arith.constant 0 : i32
    %dma_start3A_192 = tpu.memref_slice %arg4[%add3A, %dma_start3A_190, %dma_start3A_191] : memref<32x80x128xi32, #tpu.memory_space<hbm>> -> memref<1x16x128xi32, #tpu.memory_space<hbm>>
    %dma_start3A_193 = tpu.memref_squeeze %dma_start3A_192 : memref<1x16x128xi32, #tpu.memory_space<hbm>> -> memref<16x128xi32, #tpu.memory_space<hbm>>
    tpu.enqueue_dma source(%dma_start3A_193 : memref<16x128xi32, #tpu.memory_space<hbm>>) target(%arg9 : memref<16x128xi32, #tpu.memory_space<vmem>>) target_semaphore(%arg15 : memref<!tpu.dma_semaphore, #tpu.memory_space<semaphore_mem>>)
    %scan3A_194 = arith.constant 0 : i32
    %scan3A_195 = arith.constant 7 : i32
    %scan3A_196 = arith.addi %scan3A_194, %scan3A_195 : i32
    %scan3A_197 = arith.constant 1 : i32
    scf.for %scan3A_341 = %scan3A_194 to %scan3A_196 step %scan3A_197  : i32 {
      %mul3A_342 = arith.constant 2 : i32
      %mul3A_343 = arith.muli %scan3A_341, %mul3A_342 : i32
      %add3A_344 = arith.constant 0 : i32
      %add3A_345 = arith.addi %add3A_344, %mul3A_343 : i32
      %add3A_346 = arith.constant 1 : i32
      %add3A_347 = arith.addi %add3A_345, %add3A_346 : i32
      %dma_start3A_348 = arith.constant 0 : i32
      %dma_start3A_349 = tpu.memref_slice %arg6[%add3A_347, %dma_start3A_348] : memref<16x128xi32, #tpu.memory_space<vmem>> -> memref<1x128xi32, #tpu.memory_space<vmem>>
      %dma_start3A_350 = tpu.memref_squeeze %dma_start3A_349 : memref<1x128xi32, #tpu.memory_space<vmem>> -> memref<128xi32, #tpu.memory_space<vmem>>
      %dma_start3A_351 = arith.constant 0 : i32
      %dma_start3A_352 = arith.constant 0 : i32
      %dma_start3A_353 = tpu.memref_slice %arg2[%dma_start3A_351, %dma_start3A_352] : memref<10112x128xf32, #tpu.memory_space<hbm>> -> memref<10112x128xf32, #tpu.memory_space<hbm>>
      tpu.enqueue_indirect_dma source(%dma_start3A_353 : memref<10112x128xf32, #tpu.memory_space<hbm>>) target(%arg10 : memref<128x128xf32, #tpu.memory_space<vmem>>) offsets(%dma_start3A_350 : memref<128xi32, #tpu.memory_space<vmem>>) semaphore(%arg13 : memref<!tpu.dma_semaphore, #tpu.memory_space<semaphore_mem>>)
      %dma_wait3A_354 = arith.constant 0 : i32
      %dma_wait3A_355 = tpu.memref_slice %arg6[%add3A_345, %dma_wait3A_354] : memref<16x128xi32, #tpu.memory_space<vmem>> -> memref<1x128xi32, #tpu.memory_space<vmem>>
      %dma_wait3A_356 = tpu.memref_squeeze %dma_wait3A_355 : memref<1x128xi32, #tpu.memory_space<vmem>> -> memref<128xi32, #tpu.memory_space<vmem>>
      %dma_wait3A_357 = arith.constant 0 : i32
      %dma_wait3A_358 = arith.constant 0 : i32
      %dma_wait3A_359 = tpu.memref_slice %arg2[%dma_wait3A_357, %dma_wait3A_358] : memref<10112x128xf32, #tpu.memory_space<hbm>> -> memref<10112x128xf32, #tpu.memory_space<hbm>>
      tpu.wait_indirect_dma semaphore(%arg14 : memref<!tpu.dma_semaphore, #tpu.memory_space<semaphore_mem>>) src(%dma_wait3A_359 : memref<10112x128xf32, #tpu.memory_space<hbm>>) dst(%arg11 : memref<128x128xf32, #tpu.memory_space<vmem>>)
      "tpu.region"() ({
        %run_scoped3A_378 = tpu.sem_alloc : memref<!tpu.dma_semaphore, #tpu.memory_space<semaphore_mem>>
        %dma_start3A_379 = arith.constant 0 : i32
        %dma_start3A_380 = tpu.memref_slice %arg7[%add3A_345, %dma_start3A_379] : memref<16x128xi32, #tpu.memory_space<vmem>> -> memref<1x128xi32, #tpu.memory_space<vmem>>
        %dma_start3A_381 = tpu.memref_squeeze %dma_start3A_380 : memref<1x128xi32, #tpu.memory_space<vmem>> -> memref<128xi32, #tpu.memory_space<vmem>>
        %dma_start3A_382 = arith.constant 0 : i32
        %dma_start3A_383 = arith.constant 0 : i32
        %dma_start3A_384 = tpu.memref_slice %arg12[%dma_start3A_382, %dma_start3A_383] : memref<10112x128xf32, #tpu.memory_space<vmem_shared>> -> memref<10112x128xf32, #tpu.memory_space<vmem_shared>>
        tpu.enqueue_indirect_dma source(%arg11 : memref<128x128xf32, #tpu.memory_space<vmem>>) target(%dma_start3A_384 : memref<10112x128xf32, #tpu.memory_space<vmem_shared>>) offsets(%dma_start3A_381 : memref<128xi32, #tpu.memory_space<vmem>>) semaphore(%run_scoped3A_378 : memref<!tpu.dma_semaphore, #tpu.memory_space<semaphore_mem>>) {add = true}
        %dma_wait3A_385 = arith.constant 0 : i32
        %dma_wait3A_386 = tpu.memref_slice %arg7[%add3A_345, %dma_wait3A_385] : memref<16x128xi32, #tpu.memory_space<vmem>> -> memref<1x128xi32, #tpu.memory_space<vmem>>
        %dma_wait3A_387 = tpu.memref_squeeze %dma_wait3A_386 : memref<1x128xi32, #tpu.memory_space<vmem>> -> memref<128xi32, #tpu.memory_space<vmem>>
        %dma_wait3A_388 = arith.constant 0 : i32
        %dma_wait3A_389 = arith.constant 0 : i32
        %dma_wait3A_390 = tpu.memref_slice %arg12[%dma_wait3A_388, %dma_wait3A_389] : memref<10112x128xf32, #tpu.memory_space<vmem_shared>> -> memref<10112x128xf32, #tpu.memory_space<vmem_shared>>
        tpu.wait_indirect_dma semaphore(%run_scoped3A_378 : memref<!tpu.dma_semaphore, #tpu.memory_space<semaphore_mem>>) src(%arg11 : memref<128x128xf32, #tpu.memory_space<vmem>>) dst(%dma_wait3A_390 : memref<10112x128xf32, #tpu.memory_space<vmem_shared>>)
        tpu.yield
      }) : () -> ()
      %add3A_360 = arith.constant 2 : i32
      %add3A_361 = arith.addi %add3A_345, %add3A_360 : i32
      %dma_start3A_362 = arith.constant 0 : i32
      %dma_start3A_363 = tpu.memref_slice %arg6[%add3A_361, %dma_start3A_362] : memref<16x128xi32, #tpu.memory_space<vmem>> -> memref<1x128xi32, #tpu.memory_space<vmem>>
      %dma_start3A_364 = tpu.memref_squeeze %dma_start3A_363 : memref<1x128xi32, #tpu.memory_space<vmem>> -> memref<128xi32, #tpu.memory_space<vmem>>
      %dma_start3A_365 = arith.constant 0 : i32
      %dma_start3A_366 = arith.constant 0 : i32
      %dma_start3A_367 = tpu.memref_slice %arg2[%dma_start3A_365, %dma_start3A_366] : memref<10112x128xf32, #tpu.memory_space<hbm>> -> memref<10112x128xf32, #tpu.memory_space<hbm>>
      tpu.enqueue_indirect_dma source(%dma_start3A_367 : memref<10112x128xf32, #tpu.memory_space<hbm>>) target(%arg11 : memref<128x128xf32, #tpu.memory_space<vmem>>) offsets(%dma_start3A_364 : memref<128xi32, #tpu.memory_space<vmem>>) semaphore(%arg14 : memref<!tpu.dma_semaphore, #tpu.memory_space<semaphore_mem>>)
      %add3A_368 = arith.constant 1 : i32
      %add3A_369 = arith.addi %add3A_345, %add3A_368 : i32
      %dma_wait3A_370 = arith.constant 0 : i32
      %dma_wait3A_371 = tpu.memref_slice %arg6[%add3A_369, %dma_wait3A_370] : memref<16x128xi32, #tpu.memory_space<vmem>> -> memref<1x128xi32, #tpu.memory_space<vmem>>
      %dma_wait3A_372 = tpu.memref_squeeze %dma_wait3A_371 : memref<1x128xi32, #tpu.memory_space<vmem>> -> memref<128xi32, #tpu.memory_space<vmem>>
      %dma_wait3A_373 = arith.constant 0 : i32
      %dma_wait3A_374 = arith.constant 0 : i32
      %dma_wait3A_375 = tpu.memref_slice %arg2[%dma_wait3A_373, %dma_wait3A_374] : memref<10112x128xf32, #tpu.memory_space<hbm>> -> memref<10112x128xf32, #tpu.memory_space<hbm>>
      tpu.wait_indirect_dma semaphore(%arg13 : memref<!tpu.dma_semaphore, #tpu.memory_space<semaphore_mem>>) src(%dma_wait3A_375 : memref<10112x128xf32, #tpu.memory_space<hbm>>) dst(%arg10 : memref<128x128xf32, #tpu.memory_space<vmem>>)
      %add3A_376 = arith.constant 1 : i32
      %add3A_377 = arith.addi %add3A_345, %add3A_376 : i32
      "tpu.region"() ({
        %run_scoped3A_378 = tpu.sem_alloc : memref<!tpu.dma_semaphore, #tpu.memory_space<semaphore_mem>>
        %dma_start3A_379 = arith.constant 0 : i32
        %dma_start3A_380 = tpu.memref_slice %arg7[%add3A_377, %dma_start3A_379] : memref<16x128xi32, #tpu.memory_space<vmem>> -> memref<1x128xi32, #tpu.memory_space<vmem>>
        %dma_start3A_381 = tpu.memref_squeeze %dma_start3A_380 : memref<1x128xi32, #tpu.memory_space<vmem>> -> memref<128xi32, #tpu.memory_space<vmem>>
        %dma_start3A_382 = arith.constant 0 : i32
        %dma_start3A_383 = arith.constant 0 : i32
        %dma_start3A_384 = tpu.memref_slice %arg12[%dma_start3A_382, %dma_start3A_383] : memref<10112x128xf32, #tpu.memory_space<vmem_shared>> -> memref<10112x128xf32, #tpu.memory_space<vmem_shared>>
        tpu.enqueue_indirect_dma source(%arg10 : memref<128x128xf32, #tpu.memory_space<vmem>>) target(%dma_start3A_384 : memref<10112x128xf32, #tpu.memory_space<vmem_shared>>) offsets(%dma_start3A_381 : memref<128xi32, #tpu.memory_space<vmem>>) semaphore(%run_scoped3A_378 : memref<!tpu.dma_semaphore, #tpu.memory_space<semaphore_mem>>) {add = true}
        %dma_wait3A_385 = arith.constant 0 : i32
        %dma_wait3A_386 = tpu.memref_slice %arg7[%add3A_377, %dma_wait3A_385] : memref<16x128xi32, #tpu.memory_space<vmem>> -> memref<1x128xi32, #tpu.memory_space<vmem>>
        %dma_wait3A_387 = tpu.memref_squeeze %dma_wait3A_386 : memref<1x128xi32, #tpu.memory_space<vmem>> -> memref<128xi32, #tpu.memory_space<vmem>>
        %dma_wait3A_388 = arith.constant 0 : i32
        %dma_wait3A_389 = arith.constant 0 : i32
        %dma_wait3A_390 = tpu.memref_slice %arg12[%dma_wait3A_388, %dma_wait3A_389] : memref<10112x128xf32, #tpu.memory_space<vmem_shared>> -> memref<10112x128xf32, #tpu.memory_space<vmem_shared>>
        tpu.wait_indirect_dma semaphore(%run_scoped3A_378 : memref<!tpu.dma_semaphore, #tpu.memory_space<semaphore_mem>>) src(%arg10 : memref<128x128xf32, #tpu.memory_space<vmem>>) dst(%dma_wait3A_390 : memref<10112x128xf32, #tpu.memory_space<vmem_shared>>)
        tpu.yield
      }) : () -> ()
    }
    %scan3A_198 = arith.constant 7 : i32
    %dma_start3A_199 = arith.constant 15 : i32
    %dma_start3A_200 = arith.constant 0 : i32
    %dma_start3A_201 = tpu.memref_slice %arg6[%dma_start3A_199, %dma_start3A_200] : memref<16x128xi32, #tpu.memory_space<vmem>> -> memref<1x128xi32, #tpu.memory_space<vmem>>
    %dma_start3A_202 = tpu.memref_squeeze %dma_start3A_201 : memref<1x128xi32, #tpu.memory_space<vmem>> -> memref<128xi32, #tpu.memory_space<vmem>>
    %dma_start3A_203 = arith.constant 0 : i32
    %dma_start3A_204 = arith.constant 0 : i32
    %dma_start3A_205 = tpu.memref_slice %arg2[%dma_start3A_203, %dma_start3A_204] : memref<10112x128xf32, #tpu.memory_space<hbm>> -> memref<10112x128xf32, #tpu.memory_space<hbm>>
    tpu.enqueue_indirect_dma source(%dma_start3A_205 : memref<10112x128xf32, #tpu.memory_space<hbm>>) target(%arg10 : memref<128x128xf32, #tpu.memory_space<vmem>>) offsets(%dma_start3A_202 : memref<128xi32, #tpu.memory_space<vmem>>) semaphore(%arg13 : memref<!tpu.dma_semaphore, #tpu.memory_space<semaphore_mem>>)
    %dma_wait3A_206 = arith.constant 14 : i32
    %dma_wait3A_207 = arith.constant 0 : i32
    %dma_wait3A_208 = tpu.memref_slice %arg6[%dma_wait3A_206, %dma_wait3A_207] : memref<16x128xi32, #tpu.memory_space<vmem>> -> memref<1x128xi32, #tpu.memory_space<vmem>>
    %dma_wait3A_209 = tpu.memref_squeeze %dma_wait3A_208 : memref<1x128xi32, #tpu.memory_space<vmem>> -> memref<128xi32, #tpu.memory_space<vmem>>
    %dma_wait3A_210 = arith.constant 0 : i32
    %dma_wait3A_211 = arith.constant 0 : i32
    %dma_wait3A_212 = tpu.memref_slice %arg2[%dma_wait3A_210, %dma_wait3A_211] : memref<10112x128xf32, #tpu.memory_space<hbm>> -> memref<10112x128xf32, #tpu.memory_space<hbm>>
    tpu.wait_indirect_dma semaphore(%arg14 : memref<!tpu.dma_semaphore, #tpu.memory_space<semaphore_mem>>) src(%dma_wait3A_212 : memref<10112x128xf32, #tpu.memory_space<hbm>>) dst(%arg11 : memref<128x128xf32, #tpu.memory_space<vmem>>)
    %run_scoped3A_213 = arith.constant 14 : i32
    "tpu.region"() ({
      %run_scoped3A_341 = tpu.sem_alloc : memref<!tpu.dma_semaphore, #tpu.memory_space<semaphore_mem>>
      %dma_start3A_342 = arith.constant 0 : i32
      %dma_start3A_343 = tpu.memref_slice %arg7[%run_scoped3A_213, %dma_start3A_342] : memref<16x128xi32, #tpu.memory_space<vmem>> -> memref<1x128xi32, #tpu.memory_space<vmem>>
      %dma_start3A_344 = tpu.memref_squeeze %dma_start3A_343 : memref<1x128xi32, #tpu.memory_space<vmem>> -> memref<128xi32, #tpu.memory_space<vmem>>
      %dma_start3A_345 = arith.constant 0 : i32
      %dma_start3A_346 = arith.constant 0 : i32
      %dma_start3A_347 = tpu.memref_slice %arg12[%dma_start3A_345, %dma_start3A_346] : memref<10112x128xf32, #tpu.memory_space<vmem_shared>> -> memref<10112x128xf32, #tpu.memory_space<vmem_shared>>
      tpu.enqueue_indirect_dma source(%arg11 : memref<128x128xf32, #tpu.memory_space<vmem>>) target(%dma_start3A_347 : memref<10112x128xf32, #tpu.memory_space<vmem_shared>>) offsets(%dma_start3A_344 : memref<128xi32, #tpu.memory_space<vmem>>) semaphore(%run_scoped3A_341 : memref<!tpu.dma_semaphore, #tpu.memory_space<semaphore_mem>>) {add = true}
      %dma_wait3A_348 = arith.constant 0 : i32
      %dma_wait3A_349 = tpu.memref_slice %arg7[%run_scoped3A_213, %dma_wait3A_348] : memref<16x128xi32, #tpu.memory_space<vmem>> -> memref<1x128xi32, #tpu.memory_space<vmem>>
      %dma_wait3A_350 = tpu.memref_squeeze %dma_wait3A_349 : memref<1x128xi32, #tpu.memory_space<vmem>> -> memref<128xi32, #tpu.memory_space<vmem>>
      %dma_wait3A_351 = arith.constant 0 : i32
      %dma_wait3A_352 = arith.constant 0 : i32
      %dma_wait3A_353 = tpu.memref_slice %arg12[%dma_wait3A_351, %dma_wait3A_352] : memref<10112x128xf32, #tpu.memory_space<vmem_shared>> -> memref<10112x128xf32, #tpu.memory_space<vmem_shared>>
      tpu.wait_indirect_dma semaphore(%run_scoped3A_341 : memref<!tpu.dma_semaphore, #tpu.memory_space<semaphore_mem>>) src(%arg11 : memref<128x128xf32, #tpu.memory_space<vmem>>) dst(%dma_wait3A_353 : memref<10112x128xf32, #tpu.memory_space<vmem_shared>>)
      tpu.yield
    }) : () -> ()
    %dma_wait3A_214 = arith.constant 48 : i32
    %dma_wait3A_215 = arith.constant 0 : i32
    %dma_wait3A_216 = tpu.memref_slice %arg3[%add3A, %dma_wait3A_214, %dma_wait3A_215] : memref<32x80x128xi32, #tpu.memory_space<hbm>> -> memref<1x16x128xi32, #tpu.memory_space<hbm>>
    %dma_wait3A_217 = tpu.memref_squeeze %dma_wait3A_216 : memref<1x16x128xi32, #tpu.memory_space<hbm>> -> memref<16x128xi32, #tpu.memory_space<hbm>>
    %dma_wait3A_218 = arith.constant 48 : i32
    %dma_wait3A_219 = arith.constant 0 : i32
    %dma_wait3A_220 = tpu.memref_slice %arg3[%add3A, %dma_wait3A_218, %dma_wait3A_219] : memref<32x80x128xi32, #tpu.memory_space<hbm>> -> memref<1x16x128xi32, #tpu.memory_space<hbm>>
    %dma_wait3A_221 = tpu.memref_squeeze %dma_wait3A_220 : memref<1x16x128xi32, #tpu.memory_space<hbm>> -> memref<16x128xi32, #tpu.memory_space<hbm>>
    tpu.wait_dma2 semaphore(%arg15 : memref<!tpu.dma_semaphore, #tpu.memory_space<semaphore_mem>>) src(%dma_wait3A_221 : memref<16x128xi32, #tpu.memory_space<hbm>>) dst(%arg8 : memref<16x128xi32, #tpu.memory_space<vmem>>)
    %dma_wait3A_222 = arith.constant 48 : i32
    %dma_wait3A_223 = arith.constant 0 : i32
    %dma_wait3A_224 = tpu.memref_slice %arg4[%add3A, %dma_wait3A_222, %dma_wait3A_223] : memref<32x80x128xi32, #tpu.memory_space<hbm>> -> memref<1x16x128xi32, #tpu.memory_space<hbm>>
    %dma_wait3A_225 = tpu.memref_squeeze %dma_wait3A_224 : memref<1x16x128xi32, #tpu.memory_space<hbm>> -> memref<16x128xi32, #tpu.memory_space<hbm>>
    %dma_wait3A_226 = arith.constant 48 : i32
    %dma_wait3A_227 = arith.constant 0 : i32
    %dma_wait3A_228 = tpu.memref_slice %arg4[%add3A, %dma_wait3A_226, %dma_wait3A_227] : memref<32x80x128xi32, #tpu.memory_space<hbm>> -> memref<1x16x128xi32, #tpu.memory_space<hbm>>
    %dma_wait3A_229 = tpu.memref_squeeze %dma_wait3A_228 : memref<1x16x128xi32, #tpu.memory_space<hbm>> -> memref<16x128xi32, #tpu.memory_space<hbm>>
    tpu.wait_dma2 semaphore(%arg15 : memref<!tpu.dma_semaphore, #tpu.memory_space<semaphore_mem>>) src(%dma_wait3A_229 : memref<16x128xi32, #tpu.memory_space<hbm>>) dst(%arg9 : memref<16x128xi32, #tpu.memory_space<vmem>>)
    %dma_start3A_230 = arith.constant 0 : i32
    %dma_start3A_231 = arith.constant 0 : i32
    %dma_start3A_232 = tpu.memref_slice %arg8[%dma_start3A_230, %dma_start3A_231] : memref<16x128xi32, #tpu.memory_space<vmem>> -> memref<1x128xi32, #tpu.memory_space<vmem>>
    %dma_start3A_233 = tpu.memref_squeeze %dma_start3A_232 : memref<1x128xi32, #tpu.memory_space<vmem>> -> memref<128xi32, #tpu.memory_space<vmem>>
    %dma_start3A_234 = arith.constant 0 : i32
    %dma_start3A_235 = arith.constant 0 : i32
    %dma_start3A_236 = tpu.memref_slice %arg2[%dma_start3A_234, %dma_start3A_235] : memref<10112x128xf32, #tpu.memory_space<hbm>> -> memref<10112x128xf32, #tpu.memory_space<hbm>>
    tpu.enqueue_indirect_dma source(%dma_start3A_236 : memref<10112x128xf32, #tpu.memory_space<hbm>>) target(%arg11 : memref<128x128xf32, #tpu.memory_space<vmem>>) offsets(%dma_start3A_233 : memref<128xi32, #tpu.memory_space<vmem>>) semaphore(%arg14 : memref<!tpu.dma_semaphore, #tpu.memory_space<semaphore_mem>>)
    %dma_wait3A_237 = arith.constant 15 : i32
    %dma_wait3A_238 = arith.constant 0 : i32
    %dma_wait3A_239 = tpu.memref_slice %arg6[%dma_wait3A_237, %dma_wait3A_238] : memref<16x128xi32, #tpu.memory_space<vmem>> -> memref<1x128xi32, #tpu.memory_space<vmem>>
    %dma_wait3A_240 = tpu.memref_squeeze %dma_wait3A_239 : memref<1x128xi32, #tpu.memory_space<vmem>> -> memref<128xi32, #tpu.memory_space<vmem>>
    %dma_wait3A_241 = arith.constant 0 : i32
    %dma_wait3A_242 = arith.constant 0 : i32
    %dma_wait3A_243 = tpu.memref_slice %arg2[%dma_wait3A_241, %dma_wait3A_242] : memref<10112x128xf32, #tpu.memory_space<hbm>> -> memref<10112x128xf32, #tpu.memory_space<hbm>>
    tpu.wait_indirect_dma semaphore(%arg13 : memref<!tpu.dma_semaphore, #tpu.memory_space<semaphore_mem>>) src(%dma_wait3A_243 : memref<10112x128xf32, #tpu.memory_space<hbm>>) dst(%arg10 : memref<128x128xf32, #tpu.memory_space<vmem>>)
    %run_scoped3A_244 = arith.constant 15 : i32
    "tpu.region"() ({
      %run_scoped3A_341 = tpu.sem_alloc : memref<!tpu.dma_semaphore, #tpu.memory_space<semaphore_mem>>
      %dma_start3A_342 = arith.constant 0 : i32
      %dma_start3A_343 = tpu.memref_slice %arg7[%run_scoped3A_244, %dma_start3A_342] : memref<16x128xi32, #tpu.memory_space<vmem>> -> memref<1x128xi32, #tpu.memory_space<vmem>>
      %dma_start3A_344 = tpu.memref_squeeze %dma_start3A_343 : memref<1x128xi32, #tpu.memory_space<vmem>> -> memref<128xi32, #tpu.memory_space<vmem>>
      %dma_start3A_345 = arith.constant 0 : i32
      %dma_start3A_346 = arith.constant 0 : i32
      %dma_start3A_347 = tpu.memref_slice %arg12[%dma_start3A_345, %dma_start3A_346] : memref<10112x128xf32, #tpu.memory_space<vmem_shared>> -> memref<10112x128xf32, #tpu.memory_space<vmem_shared>>
      tpu.enqueue_indirect_dma source(%arg10 : memref<128x128xf32, #tpu.memory_space<vmem>>) target(%dma_start3A_347 : memref<10112x128xf32, #tpu.memory_space<vmem_shared>>) offsets(%dma_start3A_344 : memref<128xi32, #tpu.memory_space<vmem>>) semaphore(%run_scoped3A_341 : memref<!tpu.dma_semaphore, #tpu.memory_space<semaphore_mem>>) {add = true}
      %dma_wait3A_348 = arith.constant 0 : i32
      %dma_wait3A_349 = tpu.memref_slice %arg7[%run_scoped3A_244, %dma_wait3A_348] : memref<16x128xi32, #tpu.memory_space<vmem>> -> memref<1x128xi32, #tpu.memory_space<vmem>>
      %dma_wait3A_350 = tpu.memref_squeeze %dma_wait3A_349 : memref<1x128xi32, #tpu.memory_space<vmem>> -> memref<128xi32, #tpu.memory_space<vmem>>
      %dma_wait3A_351 = arith.constant 0 : i32
      %dma_wait3A_352 = arith.constant 0 : i32
      %dma_wait3A_353 = tpu.memref_slice %arg12[%dma_wait3A_351, %dma_wait3A_352] : memref<10112x128xf32, #tpu.memory_space<vmem_shared>> -> memref<10112x128xf32, #tpu.memory_space<vmem_shared>>
      tpu.wait_indirect_dma semaphore(%run_scoped3A_341 : memref<!tpu.dma_semaphore, #tpu.memory_space<semaphore_mem>>) src(%arg10 : memref<128x128xf32, #tpu.memory_space<vmem>>) dst(%dma_wait3A_353 : memref<10112x128xf32, #tpu.memory_space<vmem_shared>>)
      tpu.yield
    }) : () -> ()
    %dma_start3A_245 = arith.constant 64 : i32
    %dma_start3A_246 = arith.constant 0 : i32
    %dma_start3A_247 = tpu.memref_slice %arg3[%add3A, %dma_start3A_245, %dma_start3A_246] : memref<32x80x128xi32, #tpu.memory_space<hbm>> -> memref<1x16x128xi32, #tpu.memory_space<hbm>>
    %dma_start3A_248 = tpu.memref_squeeze %dma_start3A_247 : memref<1x16x128xi32, #tpu.memory_space<hbm>> -> memref<16x128xi32, #tpu.memory_space<hbm>>
    %dma_start3A_249 = arith.constant 64 : i32
    %dma_start3A_250 = arith.constant 0 : i32
    %dma_start3A_251 = tpu.memref_slice %arg3[%add3A, %dma_start3A_249, %dma_start3A_250] : memref<32x80x128xi32, #tpu.memory_space<hbm>> -> memref<1x16x128xi32, #tpu.memory_space<hbm>>
    %dma_start3A_252 = tpu.memref_squeeze %dma_start3A_251 : memref<1x16x128xi32, #tpu.memory_space<hbm>> -> memref<16x128xi32, #tpu.memory_space<hbm>>
    tpu.enqueue_dma source(%dma_start3A_252 : memref<16x128xi32, #tpu.memory_space<hbm>>) target(%arg6 : memref<16x128xi32, #tpu.memory_space<vmem>>) target_semaphore(%arg15 : memref<!tpu.dma_semaphore, #tpu.memory_space<semaphore_mem>>)
    %dma_start3A_253 = arith.constant 64 : i32
    %dma_start3A_254 = arith.constant 0 : i32
    %dma_start3A_255 = tpu.memref_slice %arg4[%add3A, %dma_start3A_253, %dma_start3A_254] : memref<32x80x128xi32, #tpu.memory_space<hbm>> -> memref<1x16x128xi32, #tpu.memory_space<hbm>>
    %dma_start3A_256 = tpu.memref_squeeze %dma_start3A_255 : memref<1x16x128xi32, #tpu.memory_space<hbm>> -> memref<16x128xi32, #tpu.memory_space<hbm>>
    %dma_start3A_257 = arith.constant 64 : i32
    %dma_start3A_258 = arith.constant 0 : i32
    %dma_start3A_259 = tpu.memref_slice %arg4[%add3A, %dma_start3A_257, %dma_start3A_258] : memref<32x80x128xi32, #tpu.memory_space<hbm>> -> memref<1x16x128xi32, #tpu.memory_space<hbm>>
    %dma_start3A_260 = tpu.memref_squeeze %dma_start3A_259 : memref<1x16x128xi32, #tpu.memory_space<hbm>> -> memref<16x128xi32, #tpu.memory_space<hbm>>
    tpu.enqueue_dma source(%dma_start3A_260 : memref<16x128xi32, #tpu.memory_space<hbm>>) target(%arg7 : memref<16x128xi32, #tpu.memory_space<vmem>>) target_semaphore(%arg15 : memref<!tpu.dma_semaphore, #tpu.memory_space<semaphore_mem>>)
    %scan3A_261 = arith.constant 0 : i32
    %scan3A_262 = arith.constant 7 : i32
    %scan3A_263 = arith.addi %scan3A_261, %scan3A_262 : i32
    %scan3A_264 = arith.constant 1 : i32
    scf.for %scan3A_341 = %scan3A_261 to %scan3A_263 step %scan3A_264  : i32 {
      %mul3A_342 = arith.constant 2 : i32
      %mul3A_343 = arith.muli %scan3A_341, %mul3A_342 : i32
      %add3A_344 = arith.constant 0 : i32
      %add3A_345 = arith.addi %add3A_344, %mul3A_343 : i32
      %add3A_346 = arith.constant 1 : i32
      %add3A_347 = arith.addi %add3A_345, %add3A_346 : i32
      %dma_start3A_348 = arith.constant 0 : i32
      %dma_start3A_349 = tpu.memref_slice %arg8[%add3A_347, %dma_start3A_348] : memref<16x128xi32, #tpu.memory_space<vmem>> -> memref<1x128xi32, #tpu.memory_space<vmem>>
      %dma_start3A_350 = tpu.memref_squeeze %dma_start3A_349 : memref<1x128xi32, #tpu.memory_space<vmem>> -> memref<128xi32, #tpu.memory_space<vmem>>
      %dma_start3A_351 = arith.constant 0 : i32
      %dma_start3A_352 = arith.constant 0 : i32
      %dma_start3A_353 = tpu.memref_slice %arg2[%dma_start3A_351, %dma_start3A_352] : memref<10112x128xf32, #tpu.memory_space<hbm>> -> memref<10112x128xf32, #tpu.memory_space<hbm>>
      tpu.enqueue_indirect_dma source(%dma_start3A_353 : memref<10112x128xf32, #tpu.memory_space<hbm>>) target(%arg10 : memref<128x128xf32, #tpu.memory_space<vmem>>) offsets(%dma_start3A_350 : memref<128xi32, #tpu.memory_space<vmem>>) semaphore(%arg13 : memref<!tpu.dma_semaphore, #tpu.memory_space<semaphore_mem>>)
      %dma_wait3A_354 = arith.constant 0 : i32
      %dma_wait3A_355 = tpu.memref_slice %arg8[%add3A_345, %dma_wait3A_354] : memref<16x128xi32, #tpu.memory_space<vmem>> -> memref<1x128xi32, #tpu.memory_space<vmem>>
      %dma_wait3A_356 = tpu.memref_squeeze %dma_wait3A_355 : memref<1x128xi32, #tpu.memory_space<vmem>> -> memref<128xi32, #tpu.memory_space<vmem>>
      %dma_wait3A_357 = arith.constant 0 : i32
      %dma_wait3A_358 = arith.constant 0 : i32
      %dma_wait3A_359 = tpu.memref_slice %arg2[%dma_wait3A_357, %dma_wait3A_358] : memref<10112x128xf32, #tpu.memory_space<hbm>> -> memref<10112x128xf32, #tpu.memory_space<hbm>>
      tpu.wait_indirect_dma semaphore(%arg14 : memref<!tpu.dma_semaphore, #tpu.memory_space<semaphore_mem>>) src(%dma_wait3A_359 : memref<10112x128xf32, #tpu.memory_space<hbm>>) dst(%arg11 : memref<128x128xf32, #tpu.memory_space<vmem>>)
      "tpu.region"() ({
        %run_scoped3A_378 = tpu.sem_alloc : memref<!tpu.dma_semaphore, #tpu.memory_space<semaphore_mem>>
        %dma_start3A_379 = arith.constant 0 : i32
        %dma_start3A_380 = tpu.memref_slice %arg9[%add3A_345, %dma_start3A_379] : memref<16x128xi32, #tpu.memory_space<vmem>> -> memref<1x128xi32, #tpu.memory_space<vmem>>
        %dma_start3A_381 = tpu.memref_squeeze %dma_start3A_380 : memref<1x128xi32, #tpu.memory_space<vmem>> -> memref<128xi32, #tpu.memory_space<vmem>>
        %dma_start3A_382 = arith.constant 0 : i32
        %dma_start3A_383 = arith.constant 0 : i32
        %dma_start3A_384 = tpu.memref_slice %arg12[%dma_start3A_382, %dma_start3A_383] : memref<10112x128xf32, #tpu.memory_space<vmem_shared>> -> memref<10112x128xf32, #tpu.memory_space<vmem_shared>>
        tpu.enqueue_indirect_dma source(%arg11 : memref<128x128xf32, #tpu.memory_space<vmem>>) target(%dma_start3A_384 : memref<10112x128xf32, #tpu.memory_space<vmem_shared>>) offsets(%dma_start3A_381 : memref<128xi32, #tpu.memory_space<vmem>>) semaphore(%run_scoped3A_378 : memref<!tpu.dma_semaphore, #tpu.memory_space<semaphore_mem>>) {add = true}
        %dma_wait3A_385 = arith.constant 0 : i32
        %dma_wait3A_386 = tpu.memref_slice %arg9[%add3A_345, %dma_wait3A_385] : memref<16x128xi32, #tpu.memory_space<vmem>> -> memref<1x128xi32, #tpu.memory_space<vmem>>
        %dma_wait3A_387 = tpu.memref_squeeze %dma_wait3A_386 : memref<1x128xi32, #tpu.memory_space<vmem>> -> memref<128xi32, #tpu.memory_space<vmem>>
        %dma_wait3A_388 = arith.constant 0 : i32
        %dma_wait3A_389 = arith.constant 0 : i32
        %dma_wait3A_390 = tpu.memref_slice %arg12[%dma_wait3A_388, %dma_wait3A_389] : memref<10112x128xf32, #tpu.memory_space<vmem_shared>> -> memref<10112x128xf32, #tpu.memory_space<vmem_shared>>
        tpu.wait_indirect_dma semaphore(%run_scoped3A_378 : memref<!tpu.dma_semaphore, #tpu.memory_space<semaphore_mem>>) src(%arg11 : memref<128x128xf32, #tpu.memory_space<vmem>>) dst(%dma_wait3A_390 : memref<10112x128xf32, #tpu.memory_space<vmem_shared>>)
        tpu.yield
      }) : () -> ()
      %add3A_360 = arith.constant 2 : i32
      %add3A_361 = arith.addi %add3A_345, %add3A_360 : i32
      %dma_start3A_362 = arith.constant 0 : i32
      %dma_start3A_363 = tpu.memref_slice %arg8[%add3A_361, %dma_start3A_362] : memref<16x128xi32, #tpu.memory_space<vmem>> -> memref<1x128xi32, #tpu.memory_space<vmem>>
      %dma_start3A_364 = tpu.memref_squeeze %dma_start3A_363 : memref<1x128xi32, #tpu.memory_space<vmem>> -> memref<128xi32, #tpu.memory_space<vmem>>
      %dma_start3A_365 = arith.constant 0 : i32
      %dma_start3A_366 = arith.constant 0 : i32
      %dma_start3A_367 = tpu.memref_slice %arg2[%dma_start3A_365, %dma_start3A_366] : memref<10112x128xf32, #tpu.memory_space<hbm>> -> memref<10112x128xf32, #tpu.memory_space<hbm>>
      tpu.enqueue_indirect_dma source(%dma_start3A_367 : memref<10112x128xf32, #tpu.memory_space<hbm>>) target(%arg11 : memref<128x128xf32, #tpu.memory_space<vmem>>) offsets(%dma_start3A_364 : memref<128xi32, #tpu.memory_space<vmem>>) semaphore(%arg14 : memref<!tpu.dma_semaphore, #tpu.memory_space<semaphore_mem>>)
      %add3A_368 = arith.constant 1 : i32
      %add3A_369 = arith.addi %add3A_345, %add3A_368 : i32
      %dma_wait3A_370 = arith.constant 0 : i32
      %dma_wait3A_371 = tpu.memref_slice %arg8[%add3A_369, %dma_wait3A_370] : memref<16x128xi32, #tpu.memory_space<vmem>> -> memref<1x128xi32, #tpu.memory_space<vmem>>
      %dma_wait3A_372 = tpu.memref_squeeze %dma_wait3A_371 : memref<1x128xi32, #tpu.memory_space<vmem>> -> memref<128xi32, #tpu.memory_space<vmem>>
      %dma_wait3A_373 = arith.constant 0 : i32
      %dma_wait3A_374 = arith.constant 0 : i32
      %dma_wait3A_375 = tpu.memref_slice %arg2[%dma_wait3A_373, %dma_wait3A_374] : memref<10112x128xf32, #tpu.memory_space<hbm>> -> memref<10112x128xf32, #tpu.memory_space<hbm>>
      tpu.wait_indirect_dma semaphore(%arg13 : memref<!tpu.dma_semaphore, #tpu.memory_space<semaphore_mem>>) src(%dma_wait3A_375 : memref<10112x128xf32, #tpu.memory_space<hbm>>) dst(%arg10 : memref<128x128xf32, #tpu.memory_space<vmem>>)
      %add3A_376 = arith.constant 1 : i32
      %add3A_377 = arith.addi %add3A_345, %add3A_376 : i32
      "tpu.region"() ({
        %run_scoped3A_378 = tpu.sem_alloc : memref<!tpu.dma_semaphore, #tpu.memory_space<semaphore_mem>>
        %dma_start3A_379 = arith.constant 0 : i32
        %dma_start3A_380 = tpu.memref_slice %arg9[%add3A_377, %dma_start3A_379] : memref<16x128xi32, #tpu.memory_space<vmem>> -> memref<1x128xi32, #tpu.memory_space<vmem>>
        %dma_start3A_381 = tpu.memref_squeeze %dma_start3A_380 : memref<1x128xi32, #tpu.memory_space<vmem>> -> memref<128xi32, #tpu.memory_space<vmem>>
        %dma_start3A_382 = arith.constant 0 : i32
        %dma_start3A_383 = arith.constant 0 : i32
        %dma_start3A_384 = tpu.memref_slice %arg12[%dma_start3A_382, %dma_start3A_383] : memref<10112x128xf32, #tpu.memory_space<vmem_shared>> -> memref<10112x128xf32, #tpu.memory_space<vmem_shared>>
        tpu.enqueue_indirect_dma source(%arg10 : memref<128x128xf32, #tpu.memory_space<vmem>>) target(%dma_start3A_384 : memref<10112x128xf32, #tpu.memory_space<vmem_shared>>) offsets(%dma_start3A_381 : memref<128xi32, #tpu.memory_space<vmem>>) semaphore(%run_scoped3A_378 : memref<!tpu.dma_semaphore, #tpu.memory_space<semaphore_mem>>) {add = true}
        %dma_wait3A_385 = arith.constant 0 : i32
        %dma_wait3A_386 = tpu.memref_slice %arg9[%add3A_377, %dma_wait3A_385] : memref<16x128xi32, #tpu.memory_space<vmem>> -> memref<1x128xi32, #tpu.memory_space<vmem>>
        %dma_wait3A_387 = tpu.memref_squeeze %dma_wait3A_386 : memref<1x128xi32, #tpu.memory_space<vmem>> -> memref<128xi32, #tpu.memory_space<vmem>>
        %dma_wait3A_388 = arith.constant 0 : i32
        %dma_wait3A_389 = arith.constant 0 : i32
        %dma_wait3A_390 = tpu.memref_slice %arg12[%dma_wait3A_388, %dma_wait3A_389] : memref<10112x128xf32, #tpu.memory_space<vmem_shared>> -> memref<10112x128xf32, #tpu.memory_space<vmem_shared>>
        tpu.wait_indirect_dma semaphore(%run_scoped3A_378 : memref<!tpu.dma_semaphore, #tpu.memory_space<semaphore_mem>>) src(%arg10 : memref<128x128xf32, #tpu.memory_space<vmem>>) dst(%dma_wait3A_390 : memref<10112x128xf32, #tpu.memory_space<vmem_shared>>)
        tpu.yield
      }) : () -> ()
    }
    %scan3A_265 = arith.constant 7 : i32
    %dma_start3A_266 = arith.constant 15 : i32
    %dma_start3A_267 = arith.constant 0 : i32
    %dma_start3A_268 = tpu.memref_slice %arg8[%dma_start3A_266, %dma_start3A_267] : memref<16x128xi32, #tpu.memory_space<vmem>> -> memref<1x128xi32, #tpu.memory_space<vmem>>
    %dma_start3A_269 = tpu.memref_squeeze %dma_start3A_268 : memref<1x128xi32, #tpu.memory_space<vmem>> -> memref<128xi32, #tpu.memory_space<vmem>>
    %dma_start3A_270 = arith.constant 0 : i32
    %dma_start3A_271 = arith.constant 0 : i32
    %dma_start3A_272 = tpu.memref_slice %arg2[%dma_start3A_270, %dma_start3A_271] : memref<10112x128xf32, #tpu.memory_space<hbm>> -> memref<10112x128xf32, #tpu.memory_space<hbm>>
    tpu.enqueue_indirect_dma source(%dma_start3A_272 : memref<10112x128xf32, #tpu.memory_space<hbm>>) target(%arg10 : memref<128x128xf32, #tpu.memory_space<vmem>>) offsets(%dma_start3A_269 : memref<128xi32, #tpu.memory_space<vmem>>) semaphore(%arg13 : memref<!tpu.dma_semaphore, #tpu.memory_space<semaphore_mem>>)
    %dma_wait3A_273 = arith.constant 14 : i32
    %dma_wait3A_274 = arith.constant 0 : i32
    %dma_wait3A_275 = tpu.memref_slice %arg8[%dma_wait3A_273, %dma_wait3A_274] : memref<16x128xi32, #tpu.memory_space<vmem>> -> memref<1x128xi32, #tpu.memory_space<vmem>>
    %dma_wait3A_276 = tpu.memref_squeeze %dma_wait3A_275 : memref<1x128xi32, #tpu.memory_space<vmem>> -> memref<128xi32, #tpu.memory_space<vmem>>
    %dma_wait3A_277 = arith.constant 0 : i32
    %dma_wait3A_278 = arith.constant 0 : i32
    %dma_wait3A_279 = tpu.memref_slice %arg2[%dma_wait3A_277, %dma_wait3A_278] : memref<10112x128xf32, #tpu.memory_space<hbm>> -> memref<10112x128xf32, #tpu.memory_space<hbm>>
    tpu.wait_indirect_dma semaphore(%arg14 : memref<!tpu.dma_semaphore, #tpu.memory_space<semaphore_mem>>) src(%dma_wait3A_279 : memref<10112x128xf32, #tpu.memory_space<hbm>>) dst(%arg11 : memref<128x128xf32, #tpu.memory_space<vmem>>)
    %run_scoped3A_280 = arith.constant 14 : i32
    "tpu.region"() ({
      %run_scoped3A_341 = tpu.sem_alloc : memref<!tpu.dma_semaphore, #tpu.memory_space<semaphore_mem>>
      %dma_start3A_342 = arith.constant 0 : i32
      %dma_start3A_343 = tpu.memref_slice %arg9[%run_scoped3A_280, %dma_start3A_342] : memref<16x128xi32, #tpu.memory_space<vmem>> -> memref<1x128xi32, #tpu.memory_space<vmem>>
      %dma_start3A_344 = tpu.memref_squeeze %dma_start3A_343 : memref<1x128xi32, #tpu.memory_space<vmem>> -> memref<128xi32, #tpu.memory_space<vmem>>
      %dma_start3A_345 = arith.constant 0 : i32
      %dma_start3A_346 = arith.constant 0 : i32
      %dma_start3A_347 = tpu.memref_slice %arg12[%dma_start3A_345, %dma_start3A_346] : memref<10112x128xf32, #tpu.memory_space<vmem_shared>> -> memref<10112x128xf32, #tpu.memory_space<vmem_shared>>
      tpu.enqueue_indirect_dma source(%arg11 : memref<128x128xf32, #tpu.memory_space<vmem>>) target(%dma_start3A_347 : memref<10112x128xf32, #tpu.memory_space<vmem_shared>>) offsets(%dma_start3A_344 : memref<128xi32, #tpu.memory_space<vmem>>) semaphore(%run_scoped3A_341 : memref<!tpu.dma_semaphore, #tpu.memory_space<semaphore_mem>>) {add = true}
      %dma_wait3A_348 = arith.constant 0 : i32
      %dma_wait3A_349 = tpu.memref_slice %arg9[%run_scoped3A_280, %dma_wait3A_348] : memref<16x128xi32, #tpu.memory_space<vmem>> -> memref<1x128xi32, #tpu.memory_space<vmem>>
      %dma_wait3A_350 = tpu.memref_squeeze %dma_wait3A_349 : memref<1x128xi32, #tpu.memory_space<vmem>> -> memref<128xi32, #tpu.memory_space<vmem>>
      %dma_wait3A_351 = arith.constant 0 : i32
      %dma_wait3A_352 = arith.constant 0 : i32
      %dma_wait3A_353 = tpu.memref_slice %arg12[%dma_wait3A_351, %dma_wait3A_352] : memref<10112x128xf32, #tpu.memory_space<vmem_shared>> -> memref<10112x128xf32, #tpu.memory_space<vmem_shared>>
      tpu.wait_indirect_dma semaphore(%run_scoped3A_341 : memref<!tpu.dma_semaphore, #tpu.memory_space<semaphore_mem>>) src(%arg11 : memref<128x128xf32, #tpu.memory_space<vmem>>) dst(%dma_wait3A_353 : memref<10112x128xf32, #tpu.memory_space<vmem_shared>>)
      tpu.yield
    }) : () -> ()
    %dma_wait3A_281 = arith.constant 64 : i32
    %dma_wait3A_282 = arith.constant 0 : i32
    %dma_wait3A_283 = tpu.memref_slice %arg3[%add3A, %dma_wait3A_281, %dma_wait3A_282] : memref<32x80x128xi32, #tpu.memory_space<hbm>> -> memref<1x16x128xi32, #tpu.memory_space<hbm>>
    %dma_wait3A_284 = tpu.memref_squeeze %dma_wait3A_283 : memref<1x16x128xi32, #tpu.memory_space<hbm>> -> memref<16x128xi32, #tpu.memory_space<hbm>>
    %dma_wait3A_285 = arith.constant 64 : i32
    %dma_wait3A_286 = arith.constant 0 : i32
    %dma_wait3A_287 = tpu.memref_slice %arg3[%add3A, %dma_wait3A_285, %dma_wait3A_286] : memref<32x80x128xi32, #tpu.memory_space<hbm>> -> memref<1x16x128xi32, #tpu.memory_space<hbm>>
    %dma_wait3A_288 = tpu.memref_squeeze %dma_wait3A_287 : memref<1x16x128xi32, #tpu.memory_space<hbm>> -> memref<16x128xi32, #tpu.memory_space<hbm>>
    tpu.wait_dma2 semaphore(%arg15 : memref<!tpu.dma_semaphore, #tpu.memory_space<semaphore_mem>>) src(%dma_wait3A_288 : memref<16x128xi32, #tpu.memory_space<hbm>>) dst(%arg6 : memref<16x128xi32, #tpu.memory_space<vmem>>)
    %dma_wait3A_289 = arith.constant 64 : i32
    %dma_wait3A_290 = arith.constant 0 : i32
    %dma_wait3A_291 = tpu.memref_slice %arg4[%add3A, %dma_wait3A_289, %dma_wait3A_290] : memref<32x80x128xi32, #tpu.memory_space<hbm>> -> memref<1x16x128xi32, #tpu.memory_space<hbm>>
    %dma_wait3A_292 = tpu.memref_squeeze %dma_wait3A_291 : memref<1x16x128xi32, #tpu.memory_space<hbm>> -> memref<16x128xi32, #tpu.memory_space<hbm>>
    %dma_wait3A_293 = arith.constant 64 : i32
    %dma_wait3A_294 = arith.constant 0 : i32
    %dma_wait3A_295 = tpu.memref_slice %arg4[%add3A, %dma_wait3A_293, %dma_wait3A_294] : memref<32x80x128xi32, #tpu.memory_space<hbm>> -> memref<1x16x128xi32, #tpu.memory_space<hbm>>
    %dma_wait3A_296 = tpu.memref_squeeze %dma_wait3A_295 : memref<1x16x128xi32, #tpu.memory_space<hbm>> -> memref<16x128xi32, #tpu.memory_space<hbm>>
    tpu.wait_dma2 semaphore(%arg15 : memref<!tpu.dma_semaphore, #tpu.memory_space<semaphore_mem>>) src(%dma_wait3A_296 : memref<16x128xi32, #tpu.memory_space<hbm>>) dst(%arg7 : memref<16x128xi32, #tpu.memory_space<vmem>>)
    %dma_start3A_297 = arith.constant 0 : i32
    %dma_start3A_298 = arith.constant 0 : i32
    %dma_start3A_299 = tpu.memref_slice %arg6[%dma_start3A_297, %dma_start3A_298] : memref<16x128xi32, #tpu.memory_space<vmem>> -> memref<1x128xi32, #tpu.memory_space<vmem>>
    %dma_start3A_300 = tpu.memref_squeeze %dma_start3A_299 : memref<1x128xi32, #tpu.memory_space<vmem>> -> memref<128xi32, #tpu.memory_space<vmem>>
    %dma_start3A_301 = arith.constant 0 : i32
    %dma_start3A_302 = arith.constant 0 : i32
    %dma_start3A_303 = tpu.memref_slice %arg2[%dma_start3A_301, %dma_start3A_302] : memref<10112x128xf32, #tpu.memory_space<hbm>> -> memref<10112x128xf32, #tpu.memory_space<hbm>>
    tpu.enqueue_indirect_dma source(%dma_start3A_303 : memref<10112x128xf32, #tpu.memory_space<hbm>>) target(%arg11 : memref<128x128xf32, #tpu.memory_space<vmem>>) offsets(%dma_start3A_300 : memref<128xi32, #tpu.memory_space<vmem>>) semaphore(%arg14 : memref<!tpu.dma_semaphore, #tpu.memory_space<semaphore_mem>>)
    %dma_wait3A_304 = arith.constant 15 : i32
    %dma_wait3A_305 = arith.constant 0 : i32
    %dma_wait3A_306 = tpu.memref_slice %arg8[%dma_wait3A_304, %dma_wait3A_305] : memref<16x128xi32, #tpu.memory_space<vmem>> -> memref<1x128xi32, #tpu.memory_space<vmem>>
    %dma_wait3A_307 = tpu.memref_squeeze %dma_wait3A_306 : memref<1x128xi32, #tpu.memory_space<vmem>> -> memref<128xi32, #tpu.memory_space<vmem>>
    %dma_wait3A_308 = arith.constant 0 : i32
    %dma_wait3A_309 = arith.constant 0 : i32
    %dma_wait3A_310 = tpu.memref_slice %arg2[%dma_wait3A_308, %dma_wait3A_309] : memref<10112x128xf32, #tpu.memory_space<hbm>> -> memref<10112x128xf32, #tpu.memory_space<hbm>>
    tpu.wait_indirect_dma semaphore(%arg13 : memref<!tpu.dma_semaphore, #tpu.memory_space<semaphore_mem>>) src(%dma_wait3A_310 : memref<10112x128xf32, #tpu.memory_space<hbm>>) dst(%arg10 : memref<128x128xf32, #tpu.memory_space<vmem>>)
    %run_scoped3A_311 = arith.constant 15 : i32
    "tpu.region"() ({
      %run_scoped3A_341 = tpu.sem_alloc : memref<!tpu.dma_semaphore, #tpu.memory_space<semaphore_mem>>
      %dma_start3A_342 = arith.constant 0 : i32
      %dma_start3A_343 = tpu.memref_slice %arg9[%run_scoped3A_311, %dma_start3A_342] : memref<16x128xi32, #tpu.memory_space<vmem>> -> memref<1x128xi32, #tpu.memory_space<vmem>>
      %dma_start3A_344 = tpu.memref_squeeze %dma_start3A_343 : memref<1x128xi32, #tpu.memory_space<vmem>> -> memref<128xi32, #tpu.memory_space<vmem>>
      %dma_start3A_345 = arith.constant 0 : i32
      %dma_start3A_346 = arith.constant 0 : i32
      %dma_start3A_347 = tpu.memref_slice %arg12[%dma_start3A_345, %dma_start3A_346] : memref<10112x128xf32, #tpu.memory_space<vmem_shared>> -> memref<10112x128xf32, #tpu.memory_space<vmem_shared>>
      tpu.enqueue_indirect_dma source(%arg10 : memref<128x128xf32, #tpu.memory_space<vmem>>) target(%dma_start3A_347 : memref<10112x128xf32, #tpu.memory_space<vmem_shared>>) offsets(%dma_start3A_344 : memref<128xi32, #tpu.memory_space<vmem>>) semaphore(%run_scoped3A_341 : memref<!tpu.dma_semaphore, #tpu.memory_space<semaphore_mem>>) {add = true}
      %dma_wait3A_348 = arith.constant 0 : i32
      %dma_wait3A_349 = tpu.memref_slice %arg9[%run_scoped3A_311, %dma_wait3A_348] : memref<16x128xi32, #tpu.memory_space<vmem>> -> memref<1x128xi32, #tpu.memory_space<vmem>>
      %dma_wait3A_350 = tpu.memref_squeeze %dma_wait3A_349 : memref<1x128xi32, #tpu.memory_space<vmem>> -> memref<128xi32, #tpu.memory_space<vmem>>
      %dma_wait3A_351 = arith.constant 0 : i32
      %dma_wait3A_352 = arith.constant 0 : i32
      %dma_wait3A_353 = tpu.memref_slice %arg12[%dma_wait3A_351, %dma_wait3A_352] : memref<10112x128xf32, #tpu.memory_space<vmem_shared>> -> memref<10112x128xf32, #tpu.memory_space<vmem_shared>>
      tpu.wait_indirect_dma semaphore(%run_scoped3A_341 : memref<!tpu.dma_semaphore, #tpu.memory_space<semaphore_mem>>) src(%arg10 : memref<128x128xf32, #tpu.memory_space<vmem>>) dst(%dma_wait3A_353 : memref<10112x128xf32, #tpu.memory_space<vmem_shared>>)
      tpu.yield
    }) : () -> ()
    %scan3A_312 = arith.constant 0 : i32
    %scan3A_313 = arith.constant 7 : i32
    %scan3A_314 = arith.addi %scan3A_312, %scan3A_313 : i32
    %scan3A_315 = arith.constant 1 : i32
    scf.for %scan3A_341 = %scan3A_312 to %scan3A_314 step %scan3A_315  : i32 {
      %mul3A_342 = arith.constant 2 : i32
      %mul3A_343 = arith.muli %scan3A_341, %mul3A_342 : i32
      %add3A_344 = arith.constant 0 : i32
      %add3A_345 = arith.addi %add3A_344, %mul3A_343 : i32
      %add3A_346 = arith.constant 1 : i32
      %add3A_347 = arith.addi %add3A_345, %add3A_346 : i32
      %dma_start3A_348 = arith.constant 0 : i32
      %dma_start3A_349 = tpu.memref_slice %arg6[%add3A_347, %dma_start3A_348] : memref<16x128xi32, #tpu.memory_space<vmem>> -> memref<1x128xi32, #tpu.memory_space<vmem>>
      %dma_start3A_350 = tpu.memref_squeeze %dma_start3A_349 : memref<1x128xi32, #tpu.memory_space<vmem>> -> memref<128xi32, #tpu.memory_space<vmem>>
      %dma_start3A_351 = arith.constant 0 : i32
      %dma_start3A_352 = arith.constant 0 : i32
      %dma_start3A_353 = tpu.memref_slice %arg2[%dma_start3A_351, %dma_start3A_352] : memref<10112x128xf32, #tpu.memory_space<hbm>> -> memref<10112x128xf32, #tpu.memory_space<hbm>>
      tpu.enqueue_indirect_dma source(%dma_start3A_353 : memref<10112x128xf32, #tpu.memory_space<hbm>>) target(%arg10 : memref<128x128xf32, #tpu.memory_space<vmem>>) offsets(%dma_start3A_350 : memref<128xi32, #tpu.memory_space<vmem>>) semaphore(%arg13 : memref<!tpu.dma_semaphore, #tpu.memory_space<semaphore_mem>>)
      %dma_wait3A_354 = arith.constant 0 : i32
      %dma_wait3A_355 = tpu.memref_slice %arg6[%add3A_345, %dma_wait3A_354] : memref<16x128xi32, #tpu.memory_space<vmem>> -> memref<1x128xi32, #tpu.memory_space<vmem>>
      %dma_wait3A_356 = tpu.memref_squeeze %dma_wait3A_355 : memref<1x128xi32, #tpu.memory_space<vmem>> -> memref<128xi32, #tpu.memory_space<vmem>>
      %dma_wait3A_357 = arith.constant 0 : i32
      %dma_wait3A_358 = arith.constant 0 : i32
      %dma_wait3A_359 = tpu.memref_slice %arg2[%dma_wait3A_357, %dma_wait3A_358] : memref<10112x128xf32, #tpu.memory_space<hbm>> -> memref<10112x128xf32, #tpu.memory_space<hbm>>
      tpu.wait_indirect_dma semaphore(%arg14 : memref<!tpu.dma_semaphore, #tpu.memory_space<semaphore_mem>>) src(%dma_wait3A_359 : memref<10112x128xf32, #tpu.memory_space<hbm>>) dst(%arg11 : memref<128x128xf32, #tpu.memory_space<vmem>>)
      "tpu.region"() ({
        %run_scoped3A_378 = tpu.sem_alloc : memref<!tpu.dma_semaphore, #tpu.memory_space<semaphore_mem>>
        %dma_start3A_379 = arith.constant 0 : i32
        %dma_start3A_380 = tpu.memref_slice %arg7[%add3A_345, %dma_start3A_379] : memref<16x128xi32, #tpu.memory_space<vmem>> -> memref<1x128xi32, #tpu.memory_space<vmem>>
        %dma_start3A_381 = tpu.memref_squeeze %dma_start3A_380 : memref<1x128xi32, #tpu.memory_space<vmem>> -> memref<128xi32, #tpu.memory_space<vmem>>
        %dma_start3A_382 = arith.constant 0 : i32
        %dma_start3A_383 = arith.constant 0 : i32
        %dma_start3A_384 = tpu.memref_slice %arg12[%dma_start3A_382, %dma_start3A_383] : memref<10112x128xf32, #tpu.memory_space<vmem_shared>> -> memref<10112x128xf32, #tpu.memory_space<vmem_shared>>
        tpu.enqueue_indirect_dma source(%arg11 : memref<128x128xf32, #tpu.memory_space<vmem>>) target(%dma_start3A_384 : memref<10112x128xf32, #tpu.memory_space<vmem_shared>>) offsets(%dma_start3A_381 : memref<128xi32, #tpu.memory_space<vmem>>) semaphore(%run_scoped3A_378 : memref<!tpu.dma_semaphore, #tpu.memory_space<semaphore_mem>>) {add = true}
        %dma_wait3A_385 = arith.constant 0 : i32
        %dma_wait3A_386 = tpu.memref_slice %arg7[%add3A_345, %dma_wait3A_385] : memref<16x128xi32, #tpu.memory_space<vmem>> -> memref<1x128xi32, #tpu.memory_space<vmem>>
        %dma_wait3A_387 = tpu.memref_squeeze %dma_wait3A_386 : memref<1x128xi32, #tpu.memory_space<vmem>> -> memref<128xi32, #tpu.memory_space<vmem>>
        %dma_wait3A_388 = arith.constant 0 : i32
        %dma_wait3A_389 = arith.constant 0 : i32
        %dma_wait3A_390 = tpu.memref_slice %arg12[%dma_wait3A_388, %dma_wait3A_389] : memref<10112x128xf32, #tpu.memory_space<vmem_shared>> -> memref<10112x128xf32, #tpu.memory_space<vmem_shared>>
        tpu.wait_indirect_dma semaphore(%run_scoped3A_378 : memref<!tpu.dma_semaphore, #tpu.memory_space<semaphore_mem>>) src(%arg11 : memref<128x128xf32, #tpu.memory_space<vmem>>) dst(%dma_wait3A_390 : memref<10112x128xf32, #tpu.memory_space<vmem_shared>>)
        tpu.yield
      }) : () -> ()
      %add3A_360 = arith.constant 2 : i32
      %add3A_361 = arith.addi %add3A_345, %add3A_360 : i32
      %dma_start3A_362 = arith.constant 0 : i32
      %dma_start3A_363 = tpu.memref_slice %arg6[%add3A_361, %dma_start3A_362] : memref<16x128xi32, #tpu.memory_space<vmem>> -> memref<1x128xi32, #tpu.memory_space<vmem>>
      %dma_start3A_364 = tpu.memref_squeeze %dma_start3A_363 : memref<1x128xi32, #tpu.memory_space<vmem>> -> memref<128xi32, #tpu.memory_space<vmem>>
      %dma_start3A_365 = arith.constant 0 : i32
      %dma_start3A_366 = arith.constant 0 : i32
      %dma_start3A_367 = tpu.memref_slice %arg2[%dma_start3A_365, %dma_start3A_366] : memref<10112x128xf32, #tpu.memory_space<hbm>> -> memref<10112x128xf32, #tpu.memory_space<hbm>>
      tpu.enqueue_indirect_dma source(%dma_start3A_367 : memref<10112x128xf32, #tpu.memory_space<hbm>>) target(%arg11 : memref<128x128xf32, #tpu.memory_space<vmem>>) offsets(%dma_start3A_364 : memref<128xi32, #tpu.memory_space<vmem>>) semaphore(%arg14 : memref<!tpu.dma_semaphore, #tpu.memory_space<semaphore_mem>>)
      %add3A_368 = arith.constant 1 : i32
      %add3A_369 = arith.addi %add3A_345, %add3A_368 : i32
      %dma_wait3A_370 = arith.constant 0 : i32
      %dma_wait3A_371 = tpu.memref_slice %arg6[%add3A_369, %dma_wait3A_370] : memref<16x128xi32, #tpu.memory_space<vmem>> -> memref<1x128xi32, #tpu.memory_space<vmem>>
      %dma_wait3A_372 = tpu.memref_squeeze %dma_wait3A_371 : memref<1x128xi32, #tpu.memory_space<vmem>> -> memref<128xi32, #tpu.memory_space<vmem>>
      %dma_wait3A_373 = arith.constant 0 : i32
      %dma_wait3A_374 = arith.constant 0 : i32
      %dma_wait3A_375 = tpu.memref_slice %arg2[%dma_wait3A_373, %dma_wait3A_374] : memref<10112x128xf32, #tpu.memory_space<hbm>> -> memref<10112x128xf32, #tpu.memory_space<hbm>>
      tpu.wait_indirect_dma semaphore(%arg13 : memref<!tpu.dma_semaphore, #tpu.memory_space<semaphore_mem>>) src(%dma_wait3A_375 : memref<10112x128xf32, #tpu.memory_space<hbm>>) dst(%arg10 : memref<128x128xf32, #tpu.memory_space<vmem>>)
      %add3A_376 = arith.constant 1 : i32
      %add3A_377 = arith.addi %add3A_345, %add3A_376 : i32
      "tpu.region"() ({
        %run_scoped3A_378 = tpu.sem_alloc : memref<!tpu.dma_semaphore, #tpu.memory_space<semaphore_mem>>
        %dma_start3A_379 = arith.constant 0 : i32
        %dma_start3A_380 = tpu.memref_slice %arg7[%add3A_377, %dma_start3A_379] : memref<16x128xi32, #tpu.memory_space<vmem>> -> memref<1x128xi32, #tpu.memory_space<vmem>>
        %dma_start3A_381 = tpu.memref_squeeze %dma_start3A_380 : memref<1x128xi32, #tpu.memory_space<vmem>> -> memref<128xi32, #tpu.memory_space<vmem>>
        %dma_start3A_382 = arith.constant 0 : i32
        %dma_start3A_383 = arith.constant 0 : i32
        %dma_start3A_384 = tpu.memref_slice %arg12[%dma_start3A_382, %dma_start3A_383] : memref<10112x128xf32, #tpu.memory_space<vmem_shared>> -> memref<10112x128xf32, #tpu.memory_space<vmem_shared>>
        tpu.enqueue_indirect_dma source(%arg10 : memref<128x128xf32, #tpu.memory_space<vmem>>) target(%dma_start3A_384 : memref<10112x128xf32, #tpu.memory_space<vmem_shared>>) offsets(%dma_start3A_381 : memref<128xi32, #tpu.memory_space<vmem>>) semaphore(%run_scoped3A_378 : memref<!tpu.dma_semaphore, #tpu.memory_space<semaphore_mem>>) {add = true}
        %dma_wait3A_385 = arith.constant 0 : i32
        %dma_wait3A_386 = tpu.memref_slice %arg7[%add3A_377, %dma_wait3A_385] : memref<16x128xi32, #tpu.memory_space<vmem>> -> memref<1x128xi32, #tpu.memory_space<vmem>>
        %dma_wait3A_387 = tpu.memref_squeeze %dma_wait3A_386 : memref<1x128xi32, #tpu.memory_space<vmem>> -> memref<128xi32, #tpu.memory_space<vmem>>
        %dma_wait3A_388 = arith.constant 0 : i32
        %dma_wait3A_389 = arith.constant 0 : i32
        %dma_wait3A_390 = tpu.memref_slice %arg12[%dma_wait3A_388, %dma_wait3A_389] : memref<10112x128xf32, #tpu.memory_space<vmem_shared>> -> memref<10112x128xf32, #tpu.memory_space<vmem_shared>>
        tpu.wait_indirect_dma semaphore(%run_scoped3A_378 : memref<!tpu.dma_semaphore, #tpu.memory_space<semaphore_mem>>) src(%arg10 : memref<128x128xf32, #tpu.memory_space<vmem>>) dst(%dma_wait3A_390 : memref<10112x128xf32, #tpu.memory_space<vmem_shared>>)
        tpu.yield
      }) : () -> ()
    }
    %scan3A_316 = arith.constant 7 : i32
    %dma_start3A_317 = arith.constant 15 : i32
    %dma_start3A_318 = arith.constant 0 : i32
    %dma_start3A_319 = tpu.memref_slice %arg6[%dma_start3A_317, %dma_start3A_318] : memref<16x128xi32, #tpu.memory_space<vmem>> -> memref<1x128xi32, #tpu.memory_space<vmem>>
    %dma_start3A_320 = tpu.memref_squeeze %dma_start3A_319 : memref<1x128xi32, #tpu.memory_space<vmem>> -> memref<128xi32, #tpu.memory_space<vmem>>
    %dma_start3A_321 = arith.constant 0 : i32
    %dma_start3A_322 = arith.constant 0 : i32
    %dma_start3A_323 = tpu.memref_slice %arg2[%dma_start3A_321, %dma_start3A_322] : memref<10112x128xf32, #tpu.memory_space<hbm>> -> memref<10112x128xf32, #tpu.memory_space<hbm>>
    tpu.enqueue_indirect_dma source(%dma_start3A_323 : memref<10112x128xf32, #tpu.memory_space<hbm>>) target(%arg10 : memref<128x128xf32, #tpu.memory_space<vmem>>) offsets(%dma_start3A_320 : memref<128xi32, #tpu.memory_space<vmem>>) semaphore(%arg13 : memref<!tpu.dma_semaphore, #tpu.memory_space<semaphore_mem>>)
    %dma_wait3A_324 = arith.constant 14 : i32
    %dma_wait3A_325 = arith.constant 0 : i32
    %dma_wait3A_326 = tpu.memref_slice %arg6[%dma_wait3A_324, %dma_wait3A_325] : memref<16x128xi32, #tpu.memory_space<vmem>> -> memref<1x128xi32, #tpu.memory_space<vmem>>
    %dma_wait3A_327 = tpu.memref_squeeze %dma_wait3A_326 : memref<1x128xi32, #tpu.memory_space<vmem>> -> memref<128xi32, #tpu.memory_space<vmem>>
    %dma_wait3A_328 = arith.constant 0 : i32
    %dma_wait3A_329 = arith.constant 0 : i32
    %dma_wait3A_330 = tpu.memref_slice %arg2[%dma_wait3A_328, %dma_wait3A_329] : memref<10112x128xf32, #tpu.memory_space<hbm>> -> memref<10112x128xf32, #tpu.memory_space<hbm>>
    tpu.wait_indirect_dma semaphore(%arg14 : memref<!tpu.dma_semaphore, #tpu.memory_space<semaphore_mem>>) src(%dma_wait3A_330 : memref<10112x128xf32, #tpu.memory_space<hbm>>) dst(%arg11 : memref<128x128xf32, #tpu.memory_space<vmem>>)
    %run_scoped3A_331 = arith.constant 14 : i32
    "tpu.region"() ({
      %run_scoped3A_341 = tpu.sem_alloc : memref<!tpu.dma_semaphore, #tpu.memory_space<semaphore_mem>>
      %dma_start3A_342 = arith.constant 0 : i32
      %dma_start3A_343 = tpu.memref_slice %arg7[%run_scoped3A_331, %dma_start3A_342] : memref<16x128xi32, #tpu.memory_space<vmem>> -> memref<1x128xi32, #tpu.memory_space<vmem>>
      %dma_start3A_344 = tpu.memref_squeeze %dma_start3A_343 : memref<1x128xi32, #tpu.memory_space<vmem>> -> memref<128xi32, #tpu.memory_space<vmem>>
      %dma_start3A_345 = arith.constant 0 : i32
      %dma_start3A_346 = arith.constant 0 : i32
      %dma_start3A_347 = tpu.memref_slice %arg12[%dma_start3A_345, %dma_start3A_346] : memref<10112x128xf32, #tpu.memory_space<vmem_shared>> -> memref<10112x128xf32, #tpu.memory_space<vmem_shared>>
      tpu.enqueue_indirect_dma source(%arg11 : memref<128x128xf32, #tpu.memory_space<vmem>>) target(%dma_start3A_347 : memref<10112x128xf32, #tpu.memory_space<vmem_shared>>) offsets(%dma_start3A_344 : memref<128xi32, #tpu.memory_space<vmem>>) semaphore(%run_scoped3A_341 : memref<!tpu.dma_semaphore, #tpu.memory_space<semaphore_mem>>) {add = true}
      %dma_wait3A_348 = arith.constant 0 : i32
      %dma_wait3A_349 = tpu.memref_slice %arg7[%run_scoped3A_331, %dma_wait3A_348] : memref<16x128xi32, #tpu.memory_space<vmem>> -> memref<1x128xi32, #tpu.memory_space<vmem>>
      %dma_wait3A_350 = tpu.memref_squeeze %dma_wait3A_349 : memref<1x128xi32, #tpu.memory_space<vmem>> -> memref<128xi32, #tpu.memory_space<vmem>>
      %dma_wait3A_351 = arith.constant 0 : i32
      %dma_wait3A_352 = arith.constant 0 : i32
      %dma_wait3A_353 = tpu.memref_slice %arg12[%dma_wait3A_351, %dma_wait3A_352] : memref<10112x128xf32, #tpu.memory_space<vmem_shared>> -> memref<10112x128xf32, #tpu.memory_space<vmem_shared>>
      tpu.wait_indirect_dma semaphore(%run_scoped3A_341 : memref<!tpu.dma_semaphore, #tpu.memory_space<semaphore_mem>>) src(%arg11 : memref<128x128xf32, #tpu.memory_space<vmem>>) dst(%dma_wait3A_353 : memref<10112x128xf32, #tpu.memory_space<vmem_shared>>)
      tpu.yield
    }) : () -> ()
    %dma_wait3A_332 = arith.constant 15 : i32
    %dma_wait3A_333 = arith.constant 0 : i32
    %dma_wait3A_334 = tpu.memref_slice %arg6[%dma_wait3A_332, %dma_wait3A_333] : memref<16x128xi32, #tpu.memory_space<vmem>> -> memref<1x128xi32, #tpu.memory_space<vmem>>
    %dma_wait3A_335 = tpu.memref_squeeze %dma_wait3A_334 : memref<1x128xi32, #tpu.memory_space<vmem>> -> memref<128xi32, #tpu.memory_space<vmem>>
    %dma_wait3A_336 = arith.constant 0 : i32
    %dma_wait3A_337 = arith.constant 0 : i32
    %dma_wait3A_338 = tpu.memref_slice %arg2[%dma_wait3A_336, %dma_wait3A_337] : memref<10112x128xf32, #tpu.memory_space<hbm>> -> memref<10112x128xf32, #tpu.memory_space<hbm>>
    tpu.wait_indirect_dma semaphore(%arg13 : memref<!tpu.dma_semaphore, #tpu.memory_space<semaphore_mem>>) src(%dma_wait3A_338 : memref<10112x128xf32, #tpu.memory_space<hbm>>) dst(%arg10 : memref<128x128xf32, #tpu.memory_space<vmem>>)
    %run_scoped3A_339 = arith.constant 15 : i32
    "tpu.region"() ({
      %run_scoped3A_341 = tpu.sem_alloc : memref<!tpu.dma_semaphore, #tpu.memory_space<semaphore_mem>>
      %dma_start3A_342 = arith.constant 0 : i32
      %dma_start3A_343 = tpu.memref_slice %arg7[%run_scoped3A_339, %dma_start3A_342] : memref<16x128xi32, #tpu.memory_space<vmem>> -> memref<1x128xi32, #tpu.memory_space<vmem>>
      %dma_start3A_344 = tpu.memref_squeeze %dma_start3A_343 : memref<1x128xi32, #tpu.memory_space<vmem>> -> memref<128xi32, #tpu.memory_space<vmem>>
      %dma_start3A_345 = arith.constant 0 : i32
      %dma_start3A_346 = arith.constant 0 : i32
      %dma_start3A_347 = tpu.memref_slice %arg12[%dma_start3A_345, %dma_start3A_346] : memref<10112x128xf32, #tpu.memory_space<vmem_shared>> -> memref<10112x128xf32, #tpu.memory_space<vmem_shared>>
      tpu.enqueue_indirect_dma source(%arg10 : memref<128x128xf32, #tpu.memory_space<vmem>>) target(%dma_start3A_347 : memref<10112x128xf32, #tpu.memory_space<vmem_shared>>) offsets(%dma_start3A_344 : memref<128xi32, #tpu.memory_space<vmem>>) semaphore(%run_scoped3A_341 : memref<!tpu.dma_semaphore, #tpu.memory_space<semaphore_mem>>) {add = true}
      %dma_wait3A_348 = arith.constant 0 : i32
      %dma_wait3A_349 = tpu.memref_slice %arg7[%run_scoped3A_339, %dma_wait3A_348] : memref<16x128xi32, #tpu.memory_space<vmem>> -> memref<1x128xi32, #tpu.memory_space<vmem>>
      %dma_wait3A_350 = tpu.memref_squeeze %dma_wait3A_349 : memref<1x128xi32, #tpu.memory_space<vmem>> -> memref<128xi32, #tpu.memory_space<vmem>>
      %dma_wait3A_351 = arith.constant 0 : i32
      %dma_wait3A_352 = arith.constant 0 : i32
      %dma_wait3A_353 = tpu.memref_slice %arg12[%dma_wait3A_351, %dma_wait3A_352] : memref<10112x128xf32, #tpu.memory_space<vmem_shared>> -> memref<10112x128xf32, #tpu.memory_space<vmem_shared>>
      tpu.wait_indirect_dma semaphore(%run_scoped3A_341 : memref<!tpu.dma_semaphore, #tpu.memory_space<semaphore_mem>>) src(%arg10 : memref<128x128xf32, #tpu.memory_space<vmem>>) dst(%dma_wait3A_353 : memref<10112x128xf32, #tpu.memory_space<vmem_shared>>)
      tpu.yield
    }) : () -> ()
    %barrier3A_340 = arith.constant 0 : index
    tpu.barrier barrier_id(%barrier3A_340)
    "tpu.region"() ({
      %run_scoped3A_341 = tpu.sem_alloc : memref<!tpu.dma_semaphore, #tpu.memory_space<semaphore_mem>>
      %dma_start3A_342 = arith.constant 0 : i32
      %dma_start3A_343 = tpu.memref_slice %arg5[%arg0, %mul3A_2, %dma_start3A_342] : memref<2x10112x128xf32, #tpu.memory_space<hbm>> -> memref<1x632x128xf32, #tpu.memory_space<hbm>>
      %dma_start3A_344 = tpu.memref_squeeze %dma_start3A_343 : memref<1x632x128xf32, #tpu.memory_space<hbm>> -> memref<632x128xf32, #tpu.memory_space<hbm>>
      %dma_start3A_345 = arith.constant 0 : i32
      %dma_start3A_346 = tpu.memref_slice %arg12[%mul3A_2, %dma_start3A_345] : memref<10112x128xf32, #tpu.memory_space<vmem_shared>> -> memref<632x128xf32, #tpu.memory_space<vmem_shared>>
      tpu.enqueue_dma source(%dma_start3A_346 : memref<632x128xf32, #tpu.memory_space<vmem_shared>>) target(%dma_start3A_344 : memref<632x128xf32, #tpu.memory_space<hbm>>) target_semaphore(%run_scoped3A_341 : memref<!tpu.dma_semaphore, #tpu.memory_space<semaphore_mem>>)
      %dma_wait3A_347 = arith.constant 0 : i32
      %dma_wait3A_348 = tpu.memref_slice %arg5[%arg0, %mul3A_2, %dma_wait3A_347] : memref<2x10112x128xf32, #tpu.memory_space<hbm>> -> memref<1x632x128xf32, #tpu.memory_space<hbm>>
      %dma_wait3A_349 = tpu.memref_squeeze %dma_wait3A_348 : memref<1x632x128xf32, #tpu.memory_space<hbm>> -> memref<632x128xf32, #tpu.memory_space<hbm>>
      %dma_wait3A_350 = arith.constant 0 : i32
      %dma_wait3A_351 = tpu.memref_slice %arg12[%mul3A_2, %dma_wait3A_350] : memref<10112x128xf32, #tpu.memory_space<vmem_shared>> -> memref<632x128xf32, #tpu.memory_space<vmem_shared>>
      tpu.wait_dma2 semaphore(%run_scoped3A_341 : memref<!tpu.dma_semaphore, #tpu.memory_space<semaphore_mem>>) src(%dma_wait3A_351 : memref<632x128xf32, #tpu.memory_space<vmem_shared>>) dst(%dma_wait3A_349 : memref<632x128xf32, #tpu.memory_space<hbm>>)
      tpu.yield
    }) : () -> ()
    return
  }
}

#map = affine_map<(d0, d1) -> (0, 0)>
#map1 = affine_map<(d0, d1) -> (0, 0, 0)>
module attributes {stable_mosaic.version = 14 : i64} {
  func.func @_sc_scatter(%arg0: i32, %arg1: i32, %arg2: memref<10112x128xf32, #tpu.memory_space<hbm>>, %arg3: memref<32x80x128xi32, #tpu.memory_space<hbm>>, %arg4: memref<32x80x128xi32, #tpu.memory_space<hbm>>, %arg5: memref<2x10112x128xf32, #tpu.memory_space<hbm>>, %arg6: memref<16x128xi32, #tpu.memory_space<vmem>>, %arg7: memref<16x128xi32, #tpu.memory_space<vmem>>, %arg8: memref<16x128xi32, #tpu.memory_space<vmem>>, %arg9: memref<16x128xi32, #tpu.memory_space<vmem>>, %arg10: memref<128x128xf32, #tpu.memory_space<vmem>>, %arg11: memref<128x128xf32, #tpu.memory_space<vmem>>, %arg12: memref<10112x128xf32, #tpu.memory_space<vmem_shared>>, %arg13: memref<!tpu.dma_semaphore, #tpu.memory_space<semaphore_mem>>, %arg14: memref<!tpu.dma_semaphore, #tpu.memory_space<semaphore_mem>>, %arg15: memref<!tpu.dma_semaphore, #tpu.memory_space<semaphore_mem>>) attributes {dimension_semantics = [#tpu.dimension_semantics<core_parallel>, #tpu.dimension_semantics<subcore_parallel>], iteration_bounds = array<i64: 2, 16>, scalar_prefetch = 0 : i64, scratch_operands = 10 : i64, tpu.core_type = #tpu.core_type<sc_vector_subcore>, window_params = [{transform_indices = #map}, {transform_indices = #map1}, {transform_indices = #map1}, {transform_indices = #map1}]} {
    %mul3A = arith.constant 2 : i32
    %mul3A_0 = arith.muli %arg1, %mul3A : i32
    %add3A = arith.addi %mul3A_0, %arg0 : i32
    %mul3A_1 = arith.constant 632 : i32
    %mul3A_2 = arith.muli %arg1, %mul3A_1 : i32
    %dma_start3A = arith.constant 0 : i32
    %dma_start3A_3 = arith.constant 0 : i32
    %dma_start3A_4 = tpu.memref_slice %arg3[%add3A, %dma_start3A, %dma_start3A_3] : memref<32x80x128xi32, #tpu.memory_space<hbm>> -> memref<1x16x128xi32, #tpu.memory_space<hbm>>
    %dma_start3A_5 = tpu.memref_squeeze %dma_start3A_4 : memref<1x16x128xi32, #tpu.memory_space<hbm>> -> memref<16x128xi32, #tpu.memory_space<hbm>>
    %dma_start3A_6 = arith.constant 0 : i32
    %dma_start3A_7 = arith.constant 0 : i32
    %dma_start3A_8 = tpu.memref_slice %arg3[%add3A, %dma_start3A_6, %dma_start3A_7] : memref<32x80x128xi32, #tpu.memory_space<hbm>> -> memref<1x16x128xi32, #tpu.memory_space<hbm>>
    %dma_start3A_9 = tpu.memref_squeeze %dma_start3A_8 : memref<1x16x128xi32, #tpu.memory_space<hbm>> -> memref<16x128xi32, #tpu.memory_space<hbm>>
    tpu.enqueue_dma source(%dma_start3A_9 : memref<16x128xi32, #tpu.memory_space<hbm>>) target(%arg6 : memref<16x128xi32, #tpu.memory_space<vmem>>) target_semaphore(%arg15 : memref<!tpu.dma_semaphore, #tpu.memory_space<semaphore_mem>>)
    %dma_start3A_10 = arith.constant 0 : i32
    %dma_start3A_11 = arith.constant 0 : i32
    %dma_start3A_12 = tpu.memref_slice %arg4[%add3A, %dma_start3A_10, %dma_start3A_11] : memref<32x80x128xi32, #tpu.memory_space<hbm>> -> memref<1x16x128xi32, #tpu.memory_space<hbm>>
    %dma_start3A_13 = tpu.memref_squeeze %dma_start3A_12 : memref<1x16x128xi32, #tpu.memory_space<hbm>> -> memref<16x128xi32, #tpu.memory_space<hbm>>
    %dma_start3A_14 = arith.constant 0 : i32
    %dma_start3A_15 = arith.constant 0 : i32
    %dma_start3A_16 = tpu.memref_slice %arg4[%add3A, %dma_start3A_14, %dma_start3A_15] : memref<32x80x128xi32, #tpu.memory_space<hbm>> -> memref<1x16x128xi32, #tpu.memory_space<hbm>>
    %dma_start3A_17 = tpu.memref_squeeze %dma_start3A_16 : memref<1x16x128xi32, #tpu.memory_space<hbm>> -> memref<16x128xi32, #tpu.memory_space<hbm>>
    tpu.enqueue_dma source(%dma_start3A_17 : memref<16x128xi32, #tpu.memory_space<hbm>>) target(%arg7 : memref<16x128xi32, #tpu.memory_space<vmem>>) target_semaphore(%arg15 : memref<!tpu.dma_semaphore, #tpu.memory_space<semaphore_mem>>)
    %eq3A = arith.constant 0 : i32
    %eq3A_18 = arith.cmpi eq, %arg0, %eq3A : i32
    %convert_element_type3A = arith.extui %eq3A_18 : i1 to i32
    %cond3A = arith.constant 0 : i32
    %cond3A_19 = arith.cmpi ne, %convert_element_type3A, %cond3A : i32
    scf.if %cond3A_19 {
      "tpu.region"() ({
        %run_scoped3A_341 = tpu.sem_alloc : memref<!tpu.dma_semaphore, #tpu.memory_space<semaphore_mem>>
        %dma_start3A_342 = arith.constant 0 : i32
        %dma_start3A_343 = tpu.memref_slice %arg12[%mul3A_2, %dma_start3A_342] : memref<10112x128xf32, #tpu.memory_space<vmem_shared>> -> memref<632x128xf32, #tpu.memory_space<vmem_shared>>
        %dma_start3A_344 = arith.constant 0 : i32
        %dma_start3A_345 = tpu.memref_slice %arg2[%mul3A_2, %dma_start3A_344] : memref<10112x128xf32, #tpu.memory_space<hbm>> -> memref<632x128xf32, #tpu.memory_space<hbm>>
        tpu.enqueue_dma source(%dma_start3A_345 : memref<632x128xf32, #tpu.memory_space<hbm>>) target(%dma_start3A_343 : memref<632x128xf32, #tpu.memory_space<vmem_shared>>) target_semaphore(%run_scoped3A_341 : memref<!tpu.dma_semaphore, #tpu.memory_space<semaphore_mem>>)
        %dma_wait3A_346 = arith.constant 0 : i32
        %dma_wait3A_347 = tpu.memref_slice %arg12[%mul3A_2, %dma_wait3A_346] : memref<10112x128xf32, #tpu.memory_space<vmem_shared>> -> memref<632x128xf32, #tpu.memory_space<vmem_shared>>
        %dma_wait3A_348 = arith.constant 0 : i32
        %dma_wait3A_349 = tpu.memref_slice %arg2[%mul3A_2, %dma_wait3A_348] : memref<10112x128xf32, #tpu.memory_space<hbm>> -> memref<632x128xf32, #tpu.memory_space<hbm>>
        tpu.wait_dma2 semaphore(%run_scoped3A_341 : memref<!tpu.dma_semaphore, #tpu.memory_space<semaphore_mem>>) src(%dma_wait3A_349 : memref<632x128xf32, #tpu.memory_space<hbm>>) dst(%dma_wait3A_347 : memref<632x128xf32, #tpu.memory_space<vmem_shared>>)
        tpu.yield
      }) : () -> ()
    } else {
    }
    %ne3A = arith.constant 0 : i32
    %ne3A_20 = arith.cmpi ne, %arg0, %ne3A : i32
    %convert_element_type3A_21 = arith.extui %ne3A_20 : i1 to i32
    %cond3A_22 = arith.constant 0 : i32
    %cond3A_23 = arith.cmpi ne, %convert_element_type3A_21, %cond3A_22 : i32
    scf.if %cond3A_23 {
      %broadcast_in_dim3A = arith.constant 0.000000e+00 : f32
      %broadcast_in_dim3A_341 = vector.broadcast %broadcast_in_dim3A : f32 to vector<16xf32>
      %scan3A_342 = arith.constant 0 : i32
      %scan3A_343 = arith.constant 128 : i32
      %scan3A_344 = arith.addi %scan3A_342, %scan3A_343 : i32
      %scan3A_345 = arith.constant 1 : i32
      scf.for %scan3A_357 = %scan3A_342 to %scan3A_344 step %scan3A_345  : i32 {
        %mul3A_358 = arith.constant 1 : i32
        %mul3A_359 = arith.muli %scan3A_357, %mul3A_358 : i32
        %add3A_360 = arith.constant 0 : i32
        %add3A_361 = arith.addi %add3A_360, %mul3A_359 : i32
        %scan3A_362 = arith.constant 0 : i32
        %scan3A_363 = arith.constant 8 : i32
        %scan3A_364 = arith.addi %scan3A_362, %scan3A_363 : i32
        %scan3A_365 = arith.constant 1 : i32
        scf.for %scan3A_367 = %scan3A_362 to %scan3A_364 step %scan3A_365  : i32 {
          %mul3A_368 = arith.constant 1 : i32
          %mul3A_369 = arith.muli %scan3A_367, %mul3A_368 : i32
          %add3A_370 = arith.constant 0 : i32
          %add3A_371 = arith.addi %add3A_370, %mul3A_369 : i32
          %mul3A_372 = arith.constant 16 : i32
          %mul3A_373 = arith.muli %add3A_371, %mul3A_372 : i32
          %swap3A = arith.index_cast %add3A_361 : i32 to index
          %swap3A_374 = arith.index_cast %mul3A_373 : i32 to index
          %swap3A_375 = tpu.vector_load %arg10[%swap3A, %swap3A_374] {strides = array<i32>} : memref<128x128xf32, #tpu.memory_space<vmem>>, vector<1x16xf32>,
          %swap3A_376 = vector.shape_cast %swap3A_375 : vector<1x16xf32> to vector<16xf32>
          %swap3A_377 = vector.shape_cast %broadcast_in_dim3A_341 : vector<16xf32> to vector<1x16xf32>
          tpu.vector_store %arg10[%swap3A, %swap3A_374], %swap3A_377 {strides = array<i32>} : memref<128x128xf32, #tpu.memory_space<vmem>>, vector<1x16xf32>,
        }
        %scan3A_366 = arith.constant 8 : i32
      }
      %scan3A_346 = arith.constant 128 : i32
      %add3A_347 = arith.constant 0 : i32
      %add3A_348 = arith.addi %mul3A_2, %add3A_347 : i32
      "tpu.region"() ({
        %run_scoped3A_357 = tpu.sem_alloc : memref<!tpu.dma_semaphore, #tpu.memory_space<semaphore_mem>>
        %dma_start3A_358 = arith.constant 0 : i32
        %dma_start3A_359 = tpu.memref_slice %arg12[%add3A_348, %dma_start3A_358] : memref<10112x128xf32, #tpu.memory_space<vmem_shared>> -> memref<128x128xf32, #tpu.memory_space<vmem_shared>>
        %dma_start3A_360 = arith.constant 0 : i32
        %dma_start3A_361 = tpu.memref_slice %arg12[%add3A_348, %dma_start3A_360] : memref<10112x128xf32, #tpu.memory_space<vmem_shared>> -> memref<128x128xf32, #tpu.memory_space<vmem_shared>>
        tpu.enqueue_dma source(%arg10 : memref<128x128xf32, #tpu.memory_space<vmem>>) target(%dma_start3A_361 : memref<128x128xf32, #tpu.memory_space<vmem_shared>>) target_semaphore(%run_scoped3A_357 : memref<!tpu.dma_semaphore, #tpu.memory_space<semaphore_mem>>)
        %dma_wait3A_362 = arith.constant 0 : i32
        %dma_wait3A_363 = tpu.memref_slice %arg12[%add3A_348, %dma_wait3A_362] : memref<10112x128xf32, #tpu.memory_space<vmem_shared>> -> memref<128x128xf32, #tpu.memory_space<vmem_shared>>
        %dma_wait3A_364 = arith.constant 0 : i32
        %dma_wait3A_365 = tpu.memref_slice %arg12[%add3A_348, %dma_wait3A_364] : memref<10112x128xf32, #tpu.memory_space<vmem_shared>> -> memref<128x128xf32, #tpu.memory_space<vmem_shared>>
        tpu.wait_dma2 semaphore(%run_scoped3A_357 : memref<!tpu.dma_semaphore, #tpu.memory_space<semaphore_mem>>) src(%arg10 : memref<128x128xf32, #tpu.memory_space<vmem>>) dst(%dma_wait3A_365 : memref<128x128xf32, #tpu.memory_space<vmem_shared>>)
        tpu.yield
      }) : () -> ()
      %add3A_349 = arith.constant 128 : i32
      %add3A_350 = arith.addi %mul3A_2, %add3A_349 : i32
      "tpu.region"() ({
        %run_scoped3A_357 = tpu.sem_alloc : memref<!tpu.dma_semaphore, #tpu.memory_space<semaphore_mem>>
        %dma_start3A_358 = arith.constant 0 : i32
        %dma_start3A_359 = tpu.memref_slice %arg12[%add3A_350, %dma_start3A_358] : memref<10112x128xf32, #tpu.memory_space<vmem_shared>> -> memref<128x128xf32, #tpu.memory_space<vmem_shared>>
        %dma_start3A_360 = arith.constant 0 : i32
        %dma_start3A_361 = tpu.memref_slice %arg12[%add3A_350, %dma_start3A_360] : memref<10112x128xf32, #tpu.memory_space<vmem_shared>> -> memref<128x128xf32, #tpu.memory_space<vmem_shared>>
        tpu.enqueue_dma source(%arg10 : memref<128x128xf32, #tpu.memory_space<vmem>>) target(%dma_start3A_361 : memref<128x128xf32, #tpu.memory_space<vmem_shared>>) target_semaphore(%run_scoped3A_357 : memref<!tpu.dma_semaphore, #tpu.memory_space<semaphore_mem>>)
        %dma_wait3A_362 = arith.constant 0 : i32
        %dma_wait3A_363 = tpu.memref_slice %arg12[%add3A_350, %dma_wait3A_362] : memref<10112x128xf32, #tpu.memory_space<vmem_shared>> -> memref<128x128xf32, #tpu.memory_space<vmem_shared>>
        %dma_wait3A_364 = arith.constant 0 : i32
        %dma_wait3A_365 = tpu.memref_slice %arg12[%add3A_350, %dma_wait3A_364] : memref<10112x128xf32, #tpu.memory_space<vmem_shared>> -> memref<128x128xf32, #tpu.memory_space<vmem_shared>>
        tpu.wait_dma2 semaphore(%run_scoped3A_357 : memref<!tpu.dma_semaphore, #tpu.memory_space<semaphore_mem>>) src(%arg10 : memref<128x128xf32, #tpu.memory_space<vmem>>) dst(%dma_wait3A_365 : memref<128x128xf32, #tpu.memory_space<vmem_shared>>)
        tpu.yield
      }) : () -> ()
      %add3A_351 = arith.constant 256 : i32
      %add3A_352 = arith.addi %mul3A_2, %add3A_351 : i32
      "tpu.region"() ({
        %run_scoped3A_357 = tpu.sem_alloc : memref<!tpu.dma_semaphore, #tpu.memory_space<semaphore_mem>>
        %dma_start3A_358 = arith.constant 0 : i32
        %dma_start3A_359 = tpu.memref_slice %arg12[%add3A_352, %dma_start3A_358] : memref<10112x128xf32, #tpu.memory_space<vmem_shared>> -> memref<128x128xf32, #tpu.memory_space<vmem_shared>>
        %dma_start3A_360 = arith.constant 0 : i32
        %dma_start3A_361 = tpu.memref_slice %arg12[%add3A_352, %dma_start3A_360] : memref<10112x128xf32, #tpu.memory_space<vmem_shared>> -> memref<128x128xf32, #tpu.memory_space<vmem_shared>>
        tpu.enqueue_dma source(%arg10 : memref<128x128xf32, #tpu.memory_space<vmem>>) target(%dma_start3A_361 : memref<128x128xf32, #tpu.memory_space<vmem_shared>>) target_semaphore(%run_scoped3A_357 : memref<!tpu.dma_semaphore, #tpu.memory_space<semaphore_mem>>)
        %dma_wait3A_362 = arith.constant 0 : i32
        %dma_wait3A_363 = tpu.memref_slice %arg12[%add3A_352, %dma_wait3A_362] : memref<10112x128xf32, #tpu.memory_space<vmem_shared>> -> memref<128x128xf32, #tpu.memory_space<vmem_shared>>
        %dma_wait3A_364 = arith.constant 0 : i32
        %dma_wait3A_365 = tpu.memref_slice %arg12[%add3A_352, %dma_wait3A_364] : memref<10112x128xf32, #tpu.memory_space<vmem_shared>> -> memref<128x128xf32, #tpu.memory_space<vmem_shared>>
        tpu.wait_dma2 semaphore(%run_scoped3A_357 : memref<!tpu.dma_semaphore, #tpu.memory_space<semaphore_mem>>) src(%arg10 : memref<128x128xf32, #tpu.memory_space<vmem>>) dst(%dma_wait3A_365 : memref<128x128xf32, #tpu.memory_space<vmem_shared>>)
        tpu.yield
      }) : () -> ()
      %add3A_353 = arith.constant 384 : i32
      %add3A_354 = arith.addi %mul3A_2, %add3A_353 : i32
      "tpu.region"() ({
        %run_scoped3A_357 = tpu.sem_alloc : memref<!tpu.dma_semaphore, #tpu.memory_space<semaphore_mem>>
        %dma_start3A_358 = arith.constant 0 : i32
        %dma_start3A_359 = tpu.memref_slice %arg12[%add3A_354, %dma_start3A_358] : memref<10112x128xf32, #tpu.memory_space<vmem_shared>> -> memref<128x128xf32, #tpu.memory_space<vmem_shared>>
        %dma_start3A_360 = arith.constant 0 : i32
        %dma_start3A_361 = tpu.memref_slice %arg12[%add3A_354, %dma_start3A_360] : memref<10112x128xf32, #tpu.memory_space<vmem_shared>> -> memref<128x128xf32, #tpu.memory_space<vmem_shared>>
        tpu.enqueue_dma source(%arg10 : memref<128x128xf32, #tpu.memory_space<vmem>>) target(%dma_start3A_361 : memref<128x128xf32, #tpu.memory_space<vmem_shared>>) target_semaphore(%run_scoped3A_357 : memref<!tpu.dma_semaphore, #tpu.memory_space<semaphore_mem>>)
        %dma_wait3A_362 = arith.constant 0 : i32
        %dma_wait3A_363 = tpu.memref_slice %arg12[%add3A_354, %dma_wait3A_362] : memref<10112x128xf32, #tpu.memory_space<vmem_shared>> -> memref<128x128xf32, #tpu.memory_space<vmem_shared>>
        %dma_wait3A_364 = arith.constant 0 : i32
        %dma_wait3A_365 = tpu.memref_slice %arg12[%add3A_354, %dma_wait3A_364] : memref<10112x128xf32, #tpu.memory_space<vmem_shared>> -> memref<128x128xf32, #tpu.memory_space<vmem_shared>>
        tpu.wait_dma2 semaphore(%run_scoped3A_357 : memref<!tpu.dma_semaphore, #tpu.memory_space<semaphore_mem>>) src(%arg10 : memref<128x128xf32, #tpu.memory_space<vmem>>) dst(%dma_wait3A_365 : memref<128x128xf32, #tpu.memory_space<vmem_shared>>)
        tpu.yield
      }) : () -> ()
      %add3A_355 = arith.constant 512 : i32
      %add3A_356 = arith.addi %mul3A_2, %add3A_355 : i32
      "tpu.region"() ({
        %run_scoped3A_357 = tpu.sem_alloc : memref<!tpu.dma_semaphore, #tpu.memory_space<semaphore_mem>>
        %dma_start3A_358 = arith.constant 0 : i32
        %dma_start3A_359 = arith.constant 0 : i32
        %dma_start3A_360 = tpu.memref_slice %arg10[%dma_start3A_358, %dma_start3A_359] : memref<128x128xf32, #tpu.memory_space<vmem>> -> memref<120x128xf32, #tpu.memory_space<vmem>>
        %dma_start3A_361 = arith.constant 0 : i32
        %dma_start3A_362 = tpu.memref_slice %arg12[%add3A_356, %dma_start3A_361] : memref<10112x128xf32, #tpu.memory_space<vmem_shared>> -> memref<120x128xf32, #tpu.memory_space<vmem_shared>>
        %dma_start3A_363 = arith.constant 0 : i32
        %dma_start3A_364 = tpu.memref_slice %arg12[%add3A_356, %dma_start3A_363] : memref<10112x128xf32, #tpu.memory_space<vmem_shared>> -> memref<120x128xf32, #tpu.memory_space<vmem_shared>>
        %dma_start3A_365 = arith.constant 0 : i32
        %dma_start3A_366 = arith.constant 0 : i32
        %dma_start3A_367 = tpu.memref_slice %arg10[%dma_start3A_365, %dma_start3A_366] : memref<128x128xf32, #tpu.memory_space<vmem>> -> memref<120x128xf32, #tpu.memory_space<vmem>>
        tpu.enqueue_dma source(%dma_start3A_367 : memref<120x128xf32, #tpu.memory_space<vmem>>) target(%dma_start3A_364 : memref<120x128xf32, #tpu.memory_space<vmem_shared>>) target_semaphore(%run_scoped3A_357 : memref<!tpu.dma_semaphore, #tpu.memory_space<semaphore_mem>>)
        %dma_wait3A_368 = arith.constant 0 : i32
        %dma_wait3A_369 = arith.constant 0 : i32
        %dma_wait3A_370 = tpu.memref_slice %arg10[%dma_wait3A_368, %dma_wait3A_369] : memref<128x128xf32, #tpu.memory_space<vmem>> -> memref<120x128xf32, #tpu.memory_space<vmem>>
        %dma_wait3A_371 = arith.constant 0 : i32
        %dma_wait3A_372 = tpu.memref_slice %arg12[%add3A_356, %dma_wait3A_371] : memref<10112x128xf32, #tpu.memory_space<vmem_shared>> -> memref<120x128xf32, #tpu.memory_space<vmem_shared>>
        %dma_wait3A_373 = arith.constant 0 : i32
        %dma_wait3A_374 = tpu.memref_slice %arg12[%add3A_356, %dma_wait3A_373] : memref<10112x128xf32, #tpu.memory_space<vmem_shared>> -> memref<120x128xf32, #tpu.memory_space<vmem_shared>>
        %dma_wait3A_375 = arith.constant 0 : i32
        %dma_wait3A_376 = arith.constant 0 : i32
        %dma_wait3A_377 = tpu.memref_slice %arg10[%dma_wait3A_375, %dma_wait3A_376] : memref<128x128xf32, #tpu.memory_space<vmem>> -> memref<120x128xf32, #tpu.memory_space<vmem>>
        tpu.wait_dma2 semaphore(%run_scoped3A_357 : memref<!tpu.dma_semaphore, #tpu.memory_space<semaphore_mem>>) src(%dma_wait3A_377 : memref<120x128xf32, #tpu.memory_space<vmem>>) dst(%dma_wait3A_374 : memref<120x128xf32, #tpu.memory_space<vmem_shared>>)
        tpu.yield
      }) : () -> ()
    } else {
    }
    %dma_wait3A = arith.constant 0 : i32
    %dma_wait3A_24 = arith.constant 0 : i32
    %dma_wait3A_25 = tpu.memref_slice %arg3[%add3A, %dma_wait3A, %dma_wait3A_24] : memref<32x80x128xi32, #tpu.memory_space<hbm>> -> memref<1x16x128xi32, #tpu.memory_space<hbm>>
    %dma_wait3A_26 = tpu.memref_squeeze %dma_wait3A_25 : memref<1x16x128xi32, #tpu.memory_space<hbm>> -> memref<16x128xi32, #tpu.memory_space<hbm>>
    %dma_wait3A_27 = arith.constant 0 : i32
    %dma_wait3A_28 = arith.constant 0 : i32
    %dma_wait3A_29 = tpu.memref_slice %arg3[%add3A, %dma_wait3A_27, %dma_wait3A_28] : memref<32x80x128xi32, #tpu.memory_space<hbm>> -> memref<1x16x128xi32, #tpu.memory_space<hbm>>
    %dma_wait3A_30 = tpu.memref_squeeze %dma_wait3A_29 : memref<1x16x128xi32, #tpu.memory_space<hbm>> -> memref<16x128xi32, #tpu.memory_space<hbm>>
    tpu.wait_dma2 semaphore(%arg15 : memref<!tpu.dma_semaphore, #tpu.memory_space<semaphore_mem>>) src(%dma_wait3A_30 : memref<16x128xi32, #tpu.memory_space<hbm>>) dst(%arg6 : memref<16x128xi32, #tpu.memory_space<vmem>>)
    %dma_wait3A_31 = arith.constant 0 : i32
    %dma_wait3A_32 = arith.constant 0 : i32
    %dma_wait3A_33 = tpu.memref_slice %arg4[%add3A, %dma_wait3A_31, %dma_wait3A_32] : memref<32x80x128xi32, #tpu.memory_space<hbm>> -> memref<1x16x128xi32, #tpu.memory_space<hbm>>
    %dma_wait3A_34 = tpu.memref_squeeze %dma_wait3A_33 : memref<1x16x128xi32, #tpu.memory_space<hbm>> -> memref<16x128xi32, #tpu.memory_space<hbm>>
    %dma_wait3A_35 = arith.constant 0 : i32
    %dma_wait3A_36 = arith.constant 0 : i32
    %dma_wait3A_37 = tpu.memref_slice %arg4[%add3A, %dma_wait3A_35, %dma_wait3A_36] : memref<32x80x128xi32, #tpu.memory_space<hbm>> -> memref<1x16x128xi32, #tpu.memory_space<hbm>>
    %dma_wait3A_38 = tpu.memref_squeeze %dma_wait3A_37 : memref<1x16x128xi32, #tpu.memory_space<hbm>> -> memref<16x128xi32, #tpu.memory_space<hbm>>
    tpu.wait_dma2 semaphore(%arg15 : memref<!tpu.dma_semaphore, #tpu.memory_space<semaphore_mem>>) src(%dma_wait3A_38 : memref<16x128xi32, #tpu.memory_space<hbm>>) dst(%arg7 : memref<16x128xi32, #tpu.memory_space<vmem>>)
    %dma_start3A_39 = arith.constant 0 : i32
    %dma_start3A_40 = arith.constant 0 : i32
    %dma_start3A_41 = tpu.memref_slice %arg6[%dma_start3A_39, %dma_start3A_40] : memref<16x128xi32, #tpu.memory_space<vmem>> -> memref<1x128xi32, #tpu.memory_space<vmem>>
    %dma_start3A_42 = tpu.memref_squeeze %dma_start3A_41 : memref<1x128xi32, #tpu.memory_space<vmem>> -> memref<128xi32, #tpu.memory_space<vmem>>
    %dma_start3A_43 = arith.constant 0 : i32
    %dma_start3A_44 = arith.constant 0 : i32
    %dma_start3A_45 = tpu.memref_slice %arg2[%dma_start3A_43, %dma_start3A_44] : memref<10112x128xf32, #tpu.memory_space<hbm>> -> memref<10112x128xf32, #tpu.memory_space<hbm>>
    tpu.enqueue_indirect_dma source(%dma_start3A_45 : memref<10112x128xf32, #tpu.memory_space<hbm>>) target(%arg11 : memref<128x128xf32, #tpu.memory_space<vmem>>) offsets(%dma_start3A_42 : memref<128xi32, #tpu.memory_space<vmem>>) semaphore(%arg14 : memref<!tpu.dma_semaphore, #tpu.memory_space<semaphore_mem>>)
    %barrier3A = arith.constant 0 : index
    tpu.barrier barrier_id(%barrier3A)
    %dma_start3A_46 = arith.constant 16 : i32
    %dma_start3A_47 = arith.constant 0 : i32
    %dma_start3A_48 = tpu.memref_slice %arg3[%add3A, %dma_start3A_46, %dma_start3A_47] : memref<32x80x128xi32, #tpu.memory_space<hbm>> -> memref<1x16x128xi32, #tpu.memory_space<hbm>>
    %dma_start3A_49 = tpu.memref_squeeze %dma_start3A_48 : memref<1x16x128xi32, #tpu.memory_space<hbm>> -> memref<16x128xi32, #tpu.memory_space<hbm>>
    %dma_start3A_50 = arith.constant 16 : i32
    %dma_start3A_51 = arith.constant 0 : i32
    %dma_start3A_52 = tpu.memref_slice %arg3[%add3A, %dma_start3A_50, %dma_start3A_51] : memref<32x80x128xi32, #tpu.memory_space<hbm>> -> memref<1x16x128xi32, #tpu.memory_space<hbm>>
    %dma_start3A_53 = tpu.memref_squeeze %dma_start3A_52 : memref<1x16x128xi32, #tpu.memory_space<hbm>> -> memref<16x128xi32, #tpu.memory_space<hbm>>
    tpu.enqueue_dma source(%dma_start3A_53 : memref<16x128xi32, #tpu.memory_space<hbm>>) target(%arg8 : memref<16x128xi32, #tpu.memory_space<vmem>>) target_semaphore(%arg15 : memref<!tpu.dma_semaphore, #tpu.memory_space<semaphore_mem>>)
    %dma_start3A_54 = arith.constant 16 : i32
    %dma_start3A_55 = arith.constant 0 : i32
    %dma_start3A_56 = tpu.memref_slice %arg4[%add3A, %dma_start3A_54, %dma_start3A_55] : memref<32x80x128xi32, #tpu.memory_space<hbm>> -> memref<1x16x128xi32, #tpu.memory_space<hbm>>
    %dma_start3A_57 = tpu.memref_squeeze %dma_start3A_56 : memref<1x16x128xi32, #tpu.memory_space<hbm>> -> memref<16x128xi32, #tpu.memory_space<hbm>>
    %dma_start3A_58 = arith.constant 16 : i32
    %dma_start3A_59 = arith.constant 0 : i32
    %dma_start3A_60 = tpu.memref_slice %arg4[%add3A, %dma_start3A_58, %dma_start3A_59] : memref<32x80x128xi32, #tpu.memory_space<hbm>> -> memref<1x16x128xi32, #tpu.memory_space<hbm>>
    %dma_start3A_61 = tpu.memref_squeeze %dma_start3A_60 : memref<1x16x128xi32, #tpu.memory_space<hbm>> -> memref<16x128xi32, #tpu.memory_space<hbm>>
    tpu.enqueue_dma source(%dma_start3A_61 : memref<16x128xi32, #tpu.memory_space<hbm>>) target(%arg9 : memref<16x128xi32, #tpu.memory_space<vmem>>) target_semaphore(%arg15 : memref<!tpu.dma_semaphore, #tpu.memory_space<semaphore_mem>>)
    %scan3A = arith.constant 0 : i32
    %scan3A_62 = arith.constant 7 : i32
    %scan3A_63 = arith.addi %scan3A, %scan3A_62 : i32
    %scan3A_64 = arith.constant 1 : i32
    scf.for %scan3A_341 = %scan3A to %scan3A_63 step %scan3A_64  : i32 {
      %mul3A_342 = arith.constant 2 : i32
      %mul3A_343 = arith.muli %scan3A_341, %mul3A_342 : i32
      %add3A_344 = arith.constant 0 : i32
      %add3A_345 = arith.addi %add3A_344, %mul3A_343 : i32
      %add3A_346 = arith.constant 1 : i32
      %add3A_347 = arith.addi %add3A_345, %add3A_346 : i32
      %dma_start3A_348 = arith.constant 0 : i32
      %dma_start3A_349 = tpu.memref_slice %arg6[%add3A_347, %dma_start3A_348] : memref<16x128xi32, #tpu.memory_space<vmem>> -> memref<1x128xi32, #tpu.memory_space<vmem>>
      %dma_start3A_350 = tpu.memref_squeeze %dma_start3A_349 : memref<1x128xi32, #tpu.memory_space<vmem>> -> memref<128xi32, #tpu.memory_space<vmem>>
      %dma_start3A_351 = arith.constant 0 : i32
      %dma_start3A_352 = arith.constant 0 : i32
      %dma_start3A_353 = tpu.memref_slice %arg2[%dma_start3A_351, %dma_start3A_352] : memref<10112x128xf32, #tpu.memory_space<hbm>> -> memref<10112x128xf32, #tpu.memory_space<hbm>>
      tpu.enqueue_indirect_dma source(%dma_start3A_353 : memref<10112x128xf32, #tpu.memory_space<hbm>>) target(%arg10 : memref<128x128xf32, #tpu.memory_space<vmem>>) offsets(%dma_start3A_350 : memref<128xi32, #tpu.memory_space<vmem>>) semaphore(%arg13 : memref<!tpu.dma_semaphore, #tpu.memory_space<semaphore_mem>>)
      %dma_wait3A_354 = arith.constant 0 : i32
      %dma_wait3A_355 = tpu.memref_slice %arg6[%add3A_345, %dma_wait3A_354] : memref<16x128xi32, #tpu.memory_space<vmem>> -> memref<1x128xi32, #tpu.memory_space<vmem>>
      %dma_wait3A_356 = tpu.memref_squeeze %dma_wait3A_355 : memref<1x128xi32, #tpu.memory_space<vmem>> -> memref<128xi32, #tpu.memory_space<vmem>>
      %dma_wait3A_357 = arith.constant 0 : i32
      %dma_wait3A_358 = arith.constant 0 : i32
      %dma_wait3A_359 = tpu.memref_slice %arg2[%dma_wait3A_357, %dma_wait3A_358] : memref<10112x128xf32, #tpu.memory_space<hbm>> -> memref<10112x128xf32, #tpu.memory_space<hbm>>
      tpu.wait_indirect_dma semaphore(%arg14 : memref<!tpu.dma_semaphore, #tpu.memory_space<semaphore_mem>>) src(%dma_wait3A_359 : memref<10112x128xf32, #tpu.memory_space<hbm>>) dst(%arg11 : memref<128x128xf32, #tpu.memory_space<vmem>>)
      "tpu.region"() ({
        %run_scoped3A_378 = tpu.sem_alloc : memref<!tpu.dma_semaphore, #tpu.memory_space<semaphore_mem>>
        %dma_start3A_379 = arith.constant 0 : i32
        %dma_start3A_380 = tpu.memref_slice %arg7[%add3A_345, %dma_start3A_379] : memref<16x128xi32, #tpu.memory_space<vmem>> -> memref<1x128xi32, #tpu.memory_space<vmem>>
        %dma_start3A_381 = tpu.memref_squeeze %dma_start3A_380 : memref<1x128xi32, #tpu.memory_space<vmem>> -> memref<128xi32, #tpu.memory_space<vmem>>
        %dma_start3A_382 = arith.constant 0 : i32
        %dma_start3A_383 = arith.constant 0 : i32
        %dma_start3A_384 = tpu.memref_slice %arg12[%dma_start3A_382, %dma_start3A_383] : memref<10112x128xf32, #tpu.memory_space<vmem_shared>> -> memref<10112x128xf32, #tpu.memory_space<vmem_shared>>
        tpu.enqueue_indirect_dma source(%arg11 : memref<128x128xf32, #tpu.memory_space<vmem>>) target(%dma_start3A_384 : memref<10112x128xf32, #tpu.memory_space<vmem_shared>>) offsets(%dma_start3A_381 : memref<128xi32, #tpu.memory_space<vmem>>) semaphore(%run_scoped3A_378 : memref<!tpu.dma_semaphore, #tpu.memory_space<semaphore_mem>>) {add = true}
        %dma_wait3A_385 = arith.constant 0 : i32
        %dma_wait3A_386 = tpu.memref_slice %arg7[%add3A_345, %dma_wait3A_385] : memref<16x128xi32, #tpu.memory_space<vmem>> -> memref<1x128xi32, #tpu.memory_space<vmem>>
        %dma_wait3A_387 = tpu.memref_squeeze %dma_wait3A_386 : memref<1x128xi32, #tpu.memory_space<vmem>> -> memref<128xi32, #tpu.memory_space<vmem>>
        %dma_wait3A_388 = arith.constant 0 : i32
        %dma_wait3A_389 = arith.constant 0 : i32
        %dma_wait3A_390 = tpu.memref_slice %arg12[%dma_wait3A_388, %dma_wait3A_389] : memref<10112x128xf32, #tpu.memory_space<vmem_shared>> -> memref<10112x128xf32, #tpu.memory_space<vmem_shared>>
        tpu.wait_indirect_dma semaphore(%run_scoped3A_378 : memref<!tpu.dma_semaphore, #tpu.memory_space<semaphore_mem>>) src(%arg11 : memref<128x128xf32, #tpu.memory_space<vmem>>) dst(%dma_wait3A_390 : memref<10112x128xf32, #tpu.memory_space<vmem_shared>>)
        tpu.yield
      }) : () -> ()
      %add3A_360 = arith.constant 2 : i32
      %add3A_361 = arith.addi %add3A_345, %add3A_360 : i32
      %dma_start3A_362 = arith.constant 0 : i32
      %dma_start3A_363 = tpu.memref_slice %arg6[%add3A_361, %dma_start3A_362] : memref<16x128xi32, #tpu.memory_space<vmem>> -> memref<1x128xi32, #tpu.memory_space<vmem>>
      %dma_start3A_364 = tpu.memref_squeeze %dma_start3A_363 : memref<1x128xi32, #tpu.memory_space<vmem>> -> memref<128xi32, #tpu.memory_space<vmem>>
      %dma_start3A_365 = arith.constant 0 : i32
      %dma_start3A_366 = arith.constant 0 : i32
      %dma_start3A_367 = tpu.memref_slice %arg2[%dma_start3A_365, %dma_start3A_366] : memref<10112x128xf32, #tpu.memory_space<hbm>> -> memref<10112x128xf32, #tpu.memory_space<hbm>>
      tpu.enqueue_indirect_dma source(%dma_start3A_367 : memref<10112x128xf32, #tpu.memory_space<hbm>>) target(%arg11 : memref<128x128xf32, #tpu.memory_space<vmem>>) offsets(%dma_start3A_364 : memref<128xi32, #tpu.memory_space<vmem>>) semaphore(%arg14 : memref<!tpu.dma_semaphore, #tpu.memory_space<semaphore_mem>>)
      %add3A_368 = arith.constant 1 : i32
      %add3A_369 = arith.addi %add3A_345, %add3A_368 : i32
      %dma_wait3A_370 = arith.constant 0 : i32
      %dma_wait3A_371 = tpu.memref_slice %arg6[%add3A_369, %dma_wait3A_370] : memref<16x128xi32, #tpu.memory_space<vmem>> -> memref<1x128xi32, #tpu.memory_space<vmem>>
      %dma_wait3A_372 = tpu.memref_squeeze %dma_wait3A_371 : memref<1x128xi32, #tpu.memory_space<vmem>> -> memref<128xi32, #tpu.memory_space<vmem>>
      %dma_wait3A_373 = arith.constant 0 : i32
      %dma_wait3A_374 = arith.constant 0 : i32
      %dma_wait3A_375 = tpu.memref_slice %arg2[%dma_wait3A_373, %dma_wait3A_374] : memref<10112x128xf32, #tpu.memory_space<hbm>> -> memref<10112x128xf32, #tpu.memory_space<hbm>>
      tpu.wait_indirect_dma semaphore(%arg13 : memref<!tpu.dma_semaphore, #tpu.memory_space<semaphore_mem>>) src(%dma_wait3A_375 : memref<10112x128xf32, #tpu.memory_space<hbm>>) dst(%arg10 : memref<128x128xf32, #tpu.memory_space<vmem>>)
      %add3A_376 = arith.constant 1 : i32
      %add3A_377 = arith.addi %add3A_345, %add3A_376 : i32
      "tpu.region"() ({
        %run_scoped3A_378 = tpu.sem_alloc : memref<!tpu.dma_semaphore, #tpu.memory_space<semaphore_mem>>
        %dma_start3A_379 = arith.constant 0 : i32
        %dma_start3A_380 = tpu.memref_slice %arg7[%add3A_377, %dma_start3A_379] : memref<16x128xi32, #tpu.memory_space<vmem>> -> memref<1x128xi32, #tpu.memory_space<vmem>>
        %dma_start3A_381 = tpu.memref_squeeze %dma_start3A_380 : memref<1x128xi32, #tpu.memory_space<vmem>> -> memref<128xi32, #tpu.memory_space<vmem>>
        %dma_start3A_382 = arith.constant 0 : i32
        %dma_start3A_383 = arith.constant 0 : i32
        %dma_start3A_384 = tpu.memref_slice %arg12[%dma_start3A_382, %dma_start3A_383] : memref<10112x128xf32, #tpu.memory_space<vmem_shared>> -> memref<10112x128xf32, #tpu.memory_space<vmem_shared>>
        tpu.enqueue_indirect_dma source(%arg10 : memref<128x128xf32, #tpu.memory_space<vmem>>) target(%dma_start3A_384 : memref<10112x128xf32, #tpu.memory_space<vmem_shared>>) offsets(%dma_start3A_381 : memref<128xi32, #tpu.memory_space<vmem>>) semaphore(%run_scoped3A_378 : memref<!tpu.dma_semaphore, #tpu.memory_space<semaphore_mem>>) {add = true}
        %dma_wait3A_385 = arith.constant 0 : i32
        %dma_wait3A_386 = tpu.memref_slice %arg7[%add3A_377, %dma_wait3A_385] : memref<16x128xi32, #tpu.memory_space<vmem>> -> memref<1x128xi32, #tpu.memory_space<vmem>>
        %dma_wait3A_387 = tpu.memref_squeeze %dma_wait3A_386 : memref<1x128xi32, #tpu.memory_space<vmem>> -> memref<128xi32, #tpu.memory_space<vmem>>
        %dma_wait3A_388 = arith.constant 0 : i32
        %dma_wait3A_389 = arith.constant 0 : i32
        %dma_wait3A_390 = tpu.memref_slice %arg12[%dma_wait3A_388, %dma_wait3A_389] : memref<10112x128xf32, #tpu.memory_space<vmem_shared>> -> memref<10112x128xf32, #tpu.memory_space<vmem_shared>>
        tpu.wait_indirect_dma semaphore(%run_scoped3A_378 : memref<!tpu.dma_semaphore, #tpu.memory_space<semaphore_mem>>) src(%arg10 : memref<128x128xf32, #tpu.memory_space<vmem>>) dst(%dma_wait3A_390 : memref<10112x128xf32, #tpu.memory_space<vmem_shared>>)
        tpu.yield
      }) : () -> ()
    }
    %scan3A_65 = arith.constant 7 : i32
    %dma_start3A_66 = arith.constant 15 : i32
    %dma_start3A_67 = arith.constant 0 : i32
    %dma_start3A_68 = tpu.memref_slice %arg6[%dma_start3A_66, %dma_start3A_67] : memref<16x128xi32, #tpu.memory_space<vmem>> -> memref<1x128xi32, #tpu.memory_space<vmem>>
    %dma_start3A_69 = tpu.memref_squeeze %dma_start3A_68 : memref<1x128xi32, #tpu.memory_space<vmem>> -> memref<128xi32, #tpu.memory_space<vmem>>
    %dma_start3A_70 = arith.constant 0 : i32
    %dma_start3A_71 = arith.constant 0 : i32
    %dma_start3A_72 = tpu.memref_slice %arg2[%dma_start3A_70, %dma_start3A_71] : memref<10112x128xf32, #tpu.memory_space<hbm>> -> memref<10112x128xf32, #tpu.memory_space<hbm>>
    tpu.enqueue_indirect_dma source(%dma_start3A_72 : memref<10112x128xf32, #tpu.memory_space<hbm>>) target(%arg10 : memref<128x128xf32, #tpu.memory_space<vmem>>) offsets(%dma_start3A_69 : memref<128xi32, #tpu.memory_space<vmem>>) semaphore(%arg13 : memref<!tpu.dma_semaphore, #tpu.memory_space<semaphore_mem>>)
    %dma_wait3A_73 = arith.constant 14 : i32
    %dma_wait3A_74 = arith.constant 0 : i32
    %dma_wait3A_75 = tpu.memref_slice %arg6[%dma_wait3A_73, %dma_wait3A_74] : memref<16x128xi32, #tpu.memory_space<vmem>> -> memref<1x128xi32, #tpu.memory_space<vmem>>
    %dma_wait3A_76 = tpu.memref_squeeze %dma_wait3A_75 : memref<1x128xi32, #tpu.memory_space<vmem>> -> memref<128xi32, #tpu.memory_space<vmem>>
    %dma_wait3A_77 = arith.constant 0 : i32
    %dma_wait3A_78 = arith.constant 0 : i32
    %dma_wait3A_79 = tpu.memref_slice %arg2[%dma_wait3A_77, %dma_wait3A_78] : memref<10112x128xf32, #tpu.memory_space<hbm>> -> memref<10112x128xf32, #tpu.memory_space<hbm>>
    tpu.wait_indirect_dma semaphore(%arg14 : memref<!tpu.dma_semaphore, #tpu.memory_space<semaphore_mem>>) src(%dma_wait3A_79 : memref<10112x128xf32, #tpu.memory_space<hbm>>) dst(%arg11 : memref<128x128xf32, #tpu.memory_space<vmem>>)
    %run_scoped3A = arith.constant 14 : i32
    "tpu.region"() ({
      %run_scoped3A_341 = tpu.sem_alloc : memref<!tpu.dma_semaphore, #tpu.memory_space<semaphore_mem>>
      %dma_start3A_342 = arith.constant 0 : i32
      %dma_start3A_343 = tpu.memref_slice %arg7[%run_scoped3A, %dma_start3A_342] : memref<16x128xi32, #tpu.memory_space<vmem>> -> memref<1x128xi32, #tpu.memory_space<vmem>>
      %dma_start3A_344 = tpu.memref_squeeze %dma_start3A_343 : memref<1x128xi32, #tpu.memory_space<vmem>> -> memref<128xi32, #tpu.memory_space<vmem>>
      %dma_start3A_345 = arith.constant 0 : i32
      %dma_start3A_346 = arith.constant 0 : i32
      %dma_start3A_347 = tpu.memref_slice %arg12[%dma_start3A_345, %dma_start3A_346] : memref<10112x128xf32, #tpu.memory_space<vmem_shared>> -> memref<10112x128xf32, #tpu.memory_space<vmem_shared>>
      tpu.enqueue_indirect_dma source(%arg11 : memref<128x128xf32, #tpu.memory_space<vmem>>) target(%dma_start3A_347 : memref<10112x128xf32, #tpu.memory_space<vmem_shared>>) offsets(%dma_start3A_344 : memref<128xi32, #tpu.memory_space<vmem>>) semaphore(%run_scoped3A_341 : memref<!tpu.dma_semaphore, #tpu.memory_space<semaphore_mem>>) {add = true}
      %dma_wait3A_348 = arith.constant 0 : i32
      %dma_wait3A_349 = tpu.memref_slice %arg7[%run_scoped3A, %dma_wait3A_348] : memref<16x128xi32, #tpu.memory_space<vmem>> -> memref<1x128xi32, #tpu.memory_space<vmem>>
      %dma_wait3A_350 = tpu.memref_squeeze %dma_wait3A_349 : memref<1x128xi32, #tpu.memory_space<vmem>> -> memref<128xi32, #tpu.memory_space<vmem>>
      %dma_wait3A_351 = arith.constant 0 : i32
      %dma_wait3A_352 = arith.constant 0 : i32
      %dma_wait3A_353 = tpu.memref_slice %arg12[%dma_wait3A_351, %dma_wait3A_352] : memref<10112x128xf32, #tpu.memory_space<vmem_shared>> -> memref<10112x128xf32, #tpu.memory_space<vmem_shared>>
      tpu.wait_indirect_dma semaphore(%run_scoped3A_341 : memref<!tpu.dma_semaphore, #tpu.memory_space<semaphore_mem>>) src(%arg11 : memref<128x128xf32, #tpu.memory_space<vmem>>) dst(%dma_wait3A_353 : memref<10112x128xf32, #tpu.memory_space<vmem_shared>>)
      tpu.yield
    }) : () -> ()
    %dma_wait3A_80 = arith.constant 16 : i32
    %dma_wait3A_81 = arith.constant 0 : i32
    %dma_wait3A_82 = tpu.memref_slice %arg3[%add3A, %dma_wait3A_80, %dma_wait3A_81] : memref<32x80x128xi32, #tpu.memory_space<hbm>> -> memref<1x16x128xi32, #tpu.memory_space<hbm>>
    %dma_wait3A_83 = tpu.memref_squeeze %dma_wait3A_82 : memref<1x16x128xi32, #tpu.memory_space<hbm>> -> memref<16x128xi32, #tpu.memory_space<hbm>>
    %dma_wait3A_84 = arith.constant 16 : i32
    %dma_wait3A_85 = arith.constant 0 : i32
    %dma_wait3A_86 = tpu.memref_slice %arg3[%add3A, %dma_wait3A_84, %dma_wait3A_85] : memref<32x80x128xi32, #tpu.memory_space<hbm>> -> memref<1x16x128xi32, #tpu.memory_space<hbm>>
    %dma_wait3A_87 = tpu.memref_squeeze %dma_wait3A_86 : memref<1x16x128xi32, #tpu.memory_space<hbm>> -> memref<16x128xi32, #tpu.memory_space<hbm>>
    tpu.wait_dma2 semaphore(%arg15 : memref<!tpu.dma_semaphore, #tpu.memory_space<semaphore_mem>>) src(%dma_wait3A_87 : memref<16x128xi32, #tpu.memory_space<hbm>>) dst(%arg8 : memref<16x128xi32, #tpu.memory_space<vmem>>)
    %dma_wait3A_88 = arith.constant 16 : i32
    %dma_wait3A_89 = arith.constant 0 : i32
    %dma_wait3A_90 = tpu.memref_slice %arg4[%add3A, %dma_wait3A_88, %dma_wait3A_89] : memref<32x80x128xi32, #tpu.memory_space<hbm>> -> memref<1x16x128xi32, #tpu.memory_space<hbm>>
    %dma_wait3A_91 = tpu.memref_squeeze %dma_wait3A_90 : memref<1x16x128xi32, #tpu.memory_space<hbm>> -> memref<16x128xi32, #tpu.memory_space<hbm>>
    %dma_wait3A_92 = arith.constant 16 : i32
    %dma_wait3A_93 = arith.constant 0 : i32
    %dma_wait3A_94 = tpu.memref_slice %arg4[%add3A, %dma_wait3A_92, %dma_wait3A_93] : memref<32x80x128xi32, #tpu.memory_space<hbm>> -> memref<1x16x128xi32, #tpu.memory_space<hbm>>
    %dma_wait3A_95 = tpu.memref_squeeze %dma_wait3A_94 : memref<1x16x128xi32, #tpu.memory_space<hbm>> -> memref<16x128xi32, #tpu.memory_space<hbm>>
    tpu.wait_dma2 semaphore(%arg15 : memref<!tpu.dma_semaphore, #tpu.memory_space<semaphore_mem>>) src(%dma_wait3A_95 : memref<16x128xi32, #tpu.memory_space<hbm>>) dst(%arg9 : memref<16x128xi32, #tpu.memory_space<vmem>>)
    %dma_start3A_96 = arith.constant 0 : i32
    %dma_start3A_97 = arith.constant 0 : i32
    %dma_start3A_98 = tpu.memref_slice %arg8[%dma_start3A_96, %dma_start3A_97] : memref<16x128xi32, #tpu.memory_space<vmem>> -> memref<1x128xi32, #tpu.memory_space<vmem>>
    %dma_start3A_99 = tpu.memref_squeeze %dma_start3A_98 : memref<1x128xi32, #tpu.memory_space<vmem>> -> memref<128xi32, #tpu.memory_space<vmem>>
    %dma_start3A_100 = arith.constant 0 : i32
    %dma_start3A_101 = arith.constant 0 : i32
    %dma_start3A_102 = tpu.memref_slice %arg2[%dma_start3A_100, %dma_start3A_101] : memref<10112x128xf32, #tpu.memory_space<hbm>> -> memref<10112x128xf32, #tpu.memory_space<hbm>>
    tpu.enqueue_indirect_dma source(%dma_start3A_102 : memref<10112x128xf32, #tpu.memory_space<hbm>>) target(%arg11 : memref<128x128xf32, #tpu.memory_space<vmem>>) offsets(%dma_start3A_99 : memref<128xi32, #tpu.memory_space<vmem>>) semaphore(%arg14 : memref<!tpu.dma_semaphore, #tpu.memory_space<semaphore_mem>>)
    %dma_wait3A_103 = arith.constant 15 : i32
    %dma_wait3A_104 = arith.constant 0 : i32
    %dma_wait3A_105 = tpu.memref_slice %arg6[%dma_wait3A_103, %dma_wait3A_104] : memref<16x128xi32, #tpu.memory_space<vmem>> -> memref<1x128xi32, #tpu.memory_space<vmem>>
    %dma_wait3A_106 = tpu.memref_squeeze %dma_wait3A_105 : memref<1x128xi32, #tpu.memory_space<vmem>> -> memref<128xi32, #tpu.memory_space<vmem>>
    %dma_wait3A_107 = arith.constant 0 : i32
    %dma_wait3A_108 = arith.constant 0 : i32
    %dma_wait3A_109 = tpu.memref_slice %arg2[%dma_wait3A_107, %dma_wait3A_108] : memref<10112x128xf32, #tpu.memory_space<hbm>> -> memref<10112x128xf32, #tpu.memory_space<hbm>>
    tpu.wait_indirect_dma semaphore(%arg13 : memref<!tpu.dma_semaphore, #tpu.memory_space<semaphore_mem>>) src(%dma_wait3A_109 : memref<10112x128xf32, #tpu.memory_space<hbm>>) dst(%arg10 : memref<128x128xf32, #tpu.memory_space<vmem>>)
    %run_scoped3A_110 = arith.constant 15 : i32
    "tpu.region"() ({
      %run_scoped3A_341 = tpu.sem_alloc : memref<!tpu.dma_semaphore, #tpu.memory_space<semaphore_mem>>
      %dma_start3A_342 = arith.constant 0 : i32
      %dma_start3A_343 = tpu.memref_slice %arg7[%run_scoped3A_110, %dma_start3A_342] : memref<16x128xi32, #tpu.memory_space<vmem>> -> memref<1x128xi32, #tpu.memory_space<vmem>>
      %dma_start3A_344 = tpu.memref_squeeze %dma_start3A_343 : memref<1x128xi32, #tpu.memory_space<vmem>> -> memref<128xi32, #tpu.memory_space<vmem>>
      %dma_start3A_345 = arith.constant 0 : i32
      %dma_start3A_346 = arith.constant 0 : i32
      %dma_start3A_347 = tpu.memref_slice %arg12[%dma_start3A_345, %dma_start3A_346] : memref<10112x128xf32, #tpu.memory_space<vmem_shared>> -> memref<10112x128xf32, #tpu.memory_space<vmem_shared>>
      tpu.enqueue_indirect_dma source(%arg10 : memref<128x128xf32, #tpu.memory_space<vmem>>) target(%dma_start3A_347 : memref<10112x128xf32, #tpu.memory_space<vmem_shared>>) offsets(%dma_start3A_344 : memref<128xi32, #tpu.memory_space<vmem>>) semaphore(%run_scoped3A_341 : memref<!tpu.dma_semaphore, #tpu.memory_space<semaphore_mem>>) {add = true}
      %dma_wait3A_348 = arith.constant 0 : i32
      %dma_wait3A_349 = tpu.memref_slice %arg7[%run_scoped3A_110, %dma_wait3A_348] : memref<16x128xi32, #tpu.memory_space<vmem>> -> memref<1x128xi32, #tpu.memory_space<vmem>>
      %dma_wait3A_350 = tpu.memref_squeeze %dma_wait3A_349 : memref<1x128xi32, #tpu.memory_space<vmem>> -> memref<128xi32, #tpu.memory_space<vmem>>
      %dma_wait3A_351 = arith.constant 0 : i32
      %dma_wait3A_352 = arith.constant 0 : i32
      %dma_wait3A_353 = tpu.memref_slice %arg12[%dma_wait3A_351, %dma_wait3A_352] : memref<10112x128xf32, #tpu.memory_space<vmem_shared>> -> memref<10112x128xf32, #tpu.memory_space<vmem_shared>>
      tpu.wait_indirect_dma semaphore(%run_scoped3A_341 : memref<!tpu.dma_semaphore, #tpu.memory_space<semaphore_mem>>) src(%arg10 : memref<128x128xf32, #tpu.memory_space<vmem>>) dst(%dma_wait3A_353 : memref<10112x128xf32, #tpu.memory_space<vmem_shared>>)
      tpu.yield
    }) : () -> ()
    %dma_start3A_111 = arith.constant 32 : i32
    %dma_start3A_112 = arith.constant 0 : i32
    %dma_start3A_113 = tpu.memref_slice %arg3[%add3A, %dma_start3A_111, %dma_start3A_112] : memref<32x80x128xi32, #tpu.memory_space<hbm>> -> memref<1x16x128xi32, #tpu.memory_space<hbm>>
    %dma_start3A_114 = tpu.memref_squeeze %dma_start3A_113 : memref<1x16x128xi32, #tpu.memory_space<hbm>> -> memref<16x128xi32, #tpu.memory_space<hbm>>
    %dma_start3A_115 = arith.constant 32 : i32
    %dma_start3A_116 = arith.constant 0 : i32
    %dma_start3A_117 = tpu.memref_slice %arg3[%add3A, %dma_start3A_115, %dma_start3A_116] : memref<32x80x128xi32, #tpu.memory_space<hbm>> -> memref<1x16x128xi32, #tpu.memory_space<hbm>>
    %dma_start3A_118 = tpu.memref_squeeze %dma_start3A_117 : memref<1x16x128xi32, #tpu.memory_space<hbm>> -> memref<16x128xi32, #tpu.memory_space<hbm>>
    tpu.enqueue_dma source(%dma_start3A_118 : memref<16x128xi32, #tpu.memory_space<hbm>>) target(%arg6 : memref<16x128xi32, #tpu.memory_space<vmem>>) target_semaphore(%arg15 : memref<!tpu.dma_semaphore, #tpu.memory_space<semaphore_mem>>)
    %dma_start3A_119 = arith.constant 32 : i32
    %dma_start3A_120 = arith.constant 0 : i32
    %dma_start3A_121 = tpu.memref_slice %arg4[%add3A, %dma_start3A_119, %dma_start3A_120] : memref<32x80x128xi32, #tpu.memory_space<hbm>> -> memref<1x16x128xi32, #tpu.memory_space<hbm>>
    %dma_start3A_122 = tpu.memref_squeeze %dma_start3A_121 : memref<1x16x128xi32, #tpu.memory_space<hbm>> -> memref<16x128xi32, #tpu.memory_space<hbm>>
    %dma_start3A_123 = arith.constant 32 : i32
    %dma_start3A_124 = arith.constant 0 : i32
    %dma_start3A_125 = tpu.memref_slice %arg4[%add3A, %dma_start3A_123, %dma_start3A_124] : memref<32x80x128xi32, #tpu.memory_space<hbm>> -> memref<1x16x128xi32, #tpu.memory_space<hbm>>
    %dma_start3A_126 = tpu.memref_squeeze %dma_start3A_125 : memref<1x16x128xi32, #tpu.memory_space<hbm>> -> memref<16x128xi32, #tpu.memory_space<hbm>>
    tpu.enqueue_dma source(%dma_start3A_126 : memref<16x128xi32, #tpu.memory_space<hbm>>) target(%arg7 : memref<16x128xi32, #tpu.memory_space<vmem>>) target_semaphore(%arg15 : memref<!tpu.dma_semaphore, #tpu.memory_space<semaphore_mem>>)
    %scan3A_127 = arith.constant 0 : i32
    %scan3A_128 = arith.constant 7 : i32
    %scan3A_129 = arith.addi %scan3A_127, %scan3A_128 : i32
    %scan3A_130 = arith.constant 1 : i32
    scf.for %scan3A_341 = %scan3A_127 to %scan3A_129 step %scan3A_130  : i32 {
      %mul3A_342 = arith.constant 2 : i32
      %mul3A_343 = arith.muli %scan3A_341, %mul3A_342 : i32
      %add3A_344 = arith.constant 0 : i32
      %add3A_345 = arith.addi %add3A_344, %mul3A_343 : i32
      %add3A_346 = arith.constant 1 : i32
      %add3A_347 = arith.addi %add3A_345, %add3A_346 : i32
      %dma_start3A_348 = arith.constant 0 : i32
      %dma_start3A_349 = tpu.memref_slice %arg8[%add3A_347, %dma_start3A_348] : memref<16x128xi32, #tpu.memory_space<vmem>> -> memref<1x128xi32, #tpu.memory_space<vmem>>
      %dma_start3A_350 = tpu.memref_squeeze %dma_start3A_349 : memref<1x128xi32, #tpu.memory_space<vmem>> -> memref<128xi32, #tpu.memory_space<vmem>>
      %dma_start3A_351 = arith.constant 0 : i32
      %dma_start3A_352 = arith.constant 0 : i32
      %dma_start3A_353 = tpu.memref_slice %arg2[%dma_start3A_351, %dma_start3A_352] : memref<10112x128xf32, #tpu.memory_space<hbm>> -> memref<10112x128xf32, #tpu.memory_space<hbm>>
      tpu.enqueue_indirect_dma source(%dma_start3A_353 : memref<10112x128xf32, #tpu.memory_space<hbm>>) target(%arg10 : memref<128x128xf32, #tpu.memory_space<vmem>>) offsets(%dma_start3A_350 : memref<128xi32, #tpu.memory_space<vmem>>) semaphore(%arg13 : memref<!tpu.dma_semaphore, #tpu.memory_space<semaphore_mem>>)
      %dma_wait3A_354 = arith.constant 0 : i32
      %dma_wait3A_355 = tpu.memref_slice %arg8[%add3A_345, %dma_wait3A_354] : memref<16x128xi32, #tpu.memory_space<vmem>> -> memref<1x128xi32, #tpu.memory_space<vmem>>
      %dma_wait3A_356 = tpu.memref_squeeze %dma_wait3A_355 : memref<1x128xi32, #tpu.memory_space<vmem>> -> memref<128xi32, #tpu.memory_space<vmem>>
      %dma_wait3A_357 = arith.constant 0 : i32
      %dma_wait3A_358 = arith.constant 0 : i32
      %dma_wait3A_359 = tpu.memref_slice %arg2[%dma_wait3A_357, %dma_wait3A_358] : memref<10112x128xf32, #tpu.memory_space<hbm>> -> memref<10112x128xf32, #tpu.memory_space<hbm>>
      tpu.wait_indirect_dma semaphore(%arg14 : memref<!tpu.dma_semaphore, #tpu.memory_space<semaphore_mem>>) src(%dma_wait3A_359 : memref<10112x128xf32, #tpu.memory_space<hbm>>) dst(%arg11 : memref<128x128xf32, #tpu.memory_space<vmem>>)
      "tpu.region"() ({
        %run_scoped3A_378 = tpu.sem_alloc : memref<!tpu.dma_semaphore, #tpu.memory_space<semaphore_mem>>
        %dma_start3A_379 = arith.constant 0 : i32
        %dma_start3A_380 = tpu.memref_slice %arg9[%add3A_345, %dma_start3A_379] : memref<16x128xi32, #tpu.memory_space<vmem>> -> memref<1x128xi32, #tpu.memory_space<vmem>>
        %dma_start3A_381 = tpu.memref_squeeze %dma_start3A_380 : memref<1x128xi32, #tpu.memory_space<vmem>> -> memref<128xi32, #tpu.memory_space<vmem>>
        %dma_start3A_382 = arith.constant 0 : i32
        %dma_start3A_383 = arith.constant 0 : i32
        %dma_start3A_384 = tpu.memref_slice %arg12[%dma_start3A_382, %dma_start3A_383] : memref<10112x128xf32, #tpu.memory_space<vmem_shared>> -> memref<10112x128xf32, #tpu.memory_space<vmem_shared>>
        tpu.enqueue_indirect_dma source(%arg11 : memref<128x128xf32, #tpu.memory_space<vmem>>) target(%dma_start3A_384 : memref<10112x128xf32, #tpu.memory_space<vmem_shared>>) offsets(%dma_start3A_381 : memref<128xi32, #tpu.memory_space<vmem>>) semaphore(%run_scoped3A_378 : memref<!tpu.dma_semaphore, #tpu.memory_space<semaphore_mem>>) {add = true}
        %dma_wait3A_385 = arith.constant 0 : i32
        %dma_wait3A_386 = tpu.memref_slice %arg9[%add3A_345, %dma_wait3A_385] : memref<16x128xi32, #tpu.memory_space<vmem>> -> memref<1x128xi32, #tpu.memory_space<vmem>>
        %dma_wait3A_387 = tpu.memref_squeeze %dma_wait3A_386 : memref<1x128xi32, #tpu.memory_space<vmem>> -> memref<128xi32, #tpu.memory_space<vmem>>
        %dma_wait3A_388 = arith.constant 0 : i32
        %dma_wait3A_389 = arith.constant 0 : i32
        %dma_wait3A_390 = tpu.memref_slice %arg12[%dma_wait3A_388, %dma_wait3A_389] : memref<10112x128xf32, #tpu.memory_space<vmem_shared>> -> memref<10112x128xf32, #tpu.memory_space<vmem_shared>>
        tpu.wait_indirect_dma semaphore(%run_scoped3A_378 : memref<!tpu.dma_semaphore, #tpu.memory_space<semaphore_mem>>) src(%arg11 : memref<128x128xf32, #tpu.memory_space<vmem>>) dst(%dma_wait3A_390 : memref<10112x128xf32, #tpu.memory_space<vmem_shared>>)
        tpu.yield
      }) : () -> ()
      %add3A_360 = arith.constant 2 : i32
      %add3A_361 = arith.addi %add3A_345, %add3A_360 : i32
      %dma_start3A_362 = arith.constant 0 : i32
      %dma_start3A_363 = tpu.memref_slice %arg8[%add3A_361, %dma_start3A_362] : memref<16x128xi32, #tpu.memory_space<vmem>> -> memref<1x128xi32, #tpu.memory_space<vmem>>
      %dma_start3A_364 = tpu.memref_squeeze %dma_start3A_363 : memref<1x128xi32, #tpu.memory_space<vmem>> -> memref<128xi32, #tpu.memory_space<vmem>>
      %dma_start3A_365 = arith.constant 0 : i32
      %dma_start3A_366 = arith.constant 0 : i32
      %dma_start3A_367 = tpu.memref_slice %arg2[%dma_start3A_365, %dma_start3A_366] : memref<10112x128xf32, #tpu.memory_space<hbm>> -> memref<10112x128xf32, #tpu.memory_space<hbm>>
      tpu.enqueue_indirect_dma source(%dma_start3A_367 : memref<10112x128xf32, #tpu.memory_space<hbm>>) target(%arg11 : memref<128x128xf32, #tpu.memory_space<vmem>>) offsets(%dma_start3A_364 : memref<128xi32, #tpu.memory_space<vmem>>) semaphore(%arg14 : memref<!tpu.dma_semaphore, #tpu.memory_space<semaphore_mem>>)
      %add3A_368 = arith.constant 1 : i32
      %add3A_369 = arith.addi %add3A_345, %add3A_368 : i32
      %dma_wait3A_370 = arith.constant 0 : i32
      %dma_wait3A_371 = tpu.memref_slice %arg8[%add3A_369, %dma_wait3A_370] : memref<16x128xi32, #tpu.memory_space<vmem>> -> memref<1x128xi32, #tpu.memory_space<vmem>>
      %dma_wait3A_372 = tpu.memref_squeeze %dma_wait3A_371 : memref<1x128xi32, #tpu.memory_space<vmem>> -> memref<128xi32, #tpu.memory_space<vmem>>
      %dma_wait3A_373 = arith.constant 0 : i32
      %dma_wait3A_374 = arith.constant 0 : i32
      %dma_wait3A_375 = tpu.memref_slice %arg2[%dma_wait3A_373, %dma_wait3A_374] : memref<10112x128xf32, #tpu.memory_space<hbm>> -> memref<10112x128xf32, #tpu.memory_space<hbm>>
      tpu.wait_indirect_dma semaphore(%arg13 : memref<!tpu.dma_semaphore, #tpu.memory_space<semaphore_mem>>) src(%dma_wait3A_375 : memref<10112x128xf32, #tpu.memory_space<hbm>>) dst(%arg10 : memref<128x128xf32, #tpu.memory_space<vmem>>)
      %add3A_376 = arith.constant 1 : i32
      %add3A_377 = arith.addi %add3A_345, %add3A_376 : i32
      "tpu.region"() ({
        %run_scoped3A_378 = tpu.sem_alloc : memref<!tpu.dma_semaphore, #tpu.memory_space<semaphore_mem>>
        %dma_start3A_379 = arith.constant 0 : i32
        %dma_start3A_380 = tpu.memref_slice %arg9[%add3A_377, %dma_start3A_379] : memref<16x128xi32, #tpu.memory_space<vmem>> -> memref<1x128xi32, #tpu.memory_space<vmem>>
        %dma_start3A_381 = tpu.memref_squeeze %dma_start3A_380 : memref<1x128xi32, #tpu.memory_space<vmem>> -> memref<128xi32, #tpu.memory_space<vmem>>
        %dma_start3A_382 = arith.constant 0 : i32
        %dma_start3A_383 = arith.constant 0 : i32
        %dma_start3A_384 = tpu.memref_slice %arg12[%dma_start3A_382, %dma_start3A_383] : memref<10112x128xf32, #tpu.memory_space<vmem_shared>> -> memref<10112x128xf32, #tpu.memory_space<vmem_shared>>
        tpu.enqueue_indirect_dma source(%arg10 : memref<128x128xf32, #tpu.memory_space<vmem>>) target(%dma_start3A_384 : memref<10112x128xf32, #tpu.memory_space<vmem_shared>>) offsets(%dma_start3A_381 : memref<128xi32, #tpu.memory_space<vmem>>) semaphore(%run_scoped3A_378 : memref<!tpu.dma_semaphore, #tpu.memory_space<semaphore_mem>>) {add = true}
        %dma_wait3A_385 = arith.constant 0 : i32
        %dma_wait3A_386 = tpu.memref_slice %arg9[%add3A_377, %dma_wait3A_385] : memref<16x128xi32, #tpu.memory_space<vmem>> -> memref<1x128xi32, #tpu.memory_space<vmem>>
        %dma_wait3A_387 = tpu.memref_squeeze %dma_wait3A_386 : memref<1x128xi32, #tpu.memory_space<vmem>> -> memref<128xi32, #tpu.memory_space<vmem>>
        %dma_wait3A_388 = arith.constant 0 : i32
        %dma_wait3A_389 = arith.constant 0 : i32
        %dma_wait3A_390 = tpu.memref_slice %arg12[%dma_wait3A_388, %dma_wait3A_389] : memref<10112x128xf32, #tpu.memory_space<vmem_shared>> -> memref<10112x128xf32, #tpu.memory_space<vmem_shared>>
        tpu.wait_indirect_dma semaphore(%run_scoped3A_378 : memref<!tpu.dma_semaphore, #tpu.memory_space<semaphore_mem>>) src(%arg10 : memref<128x128xf32, #tpu.memory_space<vmem>>) dst(%dma_wait3A_390 : memref<10112x128xf32, #tpu.memory_space<vmem_shared>>)
        tpu.yield
      }) : () -> ()
    }
    %scan3A_131 = arith.constant 7 : i32
    %dma_start3A_132 = arith.constant 15 : i32
    %dma_start3A_133 = arith.constant 0 : i32
    %dma_start3A_134 = tpu.memref_slice %arg8[%dma_start3A_132, %dma_start3A_133] : memref<16x128xi32, #tpu.memory_space<vmem>> -> memref<1x128xi32, #tpu.memory_space<vmem>>
    %dma_start3A_135 = tpu.memref_squeeze %dma_start3A_134 : memref<1x128xi32, #tpu.memory_space<vmem>> -> memref<128xi32, #tpu.memory_space<vmem>>
    %dma_start3A_136 = arith.constant 0 : i32
    %dma_start3A_137 = arith.constant 0 : i32
    %dma_start3A_138 = tpu.memref_slice %arg2[%dma_start3A_136, %dma_start3A_137] : memref<10112x128xf32, #tpu.memory_space<hbm>> -> memref<10112x128xf32, #tpu.memory_space<hbm>>
    tpu.enqueue_indirect_dma source(%dma_start3A_138 : memref<10112x128xf32, #tpu.memory_space<hbm>>) target(%arg10 : memref<128x128xf32, #tpu.memory_space<vmem>>) offsets(%dma_start3A_135 : memref<128xi32, #tpu.memory_space<vmem>>) semaphore(%arg13 : memref<!tpu.dma_semaphore, #tpu.memory_space<semaphore_mem>>)
    %dma_wait3A_139 = arith.constant 14 : i32
    %dma_wait3A_140 = arith.constant 0 : i32
    %dma_wait3A_141 = tpu.memref_slice %arg8[%dma_wait3A_139, %dma_wait3A_140] : memref<16x128xi32, #tpu.memory_space<vmem>> -> memref<1x128xi32, #tpu.memory_space<vmem>>
    %dma_wait3A_142 = tpu.memref_squeeze %dma_wait3A_141 : memref<1x128xi32, #tpu.memory_space<vmem>> -> memref<128xi32, #tpu.memory_space<vmem>>
    %dma_wait3A_143 = arith.constant 0 : i32
    %dma_wait3A_144 = arith.constant 0 : i32
    %dma_wait3A_145 = tpu.memref_slice %arg2[%dma_wait3A_143, %dma_wait3A_144] : memref<10112x128xf32, #tpu.memory_space<hbm>> -> memref<10112x128xf32, #tpu.memory_space<hbm>>
    tpu.wait_indirect_dma semaphore(%arg14 : memref<!tpu.dma_semaphore, #tpu.memory_space<semaphore_mem>>) src(%dma_wait3A_145 : memref<10112x128xf32, #tpu.memory_space<hbm>>) dst(%arg11 : memref<128x128xf32, #tpu.memory_space<vmem>>)
    %run_scoped3A_146 = arith.constant 14 : i32
    "tpu.region"() ({
      %run_scoped3A_341 = tpu.sem_alloc : memref<!tpu.dma_semaphore, #tpu.memory_space<semaphore_mem>>
      %dma_start3A_342 = arith.constant 0 : i32
      %dma_start3A_343 = tpu.memref_slice %arg9[%run_scoped3A_146, %dma_start3A_342] : memref<16x128xi32, #tpu.memory_space<vmem>> -> memref<1x128xi32, #tpu.memory_space<vmem>>
      %dma_start3A_344 = tpu.memref_squeeze %dma_start3A_343 : memref<1x128xi32, #tpu.memory_space<vmem>> -> memref<128xi32, #tpu.memory_space<vmem>>
      %dma_start3A_345 = arith.constant 0 : i32
      %dma_start3A_346 = arith.constant 0 : i32
      %dma_start3A_347 = tpu.memref_slice %arg12[%dma_start3A_345, %dma_start3A_346] : memref<10112x128xf32, #tpu.memory_space<vmem_shared>> -> memref<10112x128xf32, #tpu.memory_space<vmem_shared>>
      tpu.enqueue_indirect_dma source(%arg11 : memref<128x128xf32, #tpu.memory_space<vmem>>) target(%dma_start3A_347 : memref<10112x128xf32, #tpu.memory_space<vmem_shared>>) offsets(%dma_start3A_344 : memref<128xi32, #tpu.memory_space<vmem>>) semaphore(%run_scoped3A_341 : memref<!tpu.dma_semaphore, #tpu.memory_space<semaphore_mem>>) {add = true}
      %dma_wait3A_348 = arith.constant 0 : i32
      %dma_wait3A_349 = tpu.memref_slice %arg9[%run_scoped3A_146, %dma_wait3A_348] : memref<16x128xi32, #tpu.memory_space<vmem>> -> memref<1x128xi32, #tpu.memory_space<vmem>>
      %dma_wait3A_350 = tpu.memref_squeeze %dma_wait3A_349 : memref<1x128xi32, #tpu.memory_space<vmem>> -> memref<128xi32, #tpu.memory_space<vmem>>
      %dma_wait3A_351 = arith.constant 0 : i32
      %dma_wait3A_352 = arith.constant 0 : i32
      %dma_wait3A_353 = tpu.memref_slice %arg12[%dma_wait3A_351, %dma_wait3A_352] : memref<10112x128xf32, #tpu.memory_space<vmem_shared>> -> memref<10112x128xf32, #tpu.memory_space<vmem_shared>>
      tpu.wait_indirect_dma semaphore(%run_scoped3A_341 : memref<!tpu.dma_semaphore, #tpu.memory_space<semaphore_mem>>) src(%arg11 : memref<128x128xf32, #tpu.memory_space<vmem>>) dst(%dma_wait3A_353 : memref<10112x128xf32, #tpu.memory_space<vmem_shared>>)
      tpu.yield
    }) : () -> ()
    %dma_wait3A_147 = arith.constant 32 : i32
    %dma_wait3A_148 = arith.constant 0 : i32
    %dma_wait3A_149 = tpu.memref_slice %arg3[%add3A, %dma_wait3A_147, %dma_wait3A_148] : memref<32x80x128xi32, #tpu.memory_space<hbm>> -> memref<1x16x128xi32, #tpu.memory_space<hbm>>
    %dma_wait3A_150 = tpu.memref_squeeze %dma_wait3A_149 : memref<1x16x128xi32, #tpu.memory_space<hbm>> -> memref<16x128xi32, #tpu.memory_space<hbm>>
    %dma_wait3A_151 = arith.constant 32 : i32
    %dma_wait3A_152 = arith.constant 0 : i32
    %dma_wait3A_153 = tpu.memref_slice %arg3[%add3A, %dma_wait3A_151, %dma_wait3A_152] : memref<32x80x128xi32, #tpu.memory_space<hbm>> -> memref<1x16x128xi32, #tpu.memory_space<hbm>>
    %dma_wait3A_154 = tpu.memref_squeeze %dma_wait3A_153 : memref<1x16x128xi32, #tpu.memory_space<hbm>> -> memref<16x128xi32, #tpu.memory_space<hbm>>
    tpu.wait_dma2 semaphore(%arg15 : memref<!tpu.dma_semaphore, #tpu.memory_space<semaphore_mem>>) src(%dma_wait3A_154 : memref<16x128xi32, #tpu.memory_space<hbm>>) dst(%arg6 : memref<16x128xi32, #tpu.memory_space<vmem>>)
    %dma_wait3A_155 = arith.constant 32 : i32
    %dma_wait3A_156 = arith.constant 0 : i32
    %dma_wait3A_157 = tpu.memref_slice %arg4[%add3A, %dma_wait3A_155, %dma_wait3A_156] : memref<32x80x128xi32, #tpu.memory_space<hbm>> -> memref<1x16x128xi32, #tpu.memory_space<hbm>>
    %dma_wait3A_158 = tpu.memref_squeeze %dma_wait3A_157 : memref<1x16x128xi32, #tpu.memory_space<hbm>> -> memref<16x128xi32, #tpu.memory_space<hbm>>
    %dma_wait3A_159 = arith.constant 32 : i32
    %dma_wait3A_160 = arith.constant 0 : i32
    %dma_wait3A_161 = tpu.memref_slice %arg4[%add3A, %dma_wait3A_159, %dma_wait3A_160] : memref<32x80x128xi32, #tpu.memory_space<hbm>> -> memref<1x16x128xi32, #tpu.memory_space<hbm>>
    %dma_wait3A_162 = tpu.memref_squeeze %dma_wait3A_161 : memref<1x16x128xi32, #tpu.memory_space<hbm>> -> memref<16x128xi32, #tpu.memory_space<hbm>>
    tpu.wait_dma2 semaphore(%arg15 : memref<!tpu.dma_semaphore, #tpu.memory_space<semaphore_mem>>) src(%dma_wait3A_162 : memref<16x128xi32, #tpu.memory_space<hbm>>) dst(%arg7 : memref<16x128xi32, #tpu.memory_space<vmem>>)
    %dma_start3A_163 = arith.constant 0 : i32
    %dma_start3A_164 = arith.constant 0 : i32
    %dma_start3A_165 = tpu.memref_slice %arg6[%dma_start3A_163, %dma_start3A_164] : memref<16x128xi32, #tpu.memory_space<vmem>> -> memref<1x128xi32, #tpu.memory_space<vmem>>
    %dma_start3A_166 = tpu.memref_squeeze %dma_start3A_165 : memref<1x128xi32, #tpu.memory_space<vmem>> -> memref<128xi32, #tpu.memory_space<vmem>>
    %dma_start3A_167 = arith.constant 0 : i32
    %dma_start3A_168 = arith.constant 0 : i32
    %dma_start3A_169 = tpu.memref_slice %arg2[%dma_start3A_167, %dma_start3A_168] : memref<10112x128xf32, #tpu.memory_space<hbm>> -> memref<10112x128xf32, #tpu.memory_space<hbm>>
    tpu.enqueue_indirect_dma source(%dma_start3A_169 : memref<10112x128xf32, #tpu.memory_space<hbm>>) target(%arg11 : memref<128x128xf32, #tpu.memory_space<vmem>>) offsets(%dma_start3A_166 : memref<128xi32, #tpu.memory_space<vmem>>) semaphore(%arg14 : memref<!tpu.dma_semaphore, #tpu.memory_space<semaphore_mem>>)
    %dma_wait3A_170 = arith.constant 15 : i32
    %dma_wait3A_171 = arith.constant 0 : i32
    %dma_wait3A_172 = tpu.memref_slice %arg8[%dma_wait3A_170, %dma_wait3A_171] : memref<16x128xi32, #tpu.memory_space<vmem>> -> memref<1x128xi32, #tpu.memory_space<vmem>>
    %dma_wait3A_173 = tpu.memref_squeeze %dma_wait3A_172 : memref<1x128xi32, #tpu.memory_space<vmem>> -> memref<128xi32, #tpu.memory_space<vmem>>
    %dma_wait3A_174 = arith.constant 0 : i32
    %dma_wait3A_175 = arith.constant 0 : i32
    %dma_wait3A_176 = tpu.memref_slice %arg2[%dma_wait3A_174, %dma_wait3A_175] : memref<10112x128xf32, #tpu.memory_space<hbm>> -> memref<10112x128xf32, #tpu.memory_space<hbm>>
    tpu.wait_indirect_dma semaphore(%arg13 : memref<!tpu.dma_semaphore, #tpu.memory_space<semaphore_mem>>) src(%dma_wait3A_176 : memref<10112x128xf32, #tpu.memory_space<hbm>>) dst(%arg10 : memref<128x128xf32, #tpu.memory_space<vmem>>)
    %run_scoped3A_177 = arith.constant 15 : i32
    "tpu.region"() ({
      %run_scoped3A_341 = tpu.sem_alloc : memref<!tpu.dma_semaphore, #tpu.memory_space<semaphore_mem>>
      %dma_start3A_342 = arith.constant 0 : i32
      %dma_start3A_343 = tpu.memref_slice %arg9[%run_scoped3A_177, %dma_start3A_342] : memref<16x128xi32, #tpu.memory_space<vmem>> -> memref<1x128xi32, #tpu.memory_space<vmem>>
      %dma_start3A_344 = tpu.memref_squeeze %dma_start3A_343 : memref<1x128xi32, #tpu.memory_space<vmem>> -> memref<128xi32, #tpu.memory_space<vmem>>
      %dma_start3A_345 = arith.constant 0 : i32
      %dma_start3A_346 = arith.constant 0 : i32
      %dma_start3A_347 = tpu.memref_slice %arg12[%dma_start3A_345, %dma_start3A_346] : memref<10112x128xf32, #tpu.memory_space<vmem_shared>> -> memref<10112x128xf32, #tpu.memory_space<vmem_shared>>
      tpu.enqueue_indirect_dma source(%arg10 : memref<128x128xf32, #tpu.memory_space<vmem>>) target(%dma_start3A_347 : memref<10112x128xf32, #tpu.memory_space<vmem_shared>>) offsets(%dma_start3A_344 : memref<128xi32, #tpu.memory_space<vmem>>) semaphore(%run_scoped3A_341 : memref<!tpu.dma_semaphore, #tpu.memory_space<semaphore_mem>>) {add = true}
      %dma_wait3A_348 = arith.constant 0 : i32
      %dma_wait3A_349 = tpu.memref_slice %arg9[%run_scoped3A_177, %dma_wait3A_348] : memref<16x128xi32, #tpu.memory_space<vmem>> -> memref<1x128xi32, #tpu.memory_space<vmem>>
      %dma_wait3A_350 = tpu.memref_squeeze %dma_wait3A_349 : memref<1x128xi32, #tpu.memory_space<vmem>> -> memref<128xi32, #tpu.memory_space<vmem>>
      %dma_wait3A_351 = arith.constant 0 : i32
      %dma_wait3A_352 = arith.constant 0 : i32
      %dma_wait3A_353 = tpu.memref_slice %arg12[%dma_wait3A_351, %dma_wait3A_352] : memref<10112x128xf32, #tpu.memory_space<vmem_shared>> -> memref<10112x128xf32, #tpu.memory_space<vmem_shared>>
      tpu.wait_indirect_dma semaphore(%run_scoped3A_341 : memref<!tpu.dma_semaphore, #tpu.memory_space<semaphore_mem>>) src(%arg10 : memref<128x128xf32, #tpu.memory_space<vmem>>) dst(%dma_wait3A_353 : memref<10112x128xf32, #tpu.memory_space<vmem_shared>>)
      tpu.yield
    }) : () -> ()
    %dma_start3A_178 = arith.constant 48 : i32
    %dma_start3A_179 = arith.constant 0 : i32
    %dma_start3A_180 = tpu.memref_slice %arg3[%add3A, %dma_start3A_178, %dma_start3A_179] : memref<32x80x128xi32, #tpu.memory_space<hbm>> -> memref<1x16x128xi32, #tpu.memory_space<hbm>>
    %dma_start3A_181 = tpu.memref_squeeze %dma_start3A_180 : memref<1x16x128xi32, #tpu.memory_space<hbm>> -> memref<16x128xi32, #tpu.memory_space<hbm>>
    %dma_start3A_182 = arith.constant 48 : i32
    %dma_start3A_183 = arith.constant 0 : i32
    %dma_start3A_184 = tpu.memref_slice %arg3[%add3A, %dma_start3A_182, %dma_start3A_183] : memref<32x80x128xi32, #tpu.memory_space<hbm>> -> memref<1x16x128xi32, #tpu.memory_space<hbm>>
    %dma_start3A_185 = tpu.memref_squeeze %dma_start3A_184 : memref<1x16x128xi32, #tpu.memory_space<hbm>> -> memref<16x128xi32, #tpu.memory_space<hbm>>
    tpu.enqueue_dma source(%dma_start3A_185 : memref<16x128xi32, #tpu.memory_space<hbm>>) target(%arg8 : memref<16x128xi32, #tpu.memory_space<vmem>>) target_semaphore(%arg15 : memref<!tpu.dma_semaphore, #tpu.memory_space<semaphore_mem>>)
    %dma_start3A_186 = arith.constant 48 : i32
    %dma_start3A_187 = arith.constant 0 : i32
    %dma_start3A_188 = tpu.memref_slice %arg4[%add3A, %dma_start3A_186, %dma_start3A_187] : memref<32x80x128xi32, #tpu.memory_space<hbm>> -> memref<1x16x128xi32, #tpu.memory_space<hbm>>
    %dma_start3A_189 = tpu.memref_squeeze %dma_start3A_188 : memref<1x16x128xi32, #tpu.memory_space<hbm>> -> memref<16x128xi32, #tpu.memory_space<hbm>>
    %dma_start3A_190 = arith.constant 48 : i32
    %dma_start3A_191 = arith.constant 0 : i32
    %dma_start3A_192 = tpu.memref_slice %arg4[%add3A, %dma_start3A_190, %dma_start3A_191] : memref<32x80x128xi32, #tpu.memory_space<hbm>> -> memref<1x16x128xi32, #tpu.memory_space<hbm>>
    %dma_start3A_193 = tpu.memref_squeeze %dma_start3A_192 : memref<1x16x128xi32, #tpu.memory_space<hbm>> -> memref<16x128xi32, #tpu.memory_space<hbm>>
    tpu.enqueue_dma source(%dma_start3A_193 : memref<16x128xi32, #tpu.memory_space<hbm>>) target(%arg9 : memref<16x128xi32, #tpu.memory_space<vmem>>) target_semaphore(%arg15 : memref<!tpu.dma_semaphore, #tpu.memory_space<semaphore_mem>>)
    %scan3A_194 = arith.constant 0 : i32
    %scan3A_195 = arith.constant 7 : i32
    %scan3A_196 = arith.addi %scan3A_194, %scan3A_195 : i32
    %scan3A_197 = arith.constant 1 : i32
    scf.for %scan3A_341 = %scan3A_194 to %scan3A_196 step %scan3A_197  : i32 {
      %mul3A_342 = arith.constant 2 : i32
      %mul3A_343 = arith.muli %scan3A_341, %mul3A_342 : i32
      %add3A_344 = arith.constant 0 : i32
      %add3A_345 = arith.addi %add3A_344, %mul3A_343 : i32
      %add3A_346 = arith.constant 1 : i32
      %add3A_347 = arith.addi %add3A_345, %add3A_346 : i32
      %dma_start3A_348 = arith.constant 0 : i32
      %dma_start3A_349 = tpu.memref_slice %arg6[%add3A_347, %dma_start3A_348] : memref<16x128xi32, #tpu.memory_space<vmem>> -> memref<1x128xi32, #tpu.memory_space<vmem>>
      %dma_start3A_350 = tpu.memref_squeeze %dma_start3A_349 : memref<1x128xi32, #tpu.memory_space<vmem>> -> memref<128xi32, #tpu.memory_space<vmem>>
      %dma_start3A_351 = arith.constant 0 : i32
      %dma_start3A_352 = arith.constant 0 : i32
      %dma_start3A_353 = tpu.memref_slice %arg2[%dma_start3A_351, %dma_start3A_352] : memref<10112x128xf32, #tpu.memory_space<hbm>> -> memref<10112x128xf32, #tpu.memory_space<hbm>>
      tpu.enqueue_indirect_dma source(%dma_start3A_353 : memref<10112x128xf32, #tpu.memory_space<hbm>>) target(%arg10 : memref<128x128xf32, #tpu.memory_space<vmem>>) offsets(%dma_start3A_350 : memref<128xi32, #tpu.memory_space<vmem>>) semaphore(%arg13 : memref<!tpu.dma_semaphore, #tpu.memory_space<semaphore_mem>>)
      %dma_wait3A_354 = arith.constant 0 : i32
      %dma_wait3A_355 = tpu.memref_slice %arg6[%add3A_345, %dma_wait3A_354] : memref<16x128xi32, #tpu.memory_space<vmem>> -> memref<1x128xi32, #tpu.memory_space<vmem>>
      %dma_wait3A_356 = tpu.memref_squeeze %dma_wait3A_355 : memref<1x128xi32, #tpu.memory_space<vmem>> -> memref<128xi32, #tpu.memory_space<vmem>>
      %dma_wait3A_357 = arith.constant 0 : i32
      %dma_wait3A_358 = arith.constant 0 : i32
      %dma_wait3A_359 = tpu.memref_slice %arg2[%dma_wait3A_357, %dma_wait3A_358] : memref<10112x128xf32, #tpu.memory_space<hbm>> -> memref<10112x128xf32, #tpu.memory_space<hbm>>
      tpu.wait_indirect_dma semaphore(%arg14 : memref<!tpu.dma_semaphore, #tpu.memory_space<semaphore_mem>>) src(%dma_wait3A_359 : memref<10112x128xf32, #tpu.memory_space<hbm>>) dst(%arg11 : memref<128x128xf32, #tpu.memory_space<vmem>>)
      "tpu.region"() ({
        %run_scoped3A_378 = tpu.sem_alloc : memref<!tpu.dma_semaphore, #tpu.memory_space<semaphore_mem>>
        %dma_start3A_379 = arith.constant 0 : i32
        %dma_start3A_380 = tpu.memref_slice %arg7[%add3A_345, %dma_start3A_379] : memref<16x128xi32, #tpu.memory_space<vmem>> -> memref<1x128xi32, #tpu.memory_space<vmem>>
        %dma_start3A_381 = tpu.memref_squeeze %dma_start3A_380 : memref<1x128xi32, #tpu.memory_space<vmem>> -> memref<128xi32, #tpu.memory_space<vmem>>
        %dma_start3A_382 = arith.constant 0 : i32
        %dma_start3A_383 = arith.constant 0 : i32
        %dma_start3A_384 = tpu.memref_slice %arg12[%dma_start3A_382, %dma_start3A_383] : memref<10112x128xf32, #tpu.memory_space<vmem_shared>> -> memref<10112x128xf32, #tpu.memory_space<vmem_shared>>
        tpu.enqueue_indirect_dma source(%arg11 : memref<128x128xf32, #tpu.memory_space<vmem>>) target(%dma_start3A_384 : memref<10112x128xf32, #tpu.memory_space<vmem_shared>>) offsets(%dma_start3A_381 : memref<128xi32, #tpu.memory_space<vmem>>) semaphore(%run_scoped3A_378 : memref<!tpu.dma_semaphore, #tpu.memory_space<semaphore_mem>>) {add = true}
        %dma_wait3A_385 = arith.constant 0 : i32
        %dma_wait3A_386 = tpu.memref_slice %arg7[%add3A_345, %dma_wait3A_385] : memref<16x128xi32, #tpu.memory_space<vmem>> -> memref<1x128xi32, #tpu.memory_space<vmem>>
        %dma_wait3A_387 = tpu.memref_squeeze %dma_wait3A_386 : memref<1x128xi32, #tpu.memory_space<vmem>> -> memref<128xi32, #tpu.memory_space<vmem>>
        %dma_wait3A_388 = arith.constant 0 : i32
        %dma_wait3A_389 = arith.constant 0 : i32
        %dma_wait3A_390 = tpu.memref_slice %arg12[%dma_wait3A_388, %dma_wait3A_389] : memref<10112x128xf32, #tpu.memory_space<vmem_shared>> -> memref<10112x128xf32, #tpu.memory_space<vmem_shared>>
        tpu.wait_indirect_dma semaphore(%run_scoped3A_378 : memref<!tpu.dma_semaphore, #tpu.memory_space<semaphore_mem>>) src(%arg11 : memref<128x128xf32, #tpu.memory_space<vmem>>) dst(%dma_wait3A_390 : memref<10112x128xf32, #tpu.memory_space<vmem_shared>>)
        tpu.yield
      }) : () -> ()
      %add3A_360 = arith.constant 2 : i32
      %add3A_361 = arith.addi %add3A_345, %add3A_360 : i32
      %dma_start3A_362 = arith.constant 0 : i32
      %dma_start3A_363 = tpu.memref_slice %arg6[%add3A_361, %dma_start3A_362] : memref<16x128xi32, #tpu.memory_space<vmem>> -> memref<1x128xi32, #tpu.memory_space<vmem>>
      %dma_start3A_364 = tpu.memref_squeeze %dma_start3A_363 : memref<1x128xi32, #tpu.memory_space<vmem>> -> memref<128xi32, #tpu.memory_space<vmem>>
      %dma_start3A_365 = arith.constant 0 : i32
      %dma_start3A_366 = arith.constant 0 : i32
      %dma_start3A_367 = tpu.memref_slice %arg2[%dma_start3A_365, %dma_start3A_366] : memref<10112x128xf32, #tpu.memory_space<hbm>> -> memref<10112x128xf32, #tpu.memory_space<hbm>>
      tpu.enqueue_indirect_dma source(%dma_start3A_367 : memref<10112x128xf32, #tpu.memory_space<hbm>>) target(%arg11 : memref<128x128xf32, #tpu.memory_space<vmem>>) offsets(%dma_start3A_364 : memref<128xi32, #tpu.memory_space<vmem>>) semaphore(%arg14 : memref<!tpu.dma_semaphore, #tpu.memory_space<semaphore_mem>>)
      %add3A_368 = arith.constant 1 : i32
      %add3A_369 = arith.addi %add3A_345, %add3A_368 : i32
      %dma_wait3A_370 = arith.constant 0 : i32
      %dma_wait3A_371 = tpu.memref_slice %arg6[%add3A_369, %dma_wait3A_370] : memref<16x128xi32, #tpu.memory_space<vmem>> -> memref<1x128xi32, #tpu.memory_space<vmem>>
      %dma_wait3A_372 = tpu.memref_squeeze %dma_wait3A_371 : memref<1x128xi32, #tpu.memory_space<vmem>> -> memref<128xi32, #tpu.memory_space<vmem>>
      %dma_wait3A_373 = arith.constant 0 : i32
      %dma_wait3A_374 = arith.constant 0 : i32
      %dma_wait3A_375 = tpu.memref_slice %arg2[%dma_wait3A_373, %dma_wait3A_374] : memref<10112x128xf32, #tpu.memory_space<hbm>> -> memref<10112x128xf32, #tpu.memory_space<hbm>>
      tpu.wait_indirect_dma semaphore(%arg13 : memref<!tpu.dma_semaphore, #tpu.memory_space<semaphore_mem>>) src(%dma_wait3A_375 : memref<10112x128xf32, #tpu.memory_space<hbm>>) dst(%arg10 : memref<128x128xf32, #tpu.memory_space<vmem>>)
      %add3A_376 = arith.constant 1 : i32
      %add3A_377 = arith.addi %add3A_345, %add3A_376 : i32
      "tpu.region"() ({
        %run_scoped3A_378 = tpu.sem_alloc : memref<!tpu.dma_semaphore, #tpu.memory_space<semaphore_mem>>
        %dma_start3A_379 = arith.constant 0 : i32
        %dma_start3A_380 = tpu.memref_slice %arg7[%add3A_377, %dma_start3A_379] : memref<16x128xi32, #tpu.memory_space<vmem>> -> memref<1x128xi32, #tpu.memory_space<vmem>>
        %dma_start3A_381 = tpu.memref_squeeze %dma_start3A_380 : memref<1x128xi32, #tpu.memory_space<vmem>> -> memref<128xi32, #tpu.memory_space<vmem>>
        %dma_start3A_382 = arith.constant 0 : i32
        %dma_start3A_383 = arith.constant 0 : i32
        %dma_start3A_384 = tpu.memref_slice %arg12[%dma_start3A_382, %dma_start3A_383] : memref<10112x128xf32, #tpu.memory_space<vmem_shared>> -> memref<10112x128xf32, #tpu.memory_space<vmem_shared>>
        tpu.enqueue_indirect_dma source(%arg10 : memref<128x128xf32, #tpu.memory_space<vmem>>) target(%dma_start3A_384 : memref<10112x128xf32, #tpu.memory_space<vmem_shared>>) offsets(%dma_start3A_381 : memref<128xi32, #tpu.memory_space<vmem>>) semaphore(%run_scoped3A_378 : memref<!tpu.dma_semaphore, #tpu.memory_space<semaphore_mem>>) {add = true}
        %dma_wait3A_385 = arith.constant 0 : i32
        %dma_wait3A_386 = tpu.memref_slice %arg7[%add3A_377, %dma_wait3A_385] : memref<16x128xi32, #tpu.memory_space<vmem>> -> memref<1x128xi32, #tpu.memory_space<vmem>>
        %dma_wait3A_387 = tpu.memref_squeeze %dma_wait3A_386 : memref<1x128xi32, #tpu.memory_space<vmem>> -> memref<128xi32, #tpu.memory_space<vmem>>
        %dma_wait3A_388 = arith.constant 0 : i32
        %dma_wait3A_389 = arith.constant 0 : i32
        %dma_wait3A_390 = tpu.memref_slice %arg12[%dma_wait3A_388, %dma_wait3A_389] : memref<10112x128xf32, #tpu.memory_space<vmem_shared>> -> memref<10112x128xf32, #tpu.memory_space<vmem_shared>>
        tpu.wait_indirect_dma semaphore(%run_scoped3A_378 : memref<!tpu.dma_semaphore, #tpu.memory_space<semaphore_mem>>) src(%arg10 : memref<128x128xf32, #tpu.memory_space<vmem>>) dst(%dma_wait3A_390 : memref<10112x128xf32, #tpu.memory_space<vmem_shared>>)
        tpu.yield
      }) : () -> ()
    }
    %scan3A_198 = arith.constant 7 : i32
    %dma_start3A_199 = arith.constant 15 : i32
    %dma_start3A_200 = arith.constant 0 : i32
    %dma_start3A_201 = tpu.memref_slice %arg6[%dma_start3A_199, %dma_start3A_200] : memref<16x128xi32, #tpu.memory_space<vmem>> -> memref<1x128xi32, #tpu.memory_space<vmem>>
    %dma_start3A_202 = tpu.memref_squeeze %dma_start3A_201 : memref<1x128xi32, #tpu.memory_space<vmem>> -> memref<128xi32, #tpu.memory_space<vmem>>
    %dma_start3A_203 = arith.constant 0 : i32
    %dma_start3A_204 = arith.constant 0 : i32
    %dma_start3A_205 = tpu.memref_slice %arg2[%dma_start3A_203, %dma_start3A_204] : memref<10112x128xf32, #tpu.memory_space<hbm>> -> memref<10112x128xf32, #tpu.memory_space<hbm>>
    tpu.enqueue_indirect_dma source(%dma_start3A_205 : memref<10112x128xf32, #tpu.memory_space<hbm>>) target(%arg10 : memref<128x128xf32, #tpu.memory_space<vmem>>) offsets(%dma_start3A_202 : memref<128xi32, #tpu.memory_space<vmem>>) semaphore(%arg13 : memref<!tpu.dma_semaphore, #tpu.memory_space<semaphore_mem>>)
    %dma_wait3A_206 = arith.constant 14 : i32
    %dma_wait3A_207 = arith.constant 0 : i32
    %dma_wait3A_208 = tpu.memref_slice %arg6[%dma_wait3A_206, %dma_wait3A_207] : memref<16x128xi32, #tpu.memory_space<vmem>> -> memref<1x128xi32, #tpu.memory_space<vmem>>
    %dma_wait3A_209 = tpu.memref_squeeze %dma_wait3A_208 : memref<1x128xi32, #tpu.memory_space<vmem>> -> memref<128xi32, #tpu.memory_space<vmem>>
    %dma_wait3A_210 = arith.constant 0 : i32
    %dma_wait3A_211 = arith.constant 0 : i32
    %dma_wait3A_212 = tpu.memref_slice %arg2[%dma_wait3A_210, %dma_wait3A_211] : memref<10112x128xf32, #tpu.memory_space<hbm>> -> memref<10112x128xf32, #tpu.memory_space<hbm>>
    tpu.wait_indirect_dma semaphore(%arg14 : memref<!tpu.dma_semaphore, #tpu.memory_space<semaphore_mem>>) src(%dma_wait3A_212 : memref<10112x128xf32, #tpu.memory_space<hbm>>) dst(%arg11 : memref<128x128xf32, #tpu.memory_space<vmem>>)
    %run_scoped3A_213 = arith.constant 14 : i32
    "tpu.region"() ({
      %run_scoped3A_341 = tpu.sem_alloc : memref<!tpu.dma_semaphore, #tpu.memory_space<semaphore_mem>>
      %dma_start3A_342 = arith.constant 0 : i32
      %dma_start3A_343 = tpu.memref_slice %arg7[%run_scoped3A_213, %dma_start3A_342] : memref<16x128xi32, #tpu.memory_space<vmem>> -> memref<1x128xi32, #tpu.memory_space<vmem>>
      %dma_start3A_344 = tpu.memref_squeeze %dma_start3A_343 : memref<1x128xi32, #tpu.memory_space<vmem>> -> memref<128xi32, #tpu.memory_space<vmem>>
      %dma_start3A_345 = arith.constant 0 : i32
      %dma_start3A_346 = arith.constant 0 : i32
      %dma_start3A_347 = tpu.memref_slice %arg12[%dma_start3A_345, %dma_start3A_346] : memref<10112x128xf32, #tpu.memory_space<vmem_shared>> -> memref<10112x128xf32, #tpu.memory_space<vmem_shared>>
      tpu.enqueue_indirect_dma source(%arg11 : memref<128x128xf32, #tpu.memory_space<vmem>>) target(%dma_start3A_347 : memref<10112x128xf32, #tpu.memory_space<vmem_shared>>) offsets(%dma_start3A_344 : memref<128xi32, #tpu.memory_space<vmem>>) semaphore(%run_scoped3A_341 : memref<!tpu.dma_semaphore, #tpu.memory_space<semaphore_mem>>) {add = true}
      %dma_wait3A_348 = arith.constant 0 : i32
      %dma_wait3A_349 = tpu.memref_slice %arg7[%run_scoped3A_213, %dma_wait3A_348] : memref<16x128xi32, #tpu.memory_space<vmem>> -> memref<1x128xi32, #tpu.memory_space<vmem>>
      %dma_wait3A_350 = tpu.memref_squeeze %dma_wait3A_349 : memref<1x128xi32, #tpu.memory_space<vmem>> -> memref<128xi32, #tpu.memory_space<vmem>>
      %dma_wait3A_351 = arith.constant 0 : i32
      %dma_wait3A_352 = arith.constant 0 : i32
      %dma_wait3A_353 = tpu.memref_slice %arg12[%dma_wait3A_351, %dma_wait3A_352] : memref<10112x128xf32, #tpu.memory_space<vmem_shared>> -> memref<10112x128xf32, #tpu.memory_space<vmem_shared>>
      tpu.wait_indirect_dma semaphore(%run_scoped3A_341 : memref<!tpu.dma_semaphore, #tpu.memory_space<semaphore_mem>>) src(%arg11 : memref<128x128xf32, #tpu.memory_space<vmem>>) dst(%dma_wait3A_353 : memref<10112x128xf32, #tpu.memory_space<vmem_shared>>)
      tpu.yield
    }) : () -> ()
    %dma_wait3A_214 = arith.constant 48 : i32
    %dma_wait3A_215 = arith.constant 0 : i32
    %dma_wait3A_216 = tpu.memref_slice %arg3[%add3A, %dma_wait3A_214, %dma_wait3A_215] : memref<32x80x128xi32, #tpu.memory_space<hbm>> -> memref<1x16x128xi32, #tpu.memory_space<hbm>>
    %dma_wait3A_217 = tpu.memref_squeeze %dma_wait3A_216 : memref<1x16x128xi32, #tpu.memory_space<hbm>> -> memref<16x128xi32, #tpu.memory_space<hbm>>
    %dma_wait3A_218 = arith.constant 48 : i32
    %dma_wait3A_219 = arith.constant 0 : i32
    %dma_wait3A_220 = tpu.memref_slice %arg3[%add3A, %dma_wait3A_218, %dma_wait3A_219] : memref<32x80x128xi32, #tpu.memory_space<hbm>> -> memref<1x16x128xi32, #tpu.memory_space<hbm>>
    %dma_wait3A_221 = tpu.memref_squeeze %dma_wait3A_220 : memref<1x16x128xi32, #tpu.memory_space<hbm>> -> memref<16x128xi32, #tpu.memory_space<hbm>>
    tpu.wait_dma2 semaphore(%arg15 : memref<!tpu.dma_semaphore, #tpu.memory_space<semaphore_mem>>) src(%dma_wait3A_221 : memref<16x128xi32, #tpu.memory_space<hbm>>) dst(%arg8 : memref<16x128xi32, #tpu.memory_space<vmem>>)
    %dma_wait3A_222 = arith.constant 48 : i32
    %dma_wait3A_223 = arith.constant 0 : i32
    %dma_wait3A_224 = tpu.memref_slice %arg4[%add3A, %dma_wait3A_222, %dma_wait3A_223] : memref<32x80x128xi32, #tpu.memory_space<hbm>> -> memref<1x16x128xi32, #tpu.memory_space<hbm>>
    %dma_wait3A_225 = tpu.memref_squeeze %dma_wait3A_224 : memref<1x16x128xi32, #tpu.memory_space<hbm>> -> memref<16x128xi32, #tpu.memory_space<hbm>>
    %dma_wait3A_226 = arith.constant 48 : i32
    %dma_wait3A_227 = arith.constant 0 : i32
    %dma_wait3A_228 = tpu.memref_slice %arg4[%add3A, %dma_wait3A_226, %dma_wait3A_227] : memref<32x80x128xi32, #tpu.memory_space<hbm>> -> memref<1x16x128xi32, #tpu.memory_space<hbm>>
    %dma_wait3A_229 = tpu.memref_squeeze %dma_wait3A_228 : memref<1x16x128xi32, #tpu.memory_space<hbm>> -> memref<16x128xi32, #tpu.memory_space<hbm>>
    tpu.wait_dma2 semaphore(%arg15 : memref<!tpu.dma_semaphore, #tpu.memory_space<semaphore_mem>>) src(%dma_wait3A_229 : memref<16x128xi32, #tpu.memory_space<hbm>>) dst(%arg9 : memref<16x128xi32, #tpu.memory_space<vmem>>)
    %dma_start3A_230 = arith.constant 0 : i32
    %dma_start3A_231 = arith.constant 0 : i32
    %dma_start3A_232 = tpu.memref_slice %arg8[%dma_start3A_230, %dma_start3A_231] : memref<16x128xi32, #tpu.memory_space<vmem>> -> memref<1x128xi32, #tpu.memory_space<vmem>>
    %dma_start3A_233 = tpu.memref_squeeze %dma_start3A_232 : memref<1x128xi32, #tpu.memory_space<vmem>> -> memref<128xi32, #tpu.memory_space<vmem>>
    %dma_start3A_234 = arith.constant 0 : i32
    %dma_start3A_235 = arith.constant 0 : i32
    %dma_start3A_236 = tpu.memref_slice %arg2[%dma_start3A_234, %dma_start3A_235] : memref<10112x128xf32, #tpu.memory_space<hbm>> -> memref<10112x128xf32, #tpu.memory_space<hbm>>
    tpu.enqueue_indirect_dma source(%dma_start3A_236 : memref<10112x128xf32, #tpu.memory_space<hbm>>) target(%arg11 : memref<128x128xf32, #tpu.memory_space<vmem>>) offsets(%dma_start3A_233 : memref<128xi32, #tpu.memory_space<vmem>>) semaphore(%arg14 : memref<!tpu.dma_semaphore, #tpu.memory_space<semaphore_mem>>)
    %dma_wait3A_237 = arith.constant 15 : i32
    %dma_wait3A_238 = arith.constant 0 : i32
    %dma_wait3A_239 = tpu.memref_slice %arg6[%dma_wait3A_237, %dma_wait3A_238] : memref<16x128xi32, #tpu.memory_space<vmem>> -> memref<1x128xi32, #tpu.memory_space<vmem>>
    %dma_wait3A_240 = tpu.memref_squeeze %dma_wait3A_239 : memref<1x128xi32, #tpu.memory_space<vmem>> -> memref<128xi32, #tpu.memory_space<vmem>>
    %dma_wait3A_241 = arith.constant 0 : i32
    %dma_wait3A_242 = arith.constant 0 : i32
    %dma_wait3A_243 = tpu.memref_slice %arg2[%dma_wait3A_241, %dma_wait3A_242] : memref<10112x128xf32, #tpu.memory_space<hbm>> -> memref<10112x128xf32, #tpu.memory_space<hbm>>
    tpu.wait_indirect_dma semaphore(%arg13 : memref<!tpu.dma_semaphore, #tpu.memory_space<semaphore_mem>>) src(%dma_wait3A_243 : memref<10112x128xf32, #tpu.memory_space<hbm>>) dst(%arg10 : memref<128x128xf32, #tpu.memory_space<vmem>>)
    %run_scoped3A_244 = arith.constant 15 : i32
    "tpu.region"() ({
      %run_scoped3A_341 = tpu.sem_alloc : memref<!tpu.dma_semaphore, #tpu.memory_space<semaphore_mem>>
      %dma_start3A_342 = arith.constant 0 : i32
      %dma_start3A_343 = tpu.memref_slice %arg7[%run_scoped3A_244, %dma_start3A_342] : memref<16x128xi32, #tpu.memory_space<vmem>> -> memref<1x128xi32, #tpu.memory_space<vmem>>
      %dma_start3A_344 = tpu.memref_squeeze %dma_start3A_343 : memref<1x128xi32, #tpu.memory_space<vmem>> -> memref<128xi32, #tpu.memory_space<vmem>>
      %dma_start3A_345 = arith.constant 0 : i32
      %dma_start3A_346 = arith.constant 0 : i32
      %dma_start3A_347 = tpu.memref_slice %arg12[%dma_start3A_345, %dma_start3A_346] : memref<10112x128xf32, #tpu.memory_space<vmem_shared>> -> memref<10112x128xf32, #tpu.memory_space<vmem_shared>>
      tpu.enqueue_indirect_dma source(%arg10 : memref<128x128xf32, #tpu.memory_space<vmem>>) target(%dma_start3A_347 : memref<10112x128xf32, #tpu.memory_space<vmem_shared>>) offsets(%dma_start3A_344 : memref<128xi32, #tpu.memory_space<vmem>>) semaphore(%run_scoped3A_341 : memref<!tpu.dma_semaphore, #tpu.memory_space<semaphore_mem>>) {add = true}
      %dma_wait3A_348 = arith.constant 0 : i32
      %dma_wait3A_349 = tpu.memref_slice %arg7[%run_scoped3A_244, %dma_wait3A_348] : memref<16x128xi32, #tpu.memory_space<vmem>> -> memref<1x128xi32, #tpu.memory_space<vmem>>
      %dma_wait3A_350 = tpu.memref_squeeze %dma_wait3A_349 : memref<1x128xi32, #tpu.memory_space<vmem>> -> memref<128xi32, #tpu.memory_space<vmem>>
      %dma_wait3A_351 = arith.constant 0 : i32
      %dma_wait3A_352 = arith.constant 0 : i32
      %dma_wait3A_353 = tpu.memref_slice %arg12[%dma_wait3A_351, %dma_wait3A_352] : memref<10112x128xf32, #tpu.memory_space<vmem_shared>> -> memref<10112x128xf32, #tpu.memory_space<vmem_shared>>
      tpu.wait_indirect_dma semaphore(%run_scoped3A_341 : memref<!tpu.dma_semaphore, #tpu.memory_space<semaphore_mem>>) src(%arg10 : memref<128x128xf32, #tpu.memory_space<vmem>>) dst(%dma_wait3A_353 : memref<10112x128xf32, #tpu.memory_space<vmem_shared>>)
      tpu.yield
    }) : () -> ()
    %dma_start3A_245 = arith.constant 64 : i32
    %dma_start3A_246 = arith.constant 0 : i32
    %dma_start3A_247 = tpu.memref_slice %arg3[%add3A, %dma_start3A_245, %dma_start3A_246] : memref<32x80x128xi32, #tpu.memory_space<hbm>> -> memref<1x16x128xi32, #tpu.memory_space<hbm>>
    %dma_start3A_248 = tpu.memref_squeeze %dma_start3A_247 : memref<1x16x128xi32, #tpu.memory_space<hbm>> -> memref<16x128xi32, #tpu.memory_space<hbm>>
    %dma_start3A_249 = arith.constant 64 : i32
    %dma_start3A_250 = arith.constant 0 : i32
    %dma_start3A_251 = tpu.memref_slice %arg3[%add3A, %dma_start3A_249, %dma_start3A_250] : memref<32x80x128xi32, #tpu.memory_space<hbm>> -> memref<1x16x128xi32, #tpu.memory_space<hbm>>
    %dma_start3A_252 = tpu.memref_squeeze %dma_start3A_251 : memref<1x16x128xi32, #tpu.memory_space<hbm>> -> memref<16x128xi32, #tpu.memory_space<hbm>>
    tpu.enqueue_dma source(%dma_start3A_252 : memref<16x128xi32, #tpu.memory_space<hbm>>) target(%arg6 : memref<16x128xi32, #tpu.memory_space<vmem>>) target_semaphore(%arg15 : memref<!tpu.dma_semaphore, #tpu.memory_space<semaphore_mem>>)
    %dma_start3A_253 = arith.constant 64 : i32
    %dma_start3A_254 = arith.constant 0 : i32
    %dma_start3A_255 = tpu.memref_slice %arg4[%add3A, %dma_start3A_253, %dma_start3A_254] : memref<32x80x128xi32, #tpu.memory_space<hbm>> -> memref<1x16x128xi32, #tpu.memory_space<hbm>>
    %dma_start3A_256 = tpu.memref_squeeze %dma_start3A_255 : memref<1x16x128xi32, #tpu.memory_space<hbm>> -> memref<16x128xi32, #tpu.memory_space<hbm>>
    %dma_start3A_257 = arith.constant 64 : i32
    %dma_start3A_258 = arith.constant 0 : i32
    %dma_start3A_259 = tpu.memref_slice %arg4[%add3A, %dma_start3A_257, %dma_start3A_258] : memref<32x80x128xi32, #tpu.memory_space<hbm>> -> memref<1x16x128xi32, #tpu.memory_space<hbm>>
    %dma_start3A_260 = tpu.memref_squeeze %dma_start3A_259 : memref<1x16x128xi32, #tpu.memory_space<hbm>> -> memref<16x128xi32, #tpu.memory_space<hbm>>
    tpu.enqueue_dma source(%dma_start3A_260 : memref<16x128xi32, #tpu.memory_space<hbm>>) target(%arg7 : memref<16x128xi32, #tpu.memory_space<vmem>>) target_semaphore(%arg15 : memref<!tpu.dma_semaphore, #tpu.memory_space<semaphore_mem>>)
    %scan3A_261 = arith.constant 0 : i32
    %scan3A_262 = arith.constant 7 : i32
    %scan3A_263 = arith.addi %scan3A_261, %scan3A_262 : i32
    %scan3A_264 = arith.constant 1 : i32
    scf.for %scan3A_341 = %scan3A_261 to %scan3A_263 step %scan3A_264  : i32 {
      %mul3A_342 = arith.constant 2 : i32
      %mul3A_343 = arith.muli %scan3A_341, %mul3A_342 : i32
      %add3A_344 = arith.constant 0 : i32
      %add3A_345 = arith.addi %add3A_344, %mul3A_343 : i32
      %add3A_346 = arith.constant 1 : i32
      %add3A_347 = arith.addi %add3A_345, %add3A_346 : i32
      %dma_start3A_348 = arith.constant 0 : i32
      %dma_start3A_349 = tpu.memref_slice %arg8[%add3A_347, %dma_start3A_348] : memref<16x128xi32, #tpu.memory_space<vmem>> -> memref<1x128xi32, #tpu.memory_space<vmem>>
      %dma_start3A_350 = tpu.memref_squeeze %dma_start3A_349 : memref<1x128xi32, #tpu.memory_space<vmem>> -> memref<128xi32, #tpu.memory_space<vmem>>
      %dma_start3A_351 = arith.constant 0 : i32
      %dma_start3A_352 = arith.constant 0 : i32
      %dma_start3A_353 = tpu.memref_slice %arg2[%dma_start3A_351, %dma_start3A_352] : memref<10112x128xf32, #tpu.memory_space<hbm>> -> memref<10112x128xf32, #tpu.memory_space<hbm>>
      tpu.enqueue_indirect_dma source(%dma_start3A_353 : memref<10112x128xf32, #tpu.memory_space<hbm>>) target(%arg10 : memref<128x128xf32, #tpu.memory_space<vmem>>) offsets(%dma_start3A_350 : memref<128xi32, #tpu.memory_space<vmem>>) semaphore(%arg13 : memref<!tpu.dma_semaphore, #tpu.memory_space<semaphore_mem>>)
      %dma_wait3A_354 = arith.constant 0 : i32
      %dma_wait3A_355 = tpu.memref_slice %arg8[%add3A_345, %dma_wait3A_354] : memref<16x128xi32, #tpu.memory_space<vmem>> -> memref<1x128xi32, #tpu.memory_space<vmem>>
      %dma_wait3A_356 = tpu.memref_squeeze %dma_wait3A_355 : memref<1x128xi32, #tpu.memory_space<vmem>> -> memref<128xi32, #tpu.memory_space<vmem>>
      %dma_wait3A_357 = arith.constant 0 : i32
      %dma_wait3A_358 = arith.constant 0 : i32
      %dma_wait3A_359 = tpu.memref_slice %arg2[%dma_wait3A_357, %dma_wait3A_358] : memref<10112x128xf32, #tpu.memory_space<hbm>> -> memref<10112x128xf32, #tpu.memory_space<hbm>>
      tpu.wait_indirect_dma semaphore(%arg14 : memref<!tpu.dma_semaphore, #tpu.memory_space<semaphore_mem>>) src(%dma_wait3A_359 : memref<10112x128xf32, #tpu.memory_space<hbm>>) dst(%arg11 : memref<128x128xf32, #tpu.memory_space<vmem>>)
      "tpu.region"() ({
        %run_scoped3A_378 = tpu.sem_alloc : memref<!tpu.dma_semaphore, #tpu.memory_space<semaphore_mem>>
        %dma_start3A_379 = arith.constant 0 : i32
        %dma_start3A_380 = tpu.memref_slice %arg9[%add3A_345, %dma_start3A_379] : memref<16x128xi32, #tpu.memory_space<vmem>> -> memref<1x128xi32, #tpu.memory_space<vmem>>
        %dma_start3A_381 = tpu.memref_squeeze %dma_start3A_380 : memref<1x128xi32, #tpu.memory_space<vmem>> -> memref<128xi32, #tpu.memory_space<vmem>>
        %dma_start3A_382 = arith.constant 0 : i32
        %dma_start3A_383 = arith.constant 0 : i32
        %dma_start3A_384 = tpu.memref_slice %arg12[%dma_start3A_382, %dma_start3A_383] : memref<10112x128xf32, #tpu.memory_space<vmem_shared>> -> memref<10112x128xf32, #tpu.memory_space<vmem_shared>>
        tpu.enqueue_indirect_dma source(%arg11 : memref<128x128xf32, #tpu.memory_space<vmem>>) target(%dma_start3A_384 : memref<10112x128xf32, #tpu.memory_space<vmem_shared>>) offsets(%dma_start3A_381 : memref<128xi32, #tpu.memory_space<vmem>>) semaphore(%run_scoped3A_378 : memref<!tpu.dma_semaphore, #tpu.memory_space<semaphore_mem>>) {add = true}
        %dma_wait3A_385 = arith.constant 0 : i32
        %dma_wait3A_386 = tpu.memref_slice %arg9[%add3A_345, %dma_wait3A_385] : memref<16x128xi32, #tpu.memory_space<vmem>> -> memref<1x128xi32, #tpu.memory_space<vmem>>
        %dma_wait3A_387 = tpu.memref_squeeze %dma_wait3A_386 : memref<1x128xi32, #tpu.memory_space<vmem>> -> memref<128xi32, #tpu.memory_space<vmem>>
        %dma_wait3A_388 = arith.constant 0 : i32
        %dma_wait3A_389 = arith.constant 0 : i32
        %dma_wait3A_390 = tpu.memref_slice %arg12[%dma_wait3A_388, %dma_wait3A_389] : memref<10112x128xf32, #tpu.memory_space<vmem_shared>> -> memref<10112x128xf32, #tpu.memory_space<vmem_shared>>
        tpu.wait_indirect_dma semaphore(%run_scoped3A_378 : memref<!tpu.dma_semaphore, #tpu.memory_space<semaphore_mem>>) src(%arg11 : memref<128x128xf32, #tpu.memory_space<vmem>>) dst(%dma_wait3A_390 : memref<10112x128xf32, #tpu.memory_space<vmem_shared>>)
        tpu.yield
      }) : () -> ()
      %add3A_360 = arith.constant 2 : i32
      %add3A_361 = arith.addi %add3A_345, %add3A_360 : i32
      %dma_start3A_362 = arith.constant 0 : i32
      %dma_start3A_363 = tpu.memref_slice %arg8[%add3A_361, %dma_start3A_362] : memref<16x128xi32, #tpu.memory_space<vmem>> -> memref<1x128xi32, #tpu.memory_space<vmem>>
      %dma_start3A_364 = tpu.memref_squeeze %dma_start3A_363 : memref<1x128xi32, #tpu.memory_space<vmem>> -> memref<128xi32, #tpu.memory_space<vmem>>
      %dma_start3A_365 = arith.constant 0 : i32
      %dma_start3A_366 = arith.constant 0 : i32
      %dma_start3A_367 = tpu.memref_slice %arg2[%dma_start3A_365, %dma_start3A_366] : memref<10112x128xf32, #tpu.memory_space<hbm>> -> memref<10112x128xf32, #tpu.memory_space<hbm>>
      tpu.enqueue_indirect_dma source(%dma_start3A_367 : memref<10112x128xf32, #tpu.memory_space<hbm>>) target(%arg11 : memref<128x128xf32, #tpu.memory_space<vmem>>) offsets(%dma_start3A_364 : memref<128xi32, #tpu.memory_space<vmem>>) semaphore(%arg14 : memref<!tpu.dma_semaphore, #tpu.memory_space<semaphore_mem>>)
      %add3A_368 = arith.constant 1 : i32
      %add3A_369 = arith.addi %add3A_345, %add3A_368 : i32
      %dma_wait3A_370 = arith.constant 0 : i32
      %dma_wait3A_371 = tpu.memref_slice %arg8[%add3A_369, %dma_wait3A_370] : memref<16x128xi32, #tpu.memory_space<vmem>> -> memref<1x128xi32, #tpu.memory_space<vmem>>
      %dma_wait3A_372 = tpu.memref_squeeze %dma_wait3A_371 : memref<1x128xi32, #tpu.memory_space<vmem>> -> memref<128xi32, #tpu.memory_space<vmem>>
      %dma_wait3A_373 = arith.constant 0 : i32
      %dma_wait3A_374 = arith.constant 0 : i32
      %dma_wait3A_375 = tpu.memref_slice %arg2[%dma_wait3A_373, %dma_wait3A_374] : memref<10112x128xf32, #tpu.memory_space<hbm>> -> memref<10112x128xf32, #tpu.memory_space<hbm>>
      tpu.wait_indirect_dma semaphore(%arg13 : memref<!tpu.dma_semaphore, #tpu.memory_space<semaphore_mem>>) src(%dma_wait3A_375 : memref<10112x128xf32, #tpu.memory_space<hbm>>) dst(%arg10 : memref<128x128xf32, #tpu.memory_space<vmem>>)
      %add3A_376 = arith.constant 1 : i32
      %add3A_377 = arith.addi %add3A_345, %add3A_376 : i32
      "tpu.region"() ({
        %run_scoped3A_378 = tpu.sem_alloc : memref<!tpu.dma_semaphore, #tpu.memory_space<semaphore_mem>>
        %dma_start3A_379 = arith.constant 0 : i32
        %dma_start3A_380 = tpu.memref_slice %arg9[%add3A_377, %dma_start3A_379] : memref<16x128xi32, #tpu.memory_space<vmem>> -> memref<1x128xi32, #tpu.memory_space<vmem>>
        %dma_start3A_381 = tpu.memref_squeeze %dma_start3A_380 : memref<1x128xi32, #tpu.memory_space<vmem>> -> memref<128xi32, #tpu.memory_space<vmem>>
        %dma_start3A_382 = arith.constant 0 : i32
        %dma_start3A_383 = arith.constant 0 : i32
        %dma_start3A_384 = tpu.memref_slice %arg12[%dma_start3A_382, %dma_start3A_383] : memref<10112x128xf32, #tpu.memory_space<vmem_shared>> -> memref<10112x128xf32, #tpu.memory_space<vmem_shared>>
        tpu.enqueue_indirect_dma source(%arg10 : memref<128x128xf32, #tpu.memory_space<vmem>>) target(%dma_start3A_384 : memref<10112x128xf32, #tpu.memory_space<vmem_shared>>) offsets(%dma_start3A_381 : memref<128xi32, #tpu.memory_space<vmem>>) semaphore(%run_scoped3A_378 : memref<!tpu.dma_semaphore, #tpu.memory_space<semaphore_mem>>) {add = true}
        %dma_wait3A_385 = arith.constant 0 : i32
        %dma_wait3A_386 = tpu.memref_slice %arg9[%add3A_377, %dma_wait3A_385] : memref<16x128xi32, #tpu.memory_space<vmem>> -> memref<1x128xi32, #tpu.memory_space<vmem>>
        %dma_wait3A_387 = tpu.memref_squeeze %dma_wait3A_386 : memref<1x128xi32, #tpu.memory_space<vmem>> -> memref<128xi32, #tpu.memory_space<vmem>>
        %dma_wait3A_388 = arith.constant 0 : i32
        %dma_wait3A_389 = arith.constant 0 : i32
        %dma_wait3A_390 = tpu.memref_slice %arg12[%dma_wait3A_388, %dma_wait3A_389] : memref<10112x128xf32, #tpu.memory_space<vmem_shared>> -> memref<10112x128xf32, #tpu.memory_space<vmem_shared>>
        tpu.wait_indirect_dma semaphore(%run_scoped3A_378 : memref<!tpu.dma_semaphore, #tpu.memory_space<semaphore_mem>>) src(%arg10 : memref<128x128xf32, #tpu.memory_space<vmem>>) dst(%dma_wait3A_390 : memref<10112x128xf32, #tpu.memory_space<vmem_shared>>)
        tpu.yield
      }) : () -> ()
    }
    %scan3A_265 = arith.constant 7 : i32
    %dma_start3A_266 = arith.constant 15 : i32
    %dma_start3A_267 = arith.constant 0 : i32
    %dma_start3A_268 = tpu.memref_slice %arg8[%dma_start3A_266, %dma_start3A_267] : memref<16x128xi32, #tpu.memory_space<vmem>> -> memref<1x128xi32, #tpu.memory_space<vmem>>
    %dma_start3A_269 = tpu.memref_squeeze %dma_start3A_268 : memref<1x128xi32, #tpu.memory_space<vmem>> -> memref<128xi32, #tpu.memory_space<vmem>>
    %dma_start3A_270 = arith.constant 0 : i32
    %dma_start3A_271 = arith.constant 0 : i32
    %dma_start3A_272 = tpu.memref_slice %arg2[%dma_start3A_270, %dma_start3A_271] : memref<10112x128xf32, #tpu.memory_space<hbm>> -> memref<10112x128xf32, #tpu.memory_space<hbm>>
    tpu.enqueue_indirect_dma source(%dma_start3A_272 : memref<10112x128xf32, #tpu.memory_space<hbm>>) target(%arg10 : memref<128x128xf32, #tpu.memory_space<vmem>>) offsets(%dma_start3A_269 : memref<128xi32, #tpu.memory_space<vmem>>) semaphore(%arg13 : memref<!tpu.dma_semaphore, #tpu.memory_space<semaphore_mem>>)
    %dma_wait3A_273 = arith.constant 14 : i32
    %dma_wait3A_274 = arith.constant 0 : i32
    %dma_wait3A_275 = tpu.memref_slice %arg8[%dma_wait3A_273, %dma_wait3A_274] : memref<16x128xi32, #tpu.memory_space<vmem>> -> memref<1x128xi32, #tpu.memory_space<vmem>>
    %dma_wait3A_276 = tpu.memref_squeeze %dma_wait3A_275 : memref<1x128xi32, #tpu.memory_space<vmem>> -> memref<128xi32, #tpu.memory_space<vmem>>
    %dma_wait3A_277 = arith.constant 0 : i32
    %dma_wait3A_278 = arith.constant 0 : i32
    %dma_wait3A_279 = tpu.memref_slice %arg2[%dma_wait3A_277, %dma_wait3A_278] : memref<10112x128xf32, #tpu.memory_space<hbm>> -> memref<10112x128xf32, #tpu.memory_space<hbm>>
    tpu.wait_indirect_dma semaphore(%arg14 : memref<!tpu.dma_semaphore, #tpu.memory_space<semaphore_mem>>) src(%dma_wait3A_279 : memref<10112x128xf32, #tpu.memory_space<hbm>>) dst(%arg11 : memref<128x128xf32, #tpu.memory_space<vmem>>)
    %run_scoped3A_280 = arith.constant 14 : i32
    "tpu.region"() ({
      %run_scoped3A_341 = tpu.sem_alloc : memref<!tpu.dma_semaphore, #tpu.memory_space<semaphore_mem>>
      %dma_start3A_342 = arith.constant 0 : i32
      %dma_start3A_343 = tpu.memref_slice %arg9[%run_scoped3A_280, %dma_start3A_342] : memref<16x128xi32, #tpu.memory_space<vmem>> -> memref<1x128xi32, #tpu.memory_space<vmem>>
      %dma_start3A_344 = tpu.memref_squeeze %dma_start3A_343 : memref<1x128xi32, #tpu.memory_space<vmem>> -> memref<128xi32, #tpu.memory_space<vmem>>
      %dma_start3A_345 = arith.constant 0 : i32
      %dma_start3A_346 = arith.constant 0 : i32
      %dma_start3A_347 = tpu.memref_slice %arg12[%dma_start3A_345, %dma_start3A_346] : memref<10112x128xf32, #tpu.memory_space<vmem_shared>> -> memref<10112x128xf32, #tpu.memory_space<vmem_shared>>
      tpu.enqueue_indirect_dma source(%arg11 : memref<128x128xf32, #tpu.memory_space<vmem>>) target(%dma_start3A_347 : memref<10112x128xf32, #tpu.memory_space<vmem_shared>>) offsets(%dma_start3A_344 : memref<128xi32, #tpu.memory_space<vmem>>) semaphore(%run_scoped3A_341 : memref<!tpu.dma_semaphore, #tpu.memory_space<semaphore_mem>>) {add = true}
      %dma_wait3A_348 = arith.constant 0 : i32
      %dma_wait3A_349 = tpu.memref_slice %arg9[%run_scoped3A_280, %dma_wait3A_348] : memref<16x128xi32, #tpu.memory_space<vmem>> -> memref<1x128xi32, #tpu.memory_space<vmem>>
      %dma_wait3A_350 = tpu.memref_squeeze %dma_wait3A_349 : memref<1x128xi32, #tpu.memory_space<vmem>> -> memref<128xi32, #tpu.memory_space<vmem>>
      %dma_wait3A_351 = arith.constant 0 : i32
      %dma_wait3A_352 = arith.constant 0 : i32
      %dma_wait3A_353 = tpu.memref_slice %arg12[%dma_wait3A_351, %dma_wait3A_352] : memref<10112x128xf32, #tpu.memory_space<vmem_shared>> -> memref<10112x128xf32, #tpu.memory_space<vmem_shared>>
      tpu.wait_indirect_dma semaphore(%run_scoped3A_341 : memref<!tpu.dma_semaphore, #tpu.memory_space<semaphore_mem>>) src(%arg11 : memref<128x128xf32, #tpu.memory_space<vmem>>) dst(%dma_wait3A_353 : memref<10112x128xf32, #tpu.memory_space<vmem_shared>>)
      tpu.yield
    }) : () -> ()
    %dma_wait3A_281 = arith.constant 64 : i32
    %dma_wait3A_282 = arith.constant 0 : i32
    %dma_wait3A_283 = tpu.memref_slice %arg3[%add3A, %dma_wait3A_281, %dma_wait3A_282] : memref<32x80x128xi32, #tpu.memory_space<hbm>> -> memref<1x16x128xi32, #tpu.memory_space<hbm>>
    %dma_wait3A_284 = tpu.memref_squeeze %dma_wait3A_283 : memref<1x16x128xi32, #tpu.memory_space<hbm>> -> memref<16x128xi32, #tpu.memory_space<hbm>>
    %dma_wait3A_285 = arith.constant 64 : i32
    %dma_wait3A_286 = arith.constant 0 : i32
    %dma_wait3A_287 = tpu.memref_slice %arg3[%add3A, %dma_wait3A_285, %dma_wait3A_286] : memref<32x80x128xi32, #tpu.memory_space<hbm>> -> memref<1x16x128xi32, #tpu.memory_space<hbm>>
    %dma_wait3A_288 = tpu.memref_squeeze %dma_wait3A_287 : memref<1x16x128xi32, #tpu.memory_space<hbm>> -> memref<16x128xi32, #tpu.memory_space<hbm>>
    tpu.wait_dma2 semaphore(%arg15 : memref<!tpu.dma_semaphore, #tpu.memory_space<semaphore_mem>>) src(%dma_wait3A_288 : memref<16x128xi32, #tpu.memory_space<hbm>>) dst(%arg6 : memref<16x128xi32, #tpu.memory_space<vmem>>)
    %dma_wait3A_289 = arith.constant 64 : i32
    %dma_wait3A_290 = arith.constant 0 : i32
    %dma_wait3A_291 = tpu.memref_slice %arg4[%add3A, %dma_wait3A_289, %dma_wait3A_290] : memref<32x80x128xi32, #tpu.memory_space<hbm>> -> memref<1x16x128xi32, #tpu.memory_space<hbm>>
    %dma_wait3A_292 = tpu.memref_squeeze %dma_wait3A_291 : memref<1x16x128xi32, #tpu.memory_space<hbm>> -> memref<16x128xi32, #tpu.memory_space<hbm>>
    %dma_wait3A_293 = arith.constant 64 : i32
    %dma_wait3A_294 = arith.constant 0 : i32
    %dma_wait3A_295 = tpu.memref_slice %arg4[%add3A, %dma_wait3A_293, %dma_wait3A_294] : memref<32x80x128xi32, #tpu.memory_space<hbm>> -> memref<1x16x128xi32, #tpu.memory_space<hbm>>
    %dma_wait3A_296 = tpu.memref_squeeze %dma_wait3A_295 : memref<1x16x128xi32, #tpu.memory_space<hbm>> -> memref<16x128xi32, #tpu.memory_space<hbm>>
    tpu.wait_dma2 semaphore(%arg15 : memref<!tpu.dma_semaphore, #tpu.memory_space<semaphore_mem>>) src(%dma_wait3A_296 : memref<16x128xi32, #tpu.memory_space<hbm>>) dst(%arg7 : memref<16x128xi32, #tpu.memory_space<vmem>>)
    %dma_start3A_297 = arith.constant 0 : i32
    %dma_start3A_298 = arith.constant 0 : i32
    %dma_start3A_299 = tpu.memref_slice %arg6[%dma_start3A_297, %dma_start3A_298] : memref<16x128xi32, #tpu.memory_space<vmem>> -> memref<1x128xi32, #tpu.memory_space<vmem>>
    %dma_start3A_300 = tpu.memref_squeeze %dma_start3A_299 : memref<1x128xi32, #tpu.memory_space<vmem>> -> memref<128xi32, #tpu.memory_space<vmem>>
    %dma_start3A_301 = arith.constant 0 : i32
    %dma_start3A_302 = arith.constant 0 : i32
    %dma_start3A_303 = tpu.memref_slice %arg2[%dma_start3A_301, %dma_start3A_302] : memref<10112x128xf32, #tpu.memory_space<hbm>> -> memref<10112x128xf32, #tpu.memory_space<hbm>>
    tpu.enqueue_indirect_dma source(%dma_start3A_303 : memref<10112x128xf32, #tpu.memory_space<hbm>>) target(%arg11 : memref<128x128xf32, #tpu.memory_space<vmem>>) offsets(%dma_start3A_300 : memref<128xi32, #tpu.memory_space<vmem>>) semaphore(%arg14 : memref<!tpu.dma_semaphore, #tpu.memory_space<semaphore_mem>>)
    %dma_wait3A_304 = arith.constant 15 : i32
    %dma_wait3A_305 = arith.constant 0 : i32
    %dma_wait3A_306 = tpu.memref_slice %arg8[%dma_wait3A_304, %dma_wait3A_305] : memref<16x128xi32, #tpu.memory_space<vmem>> -> memref<1x128xi32, #tpu.memory_space<vmem>>
    %dma_wait3A_307 = tpu.memref_squeeze %dma_wait3A_306 : memref<1x128xi32, #tpu.memory_space<vmem>> -> memref<128xi32, #tpu.memory_space<vmem>>
    %dma_wait3A_308 = arith.constant 0 : i32
    %dma_wait3A_309 = arith.constant 0 : i32
    %dma_wait3A_310 = tpu.memref_slice %arg2[%dma_wait3A_308, %dma_wait3A_309] : memref<10112x128xf32, #tpu.memory_space<hbm>> -> memref<10112x128xf32, #tpu.memory_space<hbm>>
    tpu.wait_indirect_dma semaphore(%arg13 : memref<!tpu.dma_semaphore, #tpu.memory_space<semaphore_mem>>) src(%dma_wait3A_310 : memref<10112x128xf32, #tpu.memory_space<hbm>>) dst(%arg10 : memref<128x128xf32, #tpu.memory_space<vmem>>)
    %run_scoped3A_311 = arith.constant 15 : i32
    "tpu.region"() ({
      %run_scoped3A_341 = tpu.sem_alloc : memref<!tpu.dma_semaphore, #tpu.memory_space<semaphore_mem>>
      %dma_start3A_342 = arith.constant 0 : i32
      %dma_start3A_343 = tpu.memref_slice %arg9[%run_scoped3A_311, %dma_start3A_342] : memref<16x128xi32, #tpu.memory_space<vmem>> -> memref<1x128xi32, #tpu.memory_space<vmem>>
      %dma_start3A_344 = tpu.memref_squeeze %dma_start3A_343 : memref<1x128xi32, #tpu.memory_space<vmem>> -> memref<128xi32, #tpu.memory_space<vmem>>
      %dma_start3A_345 = arith.constant 0 : i32
      %dma_start3A_346 = arith.constant 0 : i32
      %dma_start3A_347 = tpu.memref_slice %arg12[%dma_start3A_345, %dma_start3A_346] : memref<10112x128xf32, #tpu.memory_space<vmem_shared>> -> memref<10112x128xf32, #tpu.memory_space<vmem_shared>>
      tpu.enqueue_indirect_dma source(%arg10 : memref<128x128xf32, #tpu.memory_space<vmem>>) target(%dma_start3A_347 : memref<10112x128xf32, #tpu.memory_space<vmem_shared>>) offsets(%dma_start3A_344 : memref<128xi32, #tpu.memory_space<vmem>>) semaphore(%run_scoped3A_341 : memref<!tpu.dma_semaphore, #tpu.memory_space<semaphore_mem>>) {add = true}
      %dma_wait3A_348 = arith.constant 0 : i32
      %dma_wait3A_349 = tpu.memref_slice %arg9[%run_scoped3A_311, %dma_wait3A_348] : memref<16x128xi32, #tpu.memory_space<vmem>> -> memref<1x128xi32, #tpu.memory_space<vmem>>
      %dma_wait3A_350 = tpu.memref_squeeze %dma_wait3A_349 : memref<1x128xi32, #tpu.memory_space<vmem>> -> memref<128xi32, #tpu.memory_space<vmem>>
      %dma_wait3A_351 = arith.constant 0 : i32
      %dma_wait3A_352 = arith.constant 0 : i32
      %dma_wait3A_353 = tpu.memref_slice %arg12[%dma_wait3A_351, %dma_wait3A_352] : memref<10112x128xf32, #tpu.memory_space<vmem_shared>> -> memref<10112x128xf32, #tpu.memory_space<vmem_shared>>
      tpu.wait_indirect_dma semaphore(%run_scoped3A_341 : memref<!tpu.dma_semaphore, #tpu.memory_space<semaphore_mem>>) src(%arg10 : memref<128x128xf32, #tpu.memory_space<vmem>>) dst(%dma_wait3A_353 : memref<10112x128xf32, #tpu.memory_space<vmem_shared>>)
      tpu.yield
    }) : () -> ()
    %scan3A_312 = arith.constant 0 : i32
    %scan3A_313 = arith.constant 7 : i32
    %scan3A_314 = arith.addi %scan3A_312, %scan3A_313 : i32
    %scan3A_315 = arith.constant 1 : i32
    scf.for %scan3A_341 = %scan3A_312 to %scan3A_314 step %scan3A_315  : i32 {
      %mul3A_342 = arith.constant 2 : i32
      %mul3A_343 = arith.muli %scan3A_341, %mul3A_342 : i32
      %add3A_344 = arith.constant 0 : i32
      %add3A_345 = arith.addi %add3A_344, %mul3A_343 : i32
      %add3A_346 = arith.constant 1 : i32
      %add3A_347 = arith.addi %add3A_345, %add3A_346 : i32
      %dma_start3A_348 = arith.constant 0 : i32
      %dma_start3A_349 = tpu.memref_slice %arg6[%add3A_347, %dma_start3A_348] : memref<16x128xi32, #tpu.memory_space<vmem>> -> memref<1x128xi32, #tpu.memory_space<vmem>>
      %dma_start3A_350 = tpu.memref_squeeze %dma_start3A_349 : memref<1x128xi32, #tpu.memory_space<vmem>> -> memref<128xi32, #tpu.memory_space<vmem>>
      %dma_start3A_351 = arith.constant 0 : i32
      %dma_start3A_352 = arith.constant 0 : i32
      %dma_start3A_353 = tpu.memref_slice %arg2[%dma_start3A_351, %dma_start3A_352] : memref<10112x128xf32, #tpu.memory_space<hbm>> -> memref<10112x128xf32, #tpu.memory_space<hbm>>
      tpu.enqueue_indirect_dma source(%dma_start3A_353 : memref<10112x128xf32, #tpu.memory_space<hbm>>) target(%arg10 : memref<128x128xf32, #tpu.memory_space<vmem>>) offsets(%dma_start3A_350 : memref<128xi32, #tpu.memory_space<vmem>>) semaphore(%arg13 : memref<!tpu.dma_semaphore, #tpu.memory_space<semaphore_mem>>)
      %dma_wait3A_354 = arith.constant 0 : i32
      %dma_wait3A_355 = tpu.memref_slice %arg6[%add3A_345, %dma_wait3A_354] : memref<16x128xi32, #tpu.memory_space<vmem>> -> memref<1x128xi32, #tpu.memory_space<vmem>>
      %dma_wait3A_356 = tpu.memref_squeeze %dma_wait3A_355 : memref<1x128xi32, #tpu.memory_space<vmem>> -> memref<128xi32, #tpu.memory_space<vmem>>
      %dma_wait3A_357 = arith.constant 0 : i32
      %dma_wait3A_358 = arith.constant 0 : i32
      %dma_wait3A_359 = tpu.memref_slice %arg2[%dma_wait3A_357, %dma_wait3A_358] : memref<10112x128xf32, #tpu.memory_space<hbm>> -> memref<10112x128xf32, #tpu.memory_space<hbm>>
      tpu.wait_indirect_dma semaphore(%arg14 : memref<!tpu.dma_semaphore, #tpu.memory_space<semaphore_mem>>) src(%dma_wait3A_359 : memref<10112x128xf32, #tpu.memory_space<hbm>>) dst(%arg11 : memref<128x128xf32, #tpu.memory_space<vmem>>)
      "tpu.region"() ({
        %run_scoped3A_378 = tpu.sem_alloc : memref<!tpu.dma_semaphore, #tpu.memory_space<semaphore_mem>>
        %dma_start3A_379 = arith.constant 0 : i32
        %dma_start3A_380 = tpu.memref_slice %arg7[%add3A_345, %dma_start3A_379] : memref<16x128xi32, #tpu.memory_space<vmem>> -> memref<1x128xi32, #tpu.memory_space<vmem>>
        %dma_start3A_381 = tpu.memref_squeeze %dma_start3A_380 : memref<1x128xi32, #tpu.memory_space<vmem>> -> memref<128xi32, #tpu.memory_space<vmem>>
        %dma_start3A_382 = arith.constant 0 : i32
        %dma_start3A_383 = arith.constant 0 : i32
        %dma_start3A_384 = tpu.memref_slice %arg12[%dma_start3A_382, %dma_start3A_383] : memref<10112x128xf32, #tpu.memory_space<vmem_shared>> -> memref<10112x128xf32, #tpu.memory_space<vmem_shared>>
        tpu.enqueue_indirect_dma source(%arg11 : memref<128x128xf32, #tpu.memory_space<vmem>>) target(%dma_start3A_384 : memref<10112x128xf32, #tpu.memory_space<vmem_shared>>) offsets(%dma_start3A_381 : memref<128xi32, #tpu.memory_space<vmem>>) semaphore(%run_scoped3A_378 : memref<!tpu.dma_semaphore, #tpu.memory_space<semaphore_mem>>) {add = true}
        %dma_wait3A_385 = arith.constant 0 : i32
        %dma_wait3A_386 = tpu.memref_slice %arg7[%add3A_345, %dma_wait3A_385] : memref<16x128xi32, #tpu.memory_space<vmem>> -> memref<1x128xi32, #tpu.memory_space<vmem>>
        %dma_wait3A_387 = tpu.memref_squeeze %dma_wait3A_386 : memref<1x128xi32, #tpu.memory_space<vmem>> -> memref<128xi32, #tpu.memory_space<vmem>>
        %dma_wait3A_388 = arith.constant 0 : i32
        %dma_wait3A_389 = arith.constant 0 : i32
        %dma_wait3A_390 = tpu.memref_slice %arg12[%dma_wait3A_388, %dma_wait3A_389] : memref<10112x128xf32, #tpu.memory_space<vmem_shared>> -> memref<10112x128xf32, #tpu.memory_space<vmem_shared>>
        tpu.wait_indirect_dma semaphore(%run_scoped3A_378 : memref<!tpu.dma_semaphore, #tpu.memory_space<semaphore_mem>>) src(%arg11 : memref<128x128xf32, #tpu.memory_space<vmem>>) dst(%dma_wait3A_390 : memref<10112x128xf32, #tpu.memory_space<vmem_shared>>)
        tpu.yield
      }) : () -> ()
      %add3A_360 = arith.constant 2 : i32
      %add3A_361 = arith.addi %add3A_345, %add3A_360 : i32
      %dma_start3A_362 = arith.constant 0 : i32
      %dma_start3A_363 = tpu.memref_slice %arg6[%add3A_361, %dma_start3A_362] : memref<16x128xi32, #tpu.memory_space<vmem>> -> memref<1x128xi32, #tpu.memory_space<vmem>>
      %dma_start3A_364 = tpu.memref_squeeze %dma_start3A_363 : memref<1x128xi32, #tpu.memory_space<vmem>> -> memref<128xi32, #tpu.memory_space<vmem>>
      %dma_start3A_365 = arith.constant 0 : i32
      %dma_start3A_366 = arith.constant 0 : i32
      %dma_start3A_367 = tpu.memref_slice %arg2[%dma_start3A_365, %dma_start3A_366] : memref<10112x128xf32, #tpu.memory_space<hbm>> -> memref<10112x128xf32, #tpu.memory_space<hbm>>
      tpu.enqueue_indirect_dma source(%dma_start3A_367 : memref<10112x128xf32, #tpu.memory_space<hbm>>) target(%arg11 : memref<128x128xf32, #tpu.memory_space<vmem>>) offsets(%dma_start3A_364 : memref<128xi32, #tpu.memory_space<vmem>>) semaphore(%arg14 : memref<!tpu.dma_semaphore, #tpu.memory_space<semaphore_mem>>)
      %add3A_368 = arith.constant 1 : i32
      %add3A_369 = arith.addi %add3A_345, %add3A_368 : i32
      %dma_wait3A_370 = arith.constant 0 : i32
      %dma_wait3A_371 = tpu.memref_slice %arg6[%add3A_369, %dma_wait3A_370] : memref<16x128xi32, #tpu.memory_space<vmem>> -> memref<1x128xi32, #tpu.memory_space<vmem>>
      %dma_wait3A_372 = tpu.memref_squeeze %dma_wait3A_371 : memref<1x128xi32, #tpu.memory_space<vmem>> -> memref<128xi32, #tpu.memory_space<vmem>>
      %dma_wait3A_373 = arith.constant 0 : i32
      %dma_wait3A_374 = arith.constant 0 : i32
      %dma_wait3A_375 = tpu.memref_slice %arg2[%dma_wait3A_373, %dma_wait3A_374] : memref<10112x128xf32, #tpu.memory_space<hbm>> -> memref<10112x128xf32, #tpu.memory_space<hbm>>
      tpu.wait_indirect_dma semaphore(%arg13 : memref<!tpu.dma_semaphore, #tpu.memory_space<semaphore_mem>>) src(%dma_wait3A_375 : memref<10112x128xf32, #tpu.memory_space<hbm>>) dst(%arg10 : memref<128x128xf32, #tpu.memory_space<vmem>>)
      %add3A_376 = arith.constant 1 : i32
      %add3A_377 = arith.addi %add3A_345, %add3A_376 : i32
      "tpu.region"() ({
        %run_scoped3A_378 = tpu.sem_alloc : memref<!tpu.dma_semaphore, #tpu.memory_space<semaphore_mem>>
        %dma_start3A_379 = arith.constant 0 : i32
        %dma_start3A_380 = tpu.memref_slice %arg7[%add3A_377, %dma_start3A_379] : memref<16x128xi32, #tpu.memory_space<vmem>> -> memref<1x128xi32, #tpu.memory_space<vmem>>
        %dma_start3A_381 = tpu.memref_squeeze %dma_start3A_380 : memref<1x128xi32, #tpu.memory_space<vmem>> -> memref<128xi32, #tpu.memory_space<vmem>>
        %dma_start3A_382 = arith.constant 0 : i32
        %dma_start3A_383 = arith.constant 0 : i32
        %dma_start3A_384 = tpu.memref_slice %arg12[%dma_start3A_382, %dma_start3A_383] : memref<10112x128xf32, #tpu.memory_space<vmem_shared>> -> memref<10112x128xf32, #tpu.memory_space<vmem_shared>>
        tpu.enqueue_indirect_dma source(%arg10 : memref<128x128xf32, #tpu.memory_space<vmem>>) target(%dma_start3A_384 : memref<10112x128xf32, #tpu.memory_space<vmem_shared>>) offsets(%dma_start3A_381 : memref<128xi32, #tpu.memory_space<vmem>>) semaphore(%run_scoped3A_378 : memref<!tpu.dma_semaphore, #tpu.memory_space<semaphore_mem>>) {add = true}
        %dma_wait3A_385 = arith.constant 0 : i32
        %dma_wait3A_386 = tpu.memref_slice %arg7[%add3A_377, %dma_wait3A_385] : memref<16x128xi32, #tpu.memory_space<vmem>> -> memref<1x128xi32, #tpu.memory_space<vmem>>
        %dma_wait3A_387 = tpu.memref_squeeze %dma_wait3A_386 : memref<1x128xi32, #tpu.memory_space<vmem>> -> memref<128xi32, #tpu.memory_space<vmem>>
        %dma_wait3A_388 = arith.constant 0 : i32
        %dma_wait3A_389 = arith.constant 0 : i32
        %dma_wait3A_390 = tpu.memref_slice %arg12[%dma_wait3A_388, %dma_wait3A_389] : memref<10112x128xf32, #tpu.memory_space<vmem_shared>> -> memref<10112x128xf32, #tpu.memory_space<vmem_shared>>
        tpu.wait_indirect_dma semaphore(%run_scoped3A_378 : memref<!tpu.dma_semaphore, #tpu.memory_space<semaphore_mem>>) src(%arg10 : memref<128x128xf32, #tpu.memory_space<vmem>>) dst(%dma_wait3A_390 : memref<10112x128xf32, #tpu.memory_space<vmem_shared>>)
        tpu.yield
      }) : () -> ()
    }
    %scan3A_316 = arith.constant 7 : i32
    %dma_start3A_317 = arith.constant 15 : i32
    %dma_start3A_318 = arith.constant 0 : i32
    %dma_start3A_319 = tpu.memref_slice %arg6[%dma_start3A_317, %dma_start3A_318] : memref<16x128xi32, #tpu.memory_space<vmem>> -> memref<1x128xi32, #tpu.memory_space<vmem>>
    %dma_start3A_320 = tpu.memref_squeeze %dma_start3A_319 : memref<1x128xi32, #tpu.memory_space<vmem>> -> memref<128xi32, #tpu.memory_space<vmem>>
    %dma_start3A_321 = arith.constant 0 : i32
    %dma_start3A_322 = arith.constant 0 : i32
    %dma_start3A_323 = tpu.memref_slice %arg2[%dma_start3A_321, %dma_start3A_322] : memref<10112x128xf32, #tpu.memory_space<hbm>> -> memref<10112x128xf32, #tpu.memory_space<hbm>>
    tpu.enqueue_indirect_dma source(%dma_start3A_323 : memref<10112x128xf32, #tpu.memory_space<hbm>>) target(%arg10 : memref<128x128xf32, #tpu.memory_space<vmem>>) offsets(%dma_start3A_320 : memref<128xi32, #tpu.memory_space<vmem>>) semaphore(%arg13 : memref<!tpu.dma_semaphore, #tpu.memory_space<semaphore_mem>>)
    %dma_wait3A_324 = arith.constant 14 : i32
    %dma_wait3A_325 = arith.constant 0 : i32
    %dma_wait3A_326 = tpu.memref_slice %arg6[%dma_wait3A_324, %dma_wait3A_325] : memref<16x128xi32, #tpu.memory_space<vmem>> -> memref<1x128xi32, #tpu.memory_space<vmem>>
    %dma_wait3A_327 = tpu.memref_squeeze %dma_wait3A_326 : memref<1x128xi32, #tpu.memory_space<vmem>> -> memref<128xi32, #tpu.memory_space<vmem>>
    %dma_wait3A_328 = arith.constant 0 : i32
    %dma_wait3A_329 = arith.constant 0 : i32
    %dma_wait3A_330 = tpu.memref_slice %arg2[%dma_wait3A_328, %dma_wait3A_329] : memref<10112x128xf32, #tpu.memory_space<hbm>> -> memref<10112x128xf32, #tpu.memory_space<hbm>>
    tpu.wait_indirect_dma semaphore(%arg14 : memref<!tpu.dma_semaphore, #tpu.memory_space<semaphore_mem>>) src(%dma_wait3A_330 : memref<10112x128xf32, #tpu.memory_space<hbm>>) dst(%arg11 : memref<128x128xf32, #tpu.memory_space<vmem>>)
    %run_scoped3A_331 = arith.constant 14 : i32
    "tpu.region"() ({
      %run_scoped3A_341 = tpu.sem_alloc : memref<!tpu.dma_semaphore, #tpu.memory_space<semaphore_mem>>
      %dma_start3A_342 = arith.constant 0 : i32
      %dma_start3A_343 = tpu.memref_slice %arg7[%run_scoped3A_331, %dma_start3A_342] : memref<16x128xi32, #tpu.memory_space<vmem>> -> memref<1x128xi32, #tpu.memory_space<vmem>>
      %dma_start3A_344 = tpu.memref_squeeze %dma_start3A_343 : memref<1x128xi32, #tpu.memory_space<vmem>> -> memref<128xi32, #tpu.memory_space<vmem>>
      %dma_start3A_345 = arith.constant 0 : i32
      %dma_start3A_346 = arith.constant 0 : i32
      %dma_start3A_347 = tpu.memref_slice %arg12[%dma_start3A_345, %dma_start3A_346] : memref<10112x128xf32, #tpu.memory_space<vmem_shared>> -> memref<10112x128xf32, #tpu.memory_space<vmem_shared>>
      tpu.enqueue_indirect_dma source(%arg11 : memref<128x128xf32, #tpu.memory_space<vmem>>) target(%dma_start3A_347 : memref<10112x128xf32, #tpu.memory_space<vmem_shared>>) offsets(%dma_start3A_344 : memref<128xi32, #tpu.memory_space<vmem>>) semaphore(%run_scoped3A_341 : memref<!tpu.dma_semaphore, #tpu.memory_space<semaphore_mem>>) {add = true}
      %dma_wait3A_348 = arith.constant 0 : i32
      %dma_wait3A_349 = tpu.memref_slice %arg7[%run_scoped3A_331, %dma_wait3A_348] : memref<16x128xi32, #tpu.memory_space<vmem>> -> memref<1x128xi32, #tpu.memory_space<vmem>>
      %dma_wait3A_350 = tpu.memref_squeeze %dma_wait3A_349 : memref<1x128xi32, #tpu.memory_space<vmem>> -> memref<128xi32, #tpu.memory_space<vmem>>
      %dma_wait3A_351 = arith.constant 0 : i32
      %dma_wait3A_352 = arith.constant 0 : i32
      %dma_wait3A_353 = tpu.memref_slice %arg12[%dma_wait3A_351, %dma_wait3A_352] : memref<10112x128xf32, #tpu.memory_space<vmem_shared>> -> memref<10112x128xf32, #tpu.memory_space<vmem_shared>>
      tpu.wait_indirect_dma semaphore(%run_scoped3A_341 : memref<!tpu.dma_semaphore, #tpu.memory_space<semaphore_mem>>) src(%arg11 : memref<128x128xf32, #tpu.memory_space<vmem>>) dst(%dma_wait3A_353 : memref<10112x128xf32, #tpu.memory_space<vmem_shared>>)
      tpu.yield
    }) : () -> ()
    %dma_wait3A_332 = arith.constant 15 : i32
    %dma_wait3A_333 = arith.constant 0 : i32
    %dma_wait3A_334 = tpu.memref_slice %arg6[%dma_wait3A_332, %dma_wait3A_333] : memref<16x128xi32, #tpu.memory_space<vmem>> -> memref<1x128xi32, #tpu.memory_space<vmem>>
    %dma_wait3A_335 = tpu.memref_squeeze %dma_wait3A_334 : memref<1x128xi32, #tpu.memory_space<vmem>> -> memref<128xi32, #tpu.memory_space<vmem>>
    %dma_wait3A_336 = arith.constant 0 : i32
    %dma_wait3A_337 = arith.constant 0 : i32
    %dma_wait3A_338 = tpu.memref_slice %arg2[%dma_wait3A_336, %dma_wait3A_337] : memref<10112x128xf32, #tpu.memory_space<hbm>> -> memref<10112x128xf32, #tpu.memory_space<hbm>>
    tpu.wait_indirect_dma semaphore(%arg13 : memref<!tpu.dma_semaphore, #tpu.memory_space<semaphore_mem>>) src(%dma_wait3A_338 : memref<10112x128xf32, #tpu.memory_space<hbm>>) dst(%arg10 : memref<128x128xf32, #tpu.memory_space<vmem>>)
    %run_scoped3A_339 = arith.constant 15 : i32
    "tpu.region"() ({
      %run_scoped3A_341 = tpu.sem_alloc : memref<!tpu.dma_semaphore, #tpu.memory_space<semaphore_mem>>
      %dma_start3A_342 = arith.constant 0 : i32
      %dma_start3A_343 = tpu.memref_slice %arg7[%run_scoped3A_339, %dma_start3A_342] : memref<16x128xi32, #tpu.memory_space<vmem>> -> memref<1x128xi32, #tpu.memory_space<vmem>>
      %dma_start3A_344 = tpu.memref_squeeze %dma_start3A_343 : memref<1x128xi32, #tpu.memory_space<vmem>> -> memref<128xi32, #tpu.memory_space<vmem>>
      %dma_start3A_345 = arith.constant 0 : i32
      %dma_start3A_346 = arith.constant 0 : i32
      %dma_start3A_347 = tpu.memref_slice %arg12[%dma_start3A_345, %dma_start3A_346] : memref<10112x128xf32, #tpu.memory_space<vmem_shared>> -> memref<10112x128xf32, #tpu.memory_space<vmem_shared>>
      tpu.enqueue_indirect_dma source(%arg10 : memref<128x128xf32, #tpu.memory_space<vmem>>) target(%dma_start3A_347 : memref<10112x128xf32, #tpu.memory_space<vmem_shared>>) offsets(%dma_start3A_344 : memref<128xi32, #tpu.memory_space<vmem>>) semaphore(%run_scoped3A_341 : memref<!tpu.dma_semaphore, #tpu.memory_space<semaphore_mem>>) {add = true}
      %dma_wait3A_348 = arith.constant 0 : i32
      %dma_wait3A_349 = tpu.memref_slice %arg7[%run_scoped3A_339, %dma_wait3A_348] : memref<16x128xi32, #tpu.memory_space<vmem>> -> memref<1x128xi32, #tpu.memory_space<vmem>>
      %dma_wait3A_350 = tpu.memref_squeeze %dma_wait3A_349 : memref<1x128xi32, #tpu.memory_space<vmem>> -> memref<128xi32, #tpu.memory_space<vmem>>
      %dma_wait3A_351 = arith.constant 0 : i32
      %dma_wait3A_352 = arith.constant 0 : i32
      %dma_wait3A_353 = tpu.memref_slice %arg12[%dma_wait3A_351, %dma_wait3A_352] : memref<10112x128xf32, #tpu.memory_space<vmem_shared>> -> memref<10112x128xf32, #tpu.memory_space<vmem_shared>>
      tpu.wait_indirect_dma semaphore(%run_scoped3A_341 : memref<!tpu.dma_semaphore, #tpu.memory_space<semaphore_mem>>) src(%arg10 : memref<128x128xf32, #tpu.memory_space<vmem>>) dst(%dma_wait3A_353 : memref<10112x128xf32, #tpu.memory_space<vmem_shared>>)
      tpu.yield
    }) : () -> ()
    %barrier3A_340 = arith.constant 0 : index
    tpu.barrier barrier_id(%barrier3A_340)
    "tpu.region"() ({
      %run_scoped3A_341 = tpu.sem_alloc : memref<!tpu.dma_semaphore, #tpu.memory_space<semaphore_mem>>
      %dma_start3A_342 = arith.constant 0 : i32
      %dma_start3A_343 = tpu.memref_slice %arg5[%arg0, %mul3A_2, %dma_start3A_342] : memref<2x10112x128xf32, #tpu.memory_space<hbm>> -> memref<1x632x128xf32, #tpu.memory_space<hbm>>
      %dma_start3A_344 = tpu.memref_squeeze %dma_start3A_343 : memref<1x632x128xf32, #tpu.memory_space<hbm>> -> memref<632x128xf32, #tpu.memory_space<hbm>>
      %dma_start3A_345 = arith.constant 0 : i32
      %dma_start3A_346 = tpu.memref_slice %arg12[%mul3A_2, %dma_start3A_345] : memref<10112x128xf32, #tpu.memory_space<vmem_shared>> -> memref<632x128xf32, #tpu.memory_space<vmem_shared>>
      tpu.enqueue_dma source(%dma_start3A_346 : memref<632x128xf32, #tpu.memory_space<vmem_shared>>) target(%dma_start3A_344 : memref<632x128xf32, #tpu.memory_space<hbm>>) target_semaphore(%run_scoped3A_341 : memref<!tpu.dma_semaphore, #tpu.memory_space<semaphore_mem>>)
      %dma_wait3A_347 = arith.constant 0 : i32
      %dma_wait3A_348 = tpu.memref_slice %arg5[%arg0, %mul3A_2, %dma_wait3A_347] : memref<2x10112x128xf32, #tpu.memory_space<hbm>> -> memref<1x632x128xf32, #tpu.memory_space<hbm>>
      %dma_wait3A_349 = tpu.memref_squeeze %dma_wait3A_348 : memref<1x632x128xf32, #tpu.memory_space<hbm>> -> memref<632x128xf32, #tpu.memory_space<hbm>>
      %dma_wait3A_350 = arith.constant 0 : i32
      %dma_wait3A_351 = tpu.memref_slice %arg12[%mul3A_2, %dma_wait3A_350] : memref<10112x128xf32, #tpu.memory_space<vmem_shared>> -> memref<632x128xf32, #tpu.memory_space<vmem_shared>>
      tpu.wait_dma2 semaphore(%run_scoped3A_341 : memref<!tpu.dma_semaphore, #tpu.memory_space<semaphore_mem>>) src(%dma_wait3A_351 : memref<632x128xf32, #tpu.memory_space<vmem_shared>>) dst(%dma_wait3A_349 : memref<632x128xf32, #tpu.memory_space<hbm>>)
      tpu.yield
    }) : () -> ()
    return
  }
}

module attributes {stable_mosaic.version = 14 : i64} {
  func.func @body(%arg0: i32, %arg1: memref<2x1264x128xf32, #tpu.memory_space<vmem>>, %arg2: memref<1264x128xf32, #tpu.memory_space<vmem>>, %arg3: memref<1x128xf32, #tpu.memory_space<vmem>>, %arg4: memref<128x128xf32, #tpu.memory_space<vmem>>, %arg5: memref<1264x128xf32, #tpu.memory_space<vmem>>) attributes {dimension_semantics = [#tpu.dimension_semantics<arbitrary>], iteration_bounds = array<i64: 8>, scalar_prefetch = 0 : i64, scratch_operands = 0 : i64, tpu.core_type = #tpu.core_type<tc>, window_params = [{transform_indices = @transform_0, window_bounds = array<i64: 2, 1264, 128>}, {transform_indices = @transform_1, window_bounds = array<i64: 1264, 128>}, {pipeline_mode = #tpu.pipeline_mode<synchronous>, transform_indices = @transform_2, window_bounds = array<i64: 1, 128>}, {pipeline_mode = #tpu.pipeline_mode<synchronous>, transform_indices = @transform_3, window_bounds = array<i64: 128, 128>}, {transform_indices = @transform_4, window_bounds = array<i64: 1264, 128>}]} {
    %get3A = arith.constant 0 : index
    %get3A_0 = arith.constant 0 : index
    %get3A_1 = vector.load %arg2[%get3A, %get3A_0] : memref<1264x128xf32, #tpu.memory_space<vmem>>, vector<1264x128xf32>
    %get3A_2 = arith.constant 0 : index
    %get3A_3 = arith.constant 0 : index
    %get3A_4 = arith.constant 0 : index
    %get3A_5 = vector.load %arg1[%get3A_2, %get3A_3, %get3A_4] : memref<2x1264x128xf32, #tpu.memory_space<vmem>>, vector<1x1264x128xf32>
    %get3A_6 = vector.shape_cast %get3A_5 : vector<1x1264x128xf32> to vector<1264x128xf32>
    %get3A_7 = arith.constant 1 : index
    %get3A_8 = arith.constant 0 : index
    %get3A_9 = arith.constant 0 : index
    %get3A_10 = vector.load %arg1[%get3A_7, %get3A_8, %get3A_9] : memref<2x1264x128xf32, #tpu.memory_space<vmem>>, vector<1x1264x128xf32>
    %get3A_11 = vector.shape_cast %get3A_10 : vector<1x1264x128xf32> to vector<1264x128xf32>
    %add3A = arith.addf %get3A_6, %get3A_11 : vector<1264x128xf32>
    %mul3A = arith.mulf %get3A_1, %add3A : vector<1264x128xf32>
    %get3A_12 = arith.constant 0 : index
    %get3A_13 = arith.constant 0 : index
    %get3A_14 = vector.load %arg3[%get3A_12, %get3A_13] : memref<1x128xf32, #tpu.memory_space<vmem>>, vector<1x128xf32>
    %add3A_15 = vector.broadcast %get3A_14 : vector<1x128xf32> to vector<1264x128xf32>
    %add3A_16 = arith.addf %mul3A, %add3A_15 : vector<1264x128xf32>
    %max3A = arith.constant 0.000000e+00 : f32
    %max3A_17 = vector.broadcast %max3A : f32 to vector<1264x128xf32>
    %max3A_18 = arith.maximumf %add3A_16, %max3A_17 : vector<1264x128xf32>
    %abs3A = math.absf %add3A_16 : vector<1264x128xf32>
    %neg3A = arith.constant 0.000000e+00 : f32
    %neg3A_19 = vector.broadcast %neg3A : f32 to vector<1264x128xf32>
    %neg3A_20 = arith.subf %neg3A_19, %abs3A : vector<1264x128xf32>
    %exp3A = math.exp %neg3A_20 : vector<1264x128xf32>
    %log1p3A = math.log1p %exp3A : vector<1264x128xf32>
    %add3A_21 = arith.addf %max3A_18, %log1p3A : vector<1264x128xf32>
    %get3A_22 = arith.constant 0 : index
    %get3A_23 = arith.constant 0 : index
    %get3A_24 = vector.load %arg4[%get3A_22, %get3A_23] : memref<128x128xf32, #tpu.memory_space<vmem>>, vector<128x128xf32>
    %dot_general3A = arith.constant dense<0.000000e+00> : vector<1264x128xf32>
    %dot_general3A_25 = tpu.matmul %add3A_21, %get3A_24, %dot_general3A {dimension_numbers = #tpu.dot_dimension_numbers<[1], [0], [0], [1], [0, 0, 1, 1], [], []>, transpose_lhs_hint = false} : vector<1264x128xf32>, vector<128x128xf32>, vector<1264x128xf32> -> vector<1264x128xf32>
    %mul3A_26 = arith.mulf %get3A_1, %dot_general3A_25 : vector<1264x128xf32>
    %swap3A = arith.constant 0 : index
    %swap3A_27 = arith.constant 0 : index
    %swap3A_28 = vector.load %arg5[%swap3A, %swap3A_27] : memref<1264x128xf32, #tpu.memory_space<vmem>>, vector<1264x128xf32>
    tpu.vector_store %arg5[%swap3A, %swap3A_27], %mul3A_26 {strides = array<i32>} : memref<1264x128xf32, #tpu.memory_space<vmem>>, vector<1264x128xf32>,
    return
  }
  func.func @transform_0(%arg0: i32) -> (i32, i32, i32) {
    %c0_i32 = arith.constant 0 : i32
    %c0_i32_0 = arith.constant 0 : i32
    %c0_i32_1 = arith.constant 0 : i32
    return %c0_i32, %arg0, %c0_i32_0 : i32, i32, i32
  }
  func.func @transform_1(%arg0: i32) -> (i32, i32) {
    %c0_i32 = arith.constant 0 : i32
    %c0_i32_0 = arith.constant 0 : i32
    return %arg0, %c0_i32 : i32, i32
  }
  func.func @transform_2(%arg0: i32) -> (i32, i32) {
    %c0_i32 = arith.constant 0 : i32
    %c0_i32_0 = arith.constant 0 : i32
    %c0_i32_1 = arith.constant 0 : i32
    return %c0_i32, %c0_i32_0 : i32, i32
  }
  func.func @transform_3(%arg0: i32) -> (i32, i32) {
    %c0_i32 = arith.constant 0 : i32
    %c0_i32_0 = arith.constant 0 : i32
    %c0_i32_1 = arith.constant 0 : i32
    return %c0_i32, %c0_i32_0 : i32, i32
  }
  func.func @transform_4(%arg0: i32) -> (i32, i32) {
    %c0_i32 = arith.constant 0 : i32
    %c0_i32_0 = arith.constant 0 : i32
    return %arg0, %c0_i32 : i32, i32
  }
}

module attributes {stable_mosaic.version = 14 : i64} {
  func.func @body(%arg0: i32, %arg1: memref<1264x32xf32, #tpu.memory_space<vmem>>, %arg2: memref<1264x128xf32, #tpu.memory_space<vmem>>, %arg3: memref<128x128xf32, #tpu.memory_space<vmem>>, %arg4: memref<1264x128xf32, #tpu.memory_space<vmem>>, %arg5: memref<1264x128xf32, #tpu.memory_space<vmem>>) attributes {dimension_semantics = [#tpu.dimension_semantics<arbitrary>], iteration_bounds = array<i64: 8>, scalar_prefetch = 0 : i64, scratch_operands = 0 : i64, tpu.core_type = #tpu.core_type<tc>, window_params = [{transform_indices = @transform_0, window_bounds = array<i64: 1264, 32>}, {transform_indices = @transform_1, window_bounds = array<i64: 1264, 128>}, {pipeline_mode = #tpu.pipeline_mode<synchronous>, transform_indices = @transform_2, window_bounds = array<i64: 128, 128>}, {transform_indices = @transform_3, window_bounds = array<i64: 1264, 128>}, {transform_indices = @transform_4, window_bounds = array<i64: 1264, 128>}]} {
    %get3A = arith.constant 0 : index
    %get3A_0 = arith.constant 0 : index
    %get3A_1 = vector.load %arg1[%get3A, %get3A_0] : memref<1264x32xf32, #tpu.memory_space<vmem>>, vector<1264x32xf32>
    %reduce_sum3A = arith.constant dense<0.000000e+00> : vector<1264xf32>
    %reduce_sum3A_2 = vector.multi_reduction <add>, %get3A_1, %reduce_sum3A [1] : vector<1264x32xf32> to vector<1264xf32>
    %broadcast_in_dim3A = vector.shape_cast %reduce_sum3A_2 : vector<1264xf32> to vector<1264x1xf32>
    %add3A = arith.constant 1.000000e+00 : f32
    %add3A_3 = vector.broadcast %add3A : f32 to vector<1264x1xf32>
    %add3A_4 = arith.addf %add3A_3, %broadcast_in_dim3A : vector<1264x1xf32>
    %rsqrt3A = math.rsqrt %add3A_4 : vector<1264x1xf32>
    %broadcast_in_dim3A_5 = vector.shape_cast %rsqrt3A : vector<1264x1xf32> to vector<1264x1xf32>
    %broadcast_in_dim3A_6 = vector.broadcast %broadcast_in_dim3A_5 : vector<1264x1xf32> to vector<1264x128xf32>
    %swap3A = arith.constant 0 : index
    %swap3A_7 = arith.constant 0 : index
    %swap3A_8 = vector.load %arg4[%swap3A, %swap3A_7] : memref<1264x128xf32, #tpu.memory_space<vmem>>, vector<1264x128xf32>
    tpu.vector_store %arg4[%swap3A, %swap3A_7], %broadcast_in_dim3A_6 {strides = array<i32>} : memref<1264x128xf32, #tpu.memory_space<vmem>>, vector<1264x128xf32>,
    %get3A_9 = arith.constant 0 : index
    %get3A_10 = arith.constant 0 : index
    %get3A_11 = vector.load %arg2[%get3A_9, %get3A_10] : memref<1264x128xf32, #tpu.memory_space<vmem>>, vector<1264x128xf32>
    %get3A_12 = arith.constant 0 : index
    %get3A_13 = arith.constant 0 : index
    %get3A_14 = vector.load %arg3[%get3A_12, %get3A_13] : memref<128x128xf32, #tpu.memory_space<vmem>>, vector<128x128xf32>
    %dot_general3A = arith.constant dense<0.000000e+00> : vector<1264x128xf32>
    %dot_general3A_15 = tpu.matmul %get3A_11, %get3A_14, %dot_general3A {dimension_numbers = #tpu.dot_dimension_numbers<[1], [0], [0], [1], [0, 0, 1, 1], [], []>, transpose_lhs_hint = false} : vector<1264x128xf32>, vector<128x128xf32>, vector<1264x128xf32> -> vector<1264x128xf32>
    %mul3A = arith.mulf %broadcast_in_dim3A_6, %dot_general3A_15 : vector<1264x128xf32>
    %swap3A_16 = arith.constant 0 : index
    %swap3A_17 = arith.constant 0 : index
    %swap3A_18 = vector.load %arg5[%swap3A_16, %swap3A_17] : memref<1264x128xf32, #tpu.memory_space<vmem>>, vector<1264x128xf32>
    tpu.vector_store %arg5[%swap3A_16, %swap3A_17], %mul3A {strides = array<i32>} : memref<1264x128xf32, #tpu.memory_space<vmem>>, vector<1264x128xf32>,
    return
  }
  func.func @transform_0(%arg0: i32) -> (i32, i32) {
    %c0_i32 = arith.constant 0 : i32
    %c0_i32_0 = arith.constant 0 : i32
    return %arg0, %c0_i32 : i32, i32
  }
  func.func @transform_1(%arg0: i32) -> (i32, i32) {
    %c0_i32 = arith.constant 0 : i32
    %c0_i32_0 = arith.constant 0 : i32
    return %arg0, %c0_i32 : i32, i32
  }
  func.func @transform_2(%arg0: i32) -> (i32, i32) {
    %c0_i32 = arith.constant 0 : i32
    %c0_i32_0 = arith.constant 0 : i32
    %c0_i32_1 = arith.constant 0 : i32
    return %c0_i32, %c0_i32_0 : i32, i32
  }
  func.func @transform_3(%arg0: i32) -> (i32, i32) {
    %c0_i32 = arith.constant 0 : i32
    %c0_i32_0 = arith.constant 0 : i32
    return %arg0, %c0_i32 : i32, i32
  }
  func.func @transform_4(%arg0: i32) -> (i32, i32) {
    %c0_i32 = arith.constant 0 : i32
    %c0_i32_0 = arith.constant 0 : i32
    return %arg0, %c0_i32 : i32, i32
  }
}

module attributes {stable_mosaic.version = 14 : i64} {
  func.func @body(%arg0: i32, %arg1: memref<2x1000x128xf32, #tpu.memory_space<vmem>>, %arg2: memref<1000x128xf32, #tpu.memory_space<vmem>>, %arg3: memref<1x128xf32, #tpu.memory_space<vmem>>, %arg4: memref<1000x128xf32, #tpu.memory_space<vmem>>) attributes {dimension_semantics = [#tpu.dimension_semantics<arbitrary>], iteration_bounds = array<i64: 10>, scalar_prefetch = 0 : i64, scratch_operands = 0 : i64, tpu.core_type = #tpu.core_type<tc>, window_params = [{transform_indices = @transform_0, window_bounds = array<i64: 2, 1000, 128>}, {transform_indices = @transform_1, window_bounds = array<i64: 1000, 128>}, {pipeline_mode = #tpu.pipeline_mode<synchronous>, transform_indices = @transform_2, window_bounds = array<i64: 1, 128>}, {transform_indices = @transform_3, window_bounds = array<i64: 1000, 128>}]} {
    %get3A = arith.constant 0 : index
    %get3A_0 = arith.constant 0 : index
    %get3A_1 = vector.load %arg2[%get3A, %get3A_0] : memref<1000x128xf32, #tpu.memory_space<vmem>>, vector<1000x128xf32>
    %get3A_2 = arith.constant 0 : index
    %get3A_3 = arith.constant 0 : index
    %get3A_4 = arith.constant 0 : index
    %get3A_5 = vector.load %arg1[%get3A_2, %get3A_3, %get3A_4] : memref<2x1000x128xf32, #tpu.memory_space<vmem>>, vector<1x1000x128xf32>
    %get3A_6 = vector.shape_cast %get3A_5 : vector<1x1000x128xf32> to vector<1000x128xf32>
    %get3A_7 = arith.constant 1 : index
    %get3A_8 = arith.constant 0 : index
    %get3A_9 = arith.constant 0 : index
    %get3A_10 = vector.load %arg1[%get3A_7, %get3A_8, %get3A_9] : memref<2x1000x128xf32, #tpu.memory_space<vmem>>, vector<1x1000x128xf32>
    %get3A_11 = vector.shape_cast %get3A_10 : vector<1x1000x128xf32> to vector<1000x128xf32>
    %add3A = arith.addf %get3A_6, %get3A_11 : vector<1000x128xf32>
    %mul3A = arith.mulf %get3A_1, %add3A : vector<1000x128xf32>
    %get3A_12 = arith.constant 0 : index
    %get3A_13 = arith.constant 0 : index
    %get3A_14 = vector.load %arg3[%get3A_12, %get3A_13] : memref<1x128xf32, #tpu.memory_space<vmem>>, vector<1x128xf32>
    %add3A_15 = vector.broadcast %get3A_14 : vector<1x128xf32> to vector<1000x128xf32>
    %add3A_16 = arith.addf %mul3A, %add3A_15 : vector<1000x128xf32>
    %swap3A = arith.constant 0 : index
    %swap3A_17 = arith.constant 0 : index
    %swap3A_18 = vector.load %arg4[%swap3A, %swap3A_17] : memref<1000x128xf32, #tpu.memory_space<vmem>>, vector<1000x128xf32>
    tpu.vector_store %arg4[%swap3A, %swap3A_17], %add3A_16 {strides = array<i32>} : memref<1000x128xf32, #tpu.memory_space<vmem>>, vector<1000x128xf32>,
    return
  }
  func.func @transform_0(%arg0: i32) -> (i32, i32, i32) {
    %c0_i32 = arith.constant 0 : i32
    %c0_i32_0 = arith.constant 0 : i32
    %c0_i32_1 = arith.constant 0 : i32
    return %c0_i32, %arg0, %c0_i32_0 : i32, i32, i32
  }
  func.func @transform_1(%arg0: i32) -> (i32, i32) {
    %c0_i32 = arith.constant 0 : i32
    %c0_i32_0 = arith.constant 0 : i32
    return %arg0, %c0_i32 : i32, i32
  }
  func.func @transform_2(%arg0: i32) -> (i32, i32) {
    %c0_i32 = arith.constant 0 : i32
    %c0_i32_0 = arith.constant 0 : i32
    %c0_i32_1 = arith.constant 0 : i32
    return %c0_i32, %c0_i32_0 : i32, i32
  }
  func.func @transform_3(%arg0: i32) -> (i32, i32) {
    %c0_i32 = arith.constant 0 : i32
    %c0_i32_0 = arith.constant 0 : i32
    return %arg0, %c0_i32 : i32, i32
  }
}

</mosaic_0001>

<sc_bundles>
// kernel: kernel.11.cloned.1.call-start
scs
__scs_entry_jumppad:
0x0: {  	(pc) =	sbr.rel $0x88, $3  }
0x1: {  	(tag) =	ssettag $0x0;
	lr =	simm.s32 $0x1  }
0x2: {  	[smem:$0x3F9B] =	sst lr;
	_ =	strace $0xD0000000  }
0x3: {  	_ = 	snop  }
0x4: {  	_ = 	snop  }
0x5: {  	_ = 	snop  }
0x6: {  	_ = 	snop  }
0x7: {  	_ = 	snop  }
__scs_overlays_trampoline_lowered:
0x8: {  	[smem:$0x3FAA] =	sst s0  }
0x9: {  	[smem:$0x3FAB] =	sst s1  }
0xa: {  	[smem:$0x3FAC] =	sst s2  }
0xb: {  	[smem:$0x3FAD] =	sst s3  }
0xc: {  	[smem:$0x3FAE] =	sst s4  }
0xd: {  	[smem:$0x3FAF] =	sst s5  }
0xe: {  	[smem:$0x3FB0] =	sst s6  }
0xf: {  	[smem:$0x3FB1] =	sst s7  }
0x10: {  	[smem:$0x3FB2] =	sst s8  }
0x11: {  	[smem:$0x3FB3] =	sst s9;
	s0 =	simm.s32 @!p0 $0x0  }
0x12: {  	s1 =	sld [smem:$0x3F99];
	s0 =	simm.s32 @p0 $0x1  }
0x13: {  	[smem:$0x3FB4] =	sst s0;
	s0 =	simm.s32 @!p1 $0x0  }
0x14: {  	s2 =	sld [smem:$0x3F98];
	s0 =	simm.s32 @p1 $0x1  }
0x15: {  	[smem:$0x3FB5] =	sst s0;
	s0 =	simm.s32 @!p2 $0x0  }
0x16: {  	s3 =	sld [smem:$0x3FDB];
	s0 =	simm.s32 @p2 $0x1  }
0x17: {  	s4 =	simm.s32 $0x1BF5;
	[smem:$0x3FB7] =	sst s0  }
0x18: {  	s0 =	sld [smem:$0x3F9A];
	_ =	swait.ge [sflag:s4], $0x0  }
0x19: {  	s7 =	sld [smem:$0x3F9B]  }
0x1a: {  	s8 =	sadd.s32 $0xFFFFE003, lr  }
0x1b: {  	s9 =	sadd.s32 $0xFFFFFEF7, lr;
	s5 =	simm.s32 $0xFFFFFFFF;
	p2 =	slt.u32 s8, $0xFFFFF086  }
0x1c: {  	p1 =	slt.u32 s9, $0xF7A;
	s5 =	simm.s32 @!p2 $0x0  }
0x1d: {  	s5 =	simm.s32 @p1 $0x1;
	p0 =	seq.s32 s7, s2  }
0x1e: {  	s7 =	smul.u32 @!p0 $0xF7A, s2;
	p2 =	seq.s32 @!p0 s5, $0x0  }
0x1f: {  	s9 =	smul.u32 $0xF7A, s1;
	s8 =	simm.s32 @!p0 $0x1BF5;
	p2 =	por !p2, p0  }
0x20: {  	[sflag:s8] =	ssyncset.s32 @!p0 $0xFFFFF086;
	s6 =	sadd.s32 @!p0 s3, s7;
	s7 =	simm.s32 @!p0 $0x108  }
0x21: {  	s3 =	sadd.s32 s3, s9;
	s6 =	sadd.s32 @!p0 $0x88, s6;
	s7 =	simm.s32 @p2 $0x1082  }
0x22: {  	[simem:s7], [sflag:s8] =	dma.local @!p0 [hbm:s6], $0xF7A  }
0x23: {  	s9 =	sor.u32 $0xD0000000, s2;
	s6 =	simm.s32 $0x108;
	_ =	swait.ge @!p0 [sflag:s8], $0x0  }
0x24: {  	s3 =	sadd.s32 $0x88, s3;
	s6 =	simm.s32 @!p1 $0x1082;
	[sflag:s4] =	ssyncset.s32 $0xFFFFF086  }
0x25: {  	[simem:s6], [sflag:s4] =	dma.local [hbm:s3], $0xF7A  }
0x26: {  	[smem:$0x3F9B] =	sst s1;
	(tag) =	ssettag s2;
	_ =	strace s9  }
0x27: {  	s1 =	sld [smem:$0x3FAB]  }
0x28: {  	s2 =	sld [smem:$0x3FAC]  }
0x29: {  	s4 =	sld [smem:$0x3FAE]  }
0x2a: {  	p0 =	seq.s32 s5, $0x0;
	s5 =	sld [smem:$0x3FAF]  }
0x2b: {  	s6 =	sld [smem:$0x3FB0]  }
0x2c: {  	s7 =	sld [smem:$0x3FB1]  }
0x2d: {  	s3 =	simm.s32 $0x108;
	s8 =	sld [smem:$0x3FB2]  }
0x2e: {  	s3 =	simm.s32 @!p0 $0x1082;
	s9 =	sld [smem:$0x3FB3]  }
0x2f: {  	lr =	sadd.s32 s0, s3;
	s0 =	sld [smem:$0x3FAA]  }
0x30: {  	s3 =	sld [smem:$0x3FAD]  }
0x31: {  	[smem:$0x3FB6] =	sst s10  }
0x32: {  	s10 =	sld [smem:$0x3FB4];
	_ =	sdelay $0x3  }
0x33: {  	p0 =	seq.s32 s10, $0x1;
	s10 =	sld [smem:$0x3FB6];
	_ =	sdelay $0x3  }
0x34: {  	[smem:$0x3FB6] =	sst s10  }
0x35: {  	s10 =	sld [smem:$0x3FB5];
	_ =	sdelay $0x3  }
0x36: {  	p1 =	seq.s32 s10, $0x1;
	s10 =	sld [smem:$0x3FB6];
	_ =	sdelay $0x3  }
0x37: {  	[smem:$0x3FB6] =	sst s10  }
0x38: {  	s10 =	sld [smem:$0x3FB7]  }
0x39: {  	_ = 	snop;
	(pc) =	sbr.ind lr, $3  }
0x3a: {  	_ = 	snop  }
0x3b: {  	_ = 	snop  }
0x3c: {  	p2 =	seq.s32 s10, $0x1;
	s10 =	sld [smem:$0x3FB6]  }
0x3d: {  	_ =	shalt  }
0x3e: {  	_ =	shalt  }
0x3f: {  	_ =	shalt  }
0x40: {  	_ =	shalt  }
0x41: {  	_ =	shalt  }
0x42: {  	_ =	shalt  }
0x43: {  	_ =	shalt  }
0x44: {  	_ =	shalt  }
0x45: {  	_ =	shalt  }
0x46: {  	_ =	shalt  }
0x47: {  	_ =	shalt  }
0x48: {  	_ =	shalt  }
0x49: {  	_ =	shalt  }
0x4a: {  	_ =	shalt  }
0x4b: {  	_ =	shalt  }
0x4c: {  	_ =	shalt  }
0x4d: {  	_ =	shalt  }
0x4e: {  	_ =	shalt  }
0x4f: {  	_ =	shalt  }
0x50: {  	_ =	shalt  }
0x51: {  	_ =	shalt  }
0x52: {  	_ =	shalt  }
0x53: {  	_ =	shalt  }
0x54: {  	_ =	shalt  }
0x55: {  	_ =	shalt  }
0x56: {  	_ =	shalt  }
0x57: {  	_ =	shalt  }
0x58: {  	_ =	shalt  }
0x59: {  	_ =	shalt  }
0x5a: {  	_ =	shalt  }
0x5b: {  	_ =	shalt  }
0x5c: {  	_ =	shalt  }
0x5d: {  	_ =	shalt  }
0x5e: {  	_ =	shalt  }
0x5f: {  	_ =	shalt  }
0x60: {  	_ =	shalt  }
0x61: {  	_ =	shalt  }
0x62: {  	_ =	shalt  }
0x63: {  	_ =	shalt  }
0x64: {  	_ =	shalt  }
0x65: {  	_ =	shalt  }
0x66: {  	_ =	shalt  }
0x67: {  	_ =	shalt  }
0x68: {  	_ =	shalt  }
0x69: {  	_ =	shalt  }
0x6a: {  	_ =	shalt  }
0x6b: {  	_ =	shalt  }
0x6c: {  	_ =	shalt  }
0x6d: {  	_ =	shalt  }
0x6e: {  	_ =	shalt  }
0x6f: {  	_ =	shalt  }
0x70: {  	_ =	shalt  }
0x71: {  	_ =	shalt  }
0x72: {  	_ =	shalt  }
0x73: {  	_ =	shalt  }
0x74: {  	_ =	shalt  }
0x75: {  	_ =	shalt  }
0x76: {  	_ =	shalt  }
0x77: {  	_ =	shalt  }
0x78: {  	_ =	shalt  }
0x79: {  	_ =	shalt  }
0x7a: {  	_ =	shalt  }
0x7b: {  	_ =	shalt  }
0x7c: {  	_ =	shalt  }
0x7d: {  	_ =	shalt  }
0x7e: {  	_ =	shalt  }
0x7f: {  	_ =	shalt  }
0x80: {  	_ =	shalt  }
0x81: {  	_ =	shalt  }
0x82: {  	_ =	shalt  }
0x83: {  	_ =	shalt  }
0x84: {  	_ =	shalt  }
0x85: {  	_ =	shalt  }
0x86: {  	_ =	shalt  }
0x87: {  	_ =	shalt  }
.Lfunc_end0:
.L_simem_size_0:
called_computation.1_lowered:
.L_overlay_start_0:
0x88: {  	s2 =	sld [smem:$0x3FD9]  }
0x89: {  	s3 =	sld [smem:$0x3FFE];
	_ =	sdelay $0x1  }
0x8a: {  	s1 =	srdreg.scid  }
0x8b: {  	s0 =	sand.u32 $0x1, s1  }
0x8c: {  	s17 =	sshll.u32 s0, $0xA;
	s2 =	sadd.s32 s3, s2  }
0x8d: {  	s2 =	sadd.s32 s2, s17  }
0x8e: {  	[smem:$0x3FC2] =	sst s2  }
0x8f: {  	_ = 	snop  }
0x90: {  	s2 =	sld [smem:$0x3FD0];
	(tm) =	ssettm $0x1  }
0x91: {  	s18 =	sld [smem:$0x3FFB];
	_ =	sdelay $0x3  }
0x92: {  	_ =	strace s18  }
0x93: {  	s3 =	sld [smem:$0x3FFC];
	_ =	sdelay $0x3  }
0x94: {  	_ =	strace s3  }
0x95: {  	s3 =	sld [smem:$0x3FFD];
	_ =	sdelay $0x3  }
0x96: {  	_ =	strace s3  }
0x97: {  	_ =	strace $0x8FFFFFFF  }
0x98: {  	s19 =	sld [smem:$0x3FDB];
	_ =	sdelay $0x1  }
0x99: {  	s4 =	simm.s32 $_scs_section_size  }
0x9a: {  	s5 =	simm.s32 $_size__tile_overlayer_lowered;
	s6 =	simm.s32 $_tile_overlayer_lowered  }
0x9b: {  	s22 =	simm.s32 $0x1BFF;
	s21 =	sshll.u32 s6, $0x1;
	s3 =	sadd.s32 s4, s19  }
0x9c: {  	s7 =	simm.s32 $0x0;
	s20 =	sshll.u32 s5, $0x1;
	s5 =	sadd.s32 s21, s3  }
0x9d: {  	[timem:s7], [sflag:s22] =	dma.local [hbm:s5], s20  }
0x9e: {  	_ =	swait.ge [sflag:s22], s20  }
0x9f: {  	s4 =	ssub.s32 $0x0, s20;
	[sflag:s22] =	ssyncset.done $0x0  }
0xa0: {  	[sflag:s22] =	ssyncadd.s32 s4;
	_ =	sdelay $0x1  }
0xa1: {  	s23 =	simm.s32 $0x1B8B  }
0xa2: {  	_ =	swait.ge [sflag:s23], $0x1  }
0xa3: {  	[sflag:s23] =	ssyncset.done $0x0  }
0xa4: {  	s25 =	simm.s32 $0x1B8E;
	s24 =	sld [smem:$0x3FFE];
	[sflag:s23] =	ssyncadd.s32 $0xFFFFFFFF  }
0xa5: {  	s26 =	simm.s32 $execute0_lowered;
	[smem:$0x3FD2] =	sst s25  }
0xa6: {  	s5 =	sshll.u32 s26, $0x1;
	_ =	strace $0x80000049;
	[dreg:$0x1] =	wrdreg $0xFFFFFFFF  }
0xa7: {  	s28 =	simm.s32 $_size_execute0_lowered;
	s3 =	sadd.s32 s3, s5;
	[dreg:$0x0] =	wrdreg $0x0  }
0xa8: {  	s5 =	sshll.u32 s28, $0x1;
	[dreg:$0x2] =	wrdreg s3  }
0xa9: {  	[dreg:$0x3] =	wrdreg s5  }
0xaa: {  	[dreg:$0x4] =	wrdreg $0xC0  }
0xab: {  	_ =	task [dreg:s7], $0x5FFFF  }
0xac: {  	[dreg:$0x1] =	wrdreg $0xFFFFFFFF  }
0xad: {  	[dreg:$0x0] =	wrdreg $0x60  }
0xae: {  	[dreg:$0x2] =	wrdreg s24  }
0xaf: {  	[dreg:$0x3] =	wrdreg s2  }
0xb0: {  	[dreg:$0x4] =	wrdreg $0xA0000  }
0xb1: {  	[dreg:$0x5] =	wrdreg $0x9  }
0xb2: {  	_ =	task.clear_ibuf [dreg:s7], $0x6FFFF;
	_ =	strace $0x90000049  }
0xb3: {  	s29 =	simm.s32 $0x9;
	_ =	strace $0x8000004B  }
0xb4: {  	_ =	swait.ge [sflag:s29], $0x1  }
0xb5: {  	[sflag:s29] =	ssyncadd.s32 $0xFFFFFFFF  }
0xb6: {  	_ =	strace $0x9000004B  }
0xb7: {  	_ =	sfence  }
0xb8: {  	s30 =	sld [smem:$0x0];
	_ =	sdelay $0x2  }
0xb9: {  	s31 =	sshll.u32 s1, $0xD;
	s1 =	sshrl.u32 s1, $0x2  }
0xba: {  	s3 =	sand.u32 $0x4000, s31;
	s1 =	sadd.s32 s1, s30  }
0xbb: {  	s0 =	sor.u32 s3, s0;
	s1 =	sshll.u32 s1, $0x11  }
0xbc: {  	s0 =	sor.u32 s1, s0  }
0xbd: {  	s0 =	sadd.s32 $0x8F2B, s0  }
0xbe: {  	[sflag:s0] =	ssyncadd.remote.s32 $0x1  }
0xbf: {  	_ =	sfence.sel $0xFFFF  }
0xc0: {  	[dreg:$0x0] =	wrdreg $0xFFFFFFFF;
	(pc) =	sbr.abs _section_cstart, $3  }
0xc1: {  	[dreg:$0x1] =	wrdreg $0xFFFFFFFF  }
0xc2: {  	_ =	task.clear_ibuf [dreg:s7], $0x2FFFF;
	_ =	strace $0x9FFFFFFF  }
0xc3: {  	(tm) =	ssettm $0x7FFFFFFF  }
tec
execute0_lowered:
.L_overlay_start_1:
0x0: {  	(tag) =	ssettag $0x1  }
0x1: {  	s0 =	rddreg [dreg:$0x0]  }
0x2: {  	s2 =	rddreg [dreg:$0x1]  }
0x3: {  	s1 =	rddreg [dreg:$0x2]  }
0x4: {  	s3 =	srdreg.scid;
	s12 =	stileid.u32;
	s28 =	simm.s32 $0x6000  }
0x5: {  	s31 =	simm.s32 $0x2000;
	s29 =	simm.s32 $0x1B00;
	s7 =	smul.u32 $0x13C00, s12  }
0x6: {  	s5 =	sand.u32 $0x1, s3;
	s3 =	simm.s32 $0x0;
	s10 =	smul.u32 $0x4F000, s12  }
0x7: {  	s8 =	sshll.u32 s12, $0x1;
	s4 =	sadd.s32 $0xC000, s0;
	s15 =	smul.u32 $0x2780, s12  }
0x8: {  	s9 =	sadd.s32 $0x2000, s0;
	s12 =	simm.s32 $0x1980;
	s6 =	smul.u32 $0x13C000, s5  }
0x9: {  	[smem:$0x7FF] =	sst s3;
	s8 =	sor.u32 s5, s8;
	s26 =	ssub.s32 $0x2, s5  }
0xa: {  	p0 =	sne.s32 s5, $0x0;
	s5 =	simm.s32 $0x800;
	_ =	strace $0x8000004A  }
0xb: {  	s25 =	smul.u32 $0x2800, s8;
	s30 =	sshrl.u32 s26, $0x1;
	s10 =	sshrl.u32 s10, $0x2  }
0xc: {  	s8 =	sadd.s32 s4, s15;
	s15 =	simm.s32 $0x1A00;
	s6 =	sadd.s32 s7, s6  }
0xd: {  	s7 =	sadd.s32 s10, s1;
	[dreg:$0x9] =	wrdreg s8;
	s10 =	simm.s32 $0x1900  }
0xe: {  	s6 =	sshrl.u32 s6, $0x3;
	s16 =	sadd.s32 $0x4000, s7;
	[dreg:$0x14] =	wrdreg s7  }
0xf: {  	s11 =	sshrl.u32 s25, $0x3;
	s17 =	sadd.s32 $0x8000, s7;
	[dreg:$0x5] =	wrdreg s16  }
0x10: {  	s18 =	sadd.s32 $0xC000, s7;
	s19 =	sadd.s32 $0x10000, s7;
	[dreg:$0x6] =	wrdreg s17  }
0x11: {  	s0 =	sadd.s32 s6, s0;
	s6 =	ssub.s32 s26, s30;
	[dreg:$0x7] =	wrdreg s18  }
0x12: {  	s13 =	sadd.s32 s9, s11;
	s14 =	sadd.s32 s2, s11;
	[dreg:$0x8] =	wrdreg s19  }
0x13: {  	s20 =	sadd.s32 $0x100, s11;
	s22 =	sadd.s32 $0x200, s11;
	s24 =	sadd.s32 $0x300, s11  }
0x14: {  	s26 =	sadd.s32 $0x400, s11;
	s18 =	simm.s32 $0x0;
	[dreg:$0x4] =	wrdreg s14  }
0x15: {  	s11 =	simm.s32 $0x1200;
	s21 =	sadd.s32 s9, s20;
	[dreg:$0x15] =	wrdreg s13  }
0x16: {  	s16 =	simm.s32 $0x1300;
	s8 =	sadd.s32 s2, s20;
	[dreg:$0xa] =	wrdreg s21  }
0x17: {  	s17 =	simm.s32 $0x1A80;
	s23 =	sadd.s32 s9, s22;
	[dreg:$0xb] =	wrdreg s8  }
0x18: {  	s19 =	simm.s32 $0x1380;
	s25 =	sadd.s32 s9, s24;
	[dreg:$0xc] =	wrdreg s23  }
0x19: {  	s9 =	sadd.s32 s9, s26;
	s0 =	sadd.s32 $0x33800, s0;
	[dreg:$0xe] =	wrdreg s25  }
0x1a: {  	s30 =	smax.u32 s6, $0x1;
	s14 =	simm.s32 $0x1280;
	[dreg:$0x10] =	wrdreg s9  }
.Ltmp0:
0x1b: {  	s8 =	sadd.s32 s2, s22;
	[dreg:$0x12] =	wrdreg s0;
	(pc) =	sbr.rel .LBB2_1-.Ltmp0, $4  }
0x1c: {  	[dreg:$0x13] =	wrdreg s30;
	s25 =	simm.s32 $0x3;
	s0 =	simm.s32 $0x2  }
0x1d: {  	s9 =	simm.s32 $0x1;
	[dreg:$0xd] =	wrdreg s8;
	s8 =	sadd.s32 s2, s24  }
0x1e: {  	s23 =	simm.s32 $0x1080;
	s2 =	sadd.s32 s2, s26;
	[dreg:$0xf] =	wrdreg s8  }
0x1f: {  	v0 =	vimm.f32 $0.0e+00;
	s24 =	simm.s32 $0x4;
	s26 =	simm.s32 $0x80;
	[dreg:$0x11] =	wrdreg s2  }
.LBB2_2:
0x20: {  	s8 =	rddreg [dreg:$0x9]  }
0x21: {  	[spmem:s6], [sflag:s7] =	dma.local [hbm:s8], $0x2780  }
0x22: {  	_ =	swait.ge [sflag:s24], $0x2780  }
0x23: {  	[sflag:s24] =	ssyncset.done $0x0  }
0x24: {  	[sflag:s24] =	ssyncadd.s32 $0xFFFFD880  }
.LBB2_6:
0x25: {  	_ =	swait.ge [sflag:s25], $0x800  }
0x26: {  	[sflag:s25] =	ssyncset.done $0x0  }
0x27: {  	[sflag:s25] =	ssyncadd.s32 $0xFFFFF800  }
0x28: {  	_ =	swait.ge [sflag:s25], $0x800  }
0x29: {  	[sflag:s25] =	ssyncset.done $0x0  }
0x2a: {  	[sflag:s25] =	ssyncadd.s32 $0xFFFFF800  }
0x2b: {  	[tilespmem:s28], [sflag:$0x2] =	stream.indirect.gather [hbm4b:s4+s26], $0x80, s3, s26, $0xb8;
	[tilespmem:$0x1DC00] =	vst v63  }
0x2c: {  	[bflag:$0x0] =	sbarrier.arrive $0xFFFF  }
0x2d: {  	s30 =	simm.s32 $0x1000;
	s8 =	rddreg [dreg:$0xa]  }
0x2e: {  	[tilespmem:s30], [sflag:$0x3] =	stream.linear.gather [hbm4b:s8+s3], $0x800, $0x38;
	[tilespmem:$0x1DC00] =	vst v63  }
0x2f: {  	s22 =	simm.s32 $0x1800;
	s2 =	rddreg [dreg:$0xb]  }
0x30: {  	[tilespmem:s22], [sflag:$0x3] =	stream.linear.gather [hbm4b:s2+s3], $0x800, $0x38;
	[tilespmem:$0x1DC00] =	vst v63  }
0x31: {  	_ = 	snop  }
0x32: {  	[tilespmem:s31], [sflag:$0x1] =	stream.indirect.gather [hbm4b:s4+s26], $0x80, s26, s26, $0xb8;
	[tilespmem:$0x1DC00] =	vst v63  }
0x33: {  	_ =	swait.ge [sflag:s0], $0x4000  }
0x34: {  	[sflag:s0] =	ssyncset.done $0x0  }
0x35: {  	[sflag:s0] =	ssyncadd.s32 $0xFFFFC000  }
0x36: {  	[spmem:s1] =	stream.indirect.scatter.add.f32 [tilespmem:s28], [sflag:$0x4], $0x80, s5, s26, $0xb8;
	[tilespmem:$0x1DC00] =	vst v63  }
0x37: {  	_ =	swait.ge [sflag:s24], $0x4000  }
0x38: {  	[sflag:s24] =	ssyncset.done $0x0  }
0x39: {  	s2 =	simm.s32 $0x100;
	[sflag:s24] =	ssyncadd.s32 $0xFFFFC000  }
0x3a: {  	[tilespmem:s28], [sflag:$0x2] =	stream.indirect.gather [hbm4b:s4+s26], $0x80, s2, s26, $0xb8;
	[tilespmem:$0x1DC00] =	vst v63  }
0x3b: {  	_ =	swait.ge [sflag:s9], $0x4000  }
0x3c: {  	[sflag:s9] =	ssyncset.done $0x0  }
0x3d: {  	s6 =	simm.s32 $0x880;
	[sflag:s9] =	ssyncadd.s32 $0xFFFFC000  }
0x3e: {  	[spmem:s1] =	stream.indirect.scatter.add.f32 [tilespmem:s31], [sflag:$0x4], $0x80, s6, s26, $0xb8;
	[tilespmem:$0x1DC00] =	vst v63  }
0x3f: {  	_ =	swait.ge [sflag:s24], $0x4000  }
0x40: {  	[sflag:s24] =	ssyncset.done $0x0  }
0x41: {  	s7 =	simm.s32 $0x180;
	[sflag:s24] =	ssyncadd.s32 $0xFFFFC000  }
0x42: {  	[tilespmem:s31], [sflag:$0x1] =	stream.indirect.gather [hbm4b:s4+s26], $0x80, s7, s26, $0xb8;
	[tilespmem:$0x1DC00] =	vst v63  }
0x43: {  	_ =	swait.ge [sflag:s0], $0x4000  }
0x44: {  	[sflag:s0] =	ssyncset.done $0x0  }
0x45: {  	s8 =	simm.s32 $0x900;
	[sflag:s0] =	ssyncadd.s32 $0xFFFFC000  }
0x46: {  	[spmem:s1] =	stream.indirect.scatter.add.f32 [tilespmem:s28], [sflag:$0x4], $0x80, s8, s26, $0xb8;
	[tilespmem:$0x1DC00] =	vst v63  }
0x47: {  	_ =	swait.ge [sflag:s24], $0x4000  }
0x48: {  	[sflag:s24] =	ssyncset.done $0x0  }
0x49: {  	s13 =	simm.s32 $0x200;
	[sflag:s24] =	ssyncadd.s32 $0xFFFFC000  }
0x4a: {  	[tilespmem:s28], [sflag:$0x2] =	stream.indirect.gather [hbm4b:s4+s26], $0x80, s13, s26, $0xb8;
	[tilespmem:$0x1DC00] =	vst v63  }
0x4b: {  	_ =	swait.ge [sflag:s9], $0x4000  }
0x4c: {  	[sflag:s9] =	ssyncset.done $0x0  }
0x4d: {  	s20 =	simm.s32 $0x980;
	[sflag:s9] =	ssyncadd.s32 $0xFFFFC000  }
0x4e: {  	[spmem:s1] =	stream.indirect.scatter.add.f32 [tilespmem:s31], [sflag:$0x4], $0x80, s20, s26, $0xb8;
	[tilespmem:$0x1DC00] =	vst v63  }
0x4f: {  	_ =	swait.ge [sflag:s24], $0x4000  }
0x50: {  	[sflag:s24] =	ssyncset.done $0x0  }
0x51: {  	s21 =	simm.s32 $0x280;
	[sflag:s24] =	ssyncadd.s32 $0xFFFFC000  }
0x52: {  	[tilespmem:s31], [sflag:$0x1] =	stream.indirect.gather [hbm4b:s4+s26], $0x80, s21, s26, $0xb8;
	[tilespmem:$0x1DC00] =	vst v63  }
0x53: {  	_ =	swait.ge [sflag:s0], $0x4000  }
0x54: {  	[sflag:s0] =	ssyncset.done $0x0  }
0x55: {  	s6 =	simm.s32 $0xA00;
	[sflag:s0] =	ssyncadd.s32 $0xFFFFC000  }
0x56: {  	[spmem:s1] =	stream.indirect.scatter.add.f32 [tilespmem:s28], [sflag:$0x4], $0x80, s6, s26, $0xb8;
	[tilespmem:$0x1DC00] =	vst v63  }
0x57: {  	_ =	swait.ge [sflag:s24], $0x4000  }
0x58: {  	[sflag:s24] =	ssyncset.done $0x0  }
0x59: {  	s7 =	simm.s32 $0x300;
	[sflag:s24] =	ssyncadd.s32 $0xFFFFC000  }
0x5a: {  	[tilespmem:s28], [sflag:$0x2] =	stream.indirect.gather [hbm4b:s4+s26], $0x80, s7, s26, $0xb8;
	[tilespmem:$0x1DC00] =	vst v63  }
0x5b: {  	_ =	swait.ge [sflag:s9], $0x4000  }
0x5c: {  	[sflag:s9] =	ssyncset.done $0x0  }
0x5d: {  	s8 =	simm.s32 $0xA80;
	[sflag:s9] =	ssyncadd.s32 $0xFFFFC000  }
0x5e: {  	[spmem:s1] =	stream.indirect.scatter.add.f32 [tilespmem:s31], [sflag:$0x4], $0x80, s8, s26, $0xb8;
	[tilespmem:$0x1DC00] =	vst v63  }
0x5f: {  	_ =	swait.ge [sflag:s24], $0x4000  }
0x60: {  	[sflag:s24] =	ssyncset.done $0x0  }
0x61: {  	s13 =	simm.s32 $0x380;
	[sflag:s24] =	ssyncadd.s32 $0xFFFFC000  }
0x62: {  	[tilespmem:s31], [sflag:$0x1] =	stream.indirect.gather [hbm4b:s4+s26], $0x80, s13, s26, $0xb8;
	[tilespmem:$0x1DC00] =	vst v63  }
0x63: {  	_ =	swait.ge [sflag:s0], $0x4000  }
0x64: {  	[sflag:s0] =	ssyncset.done $0x0  }
0x65: {  	s20 =	simm.s32 $0xB00;
	[sflag:s0] =	ssyncadd.s32 $0xFFFFC000  }
0x66: {  	[spmem:s1] =	stream.indirect.scatter.add.f32 [tilespmem:s28], [sflag:$0x4], $0x80, s20, s26, $0xb8;
	[tilespmem:$0x1DC00] =	vst v63  }
0x67: {  	_ =	swait.ge [sflag:s24], $0x4000  }
0x68: {  	[sflag:s24] =	ssyncset.done $0x0  }
0x69: {  	s21 =	simm.s32 $0x400;
	[sflag:s24] =	ssyncadd.s32 $0xFFFFC000  }
0x6a: {  	[tilespmem:s28], [sflag:$0x2] =	stream.indirect.gather [hbm4b:s4+s26], $0x80, s21, s26, $0xb8;
	[tilespmem:$0x1DC00] =	vst v63  }
0x6b: {  	_ =	swait.ge [sflag:s9], $0x4000  }
0x6c: {  	[sflag:s9] =	ssyncset.done $0x0  }
0x6d: {  	s6 =	simm.s32 $0xB80;
	[sflag:s9] =	ssyncadd.s32 $0xFFFFC000  }
0x6e: {  	[spmem:s1] =	stream.indirect.scatter.add.f32 [tilespmem:s31], [sflag:$0x4], $0x80, s6, s26, $0xb8;
	[tilespmem:$0x1DC00] =	vst v63  }
0x6f: {  	_ =	swait.ge [sflag:s24], $0x4000  }
0x70: {  	[sflag:s24] =	ssyncset.done $0x0  }
0x71: {  	s7 =	simm.s32 $0x480;
	[sflag:s24] =	ssyncadd.s32 $0xFFFFC000  }
0x72: {  	[tilespmem:s31], [sflag:$0x1] =	stream.indirect.gather [hbm4b:s4+s26], $0x80, s7, s26, $0xb8;
	[tilespmem:$0x1DC00] =	vst v63  }
0x73: {  	_ =	swait.ge [sflag:s0], $0x4000  }
0x74: {  	[sflag:s0] =	ssyncset.done $0x0  }
0x75: {  	s8 =	simm.s32 $0xC00;
	[sflag:s0] =	ssyncadd.s32 $0xFFFFC000  }
0x76: {  	[spmem:s1] =	stream.indirect.scatter.add.f32 [tilespmem:s28], [sflag:$0x4], $0x80, s8, s26, $0xb8;
	[tilespmem:$0x1DC00] =	vst v63  }
0x77: {  	_ =	swait.ge [sflag:s24], $0x4000  }
0x78: {  	[sflag:s24] =	ssyncset.done $0x0  }
0x79: {  	s13 =	simm.s32 $0x500;
	[sflag:s24] =	ssyncadd.s32 $0xFFFFC000  }
0x7a: {  	[tilespmem:s28], [sflag:$0x2] =	stream.indirect.gather [hbm4b:s4+s26], $0x80, s13, s26, $0xb8;
	[tilespmem:$0x1DC00] =	vst v63  }
0x7b: {  	_ =	swait.ge [sflag:s9], $0x4000  }
0x7c: {  	[sflag:s9] =	ssyncset.done $0x0  }
0x7d: {  	s20 =	simm.s32 $0xC80;
	[sflag:s9] =	ssyncadd.s32 $0xFFFFC000  }
0x7e: {  	[spmem:s1] =	stream.indirect.scatter.add.f32 [tilespmem:s31], [sflag:$0x4], $0x80, s20, s26, $0xb8;
	[tilespmem:$0x1DC00] =	vst v63  }
0x7f: {  	_ =	swait.ge [sflag:s24], $0x4000  }
0x80: {  	[sflag:s24] =	ssyncset.done $0x0  }
0x81: {  	s21 =	simm.s32 $0x580;
	[sflag:s24] =	ssyncadd.s32 $0xFFFFC000  }
0x82: {  	[tilespmem:s31], [sflag:$0x1] =	stream.indirect.gather [hbm4b:s4+s26], $0x80, s21, s26, $0xb8;
	[tilespmem:$0x1DC00] =	vst v63  }
0x83: {  	_ =	swait.ge [sflag:s0], $0x4000  }
0x84: {  	[sflag:s0] =	ssyncset.done $0x0  }
0x85: {  	s6 =	simm.s32 $0xD00;
	[sflag:s0] =	ssyncadd.s32 $0xFFFFC000  }
0x86: {  	[spmem:s1] =	stream.indirect.scatter.add.f32 [tilespmem:s28], [sflag:$0x4], $0x80, s6, s26, $0xb8;
	[tilespmem:$0x1DC00] =	vst v63  }
0x87: {  	_ =	swait.ge [sflag:s24], $0x4000  }
0x88: {  	[sflag:s24] =	ssyncset.done $0x0  }
0x89: {  	s7 =	simm.s32 $0x600;
	[sflag:s24] =	ssyncadd.s32 $0xFFFFC000  }
0x8a: {  	[tilespmem:s28], [sflag:$0x2] =	stream.indirect.gather [hbm4b:s4+s26], $0x80, s7, s26, $0xb8;
	[tilespmem:$0x1DC00] =	vst v63  }
0x8b: {  	_ =	swait.ge [sflag:s9], $0x4000  }
0x8c: {  	[sflag:s9] =	ssyncset.done $0x0  }
0x8d: {  	s8 =	simm.s32 $0xD80;
	[sflag:s9] =	ssyncadd.s32 $0xFFFFC000  }
0x8e: {  	[spmem:s1] =	stream.indirect.scatter.add.f32 [tilespmem:s31], [sflag:$0x4], $0x80, s8, s26, $0xb8;
	[tilespmem:$0x1DC00] =	vst v63  }
0x8f: {  	_ =	swait.ge [sflag:s24], $0x4000  }
0x90: {  	[sflag:s24] =	ssyncset.done $0x0  }
0x91: {  	s13 =	simm.s32 $0x680;
	[sflag:s24] =	ssyncadd.s32 $0xFFFFC000  }
0x92: {  	[tilespmem:s31], [sflag:$0x1] =	stream.indirect.gather [hbm4b:s4+s26], $0x80, s13, s26, $0xb8;
	[tilespmem:$0x1DC00] =	vst v63  }
0x93: {  	_ =	swait.ge [sflag:s0], $0x4000  }
0x94: {  	[sflag:s0] =	ssyncset.done $0x0  }
0x95: {  	s20 =	simm.s32 $0xE00;
	[sflag:s0] =	ssyncadd.s32 $0xFFFFC000  }
0x96: {  	[spmem:s1] =	stream.indirect.scatter.add.f32 [tilespmem:s28], [sflag:$0x4], $0x80, s20, s26, $0xb8;
	[tilespmem:$0x1DC00] =	vst v63  }
0x97: {  	_ =	swait.ge [sflag:s24], $0x4000  }
0x98: {  	[sflag:s24] =	ssyncset.done $0x0  }
0x99: {  	s21 =	simm.s32 $0x700;
	[sflag:s24] =	ssyncadd.s32 $0xFFFFC000  }
0x9a: {  	[tilespmem:s28], [sflag:$0x2] =	stream.indirect.gather [hbm4b:s4+s26], $0x80, s21, s26, $0xb8;
	[tilespmem:$0x1DC00] =	vst v63  }
0x9b: {  	_ =	swait.ge [sflag:s9], $0x4000  }
0x9c: {  	[sflag:s9] =	ssyncset.done $0x0  }
0x9d: {  	s6 =	simm.s32 $0xE80;
	[sflag:s9] =	ssyncadd.s32 $0xFFFFC000  }
0x9e: {  	[spmem:s1] =	stream.indirect.scatter.add.f32 [tilespmem:s31], [sflag:$0x4], $0x80, s6, s26, $0xb8;
	[tilespmem:$0x1DC00] =	vst v63  }
0x9f: {  	_ =	swait.ge [sflag:s24], $0x4000  }
0xa0: {  	[sflag:s24] =	ssyncset.done $0x0  }
0xa1: {  	s7 =	simm.s32 $0x780;
	[sflag:s24] =	ssyncadd.s32 $0xFFFFC000  }
0xa2: {  	[tilespmem:s31], [sflag:$0x1] =	stream.indirect.gather [hbm4b:s4+s26], $0x80, s7, s26, $0xb8;
	[tilespmem:$0x1DC00] =	vst v63  }
0xa3: {  	_ =	swait.ge [sflag:s0], $0x4000  }
0xa4: {  	[sflag:s0] =	ssyncset.done $0x0  }
0xa5: {  	s8 =	simm.s32 $0xF00;
	[sflag:s0] =	ssyncadd.s32 $0xFFFFC000  }
0xa6: {  	[spmem:s1] =	stream.indirect.scatter.add.f32 [tilespmem:s28], [sflag:$0x4], $0x80, s8, s26, $0xb8;
	[tilespmem:$0x1DC00] =	vst v63  }
0xa7: {  	_ =	swait.ge [sflag:s24], $0x4000  }
0xa8: {  	[sflag:s24] =	ssyncset.done $0x0  }
0xa9: {  	[sflag:s24] =	ssyncadd.s32 $0xFFFFC000  }
0xaa: {  	_ =	swait.ge [sflag:s25], $0x800  }
0xab: {  	[sflag:s25] =	ssyncset.done $0x0  }
0xac: {  	[sflag:s25] =	ssyncadd.s32 $0xFFFFF800  }
0xad: {  	_ =	swait.ge [sflag:s25], $0x800  }
0xae: {  	[sflag:s25] =	ssyncset.done $0x0  }
0xaf: {  	[sflag:s25] =	ssyncadd.s32 $0xFFFFF800  }
0xb0: {  	[tilespmem:s28], [sflag:$0x2] =	stream.indirect.gather [hbm4b:s4+s26], $0x80, s30, s26, $0xb8;
	[tilespmem:$0x1DC00] =	vst v63  }
0xb1: {  	_ =	swait.ge [sflag:s9], $0x4000  }
0xb2: {  	[sflag:s9] =	ssyncset.done $0x0  }
0xb3: {  	s13 =	simm.s32 $0xF80;
	[sflag:s9] =	ssyncadd.s32 $0xFFFFC000  }
0xb4: {  	[spmem:s1] =	stream.indirect.scatter.add.f32 [tilespmem:s31], [sflag:$0x4], $0x80, s13, s26, $0xb8;
	[tilespmem:$0x1DC00] =	vst v63  }
0xb5: {  	_ =	swait.ge [sflag:s24], $0x4000  }
0xb6: {  	[sflag:s24] =	ssyncset.done $0x0  }
0xb7: {  	s20 =	rddreg [dreg:$0xc];
	[sflag:s24] =	ssyncadd.s32 $0xFFFFC000  }
0xb8: {  	[tilespmem:s3], [sflag:$0x3] =	stream.linear.gather [hbm4b:s20+s3], $0x800, $0x38;
	[tilespmem:$0x1DC00] =	vst v63  }
0xb9: {  	s21 =	rddreg [dreg:$0xd]  }
0xba: {  	[tilespmem:s5], [sflag:$0x3] =	stream.linear.gather [hbm4b:s21+s3], $0x800, $0x38;
	[tilespmem:$0x1DC00] =	vst v63  }
0xbb: {  	_ = 	snop  }
0xbc: {  	[tilespmem:s31], [sflag:$0x1] =	stream.indirect.gather [hbm4b:s4+s26], $0x80, s23, s26, $0xb8;
	[tilespmem:$0x1DC00] =	vst v63  }
0xbd: {  	_ =	swait.ge [sflag:s0], $0x4000  }
0xbe: {  	[sflag:s0] =	ssyncset.done $0x0  }
0xbf: {  	[sflag:s0] =	ssyncadd.s32 $0xFFFFC000  }
0xc0: {  	[spmem:s1] =	stream.indirect.scatter.add.f32 [tilespmem:s28], [sflag:$0x4], $0x80, s22, s26, $0xb8;
	[tilespmem:$0x1DC00] =	vst v63  }
0xc1: {  	_ =	swait.ge [sflag:s24], $0x4000  }
0xc2: {  	[sflag:s24] =	ssyncset.done $0x0  }
0xc3: {  	s5 =	simm.s32 $0x1100;
	[sflag:s24] =	ssyncadd.s32 $0xFFFFC000  }
0xc4: {  	[tilespmem:s28], [sflag:$0x2] =	stream.indirect.gather [hbm4b:s4+s26], $0x80, s5, s26, $0xb8;
	[tilespmem:$0x1DC00] =	vst v63  }
0xc5: {  	_ =	swait.ge [sflag:s9], $0x4000  }
0xc6: {  	[sflag:s9] =	ssyncset.done $0x0  }
0xc7: {  	s6 =	simm.s32 $0x1880;
	[sflag:s9] =	ssyncadd.s32 $0xFFFFC000  }
0xc8: {  	[spmem:s1] =	stream.indirect.scatter.add.f32 [tilespmem:s31], [sflag:$0x4], $0x80, s6, s26, $0xb8;
	[tilespmem:$0x1DC00] =	vst v63  }
0xc9: {  	_ =	swait.ge [sflag:s24], $0x4000  }
0xca: {  	[sflag:s24] =	ssyncset.done $0x0  }
0xcb: {  	s7 =	simm.s32 $0x1180;
	[sflag:s24] =	ssyncadd.s32 $0xFFFFC000  }
0xcc: {  	[tilespmem:s31], [sflag:$0x1] =	stream.indirect.gather [hbm4b:s4+s26], $0x80, s7, s26, $0xb8;
	[tilespmem:$0x1DC00] =	vst v63  }
0xcd: {  	_ =	swait.ge [sflag:s0], $0x4000  }
0xce: {  	[sflag:s0] =	ssyncset.done $0x0  }
0xcf: {  	[sflag:s0] =	ssyncadd.s32 $0xFFFFC000  }
0xd0: {  	[spmem:s1] =	stream.indirect.scatter.add.f32 [tilespmem:s28], [sflag:$0x4], $0x80, s10, s26, $0xb8;
	[tilespmem:$0x1DC00] =	vst v63  }
0xd1: {  	_ =	swait.ge [sflag:s24], $0x4000  }
0xd2: {  	[sflag:s24] =	ssyncset.done $0x0  }
0xd3: {  	[sflag:s24] =	ssyncadd.s32 $0xFFFFC000  }
0xd4: {  	[tilespmem:s28], [sflag:$0x2] =	stream.indirect.gather [hbm4b:s4+s26], $0x80, s11, s26, $0xb8;
	[tilespmem:$0x1DC00] =	vst v63  }
0xd5: {  	_ =	swait.ge [sflag:s9], $0x4000  }
0xd6: {  	[sflag:s9] =	ssyncset.done $0x0  }
0xd7: {  	[sflag:s9] =	ssyncadd.s32 $0xFFFFC000  }
0xd8: {  	[spmem:s1] =	stream.indirect.scatter.add.f32 [tilespmem:s31], [sflag:$0x4], $0x80, s12, s26, $0xb8;
	[tilespmem:$0x1DC00] =	vst v63  }
0xd9: {  	_ =	swait.ge [sflag:s24], $0x4000  }
0xda: {  	[sflag:s24] =	ssyncset.done $0x0  }
0xdb: {  	[sflag:s24] =	ssyncadd.s32 $0xFFFFC000  }
0xdc: {  	[tilespmem:s31], [sflag:$0x1] =	stream.indirect.gather [hbm4b:s4+s26], $0x80, s14, s26, $0xb8;
	[tilespmem:$0x1DC00] =	vst v63  }
0xdd: {  	_ =	swait.ge [sflag:s0], $0x4000  }
0xde: {  	[sflag:s0] =	ssyncset.done $0x0  }
0xdf: {  	[sflag:s0] =	ssyncadd.s32 $0xFFFFC000  }
0xe0: {  	[spmem:s1] =	stream.indirect.scatter.add.f32 [tilespmem:s28], [sflag:$0x4], $0x80, s15, s26, $0xb8;
	[tilespmem:$0x1DC00] =	vst v63  }
0xe1: {  	_ =	swait.ge [sflag:s24], $0x4000  }
0xe2: {  	[sflag:s24] =	ssyncset.done $0x0  }
0xe3: {  	[sflag:s24] =	ssyncadd.s32 $0xFFFFC000  }
0xe4: {  	[tilespmem:s28], [sflag:$0x2] =	stream.indirect.gather [hbm4b:s4+s26], $0x80, s16, s26, $0xb8;
	[tilespmem:$0x1DC00] =	vst v63  }
0xe5: {  	_ =	swait.ge [sflag:s9], $0x4000  }
0xe6: {  	[sflag:s9] =	ssyncset.done $0x0  }
0xe7: {  	[sflag:s9] =	ssyncadd.s32 $0xFFFFC000  }
0xe8: {  	[spmem:s1] =	stream.indirect.scatter.add.f32 [tilespmem:s31], [sflag:$0x4], $0x80, s17, s26, $0xb8;
	[tilespmem:$0x1DC00] =	vst v63  }
0xe9: {  	_ =	swait.ge [sflag:s24], $0x4000  }
0xea: {  	[sflag:s24] =	ssyncset.done $0x0  }
0xeb: {  	[sflag:s24] =	ssyncadd.s32 $0xFFFFC000  }
0xec: {  	[tilespmem:s31], [sflag:$0x1] =	stream.indirect.gather [hbm4b:s4+s26], $0x80, s19, s26, $0xb8;
	[tilespmem:$0x1DC00] =	vst v63  }
0xed: {  	_ =	swait.ge [sflag:s0], $0x4000  }
0xee: {  	[sflag:s0] =	ssyncset.done $0x0  }
0xef: {  	[sflag:s0] =	ssyncadd.s32 $0xFFFFC000  }
0xf0: {  	[spmem:s1] =	stream.indirect.scatter.add.f32 [tilespmem:s28], [sflag:$0x4], $0x80, s29, s26, $0xb8;
	[tilespmem:$0x1DC00] =	vst v63  }
0xf1: {  	_ =	swait.ge [sflag:s24], $0x4000  }
0xf2: {  	[sflag:s24] =	ssyncset.done $0x0  }
0xf3: {  	s13 =	simm.s32 $0x1400;
	[sflag:s24] =	ssyncadd.s32 $0xFFFFC000  }
0xf4: {  	[tilespmem:s28], [sflag:$0x2] =	stream.indirect.gather [hbm4b:s4+s26], $0x80, s13, s26, $0xb8;
	[tilespmem:$0x1DC00] =	vst v63  }
0xf5: {  	_ =	swait.ge [sflag:s9], $0x4000  }
0xf6: {  	[sflag:s9] =	ssyncset.done $0x0  }
0xf7: {  	s20 =	simm.s32 $0x1B80;
	[sflag:s9] =	ssyncadd.s32 $0xFFFFC000  }
0xf8: {  	[spmem:s1] =	stream.indirect.scatter.add.f32 [tilespmem:s31], [sflag:$0x4], $0x80, s20, s26, $0xb8;
	[tilespmem:$0x1DC00] =	vst v63  }
0xf9: {  	_ =	swait.ge [sflag:s24], $0x4000  }
0xfa: {  	[sflag:s24] =	ssyncset.done $0x0  }
0xfb: {  	s21 =	simm.s32 $0x1480;
	[sflag:s24] =	ssyncadd.s32 $0xFFFFC000  }
0xfc: {  	[tilespmem:s31], [sflag:$0x1] =	stream.indirect.gather [hbm4b:s4+s26], $0x80, s21, s26, $0xb8;
	[tilespmem:$0x1DC00] =	vst v63  }
0xfd: {  	_ =	swait.ge [sflag:s0], $0x4000  }
0xfe: {  	[sflag:s0] =	ssyncset.done $0x0  }
0xff: {  	s8 =	simm.s32 $0x1C00;
	[sflag:s0] =	ssyncadd.s32 $0xFFFFC000  }
0x100: {  	[spmem:s1] =	stream.indirect.scatter.add.f32 [tilespmem:s28], [sflag:$0x4], $0x80, s8, s26, $0xb8;
	[tilespmem:$0x1DC00] =	vst v63  }
0x101: {  	_ =	swait.ge [sflag:s24], $0x4000  }
0x102: {  	[sflag:s24] =	ssyncset.done $0x0  }
0x103: {  	s8 =	simm.s32 $0x1500;
	[sflag:s24] =	ssyncadd.s32 $0xFFFFC000  }
0x104: {  	[tilespmem:s28], [sflag:$0x2] =	stream.indirect.gather [hbm4b:s4+s26], $0x80, s8, s26, $0xb8;
	[tilespmem:$0x1DC00] =	vst v63  }
0x105: {  	_ =	swait.ge [sflag:s9], $0x4000  }
0x106: {  	[sflag:s9] =	ssyncset.done $0x0  }
0x107: {  	s8 =	simm.s32 $0x1C80;
	[sflag:s9] =	ssyncadd.s32 $0xFFFFC000  }
0x108: {  	[spmem:s1] =	stream.indirect.scatter.add.f32 [tilespmem:s31], [sflag:$0x4], $0x80, s8, s26, $0xb8;
	[tilespmem:$0x1DC00] =	vst v63  }
0x109: {  	_ =	swait.ge [sflag:s24], $0x4000  }
0x10a: {  	[sflag:s24] =	ssyncset.done $0x0  }
0x10b: {  	s8 =	simm.s32 $0x1580;
	[sflag:s24] =	ssyncadd.s32 $0xFFFFC000  }
0x10c: {  	[tilespmem:s31], [sflag:$0x1] =	stream.indirect.gather [hbm4b:s4+s26], $0x80, s8, s26, $0xb8;
	[tilespmem:$0x1DC00] =	vst v63  }
0x10d: {  	_ =	swait.ge [sflag:s0], $0x4000  }
0x10e: {  	[sflag:s0] =	ssyncset.done $0x0  }
0x10f: {  	s8 =	simm.s32 $0x1D00;
	[sflag:s0] =	ssyncadd.s32 $0xFFFFC000  }
0x110: {  	[spmem:s1] =	stream.indirect.scatter.add.f32 [tilespmem:s28], [sflag:$0x4], $0x80, s8, s26, $0xb8;
	[tilespmem:$0x1DC00] =	vst v63  }
0x111: {  	_ =	swait.ge [sflag:s24], $0x4000  }
0x112: {  	[sflag:s24] =	ssyncset.done $0x0  }
0x113: {  	s8 =	simm.s32 $0x1600;
	[sflag:s24] =	ssyncadd.s32 $0xFFFFC000  }
0x114: {  	[tilespmem:s28], [sflag:$0x2] =	stream.indirect.gather [hbm4b:s4+s26], $0x80, s8, s26, $0xb8;
	[tilespmem:$0x1DC00] =	vst v63  }
0x115: {  	_ =	swait.ge [sflag:s9], $0x4000  }
0x116: {  	[sflag:s9] =	ssyncset.done $0x0  }
0x117: {  	s8 =	simm.s32 $0x1D80;
	[sflag:s9] =	ssyncadd.s32 $0xFFFFC000  }
0x118: {  	[spmem:s1] =	stream.indirect.scatter.add.f32 [tilespmem:s31], [sflag:$0x4], $0x80, s8, s26, $0xb8;
	[tilespmem:$0x1DC00] =	vst v63  }
0x119: {  	_ =	swait.ge [sflag:s24], $0x4000  }
0x11a: {  	[sflag:s24] =	ssyncset.done $0x0  }
0x11b: {  	s8 =	simm.s32 $0x1680;
	[sflag:s24] =	ssyncadd.s32 $0xFFFFC000  }
0x11c: {  	[tilespmem:s31], [sflag:$0x1] =	stream.indirect.gather [hbm4b:s4+s26], $0x80, s8, s26, $0xb8;
	[tilespmem:$0x1DC00] =	vst v63  }
0x11d: {  	_ =	swait.ge [sflag:s0], $0x4000  }
0x11e: {  	[sflag:s0] =	ssyncset.done $0x0  }
0x11f: {  	s8 =	simm.s32 $0x1E00;
	[sflag:s0] =	ssyncadd.s32 $0xFFFFC000  }
0x120: {  	[spmem:s1] =	stream.indirect.scatter.add.f32 [tilespmem:s28], [sflag:$0x4], $0x80, s8, s26, $0xb8;
	[tilespmem:$0x1DC00] =	vst v63  }
0x121: {  	_ =	swait.ge [sflag:s24], $0x4000  }
0x122: {  	[sflag:s24] =	ssyncset.done $0x0  }
0x123: {  	s8 =	simm.s32 $0x1700;
	[sflag:s24] =	ssyncadd.s32 $0xFFFFC000  }
0x124: {  	[tilespmem:s28], [sflag:$0x2] =	stream.indirect.gather [hbm4b:s4+s26], $0x80, s8, s26, $0xb8;
	[tilespmem:$0x1DC00] =	vst v63  }
0x125: {  	_ =	swait.ge [sflag:s9], $0x4000  }
0x126: {  	[sflag:s9] =	ssyncset.done $0x0  }
0x127: {  	s8 =	simm.s32 $0x1E80;
	[sflag:s9] =	ssyncadd.s32 $0xFFFFC000  }
0x128: {  	[spmem:s1] =	stream.indirect.scatter.add.f32 [tilespmem:s31], [sflag:$0x4], $0x80, s8, s26, $0xb8;
	[tilespmem:$0x1DC00] =	vst v63  }
0x129: {  	_ =	swait.ge [sflag:s24], $0x4000  }
0x12a: {  	[sflag:s24] =	ssyncset.done $0x0  }
0x12b: {  	s8 =	simm.s32 $0x1780;
	[sflag:s24] =	ssyncadd.s32 $0xFFFFC000  }
0x12c: {  	[tilespmem:s31], [sflag:$0x1] =	stream.indirect.gather [hbm4b:s4+s26], $0x80, s8, s26, $0xb8;
	[tilespmem:$0x1DC00] =	vst v63  }
0x12d: {  	_ =	swait.ge [sflag:s0], $0x4000  }
0x12e: {  	[sflag:s0] =	ssyncset.done $0x0  }
0x12f: {  	s8 =	simm.s32 $0x1F00;
	[sflag:s0] =	ssyncadd.s32 $0xFFFFC000  }
0x130: {  	[spmem:s1] =	stream.indirect.scatter.add.f32 [tilespmem:s28], [sflag:$0x4], $0x80, s8, s26, $0xb8;
	[tilespmem:$0x1DC00] =	vst v63  }
0x131: {  	_ =	swait.ge [sflag:s24], $0x4000  }
0x132: {  	[sflag:s24] =	ssyncset.done $0x0  }
0x133: {  	[sflag:s24] =	ssyncadd.s32 $0xFFFFC000  }
0x134: {  	_ =	swait.ge [sflag:s25], $0x800  }
0x135: {  	[sflag:s25] =	ssyncset.done $0x0  }
0x136: {  	[sflag:s25] =	ssyncadd.s32 $0xFFFFF800  }
0x137: {  	_ =	swait.ge [sflag:s25], $0x800  }
0x138: {  	[sflag:s25] =	ssyncset.done $0x0  }
0x139: {  	[sflag:s25] =	ssyncadd.s32 $0xFFFFF800  }
0x13a: {  	[tilespmem:s28], [sflag:$0x2] =	stream.indirect.gather [hbm4b:s4+s26], $0x80, s3, s26, $0xb8;
	[tilespmem:$0x1DC00] =	vst v63  }
0x13b: {  	_ =	swait.ge [sflag:s9], $0x4000  }
0x13c: {  	[sflag:s9] =	ssyncset.done $0x0  }
0x13d: {  	s8 =	simm.s32 $0x1F80;
	[sflag:s9] =	ssyncadd.s32 $0xFFFFC000  }
0x13e: {  	[spmem:s1] =	stream.indirect.scatter.add.f32 [tilespmem:s31], [sflag:$0x4], $0x80, s8, s26, $0xb8;
	[tilespmem:$0x1DC00] =	vst v63  }
0x13f: {  	_ =	swait.ge [sflag:s24], $0x4000  }
0x140: {  	[sflag:s24] =	ssyncset.done $0x0  }
0x141: {  	s8 =	rddreg [dreg:$0xe];
	[sflag:s24] =	ssyncadd.s32 $0xFFFFC000  }
0x142: {  	[tilespmem:s30], [sflag:$0x3] =	stream.linear.gather [hbm4b:s8+s3], $0x800, $0x38;
	[tilespmem:$0x1DC00] =	vst v63  }
0x143: {  	s8 =	rddreg [dreg:$0xf]  }
0x144: {  	[tilespmem:s22], [sflag:$0x3] =	stream.linear.gather [hbm4b:s8+s3], $0x800, $0x38;
	[tilespmem:$0x1DC00] =	vst v63  }
0x145: {  	_ = 	snop  }
0x146: {  	[tilespmem:s31], [sflag:$0x1] =	stream.indirect.gather [hbm4b:s4+s26], $0x80, s26, s26, $0xb8;
	[tilespmem:$0x1DC00] =	vst v63  }
0x147: {  	_ =	swait.ge [sflag:s0], $0x4000  }
0x148: {  	[sflag:s0] =	ssyncset.done $0x0  }
0x149: {  	s2 =	simm.s32 $0x800;
	[sflag:s0] =	ssyncadd.s32 $0xFFFFC000  }
0x14a: {  	[spmem:s1] =	stream.indirect.scatter.add.f32 [tilespmem:s28], [sflag:$0x4], $0x80, s2, s26, $0xb8;
	[tilespmem:$0x1DC00] =	vst v63  }
0x14b: {  	_ =	swait.ge [sflag:s24], $0x4000  }
0x14c: {  	[sflag:s24] =	ssyncset.done $0x0  }
0x14d: {  	s8 =	simm.s32 $0x100;
	[sflag:s24] =	ssyncadd.s32 $0xFFFFC000  }
0x14e: {  	[tilespmem:s28], [sflag:$0x2] =	stream.indirect.gather [hbm4b:s4+s26], $0x80, s8, s26, $0xb8;
	[tilespmem:$0x1DC00] =	vst v63  }
0x14f: {  	_ =	swait.ge [sflag:s9], $0x4000  }
0x150: {  	[sflag:s9] =	ssyncset.done $0x0  }
0x151: {  	s8 =	simm.s32 $0x880;
	[sflag:s9] =	ssyncadd.s32 $0xFFFFC000  }
0x152: {  	[spmem:s1] =	stream.indirect.scatter.add.f32 [tilespmem:s31], [sflag:$0x4], $0x80, s8, s26, $0xb8;
	[tilespmem:$0x1DC00] =	vst v63  }
0x153: {  	_ =	swait.ge [sflag:s24], $0x4000  }
0x154: {  	[sflag:s24] =	ssyncset.done $0x0  }
0x155: {  	s8 =	simm.s32 $0x180;
	[sflag:s24] =	ssyncadd.s32 $0xFFFFC000  }
0x156: {  	[tilespmem:s31], [sflag:$0x1] =	stream.indirect.gather [hbm4b:s4+s26], $0x80, s8, s26, $0xb8;
	[tilespmem:$0x1DC00] =	vst v63  }
0x157: {  	_ =	swait.ge [sflag:s0], $0x4000  }
0x158: {  	[sflag:s0] =	ssyncset.done $0x0  }
0x159: {  	s8 =	simm.s32 $0x900;
	[sflag:s0] =	ssyncadd.s32 $0xFFFFC000  }
0x15a: {  	[spmem:s1] =	stream.indirect.scatter.add.f32 [tilespmem:s28], [sflag:$0x4], $0x80, s8, s26, $0xb8;
	[tilespmem:$0x1DC00] =	vst v63  }
0x15b: {  	_ =	swait.ge [sflag:s24], $0x4000  }
0x15c: {  	[sflag:s24] =	ssyncset.done $0x0  }
0x15d: {  	s8 =	simm.s32 $0x200;
	[sflag:s24] =	ssyncadd.s32 $0xFFFFC000  }
0x15e: {  	[tilespmem:s28], [sflag:$0x2] =	stream.indirect.gather [hbm4b:s4+s26], $0x80, s8, s26, $0xb8;
	[tilespmem:$0x1DC00] =	vst v63  }
0x15f: {  	_ =	swait.ge [sflag:s9], $0x4000  }
0x160: {  	[sflag:s9] =	ssyncset.done $0x0  }
0x161: {  	s8 =	simm.s32 $0x980;
	[sflag:s9] =	ssyncadd.s32 $0xFFFFC000  }
0x162: {  	[spmem:s1] =	stream.indirect.scatter.add.f32 [tilespmem:s31], [sflag:$0x4], $0x80, s8, s26, $0xb8;
	[tilespmem:$0x1DC00] =	vst v63  }
0x163: {  	_ =	swait.ge [sflag:s24], $0x4000  }
0x164: {  	[sflag:s24] =	ssyncset.done $0x0  }
0x165: {  	s8 =	simm.s32 $0x280;
	[sflag:s24] =	ssyncadd.s32 $0xFFFFC000  }
0x166: {  	[tilespmem:s31], [sflag:$0x1] =	stream.indirect.gather [hbm4b:s4+s26], $0x80, s8, s26, $0xb8;
	[tilespmem:$0x1DC00] =	vst v63  }
0x167: {  	_ =	swait.ge [sflag:s0], $0x4000  }
0x168: {  	[sflag:s0] =	ssyncset.done $0x0  }
0x169: {  	s8 =	simm.s32 $0xA00;
	[sflag:s0] =	ssyncadd.s32 $0xFFFFC000  }
0x16a: {  	[spmem:s1] =	stream.indirect.scatter.add.f32 [tilespmem:s28], [sflag:$0x4], $0x80, s8, s26, $0xb8;
	[tilespmem:$0x1DC00] =	vst v63  }
0x16b: {  	_ =	swait.ge [sflag:s24], $0x4000  }
0x16c: {  	[sflag:s24] =	ssyncset.done $0x0  }
0x16d: {  	s8 =	simm.s32 $0x300;
	[sflag:s24] =	ssyncadd.s32 $0xFFFFC000  }
0x16e: {  	[tilespmem:s28], [sflag:$0x2] =	stream.indirect.gather [hbm4b:s4+s26], $0x80, s8, s26, $0xb8;
	[tilespmem:$0x1DC00] =	vst v63  }
0x16f: {  	_ =	swait.ge [sflag:s9], $0x4000  }
0x170: {  	[sflag:s9] =	ssyncset.done $0x0  }
0x171: {  	s8 =	simm.s32 $0xA80;
	[sflag:s9] =	ssyncadd.s32 $0xFFFFC000  }
0x172: {  	[spmem:s1] =	stream.indirect.scatter.add.f32 [tilespmem:s31], [sflag:$0x4], $0x80, s8, s26, $0xb8;
	[tilespmem:$0x1DC00] =	vst v63  }
0x173: {  	_ =	swait.ge [sflag:s24], $0x4000  }
0x174: {  	[sflag:s24] =	ssyncset.done $0x0  }
0x175: {  	s8 =	simm.s32 $0x380;
	[sflag:s24] =	ssyncadd.s32 $0xFFFFC000  }
0x176: {  	[tilespmem:s31], [sflag:$0x1] =	stream.indirect.gather [hbm4b:s4+s26], $0x80, s8, s26, $0xb8;
	[tilespmem:$0x1DC00] =	vst v63  }
0x177: {  	_ =	swait.ge [sflag:s0], $0x4000  }
0x178: {  	[sflag:s0] =	ssyncset.done $0x0  }
0x179: {  	s8 =	simm.s32 $0xB00;
	[sflag:s0] =	ssyncadd.s32 $0xFFFFC000  }
0x17a: {  	[spmem:s1] =	stream.indirect.scatter.add.f32 [tilespmem:s28], [sflag:$0x4], $0x80, s8, s26, $0xb8;
	[tilespmem:$0x1DC00] =	vst v63  }
0x17b: {  	_ =	swait.ge [sflag:s24], $0x4000  }
0x17c: {  	[sflag:s24] =	ssyncset.done $0x0  }
0x17d: {  	s8 =	simm.s32 $0x400;
	[sflag:s24] =	ssyncadd.s32 $0xFFFFC000  }
0x17e: {  	[tilespmem:s28], [sflag:$0x2] =	stream.indirect.gather [hbm4b:s4+s26], $0x80, s8, s26, $0xb8;
	[tilespmem:$0x1DC00] =	vst v63  }
0x17f: {  	_ =	swait.ge [sflag:s9], $0x4000  }
0x180: {  	[sflag:s9] =	ssyncset.done $0x0  }
0x181: {  	s8 =	simm.s32 $0xB80;
	[sflag:s9] =	ssyncadd.s32 $0xFFFFC000  }
0x182: {  	[spmem:s1] =	stream.indirect.scatter.add.f32 [tilespmem:s31], [sflag:$0x4], $0x80, s8, s26, $0xb8;
	[tilespmem:$0x1DC00] =	vst v63  }
0x183: {  	_ =	swait.ge [sflag:s24], $0x4000  }
0x184: {  	[sflag:s24] =	ssyncset.done $0x0  }
0x185: {  	s8 =	simm.s32 $0x480;
	[sflag:s24] =	ssyncadd.s32 $0xFFFFC000  }
0x186: {  	[tilespmem:s31], [sflag:$0x1] =	stream.indirect.gather [hbm4b:s4+s26], $0x80, s8, s26, $0xb8;
	[tilespmem:$0x1DC00] =	vst v63  }
0x187: {  	_ =	swait.ge [sflag:s0], $0x4000  }
0x188: {  	[sflag:s0] =	ssyncset.done $0x0  }
0x189: {  	s8 =	simm.s32 $0xC00;
	[sflag:s0] =	ssyncadd.s32 $0xFFFFC000  }
0x18a: {  	[spmem:s1] =	stream.indirect.scatter.add.f32 [tilespmem:s28], [sflag:$0x4], $0x80, s8, s26, $0xb8;
	[tilespmem:$0x1DC00] =	vst v63  }
0x18b: {  	_ =	swait.ge [sflag:s24], $0x4000  }
0x18c: {  	[sflag:s24] =	ssyncset.done $0x0  }
0x18d: {  	s8 =	simm.s32 $0x500;
	[sflag:s24] =	ssyncadd.s32 $0xFFFFC000  }
0x18e: {  	[tilespmem:s28], [sflag:$0x2] =	stream.indirect.gather [hbm4b:s4+s26], $0x80, s8, s26, $0xb8;
	[tilespmem:$0x1DC00] =	vst v63  }
0x18f: {  	_ =	swait.ge [sflag:s9], $0x4000  }
0x190: {  	[sflag:s9] =	ssyncset.done $0x0  }
0x191: {  	s8 =	simm.s32 $0xC80;
	[sflag:s9] =	ssyncadd.s32 $0xFFFFC000  }
0x192: {  	[spmem:s1] =	stream.indirect.scatter.add.f32 [tilespmem:s31], [sflag:$0x4], $0x80, s8, s26, $0xb8;
	[tilespmem:$0x1DC00] =	vst v63  }
0x193: {  	_ =	swait.ge [sflag:s24], $0x4000  }
0x194: {  	[sflag:s24] =	ssyncset.done $0x0  }
0x195: {  	s8 =	simm.s32 $0x580;
	[sflag:s24] =	ssyncadd.s32 $0xFFFFC000  }
0x196: {  	[tilespmem:s31], [sflag:$0x1] =	stream.indirect.gather [hbm4b:s4+s26], $0x80, s8, s26, $0xb8;
	[tilespmem:$0x1DC00] =	vst v63  }
0x197: {  	_ =	swait.ge [sflag:s0], $0x4000  }
0x198: {  	[sflag:s0] =	ssyncset.done $0x0  }
0x199: {  	s8 =	simm.s32 $0xD00;
	[sflag:s0] =	ssyncadd.s32 $0xFFFFC000  }
0x19a: {  	[spmem:s1] =	stream.indirect.scatter.add.f32 [tilespmem:s28], [sflag:$0x4], $0x80, s8, s26, $0xb8;
	[tilespmem:$0x1DC00] =	vst v63  }
0x19b: {  	_ =	swait.ge [sflag:s24], $0x4000  }
0x19c: {  	[sflag:s24] =	ssyncset.done $0x0  }
0x19d: {  	s8 =	simm.s32 $0x600;
	[sflag:s24] =	ssyncadd.s32 $0xFFFFC000  }
0x19e: {  	[tilespmem:s28], [sflag:$0x2] =	stream.indirect.gather [hbm4b:s4+s26], $0x80, s8, s26, $0xb8;
	[tilespmem:$0x1DC00] =	vst v63  }
0x19f: {  	_ =	swait.ge [sflag:s9], $0x4000  }
0x1a0: {  	[sflag:s9] =	ssyncset.done $0x0  }
0x1a1: {  	s8 =	simm.s32 $0xD80;
	[sflag:s9] =	ssyncadd.s32 $0xFFFFC000  }
0x1a2: {  	[spmem:s1] =	stream.indirect.scatter.add.f32 [tilespmem:s31], [sflag:$0x4], $0x80, s8, s26, $0xb8;
	[tilespmem:$0x1DC00] =	vst v63  }
0x1a3: {  	_ =	swait.ge [sflag:s24], $0x4000  }
0x1a4: {  	[sflag:s24] =	ssyncset.done $0x0  }
0x1a5: {  	s8 =	simm.s32 $0x680;
	[sflag:s24] =	ssyncadd.s32 $0xFFFFC000  }
0x1a6: {  	[tilespmem:s31], [sflag:$0x1] =	stream.indirect.gather [hbm4b:s4+s26], $0x80, s8, s26, $0xb8;
	[tilespmem:$0x1DC00] =	vst v63  }
0x1a7: {  	_ =	swait.ge [sflag:s0], $0x4000  }
0x1a8: {  	[sflag:s0] =	ssyncset.done $0x0  }
0x1a9: {  	s8 =	simm.s32 $0xE00;
	[sflag:s0] =	ssyncadd.s32 $0xFFFFC000  }
0x1aa: {  	[spmem:s1] =	stream.indirect.scatter.add.f32 [tilespmem:s28], [sflag:$0x4], $0x80, s8, s26, $0xb8;
	[tilespmem:$0x1DC00] =	vst v63  }
0x1ab: {  	_ =	swait.ge [sflag:s24], $0x4000  }
0x1ac: {  	[sflag:s24] =	ssyncset.done $0x0  }
0x1ad: {  	s8 =	simm.s32 $0x700;
	[sflag:s24] =	ssyncadd.s32 $0xFFFFC000  }
0x1ae: {  	[tilespmem:s28], [sflag:$0x2] =	stream.indirect.gather [hbm4b:s4+s26], $0x80, s8, s26, $0xb8;
	[tilespmem:$0x1DC00] =	vst v63  }
0x1af: {  	_ =	swait.ge [sflag:s9], $0x4000  }
0x1b0: {  	[sflag:s9] =	ssyncset.done $0x0  }
0x1b1: {  	s8 =	simm.s32 $0xE80;
	[sflag:s9] =	ssyncadd.s32 $0xFFFFC000  }
0x1b2: {  	[spmem:s1] =	stream.indirect.scatter.add.f32 [tilespmem:s31], [sflag:$0x4], $0x80, s8, s26, $0xb8;
	[tilespmem:$0x1DC00] =	vst v63  }
0x1b3: {  	_ =	swait.ge [sflag:s24], $0x4000  }
0x1b4: {  	[sflag:s24] =	ssyncset.done $0x0  }
0x1b5: {  	s8 =	simm.s32 $0x780;
	[sflag:s24] =	ssyncadd.s32 $0xFFFFC000  }
0x1b6: {  	[tilespmem:s31], [sflag:$0x1] =	stream.indirect.gather [hbm4b:s4+s26], $0x80, s8, s26, $0xb8;
	[tilespmem:$0x1DC00] =	vst v63  }
0x1b7: {  	_ =	swait.ge [sflag:s0], $0x4000  }
0x1b8: {  	[sflag:s0] =	ssyncset.done $0x0  }
0x1b9: {  	s8 =	simm.s32 $0xF00;
	[sflag:s0] =	ssyncadd.s32 $0xFFFFC000  }
0x1ba: {  	[spmem:s1] =	stream.indirect.scatter.add.f32 [tilespmem:s28], [sflag:$0x4], $0x80, s8, s26, $0xb8;
	[tilespmem:$0x1DC00] =	vst v63  }
0x1bb: {  	_ =	swait.ge [sflag:s24], $0x4000  }
0x1bc: {  	[sflag:s24] =	ssyncset.done $0x0  }
0x1bd: {  	[sflag:s24] =	ssyncadd.s32 $0xFFFFC000  }
0x1be: {  	_ =	swait.ge [sflag:s25], $0x800  }
0x1bf: {  	[sflag:s25] =	ssyncset.done $0x0  }
0x1c0: {  	[sflag:s25] =	ssyncadd.s32 $0xFFFFF800  }
0x1c1: {  	_ =	swait.ge [sflag:s25], $0x800  }
0x1c2: {  	[sflag:s25] =	ssyncset.done $0x0  }
0x1c3: {  	[sflag:s25] =	ssyncadd.s32 $0xFFFFF800  }
0x1c4: {  	[tilespmem:s28], [sflag:$0x2] =	stream.indirect.gather [hbm4b:s4+s26], $0x80, s30, s26, $0xb8;
	[tilespmem:$0x1DC00] =	vst v63  }
0x1c5: {  	_ =	swait.ge [sflag:s9], $0x4000  }
0x1c6: {  	[sflag:s9] =	ssyncset.done $0x0  }
0x1c7: {  	s30 =	simm.s32 $0xF80;
	[sflag:s9] =	ssyncadd.s32 $0xFFFFC000  }
0x1c8: {  	[spmem:s1] =	stream.indirect.scatter.add.f32 [tilespmem:s31], [sflag:$0x4], $0x80, s30, s26, $0xb8;
	[tilespmem:$0x1DC00] =	vst v63  }
0x1c9: {  	_ =	swait.ge [sflag:s24], $0x4000  }
0x1ca: {  	[sflag:s24] =	ssyncset.done $0x0  }
0x1cb: {  	s8 =	rddreg [dreg:$0x10];
	[sflag:s24] =	ssyncadd.s32 $0xFFFFC000  }
0x1cc: {  	[tilespmem:s3], [sflag:$0x3] =	stream.linear.gather [hbm4b:s8+s3], $0x800, $0x38;
	[tilespmem:$0x1DC00] =	vst v63  }
0x1cd: {  	s8 =	rddreg [dreg:$0x11]  }
0x1ce: {  	[tilespmem:s2], [sflag:$0x3] =	stream.linear.gather [hbm4b:s8+s3], $0x800, $0x38;
	[tilespmem:$0x1DC00] =	vst v63  }
0x1cf: {  	_ = 	snop  }
0x1d0: {  	[tilespmem:s31], [sflag:$0x1] =	stream.indirect.gather [hbm4b:s4+s26], $0x80, s23, s26, $0xb8;
	[tilespmem:$0x1DC00] =	vst v63  }
0x1d1: {  	_ =	swait.ge [sflag:s0], $0x4000  }
0x1d2: {  	[sflag:s0] =	ssyncset.done $0x0  }
0x1d3: {  	[sflag:s0] =	ssyncadd.s32 $0xFFFFC000  }
0x1d4: {  	[spmem:s1] =	stream.indirect.scatter.add.f32 [tilespmem:s28], [sflag:$0x4], $0x80, s22, s26, $0xb8;
	[tilespmem:$0x1DC00] =	vst v63  }
0x1d5: {  	_ =	swait.ge [sflag:s24], $0x4000  }
0x1d6: {  	[sflag:s24] =	ssyncset.done $0x0  }
0x1d7: {  	[sflag:s24] =	ssyncadd.s32 $0xFFFFC000  }
0x1d8: {  	[tilespmem:s28], [sflag:$0x2] =	stream.indirect.gather [hbm4b:s4+s26], $0x80, s5, s26, $0xb8;
	[tilespmem:$0x1DC00] =	vst v63  }
0x1d9: {  	_ =	swait.ge [sflag:s9], $0x4000  }
0x1da: {  	[sflag:s9] =	ssyncset.done $0x0  }
0x1db: {  	[sflag:s9] =	ssyncadd.s32 $0xFFFFC000  }
0x1dc: {  	[spmem:s1] =	stream.indirect.scatter.add.f32 [tilespmem:s31], [sflag:$0x4], $0x80, s6, s26, $0xb8;
	[tilespmem:$0x1DC00] =	vst v63  }
0x1dd: {  	_ =	swait.ge [sflag:s24], $0x4000  }
0x1de: {  	[sflag:s24] =	ssyncset.done $0x0  }
0x1df: {  	[sflag:s24] =	ssyncadd.s32 $0xFFFFC000  }
0x1e0: {  	[tilespmem:s31], [sflag:$0x1] =	stream.indirect.gather [hbm4b:s4+s26], $0x80, s7, s26, $0xb8;
	[tilespmem:$0x1DC00] =	vst v63  }
0x1e1: {  	_ =	swait.ge [sflag:s0], $0x4000  }
0x1e2: {  	[sflag:s0] =	ssyncset.done $0x0  }
0x1e3: {  	[sflag:s0] =	ssyncadd.s32 $0xFFFFC000  }
0x1e4: {  	[spmem:s1] =	stream.indirect.scatter.add.f32 [tilespmem:s28], [sflag:$0x4], $0x80, s10, s26, $0xb8;
	[tilespmem:$0x1DC00] =	vst v63  }
0x1e5: {  	_ =	swait.ge [sflag:s24], $0x4000  }
0x1e6: {  	[sflag:s24] =	ssyncset.done $0x0  }
0x1e7: {  	[sflag:s24] =	ssyncadd.s32 $0xFFFFC000  }
0x1e8: {  	[tilespmem:s28], [sflag:$0x2] =	stream.indirect.gather [hbm4b:s4+s26], $0x80, s11, s26, $0xb8;
	[tilespmem:$0x1DC00] =	vst v63  }
0x1e9: {  	_ =	swait.ge [sflag:s9], $0x4000  }
0x1ea: {  	[sflag:s9] =	ssyncset.done $0x0  }
0x1eb: {  	[sflag:s9] =	ssyncadd.s32 $0xFFFFC000  }
0x1ec: {  	[spmem:s1] =	stream.indirect.scatter.add.f32 [tilespmem:s31], [sflag:$0x4], $0x80, s12, s26, $0xb8;
	[tilespmem:$0x1DC00] =	vst v63  }
0x1ed: {  	_ =	swait.ge [sflag:s24], $0x4000  }
0x1ee: {  	[sflag:s24] =	ssyncset.done $0x0  }
0x1ef: {  	[sflag:s24] =	ssyncadd.s32 $0xFFFFC000  }
0x1f0: {  	[tilespmem:s31], [sflag:$0x1] =	stream.indirect.gather [hbm4b:s4+s26], $0x80, s14, s26, $0xb8;
	[tilespmem:$0x1DC00] =	vst v63  }
0x1f1: {  	_ =	swait.ge [sflag:s0], $0x4000  }
0x1f2: {  	[sflag:s0] =	ssyncset.done $0x0  }
0x1f3: {  	[sflag:s0] =	ssyncadd.s32 $0xFFFFC000  }
0x1f4: {  	[spmem:s1] =	stream.indirect.scatter.add.f32 [tilespmem:s28], [sflag:$0x4], $0x80, s15, s26, $0xb8;
	[tilespmem:$0x1DC00] =	vst v63  }
0x1f5: {  	_ =	swait.ge [sflag:s24], $0x4000  }
0x1f6: {  	[sflag:s24] =	ssyncset.done $0x0  }
0x1f7: {  	[sflag:s24] =	ssyncadd.s32 $0xFFFFC000  }
0x1f8: {  	[tilespmem:s28], [sflag:$0x2] =	stream.indirect.gather [hbm4b:s4+s26], $0x80, s16, s26, $0xb8;
	[tilespmem:$0x1DC00] =	vst v63  }
0x1f9: {  	_ =	swait.ge [sflag:s9], $0x4000  }
0x1fa: {  	[sflag:s9] =	ssyncset.done $0x0  }
0x1fb: {  	[sflag:s9] =	ssyncadd.s32 $0xFFFFC000  }
0x1fc: {  	[spmem:s1] =	stream.indirect.scatter.add.f32 [tilespmem:s31], [sflag:$0x4], $0x80, s17, s26, $0xb8;
	[tilespmem:$0x1DC00] =	vst v63  }
0x1fd: {  	_ =	swait.ge [sflag:s24], $0x4000  }
0x1fe: {  	[sflag:s24] =	ssyncset.done $0x0  }
0x1ff: {  	[sflag:s24] =	ssyncadd.s32 $0xFFFFC000  }
0x200: {  	[tilespmem:s31], [sflag:$0x1] =	stream.indirect.gather [hbm4b:s4+s26], $0x80, s19, s26, $0xb8;
	[tilespmem:$0x1DC00] =	vst v63  }
0x201: {  	_ =	swait.ge [sflag:s0], $0x4000  }
0x202: {  	[sflag:s0] =	ssyncset.done $0x0  }
0x203: {  	[sflag:s0] =	ssyncadd.s32 $0xFFFFC000  }
0x204: {  	[spmem:s1] =	stream.indirect.scatter.add.f32 [tilespmem:s28], [sflag:$0x4], $0x80, s29, s26, $0xb8;
	[tilespmem:$0x1DC00] =	vst v63  }
0x205: {  	_ =	swait.ge [sflag:s24], $0x4000  }
0x206: {  	[sflag:s24] =	ssyncset.done $0x0  }
0x207: {  	[sflag:s24] =	ssyncadd.s32 $0xFFFFC000  }
0x208: {  	[tilespmem:s28], [sflag:$0x2] =	stream.indirect.gather [hbm4b:s4+s26], $0x80, s13, s26, $0xb8;
	[tilespmem:$0x1DC00] =	vst v63  }
0x209: {  	_ =	swait.ge [sflag:s9], $0x4000  }
0x20a: {  	[sflag:s9] =	ssyncset.done $0x0  }
0x20b: {  	[sflag:s9] =	ssyncadd.s32 $0xFFFFC000  }
0x20c: {  	[spmem:s1] =	stream.indirect.scatter.add.f32 [tilespmem:s31], [sflag:$0x4], $0x80, s20, s26, $0xb8;
	[tilespmem:$0x1DC00] =	vst v63  }
0x20d: {  	_ =	swait.ge [sflag:s24], $0x4000  }
0x20e: {  	[sflag:s24] =	ssyncset.done $0x0  }
0x20f: {  	[sflag:s24] =	ssyncadd.s32 $0xFFFFC000  }
0x210: {  	[tilespmem:s31], [sflag:$0x1] =	stream.indirect.gather [hbm4b:s4+s26], $0x80, s21, s26, $0xb8;
	[tilespmem:$0x1DC00] =	vst v63  }
0x211: {  	_ =	swait.ge [sflag:s0], $0x4000  }
0x212: {  	[sflag:s0] =	ssyncset.done $0x0  }
0x213: {  	s20 =	simm.s32 $0x1C00;
	[sflag:s0] =	ssyncadd.s32 $0xFFFFC000  }
0x214: {  	[spmem:s1] =	stream.indirect.scatter.add.f32 [tilespmem:s28], [sflag:$0x4], $0x80, s20, s26, $0xb8;
	[tilespmem:$0x1DC00] =	vst v63  }
0x215: {  	_ =	swait.ge [sflag:s24], $0x4000  }
0x216: {  	[sflag:s24] =	ssyncset.done $0x0  }
0x217: {  	s21 =	simm.s32 $0x1500;
	[sflag:s24] =	ssyncadd.s32 $0xFFFFC000  }
0x218: {  	[tilespmem:s28], [sflag:$0x2] =	stream.indirect.gather [hbm4b:s4+s26], $0x80, s21, s26, $0xb8;
	[tilespmem:$0x1DC00] =	vst v63  }
0x219: {  	_ =	swait.ge [sflag:s9], $0x4000  }
0x21a: {  	[sflag:s9] =	ssyncset.done $0x0  }
0x21b: {  	s22 =	simm.s32 $0x1C80;
	[sflag:s9] =	ssyncadd.s32 $0xFFFFC000  }
0x21c: {  	[spmem:s1] =	stream.indirect.scatter.add.f32 [tilespmem:s31], [sflag:$0x4], $0x80, s22, s26, $0xb8;
	[tilespmem:$0x1DC00] =	vst v63  }
0x21d: {  	_ =	swait.ge [sflag:s24], $0x4000  }
0x21e: {  	[sflag:s24] =	ssyncset.done $0x0  }
0x21f: {  	s6 =	simm.s32 $0x1580;
	[sflag:s24] =	ssyncadd.s32 $0xFFFFC000  }
0x220: {  	[tilespmem:s31], [sflag:$0x1] =	stream.indirect.gather [hbm4b:s4+s26], $0x80, s6, s26, $0xb8;
	[tilespmem:$0x1DC00] =	vst v63  }
0x221: {  	_ =	swait.ge [sflag:s0], $0x4000  }
0x222: {  	[sflag:s0] =	ssyncset.done $0x0  }
0x223: {  	s7 =	simm.s32 $0x1D00;
	[sflag:s0] =	ssyncadd.s32 $0xFFFFC000  }
0x224: {  	[spmem:s1] =	stream.indirect.scatter.add.f32 [tilespmem:s28], [sflag:$0x4], $0x80, s7, s26, $0xb8;
	[tilespmem:$0x1DC00] =	vst v63  }
0x225: {  	_ =	swait.ge [sflag:s24], $0x4000  }
0x226: {  	[sflag:s24] =	ssyncset.done $0x0  }
0x227: {  	s8 =	simm.s32 $0x1600;
	[sflag:s24] =	ssyncadd.s32 $0xFFFFC000  }
0x228: {  	[tilespmem:s28], [sflag:$0x2] =	stream.indirect.gather [hbm4b:s4+s26], $0x80, s8, s26, $0xb8;
	[tilespmem:$0x1DC00] =	vst v63  }
0x229: {  	_ =	swait.ge [sflag:s9], $0x4000  }
0x22a: {  	[sflag:s9] =	ssyncset.done $0x0  }
0x22b: {  	s13 =	simm.s32 $0x1D80;
	[sflag:s9] =	ssyncadd.s32 $0xFFFFC000  }
0x22c: {  	[spmem:s1] =	stream.indirect.scatter.add.f32 [tilespmem:s31], [sflag:$0x4], $0x80, s13, s26, $0xb8;
	[tilespmem:$0x1DC00] =	vst v63  }
0x22d: {  	_ =	swait.ge [sflag:s24], $0x4000  }
0x22e: {  	[sflag:s24] =	ssyncset.done $0x0  }
0x22f: {  	s20 =	simm.s32 $0x1680;
	[sflag:s24] =	ssyncadd.s32 $0xFFFFC000  }
0x230: {  	[tilespmem:s31], [sflag:$0x1] =	stream.indirect.gather [hbm4b:s4+s26], $0x80, s20, s26, $0xb8;
	[tilespmem:$0x1DC00] =	vst v63  }
0x231: {  	_ =	swait.ge [sflag:s0], $0x4000  }
0x232: {  	[sflag:s0] =	ssyncset.done $0x0  }
0x233: {  	s21 =	simm.s32 $0x1E00;
	[sflag:s0] =	ssyncadd.s32 $0xFFFFC000  }
0x234: {  	[spmem:s1] =	stream.indirect.scatter.add.f32 [tilespmem:s28], [sflag:$0x4], $0x80, s21, s26, $0xb8;
	[tilespmem:$0x1DC00] =	vst v63  }
0x235: {  	_ =	swait.ge [sflag:s24], $0x4000  }
0x236: {  	[sflag:s24] =	ssyncset.done $0x0  }
0x237: {  	s22 =	simm.s32 $0x1700;
	[sflag:s24] =	ssyncadd.s32 $0xFFFFC000  }
0x238: {  	[tilespmem:s28], [sflag:$0x2] =	stream.indirect.gather [hbm4b:s4+s26], $0x80, s22, s26, $0xb8;
	[tilespmem:$0x1DC00] =	vst v63  }
0x239: {  	_ =	swait.ge [sflag:s9], $0x4000  }
0x23a: {  	[sflag:s9] =	ssyncset.done $0x0  }
0x23b: {  	s6 =	simm.s32 $0x1E80;
	[sflag:s9] =	ssyncadd.s32 $0xFFFFC000  }
0x23c: {  	[spmem:s1] =	stream.indirect.scatter.add.f32 [tilespmem:s31], [sflag:$0x4], $0x80, s6, s26, $0xb8;
	[tilespmem:$0x1DC00] =	vst v63  }
0x23d: {  	_ =	swait.ge [sflag:s24], $0x4000  }
0x23e: {  	[sflag:s24] =	ssyncset.done $0x0  }
0x23f: {  	s7 =	simm.s32 $0x1780;
	[sflag:s24] =	ssyncadd.s32 $0xFFFFC000  }
0x240: {  	[tilespmem:s31], [sflag:$0x1] =	stream.indirect.gather [hbm4b:s4+s26], $0x80, s7, s26, $0xb8;
	[tilespmem:$0x1DC00] =	vst v63  }
0x241: {  	_ =	swait.ge [sflag:s0], $0x4000  }
0x242: {  	[sflag:s0] =	ssyncset.done $0x0  }
0x243: {  	s8 =	simm.s32 $0x1F00;
	[sflag:s0] =	ssyncadd.s32 $0xFFFFC000  }
0x244: {  	[spmem:s1] =	stream.indirect.scatter.add.f32 [tilespmem:s28], [sflag:$0x4], $0x80, s8, s26, $0xb8;
	[tilespmem:$0x1DC00] =	vst v63  }
0x245: {  	_ =	swait.ge [sflag:s24], $0x4000  }
0x246: {  	[sflag:s24] =	ssyncset.done $0x0  }
0x247: {  	[sflag:s24] =	ssyncadd.s32 $0xFFFFC000  }
0x248: {  	_ =	swait.ge [sflag:s25], $0x800  }
0x249: {  	[sflag:s25] =	ssyncset.done $0x0  }
0x24a: {  	[sflag:s25] =	ssyncadd.s32 $0xFFFFF800  }
0x24b: {  	_ =	swait.ge [sflag:s25], $0x800  }
0x24c: {  	[sflag:s25] =	ssyncset.done $0x0  }
0x24d: {  	[sflag:s25] =	ssyncadd.s32 $0xFFFFF800  }
0x24e: {  	[tilespmem:s28], [sflag:$0x2] =	stream.indirect.gather [hbm4b:s4+s26], $0x80, s3, s26, $0xb8;
	[tilespmem:$0x1DC00] =	vst v63  }
0x24f: {  	_ =	swait.ge [sflag:s9], $0x4000  }
0x250: {  	[sflag:s9] =	ssyncset.done $0x0  }
0x251: {  	s13 =	simm.s32 $0x1F80;
	[sflag:s9] =	ssyncadd.s32 $0xFFFFC000  }
0x252: {  	[spmem:s1] =	stream.indirect.scatter.add.f32 [tilespmem:s31], [sflag:$0x4], $0x80, s13, s26, $0xb8;
	[tilespmem:$0x1DC00] =	vst v63  }
0x253: {  	_ =	swait.ge [sflag:s24], $0x4000  }
0x254: {  	[sflag:s24] =	ssyncset.done $0x0  }
0x255: {  	[sflag:s24] =	ssyncadd.s32 $0xFFFFC000  }
0x256: {  	[tilespmem:s31], [sflag:$0x1] =	stream.indirect.gather [hbm4b:s4+s26], $0x80, s26, s26, $0xb8;
	[tilespmem:$0x1DC00] =	vst v63  }
0x257: {  	_ =	swait.ge [sflag:s0], $0x4000  }
0x258: {  	[sflag:s0] =	ssyncset.done $0x0  }
0x259: {  	s5 =	simm.s32 $0x800;
	[sflag:s0] =	ssyncadd.s32 $0xFFFFC000  }
0x25a: {  	[spmem:s1] =	stream.indirect.scatter.add.f32 [tilespmem:s28], [sflag:$0x4], $0x80, s5, s26, $0xb8;
	[tilespmem:$0x1DC00] =	vst v63  }
0x25b: {  	_ =	swait.ge [sflag:s24], $0x4000  }
0x25c: {  	[sflag:s24] =	ssyncset.done $0x0  }
0x25d: {  	s20 =	simm.s32 $0x100;
	[sflag:s24] =	ssyncadd.s32 $0xFFFFC000  }
0x25e: {  	[tilespmem:s28], [sflag:$0x2] =	stream.indirect.gather [hbm4b:s4+s26], $0x80, s20, s26, $0xb8;
	[tilespmem:$0x1DC00] =	vst v63  }
0x25f: {  	_ =	swait.ge [sflag:s9], $0x4000  }
0x260: {  	[sflag:s9] =	ssyncset.done $0x0  }
0x261: {  	s21 =	simm.s32 $0x880;
	[sflag:s9] =	ssyncadd.s32 $0xFFFFC000  }
0x262: {  	[spmem:s1] =	stream.indirect.scatter.add.f32 [tilespmem:s31], [sflag:$0x4], $0x80, s21, s26, $0xb8;
	[tilespmem:$0x1DC00] =	vst v63  }
0x263: {  	_ =	swait.ge [sflag:s24], $0x4000  }
0x264: {  	[sflag:s24] =	ssyncset.done $0x0  }
0x265: {  	s22 =	simm.s32 $0x180;
	[sflag:s24] =	ssyncadd.s32 $0xFFFFC000  }
0x266: {  	[tilespmem:s31], [sflag:$0x1] =	stream.indirect.gather [hbm4b:s4+s26], $0x80, s22, s26, $0xb8;
	[tilespmem:$0x1DC00] =	vst v63  }
0x267: {  	_ =	swait.ge [sflag:s0], $0x4000  }
0x268: {  	[sflag:s0] =	ssyncset.done $0x0  }
0x269: {  	s6 =	simm.s32 $0x900;
	[sflag:s0] =	ssyncadd.s32 $0xFFFFC000  }
0x26a: {  	[spmem:s1] =	stream.indirect.scatter.add.f32 [tilespmem:s28], [sflag:$0x4], $0x80, s6, s26, $0xb8;
	[tilespmem:$0x1DC00] =	vst v63  }
0x26b: {  	_ =	swait.ge [sflag:s24], $0x4000  }
0x26c: {  	[sflag:s24] =	ssyncset.done $0x0  }
0x26d: {  	s7 =	simm.s32 $0x200;
	[sflag:s24] =	ssyncadd.s32 $0xFFFFC000  }
0x26e: {  	[tilespmem:s28], [sflag:$0x2] =	stream.indirect.gather [hbm4b:s4+s26], $0x80, s7, s26, $0xb8;
	[tilespmem:$0x1DC00] =	vst v63  }
0x26f: {  	_ =	swait.ge [sflag:s9], $0x4000  }
0x270: {  	[sflag:s9] =	ssyncset.done $0x0  }
0x271: {  	s8 =	simm.s32 $0x980;
	[sflag:s9] =	ssyncadd.s32 $0xFFFFC000  }
0x272: {  	[spmem:s1] =	stream.indirect.scatter.add.f32 [tilespmem:s31], [sflag:$0x4], $0x80, s8, s26, $0xb8;
	[tilespmem:$0x1DC00] =	vst v63  }
0x273: {  	_ =	swait.ge [sflag:s24], $0x4000  }
0x274: {  	[sflag:s24] =	ssyncset.done $0x0  }
0x275: {  	s13 =	simm.s32 $0x280;
	[sflag:s24] =	ssyncadd.s32 $0xFFFFC000  }
0x276: {  	[tilespmem:s31], [sflag:$0x1] =	stream.indirect.gather [hbm4b:s4+s26], $0x80, s13, s26, $0xb8;
	[tilespmem:$0x1DC00] =	vst v63  }
0x277: {  	_ =	swait.ge [sflag:s0], $0x4000  }
0x278: {  	[sflag:s0] =	ssyncset.done $0x0  }
0x279: {  	s20 =	simm.s32 $0xA00;
	[sflag:s0] =	ssyncadd.s32 $0xFFFFC000  }
0x27a: {  	[spmem:s1] =	stream.indirect.scatter.add.f32 [tilespmem:s28], [sflag:$0x4], $0x80, s20, s26, $0xb8;
	[tilespmem:$0x1DC00] =	vst v63  }
0x27b: {  	_ =	swait.ge [sflag:s24], $0x4000  }
0x27c: {  	[sflag:s24] =	ssyncset.done $0x0  }
0x27d: {  	s21 =	simm.s32 $0x300;
	[sflag:s24] =	ssyncadd.s32 $0xFFFFC000  }
0x27e: {  	[tilespmem:s28], [sflag:$0x2] =	stream.indirect.gather [hbm4b:s4+s26], $0x80, s21, s26, $0xb8;
	[tilespmem:$0x1DC00] =	vst v63  }
0x27f: {  	_ =	swait.ge [sflag:s9], $0x4000  }
0x280: {  	[sflag:s9] =	ssyncset.done $0x0  }
0x281: {  	s22 =	simm.s32 $0xA80;
	[sflag:s9] =	ssyncadd.s32 $0xFFFFC000  }
0x282: {  	[spmem:s1] =	stream.indirect.scatter.add.f32 [tilespmem:s31], [sflag:$0x4], $0x80, s22, s26, $0xb8;
	[tilespmem:$0x1DC00] =	vst v63  }
0x283: {  	_ =	swait.ge [sflag:s24], $0x4000  }
0x284: {  	[sflag:s24] =	ssyncset.done $0x0  }
0x285: {  	s6 =	simm.s32 $0x380;
	[sflag:s24] =	ssyncadd.s32 $0xFFFFC000  }
0x286: {  	[tilespmem:s31], [sflag:$0x1] =	stream.indirect.gather [hbm4b:s4+s26], $0x80, s6, s26, $0xb8;
	[tilespmem:$0x1DC00] =	vst v63  }
0x287: {  	_ =	swait.ge [sflag:s0], $0x4000  }
0x288: {  	[sflag:s0] =	ssyncset.done $0x0  }
0x289: {  	s7 =	simm.s32 $0xB00;
	[sflag:s0] =	ssyncadd.s32 $0xFFFFC000  }
0x28a: {  	[spmem:s1] =	stream.indirect.scatter.add.f32 [tilespmem:s28], [sflag:$0x4], $0x80, s7, s26, $0xb8;
	[tilespmem:$0x1DC00] =	vst v63  }
0x28b: {  	_ =	swait.ge [sflag:s24], $0x4000  }
0x28c: {  	[sflag:s24] =	ssyncset.done $0x0  }
0x28d: {  	s8 =	simm.s32 $0x400;
	[sflag:s24] =	ssyncadd.s32 $0xFFFFC000  }
0x28e: {  	[tilespmem:s28], [sflag:$0x2] =	stream.indirect.gather [hbm4b:s4+s26], $0x80, s8, s26, $0xb8;
	[tilespmem:$0x1DC00] =	vst v63  }
0x28f: {  	_ =	swait.ge [sflag:s9], $0x4000  }
0x290: {  	[sflag:s9] =	ssyncset.done $0x0  }
0x291: {  	s13 =	simm.s32 $0xB80;
	[sflag:s9] =	ssyncadd.s32 $0xFFFFC000  }
0x292: {  	[spmem:s1] =	stream.indirect.scatter.add.f32 [tilespmem:s31], [sflag:$0x4], $0x80, s13, s26, $0xb8;
	[tilespmem:$0x1DC00] =	vst v63  }
0x293: {  	_ =	swait.ge [sflag:s24], $0x4000  }
0x294: {  	[sflag:s24] =	ssyncset.done $0x0  }
0x295: {  	s20 =	simm.s32 $0x480;
	[sflag:s24] =	ssyncadd.s32 $0xFFFFC000  }
0x296: {  	[tilespmem:s31], [sflag:$0x1] =	stream.indirect.gather [hbm4b:s4+s26], $0x80, s20, s26, $0xb8;
	[tilespmem:$0x1DC00] =	vst v63  }
0x297: {  	_ =	swait.ge [sflag:s0], $0x4000  }
0x298: {  	[sflag:s0] =	ssyncset.done $0x0  }
0x299: {  	s21 =	simm.s32 $0xC00;
	[sflag:s0] =	ssyncadd.s32 $0xFFFFC000  }
0x29a: {  	[spmem:s1] =	stream.indirect.scatter.add.f32 [tilespmem:s28], [sflag:$0x4], $0x80, s21, s26, $0xb8;
	[tilespmem:$0x1DC00] =	vst v63  }
0x29b: {  	_ =	swait.ge [sflag:s24], $0x4000  }
0x29c: {  	[sflag:s24] =	ssyncset.done $0x0  }
0x29d: {  	s22 =	simm.s32 $0x500;
	[sflag:s24] =	ssyncadd.s32 $0xFFFFC000  }
0x29e: {  	[tilespmem:s28], [sflag:$0x2] =	stream.indirect.gather [hbm4b:s4+s26], $0x80, s22, s26, $0xb8;
	[tilespmem:$0x1DC00] =	vst v63  }
0x29f: {  	_ =	swait.ge [sflag:s9], $0x4000  }
0x2a0: {  	[sflag:s9] =	ssyncset.done $0x0  }
0x2a1: {  	s6 =	simm.s32 $0xC80;
	[sflag:s9] =	ssyncadd.s32 $0xFFFFC000  }
0x2a2: {  	[spmem:s1] =	stream.indirect.scatter.add.f32 [tilespmem:s31], [sflag:$0x4], $0x80, s6, s26, $0xb8;
	[tilespmem:$0x1DC00] =	vst v63  }
0x2a3: {  	_ =	swait.ge [sflag:s24], $0x4000  }
0x2a4: {  	[sflag:s24] =	ssyncset.done $0x0  }
0x2a5: {  	s7 =	simm.s32 $0x580;
	[sflag:s24] =	ssyncadd.s32 $0xFFFFC000  }
0x2a6: {  	[tilespmem:s31], [sflag:$0x1] =	stream.indirect.gather [hbm4b:s4+s26], $0x80, s7, s26, $0xb8;
	[tilespmem:$0x1DC00] =	vst v63  }
0x2a7: {  	_ =	swait.ge [sflag:s0], $0x4000  }
0x2a8: {  	[sflag:s0] =	ssyncset.done $0x0  }
0x2a9: {  	s8 =	simm.s32 $0xD00;
	[sflag:s0] =	ssyncadd.s32 $0xFFFFC000  }
0x2aa: {  	[spmem:s1] =	stream.indirect.scatter.add.f32 [tilespmem:s28], [sflag:$0x4], $0x80, s8, s26, $0xb8;
	[tilespmem:$0x1DC00] =	vst v63  }
0x2ab: {  	_ =	swait.ge [sflag:s24], $0x4000  }
0x2ac: {  	[sflag:s24] =	ssyncset.done $0x0  }
0x2ad: {  	s13 =	simm.s32 $0x600;
	[sflag:s24] =	ssyncadd.s32 $0xFFFFC000  }
0x2ae: {  	[tilespmem:s28], [sflag:$0x2] =	stream.indirect.gather [hbm4b:s4+s26], $0x80, s13, s26, $0xb8;
	[tilespmem:$0x1DC00] =	vst v63  }
0x2af: {  	_ =	swait.ge [sflag:s9], $0x4000  }
0x2b0: {  	[sflag:s9] =	ssyncset.done $0x0  }
0x2b1: {  	s20 =	simm.s32 $0xD80;
	[sflag:s9] =	ssyncadd.s32 $0xFFFFC000  }
0x2b2: {  	[spmem:s1] =	stream.indirect.scatter.add.f32 [tilespmem:s31], [sflag:$0x4], $0x80, s20, s26, $0xb8;
	[tilespmem:$0x1DC00] =	vst v63  }
0x2b3: {  	_ =	swait.ge [sflag:s24], $0x4000  }
0x2b4: {  	[sflag:s24] =	ssyncset.done $0x0  }
0x2b5: {  	s21 =	simm.s32 $0x680;
	[sflag:s24] =	ssyncadd.s32 $0xFFFFC000  }
0x2b6: {  	[tilespmem:s31], [sflag:$0x1] =	stream.indirect.gather [hbm4b:s4+s26], $0x80, s21, s26, $0xb8;
	[tilespmem:$0x1DC00] =	vst v63  }
0x2b7: {  	_ =	swait.ge [sflag:s0], $0x4000  }
0x2b8: {  	[sflag:s0] =	ssyncset.done $0x0  }
0x2b9: {  	s22 =	simm.s32 $0xE00;
	[sflag:s0] =	ssyncadd.s32 $0xFFFFC000  }
0x2ba: {  	[spmem:s1] =	stream.indirect.scatter.add.f32 [tilespmem:s28], [sflag:$0x4], $0x80, s22, s26, $0xb8;
	[tilespmem:$0x1DC00] =	vst v63  }
0x2bb: {  	_ =	swait.ge [sflag:s24], $0x4000  }
0x2bc: {  	[sflag:s24] =	ssyncset.done $0x0  }
0x2bd: {  	s6 =	simm.s32 $0x700;
	[sflag:s24] =	ssyncadd.s32 $0xFFFFC000  }
0x2be: {  	[tilespmem:s28], [sflag:$0x2] =	stream.indirect.gather [hbm4b:s4+s26], $0x80, s6, s26, $0xb8;
	[tilespmem:$0x1DC00] =	vst v63  }
0x2bf: {  	_ =	swait.ge [sflag:s9], $0x4000  }
0x2c0: {  	[sflag:s9] =	ssyncset.done $0x0  }
0x2c1: {  	s7 =	simm.s32 $0xE80;
	[sflag:s9] =	ssyncadd.s32 $0xFFFFC000  }
0x2c2: {  	[spmem:s1] =	stream.indirect.scatter.add.f32 [tilespmem:s31], [sflag:$0x4], $0x80, s7, s26, $0xb8;
	[tilespmem:$0x1DC00] =	vst v63  }
0x2c3: {  	_ =	swait.ge [sflag:s24], $0x4000  }
0x2c4: {  	[sflag:s24] =	ssyncset.done $0x0  }
0x2c5: {  	s8 =	simm.s32 $0x780;
	[sflag:s24] =	ssyncadd.s32 $0xFFFFC000  }
0x2c6: {  	[tilespmem:s31], [sflag:$0x1] =	stream.indirect.gather [hbm4b:s4+s26], $0x80, s8, s26, $0xb8;
	[tilespmem:$0x1DC00] =	vst v63  }
0x2c7: {  	_ =	swait.ge [sflag:s0], $0x4000  }
0x2c8: {  	[sflag:s0] =	ssyncset.done $0x0  }
0x2c9: {  	s13 =	simm.s32 $0xF00;
	[sflag:s0] =	ssyncadd.s32 $0xFFFFC000  }
0x2ca: {  	[spmem:s1] =	stream.indirect.scatter.add.f32 [tilespmem:s28], [sflag:$0x4], $0x80, s13, s26, $0xb8;
	[tilespmem:$0x1DC00] =	vst v63  }
0x2cb: {  	_ =	swait.ge [sflag:s24], $0x4000  }
0x2cc: {  	[sflag:s24] =	ssyncset.done $0x0  }
0x2cd: {  	[sflag:s24] =	ssyncadd.s32 $0xFFFFC000  }
0x2ce: {  	_ =	swait.ge [sflag:s9], $0x4000  }
0x2cf: {  	[sflag:s9] =	ssyncset.done $0x0  }
0x2d0: {  	s30 =	simm.s32 $0xF80;
	[sflag:s9] =	ssyncadd.s32 $0xFFFFC000  }
0x2d1: {  	[spmem:s1] =	stream.indirect.scatter.add.f32 [tilespmem:s31], [sflag:$0x4], $0x80, s30, s26, $0xb8;
	[tilespmem:$0x1DC00] =	vst v63  }
0x2d2: {  	_ =	swait.ge [sflag:s24], $0x4000  }
0x2d3: {  	[sflag:s24] =	ssyncset.done $0x0  }
0x2d4: {  	[sflag:s24] =	ssyncadd.s32 $0xFFFFC000  }
0x2d5: {  	[bflag:$0x0] =	sbarrier.arrive $0xFFFF  }
0x2d6: {  	s20 =	rddreg [dreg:$0x12]  }
0x2d7: {  	s21 =	rddreg [dreg:$0x16]  }
0x2d8: {  	s22 =	rddreg [dreg:$0x17]  }
0x2d9: {  	[hbm:s20], [sflag:s22] =	dma.local [spmem:s21], $0x2780  }
0x2da: {  	_ =	swait.ge [sflag:s24], $0x2780  }
0x2db: {  	s18 =	sadd.s32 $0x1, s18;
	s30 =	rddreg [dreg:$0x13]  }
0x2dc: {  	p1 =	sne.s32 s18, s30  }
.Ltmp1:
0x2dd: {  	_ = 	snop;
	(pc) =	sbr.rel @!p1 .LBB2_7-.Ltmp1, $3  }
0x2de: {  	_ =	sdelay $0x1  }
0x2df: {  	[sflag:s24] =	ssyncset.done $0x0  }
0x2e0: {  	s13 =	rddreg [dreg:$0x15];
	[sflag:s24] =	ssyncadd.s32 $0xFFFFD880  }
.LBB2_1:
0x2e1: {  	[tilespmem:s3], [sflag:$0x3] =	stream.linear.gather [hbm4b:s13+s3], $0x800, $0x38;
	[tilespmem:$0x1DC00] =	vst v63  }
0x2e2: {  	s2 =	stileid.u32  }
.Ltmp2:
0x2e3: {  	s30 =	rddreg [dreg:$0x14];
	(pc) =	sbr.rel @!p0 .LBB2_2-.Ltmp2, $4  }
0x2e4: {  	s8 =	rddreg [dreg:$0x4];
	s20 =	sshll.u32 s2, $0x6;
	s6 =	sshrl.u32 s30, $0x3  }
0x2e5: {  	[tilespmem:s5], [sflag:$0x3] =	stream.linear.gather [hbm4b:s8+s3], $0x800, $0x38;
	[tilespmem:$0x1DC00] =	vst v63  }
0x2e6: {  	s7 =	sor.u32 $0x1C04, s20;
	[dreg:$0x16] =	wrdreg s6  }
0x2e7: {  	[dreg:$0x17] =	wrdreg s7  }
0x2e8: {  	s21 =	sshra.s32 s3, $0x2;
	s22 =	sadd.s32 $0x200, s3  }
.LBB2_4:
0x2e9: {  	p1 =	sne.s32 s22, $0xFE00;
	[tilespmem:s21+$0x2070] =	vst v0  }
0x2ea: {  	[tilespmem:s21+$0x2000] =	vst v0  }
0x2eb: {  	[tilespmem:s21+$0x2010] =	vst v0  }
.Ltmp3:
0x2ec: {  	[tilespmem:s21+$0x2020] =	vst v0;
	(pc) =	sbr.rel @p1 .LBB2_4-.Ltmp3, $4  }
0x2ed: {  	[tilespmem:s21+$0x2030] =	vst v0  }
0x2ee: {  	[tilespmem:s21+$0x2040] =	vst v0  }
0x2ef: {  	[tilespmem:s21+$0x2050] =	vst v0  }
0x2f0: {  	[tilespmem:s21+$0x2060] =	vst v0;
	s21 =	sshra.s32 s22, $0x2;
	s22 =	sadd.s32 $0x200, s22  }
0x2f1: {  	[tilespmem:s21+$0x2070] =	vst v0  }
0x2f2: {  	[tilespmem:s21+$0x2000] =	vst v0  }
0x2f3: {  	[tilespmem:s21+$0x2010] =	vst v0  }
0x2f4: {  	[tilespmem:s21+$0x2020] =	vst v0  }
0x2f5: {  	[tilespmem:s21+$0x2030] =	vst v0  }
0x2f6: {  	[tilespmem:s21+$0x2040] =	vst v0  }
0x2f7: {  	[tilespmem:s21+$0x2050] =	vst v0  }
0x2f8: {  	[tilespmem:s21+$0x2060] =	vst v0;
	s2 =	rddreg [dreg:$0x14]  }
0x2f9: {  	[spmem:s2] =	stream.linear.scatter [tilespmem:s31], [sflag:$0x4], $0x4000, $0x38;
	[tilespmem:$0x1DC00] =	vst v63  }
0x2fa: {  	_ =	swait.ge [sflag:s24], $0x4000  }
0x2fb: {  	[sflag:s24] =	ssyncset.done $0x0  }
0x2fc: {  	s13 =	rddreg [dreg:$0x5];
	[sflag:s24] =	ssyncadd.s32 $0xFFFFC000  }
0x2fd: {  	[spmem:s13] =	stream.linear.scatter [tilespmem:s31], [sflag:$0x4], $0x4000, $0x38;
	[tilespmem:$0x1DC00] =	vst v63  }
0x2fe: {  	_ =	swait.ge [sflag:s24], $0x4000  }
0x2ff: {  	[sflag:s24] =	ssyncset.done $0x0  }
0x300: {  	s20 =	rddreg [dreg:$0x6];
	[sflag:s24] =	ssyncadd.s32 $0xFFFFC000  }
0x301: {  	[spmem:s20] =	stream.linear.scatter [tilespmem:s31], [sflag:$0x4], $0x4000, $0x38;
	[tilespmem:$0x1DC00] =	vst v63  }
0x302: {  	_ =	swait.ge [sflag:s24], $0x4000  }
0x303: {  	[sflag:s24] =	ssyncset.done $0x0  }
0x304: {  	s22 =	rddreg [dreg:$0x7];
	[sflag:s24] =	ssyncadd.s32 $0xFFFFC000  }
0x305: {  	[spmem:s22] =	stream.linear.scatter [tilespmem:s31], [sflag:$0x4], $0x4000, $0x38;
	[tilespmem:$0x1DC00] =	vst v63  }
0x306: {  	_ =	swait.ge [sflag:s24], $0x4000  }
0x307: {  	[sflag:s24] =	ssyncset.done $0x0  }
.Ltmp4:
0x308: {  	s30 =	rddreg [dreg:$0x8];
	[sflag:s24] =	ssyncadd.s32 $0xFFFFC000;
	(pc) =	sbr.rel .LBB2_6-.Ltmp4, $4  }
0x309: {  	[spmem:s30] =	stream.linear.scatter [tilespmem:s31], [sflag:$0x4], $0x3C00, $0x38;
	[tilespmem:$0x1DC00] =	vst v63  }
0x30a: {  	_ =	swait.ge [sflag:s24], $0x3C00  }
0x30b: {  	[sflag:s24] =	ssyncset.done $0x0  }
0x30c: {  	[sflag:s24] =	ssyncadd.s32 $0xFFFFC400  }
.LBB2_7:
0x30d: {  	_ =	sfence.sel $0x180000  }
0x30e: {  	[bflag:$0x0] =	sbarrier.arrive $0xFFFF  }
0x30f: {  	_ =	strace $0x9000004A  }
0x310: {  	s0 =	stileid.u32;
	[bflag:$0x2] =	sbarrier.arrive $0xFFFF  }
0x311: {  	p0 =	sne.s32 s0, $0x0;
	s0 =	rddreg [dreg:$0x3]  }
0x312: {  	s0 =	sadd.s32 @!p0 $0x100000, s0  }
0x313: {  	[sflag:s0] =	ssyncadd.tile.s32 @!p0 $0x1;
	_ =	shalt  }
.Lfunc_end2:
_tile_overlayer_lowered:
.L_overlay_start_2:
0x314: {  	(tag) =	ssettag $0x2  }
0x315: {  	s0 =	rddreg [dreg:$0x0];
	s2 =	stileid.u32  }
0x316: {  	s1 =	rddreg [dreg:$0x1];
	p0 =	sne.s32 s2, $0x0  }
0x317: {  	s3 =	rddreg [dreg:$0x2];
	[bflag:$0x3] =	sbarrier.arrive $0xFFFF;
	s2 =	simm.s32 @!p0 $0x1C04  }
0x318: {  	[timem:s3], [sflag:s2] =	dma.local @!p0 [hbm:s0], s1  }
0x319: {  	s0 =	simm.s32 @!p0 $0x4  }
0x31a: {  	_ =	swait.ge @!p0 [sflag:s0], s1  }
0x31b: {  	s1 =	ssub.s32 @!p0 $0x0, s1;
	[sflag:s0] =	ssyncset.done @!p0 $0x0  }
0x31c: {  	[sflag:s0] =	ssyncadd.s32 @!p0 s1  }
0x31d: {  	[bflag:$0x3] =	sbarrier.arrive $0xFFFF  }
0x31e: {  	_ =	shalt  }

// kernel: kernel.14.cloned.1.call-start
scs
__scs_entry_jumppad:
0x0: {  	(pc) =	sbr.rel $0x88, $3  }
0x1: {  	(tag) =	ssettag $0x0;
	lr =	simm.s32 $0x1  }
0x2: {  	[smem:$0x3F9B] =	sst lr;
	_ =	strace $0xD0000000  }
0x3: {  	_ = 	snop  }
0x4: {  	_ = 	snop  }
0x5: {  	_ = 	snop  }
0x6: {  	_ = 	snop  }
0x7: {  	_ = 	snop  }
__scs_overlays_trampoline_lowered:
0x8: {  	[smem:$0x3FAA] =	sst s0  }
0x9: {  	[smem:$0x3FAB] =	sst s1  }
0xa: {  	[smem:$0x3FAC] =	sst s2  }
0xb: {  	[smem:$0x3FAD] =	sst s3  }
0xc: {  	[smem:$0x3FAE] =	sst s4  }
0xd: {  	[smem:$0x3FAF] =	sst s5  }
0xe: {  	[smem:$0x3FB0] =	sst s6  }
0xf: {  	[smem:$0x3FB1] =	sst s7  }
0x10: {  	[smem:$0x3FB2] =	sst s8  }
0x11: {  	[smem:$0x3FB3] =	sst s9;
	s0 =	simm.s32 @!p0 $0x0  }
0x12: {  	s1 =	sld [smem:$0x3F99];
	s0 =	simm.s32 @p0 $0x1  }
0x13: {  	[smem:$0x3FB4] =	sst s0;
	s0 =	simm.s32 @!p1 $0x0  }
0x14: {  	s2 =	sld [smem:$0x3F98];
	s0 =	simm.s32 @p1 $0x1  }
0x15: {  	[smem:$0x3FB5] =	sst s0;
	s0 =	simm.s32 @!p2 $0x0  }
0x16: {  	s3 =	sld [smem:$0x3FDB];
	s0 =	simm.s32 @p2 $0x1  }
0x17: {  	s4 =	simm.s32 $0x1BF5;
	[smem:$0x3FB7] =	sst s0  }
0x18: {  	s0 =	sld [smem:$0x3F9A];
	_ =	swait.ge [sflag:s4], $0x0  }
0x19: {  	s7 =	sld [smem:$0x3F9B]  }
0x1a: {  	s8 =	sadd.s32 $0xFFFFE003, lr  }
0x1b: {  	s9 =	sadd.s32 $0xFFFFFEF7, lr;
	s5 =	simm.s32 $0xFFFFFFFF;
	p2 =	slt.u32 s8, $0xFFFFF086  }
0x1c: {  	p1 =	slt.u32 s9, $0xF7A;
	s5 =	simm.s32 @!p2 $0x0  }
0x1d: {  	s5 =	simm.s32 @p1 $0x1;
	p0 =	seq.s32 s7, s2  }
0x1e: {  	s7 =	smul.u32 @!p0 $0xF7A, s2;
	p2 =	seq.s32 @!p0 s5, $0x0  }
0x1f: {  	s9 =	smul.u32 $0xF7A, s1;
	s8 =	simm.s32 @!p0 $0x1BF5;
	p2 =	por !p2, p0  }
0x20: {  	[sflag:s8] =	ssyncset.s32 @!p0 $0xFFFFF086;
	s6 =	sadd.s32 @!p0 s3, s7;
	s7 =	simm.s32 @!p0 $0x108  }
0x21: {  	s3 =	sadd.s32 s3, s9;
	s6 =	sadd.s32 @!p0 $0x88, s6;
	s7 =	simm.s32 @p2 $0x1082  }
0x22: {  	[simem:s7], [sflag:s8] =	dma.local @!p0 [hbm:s6], $0xF7A  }
0x23: {  	s9 =	sor.u32 $0xD0000000, s2;
	s6 =	simm.s32 $0x108;
	_ =	swait.ge @!p0 [sflag:s8], $0x0  }
0x24: {  	s3 =	sadd.s32 $0x88, s3;
	s6 =	simm.s32 @!p1 $0x1082;
	[sflag:s4] =	ssyncset.s32 $0xFFFFF086  }
0x25: {  	[simem:s6], [sflag:s4] =	dma.local [hbm:s3], $0xF7A  }
0x26: {  	[smem:$0x3F9B] =	sst s1;
	(tag) =	ssettag s2;
	_ =	strace s9  }
0x27: {  	s1 =	sld [smem:$0x3FAB]  }
0x28: {  	s2 =	sld [smem:$0x3FAC]  }
0x29: {  	s4 =	sld [smem:$0x3FAE]  }
0x2a: {  	p0 =	seq.s32 s5, $0x0;
	s5 =	sld [smem:$0x3FAF]  }
0x2b: {  	s6 =	sld [smem:$0x3FB0]  }
0x2c: {  	s7 =	sld [smem:$0x3FB1]  }
0x2d: {  	s3 =	simm.s32 $0x108;
	s8 =	sld [smem:$0x3FB2]  }
0x2e: {  	s3 =	simm.s32 @!p0 $0x1082;
	s9 =	sld [smem:$0x3FB3]  }
0x2f: {  	lr =	sadd.s32 s0, s3;
	s0 =	sld [smem:$0x3FAA]  }
0x30: {  	s3 =	sld [smem:$0x3FAD]  }
0x31: {  	[smem:$0x3FB6] =	sst s10  }
0x32: {  	s10 =	sld [smem:$0x3FB4];
	_ =	sdelay $0x3  }
0x33: {  	p0 =	seq.s32 s10, $0x1;
	s10 =	sld [smem:$0x3FB6];
	_ =	sdelay $0x3  }
0x34: {  	[smem:$0x3FB6] =	sst s10  }
0x35: {  	s10 =	sld [smem:$0x3FB5];
	_ =	sdelay $0x3  }
0x36: {  	p1 =	seq.s32 s10, $0x1;
	s10 =	sld [smem:$0x3FB6];
	_ =	sdelay $0x3  }
0x37: {  	[smem:$0x3FB6] =	sst s10  }
0x38: {  	s10 =	sld [smem:$0x3FB7]  }
0x39: {  	_ = 	snop;
	(pc) =	sbr.ind lr, $3  }
0x3a: {  	_ = 	snop  }
0x3b: {  	_ = 	snop  }
0x3c: {  	p2 =	seq.s32 s10, $0x1;
	s10 =	sld [smem:$0x3FB6]  }
0x3d: {  	_ =	shalt  }
0x3e: {  	_ =	shalt  }
0x3f: {  	_ =	shalt  }
0x40: {  	_ =	shalt  }
0x41: {  	_ =	shalt  }
0x42: {  	_ =	shalt  }
0x43: {  	_ =	shalt  }
0x44: {  	_ =	shalt  }
0x45: {  	_ =	shalt  }
0x46: {  	_ =	shalt  }
0x47: {  	_ =	shalt  }
0x48: {  	_ =	shalt  }
0x49: {  	_ =	shalt  }
0x4a: {  	_ =	shalt  }
0x4b: {  	_ =	shalt  }
0x4c: {  	_ =	shalt  }
0x4d: {  	_ =	shalt  }
0x4e: {  	_ =	shalt  }
0x4f: {  	_ =	shalt  }
0x50: {  	_ =	shalt  }
0x51: {  	_ =	shalt  }
0x52: {  	_ =	shalt  }
0x53: {  	_ =	shalt  }
0x54: {  	_ =	shalt  }
0x55: {  	_ =	shalt  }
0x56: {  	_ =	shalt  }
0x57: {  	_ =	shalt  }
0x58: {  	_ =	shalt  }
0x59: {  	_ =	shalt  }
0x5a: {  	_ =	shalt  }
0x5b: {  	_ =	shalt  }
0x5c: {  	_ =	shalt  }
0x5d: {  	_ =	shalt  }
0x5e: {  	_ =	shalt  }
0x5f: {  	_ =	shalt  }
0x60: {  	_ =	shalt  }
0x61: {  	_ =	shalt  }
0x62: {  	_ =	shalt  }
0x63: {  	_ =	shalt  }
0x64: {  	_ =	shalt  }
0x65: {  	_ =	shalt  }
0x66: {  	_ =	shalt  }
0x67: {  	_ =	shalt  }
0x68: {  	_ =	shalt  }
0x69: {  	_ =	shalt  }
0x6a: {  	_ =	shalt  }
0x6b: {  	_ =	shalt  }
0x6c: {  	_ =	shalt  }
0x6d: {  	_ =	shalt  }
0x6e: {  	_ =	shalt  }
0x6f: {  	_ =	shalt  }
0x70: {  	_ =	shalt  }
0x71: {  	_ =	shalt  }
0x72: {  	_ =	shalt  }
0x73: {  	_ =	shalt  }
0x74: {  	_ =	shalt  }
0x75: {  	_ =	shalt  }
0x76: {  	_ =	shalt  }
0x77: {  	_ =	shalt  }
0x78: {  	_ =	shalt  }
0x79: {  	_ =	shalt  }
0x7a: {  	_ =	shalt  }
0x7b: {  	_ =	shalt  }
0x7c: {  	_ =	shalt  }
0x7d: {  	_ =	shalt  }
0x7e: {  	_ =	shalt  }
0x7f: {  	_ =	shalt  }
0x80: {  	_ =	shalt  }
0x81: {  	_ =	shalt  }
0x82: {  	_ =	shalt  }
0x83: {  	_ =	shalt  }
0x84: {  	_ =	shalt  }
0x85: {  	_ =	shalt  }
0x86: {  	_ =	shalt  }
0x87: {  	_ =	shalt  }
.Lfunc_end0:
.L_simem_size_0:
called_computation.2_lowered:
.L_overlay_start_0:
0x88: {  	s2 =	sld [smem:$0x3FD9]  }
0x89: {  	s3 =	sld [smem:$0x3FFE];
	_ =	sdelay $0x1  }
0x8a: {  	s1 =	srdreg.scid  }
0x8b: {  	s0 =	sand.u32 $0x1, s1  }
0x8c: {  	s17 =	sshll.u32 s0, $0xA;
	s2 =	sadd.s32 s3, s2  }
0x8d: {  	s2 =	sadd.s32 s2, s17  }
0x8e: {  	[smem:$0x3FC2] =	sst s2  }
0x8f: {  	_ = 	snop  }
0x90: {  	s2 =	sld [smem:$0x3FD0];
	(tm) =	ssettm $0x1  }
0x91: {  	s18 =	sld [smem:$0x3FFB];
	_ =	sdelay $0x3  }
0x92: {  	_ =	strace s18  }
0x93: {  	s3 =	sld [smem:$0x3FFC];
	_ =	sdelay $0x3  }
0x94: {  	_ =	strace s3  }
0x95: {  	s3 =	sld [smem:$0x3FFD];
	_ =	sdelay $0x3  }
0x96: {  	_ =	strace s3  }
0x97: {  	_ =	strace $0x8FFFFFFF  }
0x98: {  	s19 =	sld [smem:$0x3FDB];
	_ =	sdelay $0x1  }
0x99: {  	s4 =	simm.s32 $_scs_section_size  }
0x9a: {  	s5 =	simm.s32 $_size__tile_overlayer_lowered;
	s6 =	simm.s32 $_tile_overlayer_lowered  }
0x9b: {  	s22 =	simm.s32 $0x1BFF;
	s21 =	sshll.u32 s6, $0x1;
	s3 =	sadd.s32 s4, s19  }
0x9c: {  	s7 =	simm.s32 $0x0;
	s20 =	sshll.u32 s5, $0x1;
	s5 =	sadd.s32 s21, s3  }
0x9d: {  	[timem:s7], [sflag:s22] =	dma.local [hbm:s5], s20  }
0x9e: {  	_ =	swait.ge [sflag:s22], s20  }
0x9f: {  	s4 =	ssub.s32 $0x0, s20;
	[sflag:s22] =	ssyncset.done $0x0  }
0xa0: {  	[sflag:s22] =	ssyncadd.s32 s4;
	_ =	sdelay $0x1  }
0xa1: {  	s23 =	simm.s32 $0x1B8B  }
0xa2: {  	_ =	swait.ge [sflag:s23], $0x1  }
0xa3: {  	[sflag:s23] =	ssyncset.done $0x0  }
0xa4: {  	s25 =	simm.s32 $0x1B8E;
	s24 =	sld [smem:$0x3FFE];
	[sflag:s23] =	ssyncadd.s32 $0xFFFFFFFF  }
0xa5: {  	s26 =	simm.s32 $execute0_lowered;
	[smem:$0x3FD2] =	sst s25  }
0xa6: {  	s5 =	sshll.u32 s26, $0x1;
	_ =	strace $0x8000004C;
	[dreg:$0x1] =	wrdreg $0xFFFFFFFF  }
0xa7: {  	s28 =	simm.s32 $_size_execute0_lowered;
	s3 =	sadd.s32 s3, s5;
	[dreg:$0x0] =	wrdreg $0x0  }
0xa8: {  	s5 =	sshll.u32 s28, $0x1;
	[dreg:$0x2] =	wrdreg s3  }
0xa9: {  	[dreg:$0x3] =	wrdreg s5  }
0xaa: {  	[dreg:$0x4] =	wrdreg $0xC0  }
0xab: {  	_ =	task [dreg:s7], $0x5FFFF  }
0xac: {  	[dreg:$0x1] =	wrdreg $0xFFFFFFFF  }
0xad: {  	[dreg:$0x0] =	wrdreg $0x60  }
0xae: {  	[dreg:$0x2] =	wrdreg s24  }
0xaf: {  	[dreg:$0x3] =	wrdreg s2  }
0xb0: {  	[dreg:$0x4] =	wrdreg $0xA0000  }
0xb1: {  	[dreg:$0x5] =	wrdreg $0x9  }
0xb2: {  	_ =	task.clear_ibuf [dreg:s7], $0x6FFFF;
	_ =	strace $0x9000004C  }
0xb3: {  	s29 =	simm.s32 $0x9;
	_ =	strace $0x8000004E  }
0xb4: {  	_ =	swait.ge [sflag:s29], $0x1  }
0xb5: {  	[sflag:s29] =	ssyncadd.s32 $0xFFFFFFFF  }
0xb6: {  	_ =	strace $0x9000004E  }
0xb7: {  	_ =	sfence  }
0xb8: {  	s30 =	sld [smem:$0x0];
	_ =	sdelay $0x2  }
0xb9: {  	s31 =	sshll.u32 s1, $0xD;
	s1 =	sshrl.u32 s1, $0x2  }
0xba: {  	s3 =	sand.u32 $0x4000, s31;
	s1 =	sadd.s32 s1, s30  }
0xbb: {  	s0 =	sor.u32 s3, s0;
	s1 =	sshll.u32 s1, $0x11  }
0xbc: {  	s0 =	sor.u32 s1, s0  }
0xbd: {  	s0 =	sadd.s32 $0x8F2B, s0  }
0xbe: {  	[sflag:s0] =	ssyncadd.remote.s32 $0x1  }
0xbf: {  	_ =	sfence.sel $0xFFFF  }
0xc0: {  	[dreg:$0x0] =	wrdreg $0xFFFFFFFF;
	(pc) =	sbr.abs _section_cstart, $3  }
0xc1: {  	[dreg:$0x1] =	wrdreg $0xFFFFFFFF  }
0xc2: {  	_ =	task.clear_ibuf [dreg:s7], $0x2FFFF;
	_ =	strace $0x9FFFFFFF  }
0xc3: {  	(tm) =	ssettm $0x7FFFFFFF  }
tec
execute0_lowered:
.L_overlay_start_1:
0x0: {  	(tag) =	ssettag $0x1  }
0x1: {  	s0 =	rddreg [dreg:$0x0]  }
0x2: {  	s2 =	rddreg [dreg:$0x1]  }
0x3: {  	s1 =	rddreg [dreg:$0x2]  }
0x4: {  	s3 =	srdreg.scid;
	s12 =	stileid.u32;
	s28 =	simm.s32 $0x6000  }
0x5: {  	s31 =	simm.s32 $0x2000;
	s29 =	simm.s32 $0x1B00;
	s7 =	smul.u32 $0x13C00, s12  }
0x6: {  	s5 =	sand.u32 $0x1, s3;
	s3 =	simm.s32 $0x0;
	s10 =	smul.u32 $0x4F000, s12  }
0x7: {  	s8 =	sshll.u32 s12, $0x1;
	s4 =	sadd.s32 $0xC000, s0;
	s15 =	smul.u32 $0x2780, s12  }
0x8: {  	s9 =	sadd.s32 $0x2000, s0;
	s12 =	simm.s32 $0x1980;
	s6 =	smul.u32 $0x13C000, s5  }
0x9: {  	[smem:$0x7FF] =	sst s3;
	s8 =	sor.u32 s5, s8;
	s26 =	ssub.s32 $0x2, s5  }
0xa: {  	p0 =	sne.s32 s5, $0x0;
	s5 =	simm.s32 $0x800;
	_ =	strace $0x8000004D  }
0xb: {  	s25 =	smul.u32 $0x2800, s8;
	s30 =	sshrl.u32 s26, $0x1;
	s10 =	sshrl.u32 s10, $0x2  }
0xc: {  	s8 =	sadd.s32 s4, s15;
	s15 =	simm.s32 $0x1A00;
	s6 =	sadd.s32 s7, s6  }
0xd: {  	s7 =	sadd.s32 s10, s1;
	[dreg:$0x9] =	wrdreg s8;
	s10 =	simm.s32 $0x1900  }
0xe: {  	s6 =	sshrl.u32 s6, $0x3;
	s16 =	sadd.s32 $0x4000, s7;
	[dreg:$0x14] =	wrdreg s7  }
0xf: {  	s11 =	sshrl.u32 s25, $0x3;
	s17 =	sadd.s32 $0x8000, s7;
	[dreg:$0x5] =	wrdreg s16  }
0x10: {  	s18 =	sadd.s32 $0xC000, s7;
	s19 =	sadd.s32 $0x10000, s7;
	[dreg:$0x6] =	wrdreg s17  }
0x11: {  	s0 =	sadd.s32 s6, s0;
	s6 =	ssub.s32 s26, s30;
	[dreg:$0x7] =	wrdreg s18  }
0x12: {  	s13 =	sadd.s32 s9, s11;
	s14 =	sadd.s32 s2, s11;
	[dreg:$0x8] =	wrdreg s19  }
0x13: {  	s20 =	sadd.s32 $0x100, s11;
	s22 =	sadd.s32 $0x200, s11;
	s24 =	sadd.s32 $0x300, s11  }
0x14: {  	s26 =	sadd.s32 $0x400, s11;
	s18 =	simm.s32 $0x0;
	[dreg:$0x4] =	wrdreg s14  }
0x15: {  	s11 =	simm.s32 $0x1200;
	s21 =	sadd.s32 s9, s20;
	[dreg:$0x15] =	wrdreg s13  }
0x16: {  	s16 =	simm.s32 $0x1300;
	s8 =	sadd.s32 s2, s20;
	[dreg:$0xa] =	wrdreg s21  }
0x17: {  	s17 =	simm.s32 $0x1A80;
	s23 =	sadd.s32 s9, s22;
	[dreg:$0xb] =	wrdreg s8  }
0x18: {  	s19 =	simm.s32 $0x1380;
	s25 =	sadd.s32 s9, s24;
	[dreg:$0xc] =	wrdreg s23  }
0x19: {  	s9 =	sadd.s32 s9, s26;
	s0 =	sadd.s32 $0x33800, s0;
	[dreg:$0xe] =	wrdreg s25  }
0x1a: {  	s30 =	smax.u32 s6, $0x1;
	s14 =	simm.s32 $0x1280;
	[dreg:$0x10] =	wrdreg s9  }
.Ltmp0:
0x1b: {  	s8 =	sadd.s32 s2, s22;
	[dreg:$0x12] =	wrdreg s0;
	(pc) =	sbr.rel .LBB2_1-.Ltmp0, $4  }
0x1c: {  	[dreg:$0x13] =	wrdreg s30;
	s25 =	simm.s32 $0x3;
	s0 =	simm.s32 $0x2  }
0x1d: {  	s9 =	simm.s32 $0x1;
	[dreg:$0xd] =	wrdreg s8;
	s8 =	sadd.s32 s2, s24  }
0x1e: {  	s23 =	simm.s32 $0x1080;
	s2 =	sadd.s32 s2, s26;
	[dreg:$0xf] =	wrdreg s8  }
0x1f: {  	v0 =	vimm.f32 $0.0e+00;
	s24 =	simm.s32 $0x4;
	s26 =	simm.s32 $0x80;
	[dreg:$0x11] =	wrdreg s2  }
.LBB2_2:
0x20: {  	s8 =	rddreg [dreg:$0x9]  }
0x21: {  	[spmem:s6], [sflag:s7] =	dma.local [hbm:s8], $0x2780  }
0x22: {  	_ =	swait.ge [sflag:s24], $0x2780  }
0x23: {  	[sflag:s24] =	ssyncset.done $0x0  }
0x24: {  	[sflag:s24] =	ssyncadd.s32 $0xFFFFD880  }
.LBB2_6:
0x25: {  	_ =	swait.ge [sflag:s25], $0x800  }
0x26: {  	[sflag:s25] =	ssyncset.done $0x0  }
0x27: {  	[sflag:s25] =	ssyncadd.s32 $0xFFFFF800  }
0x28: {  	_ =	swait.ge [sflag:s25], $0x800  }
0x29: {  	[sflag:s25] =	ssyncset.done $0x0  }
0x2a: {  	[sflag:s25] =	ssyncadd.s32 $0xFFFFF800  }
0x2b: {  	[tilespmem:s28], [sflag:$0x2] =	stream.indirect.gather [hbm4b:s4+s26], $0x80, s3, s26, $0xb8;
	[tilespmem:$0x1DC00] =	vst v63  }
0x2c: {  	[bflag:$0x0] =	sbarrier.arrive $0xFFFF  }
0x2d: {  	s30 =	simm.s32 $0x1000;
	s8 =	rddreg [dreg:$0xa]  }
0x2e: {  	[tilespmem:s30], [sflag:$0x3] =	stream.linear.gather [hbm4b:s8+s3], $0x800, $0x38;
	[tilespmem:$0x1DC00] =	vst v63  }
0x2f: {  	s22 =	simm.s32 $0x1800;
	s2 =	rddreg [dreg:$0xb]  }
0x30: {  	[tilespmem:s22], [sflag:$0x3] =	stream.linear.gather [hbm4b:s2+s3], $0x800, $0x38;
	[tilespmem:$0x1DC00] =	vst v63  }
0x31: {  	_ = 	snop  }
0x32: {  	[tilespmem:s31], [sflag:$0x1] =	stream.indirect.gather [hbm4b:s4+s26], $0x80, s26, s26, $0xb8;
	[tilespmem:$0x1DC00] =	vst v63  }
0x33: {  	_ =	swait.ge [sflag:s0], $0x4000  }
0x34: {  	[sflag:s0] =	ssyncset.done $0x0  }
0x35: {  	[sflag:s0] =	ssyncadd.s32 $0xFFFFC000  }
0x36: {  	[spmem:s1] =	stream.indirect.scatter.add.f32 [tilespmem:s28], [sflag:$0x4], $0x80, s5, s26, $0xb8;
	[tilespmem:$0x1DC00] =	vst v63  }
0x37: {  	_ =	swait.ge [sflag:s24], $0x4000  }
0x38: {  	[sflag:s24] =	ssyncset.done $0x0  }
0x39: {  	s2 =	simm.s32 $0x100;
	[sflag:s24] =	ssyncadd.s32 $0xFFFFC000  }
0x3a: {  	[tilespmem:s28], [sflag:$0x2] =	stream.indirect.gather [hbm4b:s4+s26], $0x80, s2, s26, $0xb8;
	[tilespmem:$0x1DC00] =	vst v63  }
0x3b: {  	_ =	swait.ge [sflag:s9], $0x4000  }
0x3c: {  	[sflag:s9] =	ssyncset.done $0x0  }
0x3d: {  	s6 =	simm.s32 $0x880;
	[sflag:s9] =	ssyncadd.s32 $0xFFFFC000  }
0x3e: {  	[spmem:s1] =	stream.indirect.scatter.add.f32 [tilespmem:s31], [sflag:$0x4], $0x80, s6, s26, $0xb8;
	[tilespmem:$0x1DC00] =	vst v63  }
0x3f: {  	_ =	swait.ge [sflag:s24], $0x4000  }
0x40: {  	[sflag:s24] =	ssyncset.done $0x0  }
0x41: {  	s7 =	simm.s32 $0x180;
	[sflag:s24] =	ssyncadd.s32 $0xFFFFC000  }
0x42: {  	[tilespmem:s31], [sflag:$0x1] =	stream.indirect.gather [hbm4b:s4+s26], $0x80, s7, s26, $0xb8;
	[tilespmem:$0x1DC00] =	vst v63  }
0x43: {  	_ =	swait.ge [sflag:s0], $0x4000  }
0x44: {  	[sflag:s0] =	ssyncset.done $0x0  }
0x45: {  	s8 =	simm.s32 $0x900;
	[sflag:s0] =	ssyncadd.s32 $0xFFFFC000  }
0x46: {  	[spmem:s1] =	stream.indirect.scatter.add.f32 [tilespmem:s28], [sflag:$0x4], $0x80, s8, s26, $0xb8;
	[tilespmem:$0x1DC00] =	vst v63  }
0x47: {  	_ =	swait.ge [sflag:s24], $0x4000  }
0x48: {  	[sflag:s24] =	ssyncset.done $0x0  }
0x49: {  	s13 =	simm.s32 $0x200;
	[sflag:s24] =	ssyncadd.s32 $0xFFFFC000  }
0x4a: {  	[tilespmem:s28], [sflag:$0x2] =	stream.indirect.gather [hbm4b:s4+s26], $0x80, s13, s26, $0xb8;
	[tilespmem:$0x1DC00] =	vst v63  }
0x4b: {  	_ =	swait.ge [sflag:s9], $0x4000  }
0x4c: {  	[sflag:s9] =	ssyncset.done $0x0  }
0x4d: {  	s20 =	simm.s32 $0x980;
	[sflag:s9] =	ssyncadd.s32 $0xFFFFC000  }
0x4e: {  	[spmem:s1] =	stream.indirect.scatter.add.f32 [tilespmem:s31], [sflag:$0x4], $0x80, s20, s26, $0xb8;
	[tilespmem:$0x1DC00] =	vst v63  }
0x4f: {  	_ =	swait.ge [sflag:s24], $0x4000  }
0x50: {  	[sflag:s24] =	ssyncset.done $0x0  }
0x51: {  	s21 =	simm.s32 $0x280;
	[sflag:s24] =	ssyncadd.s32 $0xFFFFC000  }
0x52: {  	[tilespmem:s31], [sflag:$0x1] =	stream.indirect.gather [hbm4b:s4+s26], $0x80, s21, s26, $0xb8;
	[tilespmem:$0x1DC00] =	vst v63  }
0x53: {  	_ =	swait.ge [sflag:s0], $0x4000  }
0x54: {  	[sflag:s0] =	ssyncset.done $0x0  }
0x55: {  	s6 =	simm.s32 $0xA00;
	[sflag:s0] =	ssyncadd.s32 $0xFFFFC000  }
0x56: {  	[spmem:s1] =	stream.indirect.scatter.add.f32 [tilespmem:s28], [sflag:$0x4], $0x80, s6, s26, $0xb8;
	[tilespmem:$0x1DC00] =	vst v63  }
0x57: {  	_ =	swait.ge [sflag:s24], $0x4000  }
0x58: {  	[sflag:s24] =	ssyncset.done $0x0  }
0x59: {  	s7 =	simm.s32 $0x300;
	[sflag:s24] =	ssyncadd.s32 $0xFFFFC000  }
0x5a: {  	[tilespmem:s28], [sflag:$0x2] =	stream.indirect.gather [hbm4b:s4+s26], $0x80, s7, s26, $0xb8;
	[tilespmem:$0x1DC00] =	vst v63  }
0x5b: {  	_ =	swait.ge [sflag:s9], $0x4000  }
0x5c: {  	[sflag:s9] =	ssyncset.done $0x0  }
0x5d: {  	s8 =	simm.s32 $0xA80;
	[sflag:s9] =	ssyncadd.s32 $0xFFFFC000  }
0x5e: {  	[spmem:s1] =	stream.indirect.scatter.add.f32 [tilespmem:s31], [sflag:$0x4], $0x80, s8, s26, $0xb8;
	[tilespmem:$0x1DC00] =	vst v63  }
0x5f: {  	_ =	swait.ge [sflag:s24], $0x4000  }
0x60: {  	[sflag:s24] =	ssyncset.done $0x0  }
0x61: {  	s13 =	simm.s32 $0x380;
	[sflag:s24] =	ssyncadd.s32 $0xFFFFC000  }
0x62: {  	[tilespmem:s31], [sflag:$0x1] =	stream.indirect.gather [hbm4b:s4+s26], $0x80, s13, s26, $0xb8;
	[tilespmem:$0x1DC00] =	vst v63  }
0x63: {  	_ =	swait.ge [sflag:s0], $0x4000  }
0x64: {  	[sflag:s0] =	ssyncset.done $0x0  }
0x65: {  	s20 =	simm.s32 $0xB00;
	[sflag:s0] =	ssyncadd.s32 $0xFFFFC000  }
0x66: {  	[spmem:s1] =	stream.indirect.scatter.add.f32 [tilespmem:s28], [sflag:$0x4], $0x80, s20, s26, $0xb8;
	[tilespmem:$0x1DC00] =	vst v63  }
0x67: {  	_ =	swait.ge [sflag:s24], $0x4000  }
0x68: {  	[sflag:s24] =	ssyncset.done $0x0  }
0x69: {  	s21 =	simm.s32 $0x400;
	[sflag:s24] =	ssyncadd.s32 $0xFFFFC000  }
0x6a: {  	[tilespmem:s28], [sflag:$0x2] =	stream.indirect.gather [hbm4b:s4+s26], $0x80, s21, s26, $0xb8;
	[tilespmem:$0x1DC00] =	vst v63  }
0x6b: {  	_ =	swait.ge [sflag:s9], $0x4000  }
0x6c: {  	[sflag:s9] =	ssyncset.done $0x0  }
0x6d: {  	s6 =	simm.s32 $0xB80;
	[sflag:s9] =	ssyncadd.s32 $0xFFFFC000  }
0x6e: {  	[spmem:s1] =	stream.indirect.scatter.add.f32 [tilespmem:s31], [sflag:$0x4], $0x80, s6, s26, $0xb8;
	[tilespmem:$0x1DC00] =	vst v63  }
0x6f: {  	_ =	swait.ge [sflag:s24], $0x4000  }
0x70: {  	[sflag:s24] =	ssyncset.done $0x0  }
0x71: {  	s7 =	simm.s32 $0x480;
	[sflag:s24] =	ssyncadd.s32 $0xFFFFC000  }
0x72: {  	[tilespmem:s31], [sflag:$0x1] =	stream.indirect.gather [hbm4b:s4+s26], $0x80, s7, s26, $0xb8;
	[tilespmem:$0x1DC00] =	vst v63  }
0x73: {  	_ =	swait.ge [sflag:s0], $0x4000  }
0x74: {  	[sflag:s0] =	ssyncset.done $0x0  }
0x75: {  	s8 =	simm.s32 $0xC00;
	[sflag:s0] =	ssyncadd.s32 $0xFFFFC000  }
0x76: {  	[spmem:s1] =	stream.indirect.scatter.add.f32 [tilespmem:s28], [sflag:$0x4], $0x80, s8, s26, $0xb8;
	[tilespmem:$0x1DC00] =	vst v63  }
0x77: {  	_ =	swait.ge [sflag:s24], $0x4000  }
0x78: {  	[sflag:s24] =	ssyncset.done $0x0  }
0x79: {  	s13 =	simm.s32 $0x500;
	[sflag:s24] =	ssyncadd.s32 $0xFFFFC000  }
0x7a: {  	[tilespmem:s28], [sflag:$0x2] =	stream.indirect.gather [hbm4b:s4+s26], $0x80, s13, s26, $0xb8;
	[tilespmem:$0x1DC00] =	vst v63  }
0x7b: {  	_ =	swait.ge [sflag:s9], $0x4000  }
0x7c: {  	[sflag:s9] =	ssyncset.done $0x0  }
0x7d: {  	s20 =	simm.s32 $0xC80;
	[sflag:s9] =	ssyncadd.s32 $0xFFFFC000  }
0x7e: {  	[spmem:s1] =	stream.indirect.scatter.add.f32 [tilespmem:s31], [sflag:$0x4], $0x80, s20, s26, $0xb8;
	[tilespmem:$0x1DC00] =	vst v63  }
0x7f: {  	_ =	swait.ge [sflag:s24], $0x4000  }
0x80: {  	[sflag:s24] =	ssyncset.done $0x0  }
0x81: {  	s21 =	simm.s32 $0x580;
	[sflag:s24] =	ssyncadd.s32 $0xFFFFC000  }
0x82: {  	[tilespmem:s31], [sflag:$0x1] =	stream.indirect.gather [hbm4b:s4+s26], $0x80, s21, s26, $0xb8;
	[tilespmem:$0x1DC00] =	vst v63  }
0x83: {  	_ =	swait.ge [sflag:s0], $0x4000  }
0x84: {  	[sflag:s0] =	ssyncset.done $0x0  }
0x85: {  	s6 =	simm.s32 $0xD00;
	[sflag:s0] =	ssyncadd.s32 $0xFFFFC000  }
0x86: {  	[spmem:s1] =	stream.indirect.scatter.add.f32 [tilespmem:s28], [sflag:$0x4], $0x80, s6, s26, $0xb8;
	[tilespmem:$0x1DC00] =	vst v63  }
0x87: {  	_ =	swait.ge [sflag:s24], $0x4000  }
0x88: {  	[sflag:s24] =	ssyncset.done $0x0  }
0x89: {  	s7 =	simm.s32 $0x600;
	[sflag:s24] =	ssyncadd.s32 $0xFFFFC000  }
0x8a: {  	[tilespmem:s28], [sflag:$0x2] =	stream.indirect.gather [hbm4b:s4+s26], $0x80, s7, s26, $0xb8;
	[tilespmem:$0x1DC00] =	vst v63  }
0x8b: {  	_ =	swait.ge [sflag:s9], $0x4000  }
0x8c: {  	[sflag:s9] =	ssyncset.done $0x0  }
0x8d: {  	s8 =	simm.s32 $0xD80;
	[sflag:s9] =	ssyncadd.s32 $0xFFFFC000  }
0x8e: {  	[spmem:s1] =	stream.indirect.scatter.add.f32 [tilespmem:s31], [sflag:$0x4], $0x80, s8, s26, $0xb8;
	[tilespmem:$0x1DC00] =	vst v63  }
0x8f: {  	_ =	swait.ge [sflag:s24], $0x4000  }
0x90: {  	[sflag:s24] =	ssyncset.done $0x0  }
0x91: {  	s13 =	simm.s32 $0x680;
	[sflag:s24] =	ssyncadd.s32 $0xFFFFC000  }
0x92: {  	[tilespmem:s31], [sflag:$0x1] =	stream.indirect.gather [hbm4b:s4+s26], $0x80, s13, s26, $0xb8;
	[tilespmem:$0x1DC00] =	vst v63  }
0x93: {  	_ =	swait.ge [sflag:s0], $0x4000  }
0x94: {  	[sflag:s0] =	ssyncset.done $0x0  }
0x95: {  	s20 =	simm.s32 $0xE00;
	[sflag:s0] =	ssyncadd.s32 $0xFFFFC000  }
0x96: {  	[spmem:s1] =	stream.indirect.scatter.add.f32 [tilespmem:s28], [sflag:$0x4], $0x80, s20, s26, $0xb8;
	[tilespmem:$0x1DC00] =	vst v63  }
0x97: {  	_ =	swait.ge [sflag:s24], $0x4000  }
0x98: {  	[sflag:s24] =	ssyncset.done $0x0  }
0x99: {  	s21 =	simm.s32 $0x700;
	[sflag:s24] =	ssyncadd.s32 $0xFFFFC000  }
0x9a: {  	[tilespmem:s28], [sflag:$0x2] =	stream.indirect.gather [hbm4b:s4+s26], $0x80, s21, s26, $0xb8;
	[tilespmem:$0x1DC00] =	vst v63  }
0x9b: {  	_ =	swait.ge [sflag:s9], $0x4000  }
0x9c: {  	[sflag:s9] =	ssyncset.done $0x0  }
0x9d: {  	s6 =	simm.s32 $0xE80;
	[sflag:s9] =	ssyncadd.s32 $0xFFFFC000  }
0x9e: {  	[spmem:s1] =	stream.indirect.scatter.add.f32 [tilespmem:s31], [sflag:$0x4], $0x80, s6, s26, $0xb8;
	[tilespmem:$0x1DC00] =	vst v63  }
0x9f: {  	_ =	swait.ge [sflag:s24], $0x4000  }
0xa0: {  	[sflag:s24] =	ssyncset.done $0x0  }
0xa1: {  	s7 =	simm.s32 $0x780;
	[sflag:s24] =	ssyncadd.s32 $0xFFFFC000  }
0xa2: {  	[tilespmem:s31], [sflag:$0x1] =	stream.indirect.gather [hbm4b:s4+s26], $0x80, s7, s26, $0xb8;
	[tilespmem:$0x1DC00] =	vst v63  }
0xa3: {  	_ =	swait.ge [sflag:s0], $0x4000  }
0xa4: {  	[sflag:s0] =	ssyncset.done $0x0  }
0xa5: {  	s8 =	simm.s32 $0xF00;
	[sflag:s0] =	ssyncadd.s32 $0xFFFFC000  }
0xa6: {  	[spmem:s1] =	stream.indirect.scatter.add.f32 [tilespmem:s28], [sflag:$0x4], $0x80, s8, s26, $0xb8;
	[tilespmem:$0x1DC00] =	vst v63  }
0xa7: {  	_ =	swait.ge [sflag:s24], $0x4000  }
0xa8: {  	[sflag:s24] =	ssyncset.done $0x0  }
0xa9: {  	[sflag:s24] =	ssyncadd.s32 $0xFFFFC000  }
0xaa: {  	_ =	swait.ge [sflag:s25], $0x800  }
0xab: {  	[sflag:s25] =	ssyncset.done $0x0  }
0xac: {  	[sflag:s25] =	ssyncadd.s32 $0xFFFFF800  }
0xad: {  	_ =	swait.ge [sflag:s25], $0x800  }
0xae: {  	[sflag:s25] =	ssyncset.done $0x0  }
0xaf: {  	[sflag:s25] =	ssyncadd.s32 $0xFFFFF800  }
0xb0: {  	[tilespmem:s28], [sflag:$0x2] =	stream.indirect.gather [hbm4b:s4+s26], $0x80, s30, s26, $0xb8;
	[tilespmem:$0x1DC00] =	vst v63  }
0xb1: {  	_ =	swait.ge [sflag:s9], $0x4000  }
0xb2: {  	[sflag:s9] =	ssyncset.done $0x0  }
0xb3: {  	s13 =	simm.s32 $0xF80;
	[sflag:s9] =	ssyncadd.s32 $0xFFFFC000  }
0xb4: {  	[spmem:s1] =	stream.indirect.scatter.add.f32 [tilespmem:s31], [sflag:$0x4], $0x80, s13, s26, $0xb8;
	[tilespmem:$0x1DC00] =	vst v63  }
0xb5: {  	_ =	swait.ge [sflag:s24], $0x4000  }
0xb6: {  	[sflag:s24] =	ssyncset.done $0x0  }
0xb7: {  	s20 =	rddreg [dreg:$0xc];
	[sflag:s24] =	ssyncadd.s32 $0xFFFFC000  }
0xb8: {  	[tilespmem:s3], [sflag:$0x3] =	stream.linear.gather [hbm4b:s20+s3], $0x800, $0x38;
	[tilespmem:$0x1DC00] =	vst v63  }
0xb9: {  	s21 =	rddreg [dreg:$0xd]  }
0xba: {  	[tilespmem:s5], [sflag:$0x3] =	stream.linear.gather [hbm4b:s21+s3], $0x800, $0x38;
	[tilespmem:$0x1DC00] =	vst v63  }
0xbb: {  	_ = 	snop  }
0xbc: {  	[tilespmem:s31], [sflag:$0x1] =	stream.indirect.gather [hbm4b:s4+s26], $0x80, s23, s26, $0xb8;
	[tilespmem:$0x1DC00] =	vst v63  }
0xbd: {  	_ =	swait.ge [sflag:s0], $0x4000  }
0xbe: {  	[sflag:s0] =	ssyncset.done $0x0  }
0xbf: {  	[sflag:s0] =	ssyncadd.s32 $0xFFFFC000  }
0xc0: {  	[spmem:s1] =	stream.indirect.scatter.add.f32 [tilespmem:s28], [sflag:$0x4], $0x80, s22, s26, $0xb8;
	[tilespmem:$0x1DC00] =	vst v63  }
0xc1: {  	_ =	swait.ge [sflag:s24], $0x4000  }
0xc2: {  	[sflag:s24] =	ssyncset.done $0x0  }
0xc3: {  	s5 =	simm.s32 $0x1100;
	[sflag:s24] =	ssyncadd.s32 $0xFFFFC000  }
0xc4: {  	[tilespmem:s28], [sflag:$0x2] =	stream.indirect.gather [hbm4b:s4+s26], $0x80, s5, s26, $0xb8;
	[tilespmem:$0x1DC00] =	vst v63  }
0xc5: {  	_ =	swait.ge [sflag:s9], $0x4000  }
0xc6: {  	[sflag:s9] =	ssyncset.done $0x0  }
0xc7: {  	s6 =	simm.s32 $0x1880;
	[sflag:s9] =	ssyncadd.s32 $0xFFFFC000  }
0xc8: {  	[spmem:s1] =	stream.indirect.scatter.add.f32 [tilespmem:s31], [sflag:$0x4], $0x80, s6, s26, $0xb8;
	[tilespmem:$0x1DC00] =	vst v63  }
0xc9: {  	_ =	swait.ge [sflag:s24], $0x4000  }
0xca: {  	[sflag:s24] =	ssyncset.done $0x0  }
0xcb: {  	s7 =	simm.s32 $0x1180;
	[sflag:s24] =	ssyncadd.s32 $0xFFFFC000  }
0xcc: {  	[tilespmem:s31], [sflag:$0x1] =	stream.indirect.gather [hbm4b:s4+s26], $0x80, s7, s26, $0xb8;
	[tilespmem:$0x1DC00] =	vst v63  }
0xcd: {  	_ =	swait.ge [sflag:s0], $0x4000  }
0xce: {  	[sflag:s0] =	ssyncset.done $0x0  }
0xcf: {  	[sflag:s0] =	ssyncadd.s32 $0xFFFFC000  }
0xd0: {  	[spmem:s1] =	stream.indirect.scatter.add.f32 [tilespmem:s28], [sflag:$0x4], $0x80, s10, s26, $0xb8;
	[tilespmem:$0x1DC00] =	vst v63  }
0xd1: {  	_ =	swait.ge [sflag:s24], $0x4000  }
0xd2: {  	[sflag:s24] =	ssyncset.done $0x0  }
0xd3: {  	[sflag:s24] =	ssyncadd.s32 $0xFFFFC000  }
0xd4: {  	[tilespmem:s28], [sflag:$0x2] =	stream.indirect.gather [hbm4b:s4+s26], $0x80, s11, s26, $0xb8;
	[tilespmem:$0x1DC00] =	vst v63  }
0xd5: {  	_ =	swait.ge [sflag:s9], $0x4000  }
0xd6: {  	[sflag:s9] =	ssyncset.done $0x0  }
0xd7: {  	[sflag:s9] =	ssyncadd.s32 $0xFFFFC000  }
0xd8: {  	[spmem:s1] =	stream.indirect.scatter.add.f32 [tilespmem:s31], [sflag:$0x4], $0x80, s12, s26, $0xb8;
	[tilespmem:$0x1DC00] =	vst v63  }
0xd9: {  	_ =	swait.ge [sflag:s24], $0x4000  }
0xda: {  	[sflag:s24] =	ssyncset.done $0x0  }
0xdb: {  	[sflag:s24] =	ssyncadd.s32 $0xFFFFC000  }
0xdc: {  	[tilespmem:s31], [sflag:$0x1] =	stream.indirect.gather [hbm4b:s4+s26], $0x80, s14, s26, $0xb8;
	[tilespmem:$0x1DC00] =	vst v63  }
0xdd: {  	_ =	swait.ge [sflag:s0], $0x4000  }
0xde: {  	[sflag:s0] =	ssyncset.done $0x0  }
0xdf: {  	[sflag:s0] =	ssyncadd.s32 $0xFFFFC000  }
0xe0: {  	[spmem:s1] =	stream.indirect.scatter.add.f32 [tilespmem:s28], [sflag:$0x4], $0x80, s15, s26, $0xb8;
	[tilespmem:$0x1DC00] =	vst v63  }
0xe1: {  	_ =	swait.ge [sflag:s24], $0x4000  }
0xe2: {  	[sflag:s24] =	ssyncset.done $0x0  }
0xe3: {  	[sflag:s24] =	ssyncadd.s32 $0xFFFFC000  }
0xe4: {  	[tilespmem:s28], [sflag:$0x2] =	stream.indirect.gather [hbm4b:s4+s26], $0x80, s16, s26, $0xb8;
	[tilespmem:$0x1DC00] =	vst v63  }
0xe5: {  	_ =	swait.ge [sflag:s9], $0x4000  }
0xe6: {  	[sflag:s9] =	ssyncset.done $0x0  }
0xe7: {  	[sflag:s9] =	ssyncadd.s32 $0xFFFFC000  }
0xe8: {  	[spmem:s1] =	stream.indirect.scatter.add.f32 [tilespmem:s31], [sflag:$0x4], $0x80, s17, s26, $0xb8;
	[tilespmem:$0x1DC00] =	vst v63  }
0xe9: {  	_ =	swait.ge [sflag:s24], $0x4000  }
0xea: {  	[sflag:s24] =	ssyncset.done $0x0  }
0xeb: {  	[sflag:s24] =	ssyncadd.s32 $0xFFFFC000  }
0xec: {  	[tilespmem:s31], [sflag:$0x1] =	stream.indirect.gather [hbm4b:s4+s26], $0x80, s19, s26, $0xb8;
	[tilespmem:$0x1DC00] =	vst v63  }
0xed: {  	_ =	swait.ge [sflag:s0], $0x4000  }
0xee: {  	[sflag:s0] =	ssyncset.done $0x0  }
0xef: {  	[sflag:s0] =	ssyncadd.s32 $0xFFFFC000  }
0xf0: {  	[spmem:s1] =	stream.indirect.scatter.add.f32 [tilespmem:s28], [sflag:$0x4], $0x80, s29, s26, $0xb8;
	[tilespmem:$0x1DC00] =	vst v63  }
0xf1: {  	_ =	swait.ge [sflag:s24], $0x4000  }
0xf2: {  	[sflag:s24] =	ssyncset.done $0x0  }
0xf3: {  	s13 =	simm.s32 $0x1400;
	[sflag:s24] =	ssyncadd.s32 $0xFFFFC000  }
0xf4: {  	[tilespmem:s28], [sflag:$0x2] =	stream.indirect.gather [hbm4b:s4+s26], $0x80, s13, s26, $0xb8;
	[tilespmem:$0x1DC00] =	vst v63  }
0xf5: {  	_ =	swait.ge [sflag:s9], $0x4000  }
0xf6: {  	[sflag:s9] =	ssyncset.done $0x0  }
0xf7: {  	s20 =	simm.s32 $0x1B80;
	[sflag:s9] =	ssyncadd.s32 $0xFFFFC000  }
0xf8: {  	[spmem:s1] =	stream.indirect.scatter.add.f32 [tilespmem:s31], [sflag:$0x4], $0x80, s20, s26, $0xb8;
	[tilespmem:$0x1DC00] =	vst v63  }
0xf9: {  	_ =	swait.ge [sflag:s24], $0x4000  }
0xfa: {  	[sflag:s24] =	ssyncset.done $0x0  }
0xfb: {  	s21 =	simm.s32 $0x1480;
	[sflag:s24] =	ssyncadd.s32 $0xFFFFC000  }
0xfc: {  	[tilespmem:s31], [sflag:$0x1] =	stream.indirect.gather [hbm4b:s4+s26], $0x80, s21, s26, $0xb8;
	[tilespmem:$0x1DC00] =	vst v63  }
0xfd: {  	_ =	swait.ge [sflag:s0], $0x4000  }
0xfe: {  	[sflag:s0] =	ssyncset.done $0x0  }
0xff: {  	s8 =	simm.s32 $0x1C00;
	[sflag:s0] =	ssyncadd.s32 $0xFFFFC000  }
0x100: {  	[spmem:s1] =	stream.indirect.scatter.add.f32 [tilespmem:s28], [sflag:$0x4], $0x80, s8, s26, $0xb8;
	[tilespmem:$0x1DC00] =	vst v63  }
0x101: {  	_ =	swait.ge [sflag:s24], $0x4000  }
0x102: {  	[sflag:s24] =	ssyncset.done $0x0  }
0x103: {  	s8 =	simm.s32 $0x1500;
	[sflag:s24] =	ssyncadd.s32 $0xFFFFC000  }
0x104: {  	[tilespmem:s28], [sflag:$0x2] =	stream.indirect.gather [hbm4b:s4+s26], $0x80, s8, s26, $0xb8;
	[tilespmem:$0x1DC00] =	vst v63  }
0x105: {  	_ =	swait.ge [sflag:s9], $0x4000  }
0x106: {  	[sflag:s9] =	ssyncset.done $0x0  }
0x107: {  	s8 =	simm.s32 $0x1C80;
	[sflag:s9] =	ssyncadd.s32 $0xFFFFC000  }
0x108: {  	[spmem:s1] =	stream.indirect.scatter.add.f32 [tilespmem:s31], [sflag:$0x4], $0x80, s8, s26, $0xb8;
	[tilespmem:$0x1DC00] =	vst v63  }
0x109: {  	_ =	swait.ge [sflag:s24], $0x4000  }
0x10a: {  	[sflag:s24] =	ssyncset.done $0x0  }
0x10b: {  	s8 =	simm.s32 $0x1580;
	[sflag:s24] =	ssyncadd.s32 $0xFFFFC000  }
0x10c: {  	[tilespmem:s31], [sflag:$0x1] =	stream.indirect.gather [hbm4b:s4+s26], $0x80, s8, s26, $0xb8;
	[tilespmem:$0x1DC00] =	vst v63  }
0x10d: {  	_ =	swait.ge [sflag:s0], $0x4000  }
0x10e: {  	[sflag:s0] =	ssyncset.done $0x0  }
0x10f: {  	s8 =	simm.s32 $0x1D00;
	[sflag:s0] =	ssyncadd.s32 $0xFFFFC000  }
0x110: {  	[spmem:s1] =	stream.indirect.scatter.add.f32 [tilespmem:s28], [sflag:$0x4], $0x80, s8, s26, $0xb8;
	[tilespmem:$0x1DC00] =	vst v63  }
0x111: {  	_ =	swait.ge [sflag:s24], $0x4000  }
0x112: {  	[sflag:s24] =	ssyncset.done $0x0  }
0x113: {  	s8 =	simm.s32 $0x1600;
	[sflag:s24] =	ssyncadd.s32 $0xFFFFC000  }
0x114: {  	[tilespmem:s28], [sflag:$0x2] =	stream.indirect.gather [hbm4b:s4+s26], $0x80, s8, s26, $0xb8;
	[tilespmem:$0x1DC00] =	vst v63  }
0x115: {  	_ =	swait.ge [sflag:s9], $0x4000  }
0x116: {  	[sflag:s9] =	ssyncset.done $0x0  }
0x117: {  	s8 =	simm.s32 $0x1D80;
	[sflag:s9] =	ssyncadd.s32 $0xFFFFC000  }
0x118: {  	[spmem:s1] =	stream.indirect.scatter.add.f32 [tilespmem:s31], [sflag:$0x4], $0x80, s8, s26, $0xb8;
	[tilespmem:$0x1DC00] =	vst v63  }
0x119: {  	_ =	swait.ge [sflag:s24], $0x4000  }
0x11a: {  	[sflag:s24] =	ssyncset.done $0x0  }
0x11b: {  	s8 =	simm.s32 $0x1680;
	[sflag:s24] =	ssyncadd.s32 $0xFFFFC000  }
0x11c: {  	[tilespmem:s31], [sflag:$0x1] =	stream.indirect.gather [hbm4b:s4+s26], $0x80, s8, s26, $0xb8;
	[tilespmem:$0x1DC00] =	vst v63  }
0x11d: {  	_ =	swait.ge [sflag:s0], $0x4000  }
0x11e: {  	[sflag:s0] =	ssyncset.done $0x0  }
0x11f: {  	s8 =	simm.s32 $0x1E00;
	[sflag:s0] =	ssyncadd.s32 $0xFFFFC000  }
0x120: {  	[spmem:s1] =	stream.indirect.scatter.add.f32 [tilespmem:s28], [sflag:$0x4], $0x80, s8, s26, $0xb8;
	[tilespmem:$0x1DC00] =	vst v63  }
0x121: {  	_ =	swait.ge [sflag:s24], $0x4000  }
0x122: {  	[sflag:s24] =	ssyncset.done $0x0  }
0x123: {  	s8 =	simm.s32 $0x1700;
	[sflag:s24] =	ssyncadd.s32 $0xFFFFC000  }
0x124: {  	[tilespmem:s28], [sflag:$0x2] =	stream.indirect.gather [hbm4b:s4+s26], $0x80, s8, s26, $0xb8;
	[tilespmem:$0x1DC00] =	vst v63  }
0x125: {  	_ =	swait.ge [sflag:s9], $0x4000  }
0x126: {  	[sflag:s9] =	ssyncset.done $0x0  }
0x127: {  	s8 =	simm.s32 $0x1E80;
	[sflag:s9] =	ssyncadd.s32 $0xFFFFC000  }
0x128: {  	[spmem:s1] =	stream.indirect.scatter.add.f32 [tilespmem:s31], [sflag:$0x4], $0x80, s8, s26, $0xb8;
	[tilespmem:$0x1DC00] =	vst v63  }
0x129: {  	_ =	swait.ge [sflag:s24], $0x4000  }
0x12a: {  	[sflag:s24] =	ssyncset.done $0x0  }
0x12b: {  	s8 =	simm.s32 $0x1780;
	[sflag:s24] =	ssyncadd.s32 $0xFFFFC000  }
0x12c: {  	[tilespmem:s31], [sflag:$0x1] =	stream.indirect.gather [hbm4b:s4+s26], $0x80, s8, s26, $0xb8;
	[tilespmem:$0x1DC00] =	vst v63  }
0x12d: {  	_ =	swait.ge [sflag:s0], $0x4000  }
0x12e: {  	[sflag:s0] =	ssyncset.done $0x0  }
0x12f: {  	s8 =	simm.s32 $0x1F00;
	[sflag:s0] =	ssyncadd.s32 $0xFFFFC000  }
0x130: {  	[spmem:s1] =	stream.indirect.scatter.add.f32 [tilespmem:s28], [sflag:$0x4], $0x80, s8, s26, $0xb8;
	[tilespmem:$0x1DC00] =	vst v63  }
0x131: {  	_ =	swait.ge [sflag:s24], $0x4000  }
0x132: {  	[sflag:s24] =	ssyncset.done $0x0  }
0x133: {  	[sflag:s24] =	ssyncadd.s32 $0xFFFFC000  }
0x134: {  	_ =	swait.ge [sflag:s25], $0x800  }
0x135: {  	[sflag:s25] =	ssyncset.done $0x0  }
0x136: {  	[sflag:s25] =	ssyncadd.s32 $0xFFFFF800  }
0x137: {  	_ =	swait.ge [sflag:s25], $0x800  }
0x138: {  	[sflag:s25] =	ssyncset.done $0x0  }
0x139: {  	[sflag:s25] =	ssyncadd.s32 $0xFFFFF800  }
0x13a: {  	[tilespmem:s28], [sflag:$0x2] =	stream.indirect.gather [hbm4b:s4+s26], $0x80, s3, s26, $0xb8;
	[tilespmem:$0x1DC00] =	vst v63  }
0x13b: {  	_ =	swait.ge [sflag:s9], $0x4000  }
0x13c: {  	[sflag:s9] =	ssyncset.done $0x0  }
0x13d: {  	s8 =	simm.s32 $0x1F80;
	[sflag:s9] =	ssyncadd.s32 $0xFFFFC000  }
0x13e: {  	[spmem:s1] =	stream.indirect.scatter.add.f32 [tilespmem:s31], [sflag:$0x4], $0x80, s8, s26, $0xb8;
	[tilespmem:$0x1DC00] =	vst v63  }
0x13f: {  	_ =	swait.ge [sflag:s24], $0x4000  }
0x140: {  	[sflag:s24] =	ssyncset.done $0x0  }
0x141: {  	s8 =	rddreg [dreg:$0xe];
	[sflag:s24] =	ssyncadd.s32 $0xFFFFC000  }
0x142: {  	[tilespmem:s30], [sflag:$0x3] =	stream.linear.gather [hbm4b:s8+s3], $0x800, $0x38;
	[tilespmem:$0x1DC00] =	vst v63  }
0x143: {  	s8 =	rddreg [dreg:$0xf]  }
0x144: {  	[tilespmem:s22], [sflag:$0x3] =	stream.linear.gather [hbm4b:s8+s3], $0x800, $0x38;
	[tilespmem:$0x1DC00] =	vst v63  }
0x145: {  	_ = 	snop  }
0x146: {  	[tilespmem:s31], [sflag:$0x1] =	stream.indirect.gather [hbm4b:s4+s26], $0x80, s26, s26, $0xb8;
	[tilespmem:$0x1DC00] =	vst v63  }
0x147: {  	_ =	swait.ge [sflag:s0], $0x4000  }
0x148: {  	[sflag:s0] =	ssyncset.done $0x0  }
0x149: {  	s2 =	simm.s32 $0x800;
	[sflag:s0] =	ssyncadd.s32 $0xFFFFC000  }
0x14a: {  	[spmem:s1] =	stream.indirect.scatter.add.f32 [tilespmem:s28], [sflag:$0x4], $0x80, s2, s26, $0xb8;
	[tilespmem:$0x1DC00] =	vst v63  }
0x14b: {  	_ =	swait.ge [sflag:s24], $0x4000  }
0x14c: {  	[sflag:s24] =	ssyncset.done $0x0  }
0x14d: {  	s8 =	simm.s32 $0x100;
	[sflag:s24] =	ssyncadd.s32 $0xFFFFC000  }
0x14e: {  	[tilespmem:s28], [sflag:$0x2] =	stream.indirect.gather [hbm4b:s4+s26], $0x80, s8, s26, $0xb8;
	[tilespmem:$0x1DC00] =	vst v63  }
0x14f: {  	_ =	swait.ge [sflag:s9], $0x4000  }
0x150: {  	[sflag:s9] =	ssyncset.done $0x0  }
0x151: {  	s8 =	simm.s32 $0x880;
	[sflag:s9] =	ssyncadd.s32 $0xFFFFC000  }
0x152: {  	[spmem:s1] =	stream.indirect.scatter.add.f32 [tilespmem:s31], [sflag:$0x4], $0x80, s8, s26, $0xb8;
	[tilespmem:$0x1DC00] =	vst v63  }
0x153: {  	_ =	swait.ge [sflag:s24], $0x4000  }
0x154: {  	[sflag:s24] =	ssyncset.done $0x0  }
0x155: {  	s8 =	simm.s32 $0x180;
	[sflag:s24] =	ssyncadd.s32 $0xFFFFC000  }
0x156: {  	[tilespmem:s31], [sflag:$0x1] =	stream.indirect.gather [hbm4b:s4+s26], $0x80, s8, s26, $0xb8;
	[tilespmem:$0x1DC00] =	vst v63  }
0x157: {  	_ =	swait.ge [sflag:s0], $0x4000  }
0x158: {  	[sflag:s0] =	ssyncset.done $0x0  }
0x159: {  	s8 =	simm.s32 $0x900;
	[sflag:s0] =	ssyncadd.s32 $0xFFFFC000  }
0x15a: {  	[spmem:s1] =	stream.indirect.scatter.add.f32 [tilespmem:s28], [sflag:$0x4], $0x80, s8, s26, $0xb8;
	[tilespmem:$0x1DC00] =	vst v63  }
0x15b: {  	_ =	swait.ge [sflag:s24], $0x4000  }
0x15c: {  	[sflag:s24] =	ssyncset.done $0x0  }
0x15d: {  	s8 =	simm.s32 $0x200;
	[sflag:s24] =	ssyncadd.s32 $0xFFFFC000  }
0x15e: {  	[tilespmem:s28], [sflag:$0x2] =	stream.indirect.gather [hbm4b:s4+s26], $0x80, s8, s26, $0xb8;
	[tilespmem:$0x1DC00] =	vst v63  }
0x15f: {  	_ =	swait.ge [sflag:s9], $0x4000  }
0x160: {  	[sflag:s9] =	ssyncset.done $0x0  }
0x161: {  	s8 =	simm.s32 $0x980;
	[sflag:s9] =	ssyncadd.s32 $0xFFFFC000  }
0x162: {  	[spmem:s1] =	stream.indirect.scatter.add.f32 [tilespmem:s31], [sflag:$0x4], $0x80, s8, s26, $0xb8;
	[tilespmem:$0x1DC00] =	vst v63  }
0x163: {  	_ =	swait.ge [sflag:s24], $0x4000  }
0x164: {  	[sflag:s24] =	ssyncset.done $0x0  }
0x165: {  	s8 =	simm.s32 $0x280;
	[sflag:s24] =	ssyncadd.s32 $0xFFFFC000  }
0x166: {  	[tilespmem:s31], [sflag:$0x1] =	stream.indirect.gather [hbm4b:s4+s26], $0x80, s8, s26, $0xb8;
	[tilespmem:$0x1DC00] =	vst v63  }
0x167: {  	_ =	swait.ge [sflag:s0], $0x4000  }
0x168: {  	[sflag:s0] =	ssyncset.done $0x0  }
0x169: {  	s8 =	simm.s32 $0xA00;
	[sflag:s0] =	ssyncadd.s32 $0xFFFFC000  }
0x16a: {  	[spmem:s1] =	stream.indirect.scatter.add.f32 [tilespmem:s28], [sflag:$0x4], $0x80, s8, s26, $0xb8;
	[tilespmem:$0x1DC00] =	vst v63  }
0x16b: {  	_ =	swait.ge [sflag:s24], $0x4000  }
0x16c: {  	[sflag:s24] =	ssyncset.done $0x0  }
0x16d: {  	s8 =	simm.s32 $0x300;
	[sflag:s24] =	ssyncadd.s32 $0xFFFFC000  }
0x16e: {  	[tilespmem:s28], [sflag:$0x2] =	stream.indirect.gather [hbm4b:s4+s26], $0x80, s8, s26, $0xb8;
	[tilespmem:$0x1DC00] =	vst v63  }
0x16f: {  	_ =	swait.ge [sflag:s9], $0x4000  }
0x170: {  	[sflag:s9] =	ssyncset.done $0x0  }
0x171: {  	s8 =	simm.s32 $0xA80;
	[sflag:s9] =	ssyncadd.s32 $0xFFFFC000  }
0x172: {  	[spmem:s1] =	stream.indirect.scatter.add.f32 [tilespmem:s31], [sflag:$0x4], $0x80, s8, s26, $0xb8;
	[tilespmem:$0x1DC00] =	vst v63  }
0x173: {  	_ =	swait.ge [sflag:s24], $0x4000  }
0x174: {  	[sflag:s24] =	ssyncset.done $0x0  }
0x175: {  	s8 =	simm.s32 $0x380;
	[sflag:s24] =	ssyncadd.s32 $0xFFFFC000  }
0x176: {  	[tilespmem:s31], [sflag:$0x1] =	stream.indirect.gather [hbm4b:s4+s26], $0x80, s8, s26, $0xb8;
	[tilespmem:$0x1DC00] =	vst v63  }
0x177: {  	_ =	swait.ge [sflag:s0], $0x4000  }
0x178: {  	[sflag:s0] =	ssyncset.done $0x0  }
0x179: {  	s8 =	simm.s32 $0xB00;
	[sflag:s0] =	ssyncadd.s32 $0xFFFFC000  }
0x17a: {  	[spmem:s1] =	stream.indirect.scatter.add.f32 [tilespmem:s28], [sflag:$0x4], $0x80, s8, s26, $0xb8;
	[tilespmem:$0x1DC00] =	vst v63  }
0x17b: {  	_ =	swait.ge [sflag:s24], $0x4000  }
0x17c: {  	[sflag:s24] =	ssyncset.done $0x0  }
0x17d: {  	s8 =	simm.s32 $0x400;
	[sflag:s24] =	ssyncadd.s32 $0xFFFFC000  }
0x17e: {  	[tilespmem:s28], [sflag:$0x2] =	stream.indirect.gather [hbm4b:s4+s26], $0x80, s8, s26, $0xb8;
	[tilespmem:$0x1DC00] =	vst v63  }
0x17f: {  	_ =	swait.ge [sflag:s9], $0x4000  }
0x180: {  	[sflag:s9] =	ssyncset.done $0x0  }
0x181: {  	s8 =	simm.s32 $0xB80;
	[sflag:s9] =	ssyncadd.s32 $0xFFFFC000  }
0x182: {  	[spmem:s1] =	stream.indirect.scatter.add.f32 [tilespmem:s31], [sflag:$0x4], $0x80, s8, s26, $0xb8;
	[tilespmem:$0x1DC00] =	vst v63  }
0x183: {  	_ =	swait.ge [sflag:s24], $0x4000  }
0x184: {  	[sflag:s24] =	ssyncset.done $0x0  }
0x185: {  	s8 =	simm.s32 $0x480;
	[sflag:s24] =	ssyncadd.s32 $0xFFFFC000  }
0x186: {  	[tilespmem:s31], [sflag:$0x1] =	stream.indirect.gather [hbm4b:s4+s26], $0x80, s8, s26, $0xb8;
	[tilespmem:$0x1DC00] =	vst v63  }
0x187: {  	_ =	swait.ge [sflag:s0], $0x4000  }
0x188: {  	[sflag:s0] =	ssyncset.done $0x0  }
0x189: {  	s8 =	simm.s32 $0xC00;
	[sflag:s0] =	ssyncadd.s32 $0xFFFFC000  }
0x18a: {  	[spmem:s1] =	stream.indirect.scatter.add.f32 [tilespmem:s28], [sflag:$0x4], $0x80, s8, s26, $0xb8;
	[tilespmem:$0x1DC00] =	vst v63  }
0x18b: {  	_ =	swait.ge [sflag:s24], $0x4000  }
0x18c: {  	[sflag:s24] =	ssyncset.done $0x0  }
0x18d: {  	s8 =	simm.s32 $0x500;
	[sflag:s24] =	ssyncadd.s32 $0xFFFFC000  }
0x18e: {  	[tilespmem:s28], [sflag:$0x2] =	stream.indirect.gather [hbm4b:s4+s26], $0x80, s8, s26, $0xb8;
	[tilespmem:$0x1DC00] =	vst v63  }
0x18f: {  	_ =	swait.ge [sflag:s9], $0x4000  }
0x190: {  	[sflag:s9] =	ssyncset.done $0x0  }
0x191: {  	s8 =	simm.s32 $0xC80;
	[sflag:s9] =	ssyncadd.s32 $0xFFFFC000  }
0x192: {  	[spmem:s1] =	stream.indirect.scatter.add.f32 [tilespmem:s31], [sflag:$0x4], $0x80, s8, s26, $0xb8;
	[tilespmem:$0x1DC00] =	vst v63  }
0x193: {  	_ =	swait.ge [sflag:s24], $0x4000  }
0x194: {  	[sflag:s24] =	ssyncset.done $0x0  }
0x195: {  	s8 =	simm.s32 $0x580;
	[sflag:s24] =	ssyncadd.s32 $0xFFFFC000  }
0x196: {  	[tilespmem:s31], [sflag:$0x1] =	stream.indirect.gather [hbm4b:s4+s26], $0x80, s8, s26, $0xb8;
	[tilespmem:$0x1DC00] =	vst v63  }
0x197: {  	_ =	swait.ge [sflag:s0], $0x4000  }
0x198: {  	[sflag:s0] =	ssyncset.done $0x0  }
0x199: {  	s8 =	simm.s32 $0xD00;
	[sflag:s0] =	ssyncadd.s32 $0xFFFFC000  }
0x19a: {  	[spmem:s1] =	stream.indirect.scatter.add.f32 [tilespmem:s28], [sflag:$0x4], $0x80, s8, s26, $0xb8;
	[tilespmem:$0x1DC00] =	vst v63  }
0x19b: {  	_ =	swait.ge [sflag:s24], $0x4000  }
0x19c: {  	[sflag:s24] =	ssyncset.done $0x0  }
0x19d: {  	s8 =	simm.s32 $0x600;
	[sflag:s24] =	ssyncadd.s32 $0xFFFFC000  }
0x19e: {  	[tilespmem:s28], [sflag:$0x2] =	stream.indirect.gather [hbm4b:s4+s26], $0x80, s8, s26, $0xb8;
	[tilespmem:$0x1DC00] =	vst v63  }
0x19f: {  	_ =	swait.ge [sflag:s9], $0x4000  }
0x1a0: {  	[sflag:s9] =	ssyncset.done $0x0  }
0x1a1: {  	s8 =	simm.s32 $0xD80;
	[sflag:s9] =	ssyncadd.s32 $0xFFFFC000  }
0x1a2: {  	[spmem:s1] =	stream.indirect.scatter.add.f32 [tilespmem:s31], [sflag:$0x4], $0x80, s8, s26, $0xb8;
	[tilespmem:$0x1DC00] =	vst v63  }
0x1a3: {  	_ =	swait.ge [sflag:s24], $0x4000  }
0x1a4: {  	[sflag:s24] =	ssyncset.done $0x0  }
0x1a5: {  	s8 =	simm.s32 $0x680;
	[sflag:s24] =	ssyncadd.s32 $0xFFFFC000  }
0x1a6: {  	[tilespmem:s31], [sflag:$0x1] =	stream.indirect.gather [hbm4b:s4+s26], $0x80, s8, s26, $0xb8;
	[tilespmem:$0x1DC00] =	vst v63  }
0x1a7: {  	_ =	swait.ge [sflag:s0], $0x4000  }
0x1a8: {  	[sflag:s0] =	ssyncset.done $0x0  }
0x1a9: {  	s8 =	simm.s32 $0xE00;
	[sflag:s0] =	ssyncadd.s32 $0xFFFFC000  }
0x1aa: {  	[spmem:s1] =	stream.indirect.scatter.add.f32 [tilespmem:s28], [sflag:$0x4], $0x80, s8, s26, $0xb8;
	[tilespmem:$0x1DC00] =	vst v63  }
0x1ab: {  	_ =	swait.ge [sflag:s24], $0x4000  }
0x1ac: {  	[sflag:s24] =	ssyncset.done $0x0  }
0x1ad: {  	s8 =	simm.s32 $0x700;
	[sflag:s24] =	ssyncadd.s32 $0xFFFFC000  }
0x1ae: {  	[tilespmem:s28], [sflag:$0x2] =	stream.indirect.gather [hbm4b:s4+s26], $0x80, s8, s26, $0xb8;
	[tilespmem:$0x1DC00] =	vst v63  }
0x1af: {  	_ =	swait.ge [sflag:s9], $0x4000  }
0x1b0: {  	[sflag:s9] =	ssyncset.done $0x0  }
0x1b1: {  	s8 =	simm.s32 $0xE80;
	[sflag:s9] =	ssyncadd.s32 $0xFFFFC000  }
0x1b2: {  	[spmem:s1] =	stream.indirect.scatter.add.f32 [tilespmem:s31], [sflag:$0x4], $0x80, s8, s26, $0xb8;
	[tilespmem:$0x1DC00] =	vst v63  }
0x1b3: {  	_ =	swait.ge [sflag:s24], $0x4000  }
0x1b4: {  	[sflag:s24] =	ssyncset.done $0x0  }
0x1b5: {  	s8 =	simm.s32 $0x780;
	[sflag:s24] =	ssyncadd.s32 $0xFFFFC000  }
0x1b6: {  	[tilespmem:s31], [sflag:$0x1] =	stream.indirect.gather [hbm4b:s4+s26], $0x80, s8, s26, $0xb8;
	[tilespmem:$0x1DC00] =	vst v63  }
0x1b7: {  	_ =	swait.ge [sflag:s0], $0x4000  }
0x1b8: {  	[sflag:s0] =	ssyncset.done $0x0  }
0x1b9: {  	s8 =	simm.s32 $0xF00;
	[sflag:s0] =	ssyncadd.s32 $0xFFFFC000  }
0x1ba: {  	[spmem:s1] =	stream.indirect.scatter.add.f32 [tilespmem:s28], [sflag:$0x4], $0x80, s8, s26, $0xb8;
	[tilespmem:$0x1DC00] =	vst v63  }
0x1bb: {  	_ =	swait.ge [sflag:s24], $0x4000  }
0x1bc: {  	[sflag:s24] =	ssyncset.done $0x0  }
0x1bd: {  	[sflag:s24] =	ssyncadd.s32 $0xFFFFC000  }
0x1be: {  	_ =	swait.ge [sflag:s25], $0x800  }
0x1bf: {  	[sflag:s25] =	ssyncset.done $0x0  }
0x1c0: {  	[sflag:s25] =	ssyncadd.s32 $0xFFFFF800  }
0x1c1: {  	_ =	swait.ge [sflag:s25], $0x800  }
0x1c2: {  	[sflag:s25] =	ssyncset.done $0x0  }
0x1c3: {  	[sflag:s25] =	ssyncadd.s32 $0xFFFFF800  }
0x1c4: {  	[tilespmem:s28], [sflag:$0x2] =	stream.indirect.gather [hbm4b:s4+s26], $0x80, s30, s26, $0xb8;
	[tilespmem:$0x1DC00] =	vst v63  }
0x1c5: {  	_ =	swait.ge [sflag:s9], $0x4000  }
0x1c6: {  	[sflag:s9] =	ssyncset.done $0x0  }
0x1c7: {  	s30 =	simm.s32 $0xF80;
	[sflag:s9] =	ssyncadd.s32 $0xFFFFC000  }
0x1c8: {  	[spmem:s1] =	stream.indirect.scatter.add.f32 [tilespmem:s31], [sflag:$0x4], $0x80, s30, s26, $0xb8;
	[tilespmem:$0x1DC00] =	vst v63  }
0x1c9: {  	_ =	swait.ge [sflag:s24], $0x4000  }
0x1ca: {  	[sflag:s24] =	ssyncset.done $0x0  }
0x1cb: {  	s8 =	rddreg [dreg:$0x10];
	[sflag:s24] =	ssyncadd.s32 $0xFFFFC000  }
0x1cc: {  	[tilespmem:s3], [sflag:$0x3] =	stream.linear.gather [hbm4b:s8+s3], $0x800, $0x38;
	[tilespmem:$0x1DC00] =	vst v63  }
0x1cd: {  	s8 =	rddreg [dreg:$0x11]  }
0x1ce: {  	[tilespmem:s2], [sflag:$0x3] =	stream.linear.gather [hbm4b:s8+s3], $0x800, $0x38;
	[tilespmem:$0x1DC00] =	vst v63  }
0x1cf: {  	_ = 	snop  }
0x1d0: {  	[tilespmem:s31], [sflag:$0x1] =	stream.indirect.gather [hbm4b:s4+s26], $0x80, s23, s26, $0xb8;
	[tilespmem:$0x1DC00] =	vst v63  }
0x1d1: {  	_ =	swait.ge [sflag:s0], $0x4000  }
0x1d2: {  	[sflag:s0] =	ssyncset.done $0x0  }
0x1d3: {  	[sflag:s0] =	ssyncadd.s32 $0xFFFFC000  }
0x1d4: {  	[spmem:s1] =	stream.indirect.scatter.add.f32 [tilespmem:s28], [sflag:$0x4], $0x80, s22, s26, $0xb8;
	[tilespmem:$0x1DC00] =	vst v63  }
0x1d5: {  	_ =	swait.ge [sflag:s24], $0x4000  }
0x1d6: {  	[sflag:s24] =	ssyncset.done $0x0  }
0x1d7: {  	[sflag:s24] =	ssyncadd.s32 $0xFFFFC000  }
0x1d8: {  	[tilespmem:s28], [sflag:$0x2] =	stream.indirect.gather [hbm4b:s4+s26], $0x80, s5, s26, $0xb8;
	[tilespmem:$0x1DC00] =	vst v63  }
0x1d9: {  	_ =	swait.ge [sflag:s9], $0x4000  }
0x1da: {  	[sflag:s9] =	ssyncset.done $0x0  }
0x1db: {  	[sflag:s9] =	ssyncadd.s32 $0xFFFFC000  }
0x1dc: {  	[spmem:s1] =	stream.indirect.scatter.add.f32 [tilespmem:s31], [sflag:$0x4], $0x80, s6, s26, $0xb8;
	[tilespmem:$0x1DC00] =	vst v63  }
0x1dd: {  	_ =	swait.ge [sflag:s24], $0x4000  }
0x1de: {  	[sflag:s24] =	ssyncset.done $0x0  }
0x1df: {  	[sflag:s24] =	ssyncadd.s32 $0xFFFFC000  }
0x1e0: {  	[tilespmem:s31], [sflag:$0x1] =	stream.indirect.gather [hbm4b:s4+s26], $0x80, s7, s26, $0xb8;
	[tilespmem:$0x1DC00] =	vst v63  }
0x1e1: {  	_ =	swait.ge [sflag:s0], $0x4000  }
0x1e2: {  	[sflag:s0] =	ssyncset.done $0x0  }
0x1e3: {  	[sflag:s0] =	ssyncadd.s32 $0xFFFFC000  }
0x1e4: {  	[spmem:s1] =	stream.indirect.scatter.add.f32 [tilespmem:s28], [sflag:$0x4], $0x80, s10, s26, $0xb8;
	[tilespmem:$0x1DC00] =	vst v63  }
0x1e5: {  	_ =	swait.ge [sflag:s24], $0x4000  }
0x1e6: {  	[sflag:s24] =	ssyncset.done $0x0  }
0x1e7: {  	[sflag:s24] =	ssyncadd.s32 $0xFFFFC000  }
0x1e8: {  	[tilespmem:s28], [sflag:$0x2] =	stream.indirect.gather [hbm4b:s4+s26], $0x80, s11, s26, $0xb8;
	[tilespmem:$0x1DC00] =	vst v63  }
0x1e9: {  	_ =	swait.ge [sflag:s9], $0x4000  }
0x1ea: {  	[sflag:s9] =	ssyncset.done $0x0  }
0x1eb: {  	[sflag:s9] =	ssyncadd.s32 $0xFFFFC000  }
0x1ec: {  	[spmem:s1] =	stream.indirect.scatter.add.f32 [tilespmem:s31], [sflag:$0x4], $0x80, s12, s26, $0xb8;
	[tilespmem:$0x1DC00] =	vst v63  }
0x1ed: {  	_ =	swait.ge [sflag:s24], $0x4000  }
0x1ee: {  	[sflag:s24] =	ssyncset.done $0x0  }
0x1ef: {  	[sflag:s24] =	ssyncadd.s32 $0xFFFFC000  }
0x1f0: {  	[tilespmem:s31], [sflag:$0x1] =	stream.indirect.gather [hbm4b:s4+s26], $0x80, s14, s26, $0xb8;
	[tilespmem:$0x1DC00] =	vst v63  }
0x1f1: {  	_ =	swait.ge [sflag:s0], $0x4000  }
0x1f2: {  	[sflag:s0] =	ssyncset.done $0x0  }
0x1f3: {  	[sflag:s0] =	ssyncadd.s32 $0xFFFFC000  }
0x1f4: {  	[spmem:s1] =	stream.indirect.scatter.add.f32 [tilespmem:s28], [sflag:$0x4], $0x80, s15, s26, $0xb8;
	[tilespmem:$0x1DC00] =	vst v63  }
0x1f5: {  	_ =	swait.ge [sflag:s24], $0x4000  }
0x1f6: {  	[sflag:s24] =	ssyncset.done $0x0  }
0x1f7: {  	[sflag:s24] =	ssyncadd.s32 $0xFFFFC000  }
0x1f8: {  	[tilespmem:s28], [sflag:$0x2] =	stream.indirect.gather [hbm4b:s4+s26], $0x80, s16, s26, $0xb8;
	[tilespmem:$0x1DC00] =	vst v63  }
0x1f9: {  	_ =	swait.ge [sflag:s9], $0x4000  }
0x1fa: {  	[sflag:s9] =	ssyncset.done $0x0  }
0x1fb: {  	[sflag:s9] =	ssyncadd.s32 $0xFFFFC000  }
0x1fc: {  	[spmem:s1] =	stream.indirect.scatter.add.f32 [tilespmem:s31], [sflag:$0x4], $0x80, s17, s26, $0xb8;
	[tilespmem:$0x1DC00] =	vst v63  }
0x1fd: {  	_ =	swait.ge [sflag:s24], $0x4000  }
0x1fe: {  	[sflag:s24] =	ssyncset.done $0x0  }
0x1ff: {  	[sflag:s24] =	ssyncadd.s32 $0xFFFFC000  }
0x200: {  	[tilespmem:s31], [sflag:$0x1] =	stream.indirect.gather [hbm4b:s4+s26], $0x80, s19, s26, $0xb8;
	[tilespmem:$0x1DC00] =	vst v63  }
0x201: {  	_ =	swait.ge [sflag:s0], $0x4000  }
0x202: {  	[sflag:s0] =	ssyncset.done $0x0  }
0x203: {  	[sflag:s0] =	ssyncadd.s32 $0xFFFFC000  }
0x204: {  	[spmem:s1] =	stream.indirect.scatter.add.f32 [tilespmem:s28], [sflag:$0x4], $0x80, s29, s26, $0xb8;
	[tilespmem:$0x1DC00] =	vst v63  }
0x205: {  	_ =	swait.ge [sflag:s24], $0x4000  }
0x206: {  	[sflag:s24] =	ssyncset.done $0x0  }
0x207: {  	[sflag:s24] =	ssyncadd.s32 $0xFFFFC000  }
0x208: {  	[tilespmem:s28], [sflag:$0x2] =	stream.indirect.gather [hbm4b:s4+s26], $0x80, s13, s26, $0xb8;
	[tilespmem:$0x1DC00] =	vst v63  }
0x209: {  	_ =	swait.ge [sflag:s9], $0x4000  }
0x20a: {  	[sflag:s9] =	ssyncset.done $0x0  }
0x20b: {  	[sflag:s9] =	ssyncadd.s32 $0xFFFFC000  }
0x20c: {  	[spmem:s1] =	stream.indirect.scatter.add.f32 [tilespmem:s31], [sflag:$0x4], $0x80, s20, s26, $0xb8;
	[tilespmem:$0x1DC00] =	vst v63  }
0x20d: {  	_ =	swait.ge [sflag:s24], $0x4000  }
0x20e: {  	[sflag:s24] =	ssyncset.done $0x0  }
0x20f: {  	[sflag:s24] =	ssyncadd.s32 $0xFFFFC000  }
0x210: {  	[tilespmem:s31], [sflag:$0x1] =	stream.indirect.gather [hbm4b:s4+s26], $0x80, s21, s26, $0xb8;
	[tilespmem:$0x1DC00] =	vst v63  }
0x211: {  	_ =	swait.ge [sflag:s0], $0x4000  }
0x212: {  	[sflag:s0] =	ssyncset.done $0x0  }
0x213: {  	s20 =	simm.s32 $0x1C00;
	[sflag:s0] =	ssyncadd.s32 $0xFFFFC000  }
0x214: {  	[spmem:s1] =	stream.indirect.scatter.add.f32 [tilespmem:s28], [sflag:$0x4], $0x80, s20, s26, $0xb8;
	[tilespmem:$0x1DC00] =	vst v63  }
0x215: {  	_ =	swait.ge [sflag:s24], $0x4000  }
0x216: {  	[sflag:s24] =	ssyncset.done $0x0  }
0x217: {  	s21 =	simm.s32 $0x1500;
	[sflag:s24] =	ssyncadd.s32 $0xFFFFC000  }
0x218: {  	[tilespmem:s28], [sflag:$0x2] =	stream.indirect.gather [hbm4b:s4+s26], $0x80, s21, s26, $0xb8;
	[tilespmem:$0x1DC00] =	vst v63  }
0x219: {  	_ =	swait.ge [sflag:s9], $0x4000  }
0x21a: {  	[sflag:s9] =	ssyncset.done $0x0  }
0x21b: {  	s22 =	simm.s32 $0x1C80;
	[sflag:s9] =	ssyncadd.s32 $0xFFFFC000  }
0x21c: {  	[spmem:s1] =	stream.indirect.scatter.add.f32 [tilespmem:s31], [sflag:$0x4], $0x80, s22, s26, $0xb8;
	[tilespmem:$0x1DC00] =	vst v63  }
0x21d: {  	_ =	swait.ge [sflag:s24], $0x4000  }
0x21e: {  	[sflag:s24] =	ssyncset.done $0x0  }
0x21f: {  	s6 =	simm.s32 $0x1580;
	[sflag:s24] =	ssyncadd.s32 $0xFFFFC000  }
0x220: {  	[tilespmem:s31], [sflag:$0x1] =	stream.indirect.gather [hbm4b:s4+s26], $0x80, s6, s26, $0xb8;
	[tilespmem:$0x1DC00] =	vst v63  }
0x221: {  	_ =	swait.ge [sflag:s0], $0x4000  }
0x222: {  	[sflag:s0] =	ssyncset.done $0x0  }
0x223: {  	s7 =	simm.s32 $0x1D00;
	[sflag:s0] =	ssyncadd.s32 $0xFFFFC000  }
0x224: {  	[spmem:s1] =	stream.indirect.scatter.add.f32 [tilespmem:s28], [sflag:$0x4], $0x80, s7, s26, $0xb8;
	[tilespmem:$0x1DC00] =	vst v63  }
0x225: {  	_ =	swait.ge [sflag:s24], $0x4000  }
0x226: {  	[sflag:s24] =	ssyncset.done $0x0  }
0x227: {  	s8 =	simm.s32 $0x1600;
	[sflag:s24] =	ssyncadd.s32 $0xFFFFC000  }
0x228: {  	[tilespmem:s28], [sflag:$0x2] =	stream.indirect.gather [hbm4b:s4+s26], $0x80, s8, s26, $0xb8;
	[tilespmem:$0x1DC00] =	vst v63  }
0x229: {  	_ =	swait.ge [sflag:s9], $0x4000  }
0x22a: {  	[sflag:s9] =	ssyncset.done $0x0  }
0x22b: {  	s13 =	simm.s32 $0x1D80;
	[sflag:s9] =	ssyncadd.s32 $0xFFFFC000  }
0x22c: {  	[spmem:s1] =	stream.indirect.scatter.add.f32 [tilespmem:s31], [sflag:$0x4], $0x80, s13, s26, $0xb8;
	[tilespmem:$0x1DC00] =	vst v63  }
0x22d: {  	_ =	swait.ge [sflag:s24], $0x4000  }
0x22e: {  	[sflag:s24] =	ssyncset.done $0x0  }
0x22f: {  	s20 =	simm.s32 $0x1680;
	[sflag:s24] =	ssyncadd.s32 $0xFFFFC000  }
0x230: {  	[tilespmem:s31], [sflag:$0x1] =	stream.indirect.gather [hbm4b:s4+s26], $0x80, s20, s26, $0xb8;
	[tilespmem:$0x1DC00] =	vst v63  }
0x231: {  	_ =	swait.ge [sflag:s0], $0x4000  }
0x232: {  	[sflag:s0] =	ssyncset.done $0x0  }
0x233: {  	s21 =	simm.s32 $0x1E00;
	[sflag:s0] =	ssyncadd.s32 $0xFFFFC000  }
0x234: {  	[spmem:s1] =	stream.indirect.scatter.add.f32 [tilespmem:s28], [sflag:$0x4], $0x80, s21, s26, $0xb8;
	[tilespmem:$0x1DC00] =	vst v63  }
0x235: {  	_ =	swait.ge [sflag:s24], $0x4000  }
0x236: {  	[sflag:s24] =	ssyncset.done $0x0  }
0x237: {  	s22 =	simm.s32 $0x1700;
	[sflag:s24] =	ssyncadd.s32 $0xFFFFC000  }
0x238: {  	[tilespmem:s28], [sflag:$0x2] =	stream.indirect.gather [hbm4b:s4+s26], $0x80, s22, s26, $0xb8;
	[tilespmem:$0x1DC00] =	vst v63  }
0x239: {  	_ =	swait.ge [sflag:s9], $0x4000  }
0x23a: {  	[sflag:s9] =	ssyncset.done $0x0  }
0x23b: {  	s6 =	simm.s32 $0x1E80;
	[sflag:s9] =	ssyncadd.s32 $0xFFFFC000  }
0x23c: {  	[spmem:s1] =	stream.indirect.scatter.add.f32 [tilespmem:s31], [sflag:$0x4], $0x80, s6, s26, $0xb8;
	[tilespmem:$0x1DC00] =	vst v63  }
0x23d: {  	_ =	swait.ge [sflag:s24], $0x4000  }
0x23e: {  	[sflag:s24] =	ssyncset.done $0x0  }
0x23f: {  	s7 =	simm.s32 $0x1780;
	[sflag:s24] =	ssyncadd.s32 $0xFFFFC000  }
0x240: {  	[tilespmem:s31], [sflag:$0x1] =	stream.indirect.gather [hbm4b:s4+s26], $0x80, s7, s26, $0xb8;
	[tilespmem:$0x1DC00] =	vst v63  }
0x241: {  	_ =	swait.ge [sflag:s0], $0x4000  }
0x242: {  	[sflag:s0] =	ssyncset.done $0x0  }
0x243: {  	s8 =	simm.s32 $0x1F00;
	[sflag:s0] =	ssyncadd.s32 $0xFFFFC000  }
0x244: {  	[spmem:s1] =	stream.indirect.scatter.add.f32 [tilespmem:s28], [sflag:$0x4], $0x80, s8, s26, $0xb8;
	[tilespmem:$0x1DC00] =	vst v63  }
0x245: {  	_ =	swait.ge [sflag:s24], $0x4000  }
0x246: {  	[sflag:s24] =	ssyncset.done $0x0  }
0x247: {  	[sflag:s24] =	ssyncadd.s32 $0xFFFFC000  }
0x248: {  	_ =	swait.ge [sflag:s25], $0x800  }
0x249: {  	[sflag:s25] =	ssyncset.done $0x0  }
0x24a: {  	[sflag:s25] =	ssyncadd.s32 $0xFFFFF800  }
0x24b: {  	_ =	swait.ge [sflag:s25], $0x800  }
0x24c: {  	[sflag:s25] =	ssyncset.done $0x0  }
0x24d: {  	[sflag:s25] =	ssyncadd.s32 $0xFFFFF800  }
0x24e: {  	[tilespmem:s28], [sflag:$0x2] =	stream.indirect.gather [hbm4b:s4+s26], $0x80, s3, s26, $0xb8;
	[tilespmem:$0x1DC00] =	vst v63  }
0x24f: {  	_ =	swait.ge [sflag:s9], $0x4000  }
0x250: {  	[sflag:s9] =	ssyncset.done $0x0  }
0x251: {  	s13 =	simm.s32 $0x1F80;
	[sflag:s9] =	ssyncadd.s32 $0xFFFFC000  }
0x252: {  	[spmem:s1] =	stream.indirect.scatter.add.f32 [tilespmem:s31], [sflag:$0x4], $0x80, s13, s26, $0xb8;
	[tilespmem:$0x1DC00] =	vst v63  }
0x253: {  	_ =	swait.ge [sflag:s24], $0x4000  }
0x254: {  	[sflag:s24] =	ssyncset.done $0x0  }
0x255: {  	[sflag:s24] =	ssyncadd.s32 $0xFFFFC000  }
0x256: {  	[tilespmem:s31], [sflag:$0x1] =	stream.indirect.gather [hbm4b:s4+s26], $0x80, s26, s26, $0xb8;
	[tilespmem:$0x1DC00] =	vst v63  }
0x257: {  	_ =	swait.ge [sflag:s0], $0x4000  }
0x258: {  	[sflag:s0] =	ssyncset.done $0x0  }
0x259: {  	s5 =	simm.s32 $0x800;
	[sflag:s0] =	ssyncadd.s32 $0xFFFFC000  }
0x25a: {  	[spmem:s1] =	stream.indirect.scatter.add.f32 [tilespmem:s28], [sflag:$0x4], $0x80, s5, s26, $0xb8;
	[tilespmem:$0x1DC00] =	vst v63  }
0x25b: {  	_ =	swait.ge [sflag:s24], $0x4000  }
0x25c: {  	[sflag:s24] =	ssyncset.done $0x0  }
0x25d: {  	s20 =	simm.s32 $0x100;
	[sflag:s24] =	ssyncadd.s32 $0xFFFFC000  }
0x25e: {  	[tilespmem:s28], [sflag:$0x2] =	stream.indirect.gather [hbm4b:s4+s26], $0x80, s20, s26, $0xb8;
	[tilespmem:$0x1DC00] =	vst v63  }
0x25f: {  	_ =	swait.ge [sflag:s9], $0x4000  }
0x260: {  	[sflag:s9] =	ssyncset.done $0x0  }
0x261: {  	s21 =	simm.s32 $0x880;
	[sflag:s9] =	ssyncadd.s32 $0xFFFFC000  }
0x262: {  	[spmem:s1] =	stream.indirect.scatter.add.f32 [tilespmem:s31], [sflag:$0x4], $0x80, s21, s26, $0xb8;
	[tilespmem:$0x1DC00] =	vst v63  }
0x263: {  	_ =	swait.ge [sflag:s24], $0x4000  }
0x264: {  	[sflag:s24] =	ssyncset.done $0x0  }
0x265: {  	s22 =	simm.s32 $0x180;
	[sflag:s24] =	ssyncadd.s32 $0xFFFFC000  }
0x266: {  	[tilespmem:s31], [sflag:$0x1] =	stream.indirect.gather [hbm4b:s4+s26], $0x80, s22, s26, $0xb8;
	[tilespmem:$0x1DC00] =	vst v63  }
0x267: {  	_ =	swait.ge [sflag:s0], $0x4000  }
0x268: {  	[sflag:s0] =	ssyncset.done $0x0  }
0x269: {  	s6 =	simm.s32 $0x900;
	[sflag:s0] =	ssyncadd.s32 $0xFFFFC000  }
0x26a: {  	[spmem:s1] =	stream.indirect.scatter.add.f32 [tilespmem:s28], [sflag:$0x4], $0x80, s6, s26, $0xb8;
	[tilespmem:$0x1DC00] =	vst v63  }
0x26b: {  	_ =	swait.ge [sflag:s24], $0x4000  }
0x26c: {  	[sflag:s24] =	ssyncset.done $0x0  }
0x26d: {  	s7 =	simm.s32 $0x200;
	[sflag:s24] =	ssyncadd.s32 $0xFFFFC000  }
0x26e: {  	[tilespmem:s28], [sflag:$0x2] =	stream.indirect.gather [hbm4b:s4+s26], $0x80, s7, s26, $0xb8;
	[tilespmem:$0x1DC00] =	vst v63  }
0x26f: {  	_ =	swait.ge [sflag:s9], $0x4000  }
0x270: {  	[sflag:s9] =	ssyncset.done $0x0  }
0x271: {  	s8 =	simm.s32 $0x980;
	[sflag:s9] =	ssyncadd.s32 $0xFFFFC000  }
0x272: {  	[spmem:s1] =	stream.indirect.scatter.add.f32 [tilespmem:s31], [sflag:$0x4], $0x80, s8, s26, $0xb8;
	[tilespmem:$0x1DC00] =	vst v63  }
0x273: {  	_ =	swait.ge [sflag:s24], $0x4000  }
0x274: {  	[sflag:s24] =	ssyncset.done $0x0  }
0x275: {  	s13 =	simm.s32 $0x280;
	[sflag:s24] =	ssyncadd.s32 $0xFFFFC000  }
0x276: {  	[tilespmem:s31], [sflag:$0x1] =	stream.indirect.gather [hbm4b:s4+s26], $0x80, s13, s26, $0xb8;
	[tilespmem:$0x1DC00] =	vst v63  }
0x277: {  	_ =	swait.ge [sflag:s0], $0x4000  }
0x278: {  	[sflag:s0] =	ssyncset.done $0x0  }
0x279: {  	s20 =	simm.s32 $0xA00;
	[sflag:s0] =	ssyncadd.s32 $0xFFFFC000  }
0x27a: {  	[spmem:s1] =	stream.indirect.scatter.add.f32 [tilespmem:s28], [sflag:$0x4], $0x80, s20, s26, $0xb8;
	[tilespmem:$0x1DC00] =	vst v63  }
0x27b: {  	_ =	swait.ge [sflag:s24], $0x4000  }
0x27c: {  	[sflag:s24] =	ssyncset.done $0x0  }
0x27d: {  	s21 =	simm.s32 $0x300;
	[sflag:s24] =	ssyncadd.s32 $0xFFFFC000  }
0x27e: {  	[tilespmem:s28], [sflag:$0x2] =	stream.indirect.gather [hbm4b:s4+s26], $0x80, s21, s26, $0xb8;
	[tilespmem:$0x1DC00] =	vst v63  }
0x27f: {  	_ =	swait.ge [sflag:s9], $0x4000  }
0x280: {  	[sflag:s9] =	ssyncset.done $0x0  }
0x281: {  	s22 =	simm.s32 $0xA80;
	[sflag:s9] =	ssyncadd.s32 $0xFFFFC000  }
0x282: {  	[spmem:s1] =	stream.indirect.scatter.add.f32 [tilespmem:s31], [sflag:$0x4], $0x80, s22, s26, $0xb8;
	[tilespmem:$0x1DC00] =	vst v63  }
0x283: {  	_ =	swait.ge [sflag:s24], $0x4000  }
0x284: {  	[sflag:s24] =	ssyncset.done $0x0  }
0x285: {  	s6 =	simm.s32 $0x380;
	[sflag:s24] =	ssyncadd.s32 $0xFFFFC000  }
0x286: {  	[tilespmem:s31], [sflag:$0x1] =	stream.indirect.gather [hbm4b:s4+s26], $0x80, s6, s26, $0xb8;
	[tilespmem:$0x1DC00] =	vst v63  }
0x287: {  	_ =	swait.ge [sflag:s0], $0x4000  }
0x288: {  	[sflag:s0] =	ssyncset.done $0x0  }
0x289: {  	s7 =	simm.s32 $0xB00;
	[sflag:s0] =	ssyncadd.s32 $0xFFFFC000  }
0x28a: {  	[spmem:s1] =	stream.indirect.scatter.add.f32 [tilespmem:s28], [sflag:$0x4], $0x80, s7, s26, $0xb8;
	[tilespmem:$0x1DC00] =	vst v63  }
0x28b: {  	_ =	swait.ge [sflag:s24], $0x4000  }
0x28c: {  	[sflag:s24] =	ssyncset.done $0x0  }
0x28d: {  	s8 =	simm.s32 $0x400;
	[sflag:s24] =	ssyncadd.s32 $0xFFFFC000  }
0x28e: {  	[tilespmem:s28], [sflag:$0x2] =	stream.indirect.gather [hbm4b:s4+s26], $0x80, s8, s26, $0xb8;
	[tilespmem:$0x1DC00] =	vst v63  }
0x28f: {  	_ =	swait.ge [sflag:s9], $0x4000  }
0x290: {  	[sflag:s9] =	ssyncset.done $0x0  }
0x291: {  	s13 =	simm.s32 $0xB80;
	[sflag:s9] =	ssyncadd.s32 $0xFFFFC000  }
0x292: {  	[spmem:s1] =	stream.indirect.scatter.add.f32 [tilespmem:s31], [sflag:$0x4], $0x80, s13, s26, $0xb8;
	[tilespmem:$0x1DC00] =	vst v63  }
0x293: {  	_ =	swait.ge [sflag:s24], $0x4000  }
0x294: {  	[sflag:s24] =	ssyncset.done $0x0  }
0x295: {  	s20 =	simm.s32 $0x480;
	[sflag:s24] =	ssyncadd.s32 $0xFFFFC000  }
0x296: {  	[tilespmem:s31], [sflag:$0x1] =	stream.indirect.gather [hbm4b:s4+s26], $0x80, s20, s26, $0xb8;
	[tilespmem:$0x1DC00] =	vst v63  }
0x297: {  	_ =	swait.ge [sflag:s0], $0x4000  }
0x298: {  	[sflag:s0] =	ssyncset.done $0x0  }
0x299: {  	s21 =	simm.s32 $0xC00;
	[sflag:s0] =	ssyncadd.s32 $0xFFFFC000  }
0x29a: {  	[spmem:s1] =	stream.indirect.scatter.add.f32 [tilespmem:s28], [sflag:$0x4], $0x80, s21, s26, $0xb8;
	[tilespmem:$0x1DC00] =	vst v63  }
0x29b: {  	_ =	swait.ge [sflag:s24], $0x4000  }
0x29c: {  	[sflag:s24] =	ssyncset.done $0x0  }
0x29d: {  	s22 =	simm.s32 $0x500;
	[sflag:s24] =	ssyncadd.s32 $0xFFFFC000  }
0x29e: {  	[tilespmem:s28], [sflag:$0x2] =	stream.indirect.gather [hbm4b:s4+s26], $0x80, s22, s26, $0xb8;
	[tilespmem:$0x1DC00] =	vst v63  }
0x29f: {  	_ =	swait.ge [sflag:s9], $0x4000  }
0x2a0: {  	[sflag:s9] =	ssyncset.done $0x0  }
0x2a1: {  	s6 =	simm.s32 $0xC80;
	[sflag:s9] =	ssyncadd.s32 $0xFFFFC000  }
0x2a2: {  	[spmem:s1] =	stream.indirect.scatter.add.f32 [tilespmem:s31], [sflag:$0x4], $0x80, s6, s26, $0xb8;
	[tilespmem:$0x1DC00] =	vst v63  }
0x2a3: {  	_ =	swait.ge [sflag:s24], $0x4000  }
0x2a4: {  	[sflag:s24] =	ssyncset.done $0x0  }
0x2a5: {  	s7 =	simm.s32 $0x580;
	[sflag:s24] =	ssyncadd.s32 $0xFFFFC000  }
0x2a6: {  	[tilespmem:s31], [sflag:$0x1] =	stream.indirect.gather [hbm4b:s4+s26], $0x80, s7, s26, $0xb8;
	[tilespmem:$0x1DC00] =	vst v63  }
0x2a7: {  	_ =	swait.ge [sflag:s0], $0x4000  }
0x2a8: {  	[sflag:s0] =	ssyncset.done $0x0  }
0x2a9: {  	s8 =	simm.s32 $0xD00;
	[sflag:s0] =	ssyncadd.s32 $0xFFFFC000  }
0x2aa: {  	[spmem:s1] =	stream.indirect.scatter.add.f32 [tilespmem:s28], [sflag:$0x4], $0x80, s8, s26, $0xb8;
	[tilespmem:$0x1DC00] =	vst v63  }
0x2ab: {  	_ =	swait.ge [sflag:s24], $0x4000  }
0x2ac: {  	[sflag:s24] =	ssyncset.done $0x0  }
0x2ad: {  	s13 =	simm.s32 $0x600;
	[sflag:s24] =	ssyncadd.s32 $0xFFFFC000  }
0x2ae: {  	[tilespmem:s28], [sflag:$0x2] =	stream.indirect.gather [hbm4b:s4+s26], $0x80, s13, s26, $0xb8;
	[tilespmem:$0x1DC00] =	vst v63  }
0x2af: {  	_ =	swait.ge [sflag:s9], $0x4000  }
0x2b0: {  	[sflag:s9] =	ssyncset.done $0x0  }
0x2b1: {  	s20 =	simm.s32 $0xD80;
	[sflag:s9] =	ssyncadd.s32 $0xFFFFC000  }
0x2b2: {  	[spmem:s1] =	stream.indirect.scatter.add.f32 [tilespmem:s31], [sflag:$0x4], $0x80, s20, s26, $0xb8;
	[tilespmem:$0x1DC00] =	vst v63  }
0x2b3: {  	_ =	swait.ge [sflag:s24], $0x4000  }
0x2b4: {  	[sflag:s24] =	ssyncset.done $0x0  }
0x2b5: {  	s21 =	simm.s32 $0x680;
	[sflag:s24] =	ssyncadd.s32 $0xFFFFC000  }
0x2b6: {  	[tilespmem:s31], [sflag:$0x1] =	stream.indirect.gather [hbm4b:s4+s26], $0x80, s21, s26, $0xb8;
	[tilespmem:$0x1DC00] =	vst v63  }
0x2b7: {  	_ =	swait.ge [sflag:s0], $0x4000  }
0x2b8: {  	[sflag:s0] =	ssyncset.done $0x0  }
0x2b9: {  	s22 =	simm.s32 $0xE00;
	[sflag:s0] =	ssyncadd.s32 $0xFFFFC000  }
0x2ba: {  	[spmem:s1] =	stream.indirect.scatter.add.f32 [tilespmem:s28], [sflag:$0x4], $0x80, s22, s26, $0xb8;
	[tilespmem:$0x1DC00] =	vst v63  }
0x2bb: {  	_ =	swait.ge [sflag:s24], $0x4000  }
0x2bc: {  	[sflag:s24] =	ssyncset.done $0x0  }
0x2bd: {  	s6 =	simm.s32 $0x700;
	[sflag:s24] =	ssyncadd.s32 $0xFFFFC000  }
0x2be: {  	[tilespmem:s28], [sflag:$0x2] =	stream.indirect.gather [hbm4b:s4+s26], $0x80, s6, s26, $0xb8;
	[tilespmem:$0x1DC00] =	vst v63  }
0x2bf: {  	_ =	swait.ge [sflag:s9], $0x4000  }
0x2c0: {  	[sflag:s9] =	ssyncset.done $0x0  }
0x2c1: {  	s7 =	simm.s32 $0xE80;
	[sflag:s9] =	ssyncadd.s32 $0xFFFFC000  }
0x2c2: {  	[spmem:s1] =	stream.indirect.scatter.add.f32 [tilespmem:s31], [sflag:$0x4], $0x80, s7, s26, $0xb8;
	[tilespmem:$0x1DC00] =	vst v63  }
0x2c3: {  	_ =	swait.ge [sflag:s24], $0x4000  }
0x2c4: {  	[sflag:s24] =	ssyncset.done $0x0  }
0x2c5: {  	s8 =	simm.s32 $0x780;
	[sflag:s24] =	ssyncadd.s32 $0xFFFFC000  }
0x2c6: {  	[tilespmem:s31], [sflag:$0x1] =	stream.indirect.gather [hbm4b:s4+s26], $0x80, s8, s26, $0xb8;
	[tilespmem:$0x1DC00] =	vst v63  }
0x2c7: {  	_ =	swait.ge [sflag:s0], $0x4000  }
0x2c8: {  	[sflag:s0] =	ssyncset.done $0x0  }
0x2c9: {  	s13 =	simm.s32 $0xF00;
	[sflag:s0] =	ssyncadd.s32 $0xFFFFC000  }
0x2ca: {  	[spmem:s1] =	stream.indirect.scatter.add.f32 [tilespmem:s28], [sflag:$0x4], $0x80, s13, s26, $0xb8;
	[tilespmem:$0x1DC00] =	vst v63  }
0x2cb: {  	_ =	swait.ge [sflag:s24], $0x4000  }
0x2cc: {  	[sflag:s24] =	ssyncset.done $0x0  }
0x2cd: {  	[sflag:s24] =	ssyncadd.s32 $0xFFFFC000  }
0x2ce: {  	_ =	swait.ge [sflag:s9], $0x4000  }
0x2cf: {  	[sflag:s9] =	ssyncset.done $0x0  }
0x2d0: {  	s30 =	simm.s32 $0xF80;
	[sflag:s9] =	ssyncadd.s32 $0xFFFFC000  }
0x2d1: {  	[spmem:s1] =	stream.indirect.scatter.add.f32 [tilespmem:s31], [sflag:$0x4], $0x80, s30, s26, $0xb8;
	[tilespmem:$0x1DC00] =	vst v63  }
0x2d2: {  	_ =	swait.ge [sflag:s24], $0x4000  }
0x2d3: {  	[sflag:s24] =	ssyncset.done $0x0  }
0x2d4: {  	[sflag:s24] =	ssyncadd.s32 $0xFFFFC000  }
0x2d5: {  	[bflag:$0x0] =	sbarrier.arrive $0xFFFF  }
0x2d6: {  	s20 =	rddreg [dreg:$0x12]  }
0x2d7: {  	s21 =	rddreg [dreg:$0x16]  }
0x2d8: {  	s22 =	rddreg [dreg:$0x17]  }
0x2d9: {  	[hbm:s20], [sflag:s22] =	dma.local [spmem:s21], $0x2780  }
0x2da: {  	_ =	swait.ge [sflag:s24], $0x2780  }
0x2db: {  	s18 =	sadd.s32 $0x1, s18;
	s30 =	rddreg [dreg:$0x13]  }
0x2dc: {  	p1 =	sne.s32 s18, s30  }
.Ltmp1:
0x2dd: {  	_ = 	snop;
	(pc) =	sbr.rel @!p1 .LBB2_7-.Ltmp1, $3  }
0x2de: {  	_ =	sdelay $0x1  }
0x2df: {  	[sflag:s24] =	ssyncset.done $0x0  }
0x2e0: {  	s13 =	rddreg [dreg:$0x15];
	[sflag:s24] =	ssyncadd.s32 $0xFFFFD880  }
.LBB2_1:
0x2e1: {  	[tilespmem:s3], [sflag:$0x3] =	stream.linear.gather [hbm4b:s13+s3], $0x800, $0x38;
	[tilespmem:$0x1DC00] =	vst v63  }
0x2e2: {  	s2 =	stileid.u32  }
.Ltmp2:
0x2e3: {  	s30 =	rddreg [dreg:$0x14];
	(pc) =	sbr.rel @!p0 .LBB2_2-.Ltmp2, $4  }
0x2e4: {  	s8 =	rddreg [dreg:$0x4];
	s20 =	sshll.u32 s2, $0x6;
	s6 =	sshrl.u32 s30, $0x3  }
0x2e5: {  	[tilespmem:s5], [sflag:$0x3] =	stream.linear.gather [hbm4b:s8+s3], $0x800, $0x38;
	[tilespmem:$0x1DC00] =	vst v63  }
0x2e6: {  	s7 =	sor.u32 $0x1C04, s20;
	[dreg:$0x16] =	wrdreg s6  }
0x2e7: {  	[dreg:$0x17] =	wrdreg s7  }
0x2e8: {  	s21 =	sshra.s32 s3, $0x2;
	s22 =	sadd.s32 $0x200, s3  }
.LBB2_4:
0x2e9: {  	p1 =	sne.s32 s22, $0xFE00;
	[tilespmem:s21+$0x2070] =	vst v0  }
0x2ea: {  	[tilespmem:s21+$0x2000] =	vst v0  }
0x2eb: {  	[tilespmem:s21+$0x2010] =	vst v0  }
.Ltmp3:
0x2ec: {  	[tilespmem:s21+$0x2020] =	vst v0;
	(pc) =	sbr.rel @p1 .LBB2_4-.Ltmp3, $4  }
0x2ed: {  	[tilespmem:s21+$0x2030] =	vst v0  }
0x2ee: {  	[tilespmem:s21+$0x2040] =	vst v0  }
0x2ef: {  	[tilespmem:s21+$0x2050] =	vst v0  }
0x2f0: {  	[tilespmem:s21+$0x2060] =	vst v0;
	s21 =	sshra.s32 s22, $0x2;
	s22 =	sadd.s32 $0x200, s22  }
0x2f1: {  	[tilespmem:s21+$0x2070] =	vst v0  }
0x2f2: {  	[tilespmem:s21+$0x2000] =	vst v0  }
0x2f3: {  	[tilespmem:s21+$0x2010] =	vst v0  }
0x2f4: {  	[tilespmem:s21+$0x2020] =	vst v0  }
0x2f5: {  	[tilespmem:s21+$0x2030] =	vst v0  }
0x2f6: {  	[tilespmem:s21+$0x2040] =	vst v0  }
0x2f7: {  	[tilespmem:s21+$0x2050] =	vst v0  }
0x2f8: {  	[tilespmem:s21+$0x2060] =	vst v0;
	s2 =	rddreg [dreg:$0x14]  }
0x2f9: {  	[spmem:s2] =	stream.linear.scatter [tilespmem:s31], [sflag:$0x4], $0x4000, $0x38;
	[tilespmem:$0x1DC00] =	vst v63  }
0x2fa: {  	_ =	swait.ge [sflag:s24], $0x4000  }
0x2fb: {  	[sflag:s24] =	ssyncset.done $0x0  }
0x2fc: {  	s13 =	rddreg [dreg:$0x5];
	[sflag:s24] =	ssyncadd.s32 $0xFFFFC000  }
0x2fd: {  	[spmem:s13] =	stream.linear.scatter [tilespmem:s31], [sflag:$0x4], $0x4000, $0x38;
	[tilespmem:$0x1DC00] =	vst v63  }
0x2fe: {  	_ =	swait.ge [sflag:s24], $0x4000  }
0x2ff: {  	[sflag:s24] =	ssyncset.done $0x0  }
0x300: {  	s20 =	rddreg [dreg:$0x6];
	[sflag:s24] =	ssyncadd.s32 $0xFFFFC000  }
0x301: {  	[spmem:s20] =	stream.linear.scatter [tilespmem:s31], [sflag:$0x4], $0x4000, $0x38;
	[tilespmem:$0x1DC00] =	vst v63  }
0x302: {  	_ =	swait.ge [sflag:s24], $0x4000  }
0x303: {  	[sflag:s24] =	ssyncset.done $0x0  }
0x304: {  	s22 =	rddreg [dreg:$0x7];
	[sflag:s24] =	ssyncadd.s32 $0xFFFFC000  }
0x305: {  	[spmem:s22] =	stream.linear.scatter [tilespmem:s31], [sflag:$0x4], $0x4000, $0x38;
	[tilespmem:$0x1DC00] =	vst v63  }
0x306: {  	_ =	swait.ge [sflag:s24], $0x4000  }
0x307: {  	[sflag:s24] =	ssyncset.done $0x0  }
.Ltmp4:
0x308: {  	s30 =	rddreg [dreg:$0x8];
	[sflag:s24] =	ssyncadd.s32 $0xFFFFC000;
	(pc) =	sbr.rel .LBB2_6-.Ltmp4, $4  }
0x309: {  	[spmem:s30] =	stream.linear.scatter [tilespmem:s31], [sflag:$0x4], $0x3C00, $0x38;
	[tilespmem:$0x1DC00] =	vst v63  }
0x30a: {  	_ =	swait.ge [sflag:s24], $0x3C00  }
0x30b: {  	[sflag:s24] =	ssyncset.done $0x0  }
0x30c: {  	[sflag:s24] =	ssyncadd.s32 $0xFFFFC400  }
.LBB2_7:
0x30d: {  	_ =	sfence.sel $0x180000  }
0x30e: {  	[bflag:$0x0] =	sbarrier.arrive $0xFFFF  }
0x30f: {  	_ =	strace $0x9000004D  }
0x310: {  	s0 =	stileid.u32;
	[bflag:$0x2] =	sbarrier.arrive $0xFFFF  }
0x311: {  	p0 =	sne.s32 s0, $0x0;
	s0 =	rddreg [dreg:$0x3]  }
0x312: {  	s0 =	sadd.s32 @!p0 $0x100000, s0  }
0x313: {  	[sflag:s0] =	ssyncadd.tile.s32 @!p0 $0x1;
	_ =	shalt  }
.Lfunc_end2:
_tile_overlayer_lowered:
.L_overlay_start_2:
0x314: {  	(tag) =	ssettag $0x2  }
0x315: {  	s0 =	rddreg [dreg:$0x0];
	s2 =	stileid.u32  }
0x316: {  	s1 =	rddreg [dreg:$0x1];
	p0 =	sne.s32 s2, $0x0  }
0x317: {  	s3 =	rddreg [dreg:$0x2];
	[bflag:$0x3] =	sbarrier.arrive $0xFFFF;
	s2 =	simm.s32 @!p0 $0x1C04  }
0x318: {  	[timem:s3], [sflag:s2] =	dma.local @!p0 [hbm:s0], s1  }
0x319: {  	s0 =	simm.s32 @!p0 $0x4  }
0x31a: {  	_ =	swait.ge @!p0 [sflag:s0], s1  }
0x31b: {  	s1 =	ssub.s32 @!p0 $0x0, s1;
	[sflag:s0] =	ssyncset.done @!p0 $0x0  }
0x31c: {  	[sflag:s0] =	ssyncadd.s32 @!p0 s1  }
0x31d: {  	[bflag:$0x3] =	sbarrier.arrive $0xFFFF  }
0x31e: {  	_ =	shalt  }

// kernel: kernel.8.cloned.1.call-start
scs
__scs_entry_jumppad:
0x0: {  	(pc) =	sbr.rel $0x88, $3  }
0x1: {  	(tag) =	ssettag $0x0;
	lr =	simm.s32 $0x1  }
0x2: {  	[smem:$0x3F9B] =	sst lr;
	_ =	strace $0xD0000000  }
0x3: {  	_ = 	snop  }
0x4: {  	_ = 	snop  }
0x5: {  	_ = 	snop  }
0x6: {  	_ = 	snop  }
0x7: {  	_ = 	snop  }
__scs_overlays_trampoline_lowered:
0x8: {  	[smem:$0x3FAA] =	sst s0  }
0x9: {  	[smem:$0x3FAB] =	sst s1  }
0xa: {  	[smem:$0x3FAC] =	sst s2  }
0xb: {  	[smem:$0x3FAD] =	sst s3  }
0xc: {  	[smem:$0x3FAE] =	sst s4  }
0xd: {  	[smem:$0x3FAF] =	sst s5  }
0xe: {  	[smem:$0x3FB0] =	sst s6  }
0xf: {  	[smem:$0x3FB1] =	sst s7  }
0x10: {  	[smem:$0x3FB2] =	sst s8  }
0x11: {  	[smem:$0x3FB3] =	sst s9;
	s0 =	simm.s32 @!p0 $0x0  }
0x12: {  	s1 =	sld [smem:$0x3F99];
	s0 =	simm.s32 @p0 $0x1  }
0x13: {  	[smem:$0x3FB4] =	sst s0;
	s0 =	simm.s32 @!p1 $0x0  }
0x14: {  	s2 =	sld [smem:$0x3F98];
	s0 =	simm.s32 @p1 $0x1  }
0x15: {  	[smem:$0x3FB5] =	sst s0;
	s0 =	simm.s32 @!p2 $0x0  }
0x16: {  	s3 =	sld [smem:$0x3FDB];
	s0 =	simm.s32 @p2 $0x1  }
0x17: {  	s4 =	simm.s32 $0x1BF5;
	[smem:$0x3FB7] =	sst s0  }
0x18: {  	s0 =	sld [smem:$0x3F9A];
	_ =	swait.ge [sflag:s4], $0x0  }
0x19: {  	s7 =	sld [smem:$0x3F9B]  }
0x1a: {  	s8 =	sadd.s32 $0xFFFFE003, lr  }
0x1b: {  	s9 =	sadd.s32 $0xFFFFFEF7, lr;
	s5 =	simm.s32 $0xFFFFFFFF;
	p2 =	slt.u32 s8, $0xFFFFF086  }
0x1c: {  	p1 =	slt.u32 s9, $0xF7A;
	s5 =	simm.s32 @!p2 $0x0  }
0x1d: {  	s5 =	simm.s32 @p1 $0x1;
	p0 =	seq.s32 s7, s2  }
0x1e: {  	s7 =	smul.u32 @!p0 $0xF7A, s2;
	p2 =	seq.s32 @!p0 s5, $0x0  }
0x1f: {  	s9 =	smul.u32 $0xF7A, s1;
	s8 =	simm.s32 @!p0 $0x1BF5;
	p2 =	por !p2, p0  }
0x20: {  	[sflag:s8] =	ssyncset.s32 @!p0 $0xFFFFF086;
	s6 =	sadd.s32 @!p0 s3, s7;
	s7 =	simm.s32 @!p0 $0x108  }
0x21: {  	s3 =	sadd.s32 s3, s9;
	s6 =	sadd.s32 @!p0 $0x88, s6;
	s7 =	simm.s32 @p2 $0x1082  }
0x22: {  	[simem:s7], [sflag:s8] =	dma.local @!p0 [hbm:s6], $0xF7A  }
0x23: {  	s9 =	sor.u32 $0xD0000000, s2;
	s6 =	simm.s32 $0x108;
	_ =	swait.ge @!p0 [sflag:s8], $0x0  }
0x24: {  	s3 =	sadd.s32 $0x88, s3;
	s6 =	simm.s32 @!p1 $0x1082;
	[sflag:s4] =	ssyncset.s32 $0xFFFFF086  }
0x25: {  	[simem:s6], [sflag:s4] =	dma.local [hbm:s3], $0xF7A  }
0x26: {  	[smem:$0x3F9B] =	sst s1;
	(tag) =	ssettag s2;
	_ =	strace s9  }
0x27: {  	s1 =	sld [smem:$0x3FAB]  }
0x28: {  	s2 =	sld [smem:$0x3FAC]  }
0x29: {  	s4 =	sld [smem:$0x3FAE]  }
0x2a: {  	p0 =	seq.s32 s5, $0x0;
	s5 =	sld [smem:$0x3FAF]  }
0x2b: {  	s6 =	sld [smem:$0x3FB0]  }
0x2c: {  	s7 =	sld [smem:$0x3FB1]  }
0x2d: {  	s3 =	simm.s32 $0x108;
	s8 =	sld [smem:$0x3FB2]  }
0x2e: {  	s3 =	simm.s32 @!p0 $0x1082;
	s9 =	sld [smem:$0x3FB3]  }
0x2f: {  	lr =	sadd.s32 s0, s3;
	s0 =	sld [smem:$0x3FAA]  }
0x30: {  	s3 =	sld [smem:$0x3FAD]  }
0x31: {  	[smem:$0x3FB6] =	sst s10  }
0x32: {  	s10 =	sld [smem:$0x3FB4];
	_ =	sdelay $0x3  }
0x33: {  	p0 =	seq.s32 s10, $0x1;
	s10 =	sld [smem:$0x3FB6];
	_ =	sdelay $0x3  }
0x34: {  	[smem:$0x3FB6] =	sst s10  }
0x35: {  	s10 =	sld [smem:$0x3FB5];
	_ =	sdelay $0x3  }
0x36: {  	p1 =	seq.s32 s10, $0x1;
	s10 =	sld [smem:$0x3FB6];
	_ =	sdelay $0x3  }
0x37: {  	[smem:$0x3FB6] =	sst s10  }
0x38: {  	s10 =	sld [smem:$0x3FB7]  }
0x39: {  	_ = 	snop;
	(pc) =	sbr.ind lr, $3  }
0x3a: {  	_ = 	snop  }
0x3b: {  	_ = 	snop  }
0x3c: {  	p2 =	seq.s32 s10, $0x1;
	s10 =	sld [smem:$0x3FB6]  }
0x3d: {  	_ =	shalt  }
0x3e: {  	_ =	shalt  }
0x3f: {  	_ =	shalt  }
0x40: {  	_ =	shalt  }
0x41: {  	_ =	shalt  }
0x42: {  	_ =	shalt  }
0x43: {  	_ =	shalt  }
0x44: {  	_ =	shalt  }
0x45: {  	_ =	shalt  }
0x46: {  	_ =	shalt  }
0x47: {  	_ =	shalt  }
0x48: {  	_ =	shalt  }
0x49: {  	_ =	shalt  }
0x4a: {  	_ =	shalt  }
0x4b: {  	_ =	shalt  }
0x4c: {  	_ =	shalt  }
0x4d: {  	_ =	shalt  }
0x4e: {  	_ =	shalt  }
0x4f: {  	_ =	shalt  }
0x50: {  	_ =	shalt  }
0x51: {  	_ =	shalt  }
0x52: {  	_ =	shalt  }
0x53: {  	_ =	shalt  }
0x54: {  	_ =	shalt  }
0x55: {  	_ =	shalt  }
0x56: {  	_ =	shalt  }
0x57: {  	_ =	shalt  }
0x58: {  	_ =	shalt  }
0x59: {  	_ =	shalt  }
0x5a: {  	_ =	shalt  }
0x5b: {  	_ =	shalt  }
0x5c: {  	_ =	shalt  }
0x5d: {  	_ =	shalt  }
0x5e: {  	_ =	shalt  }
0x5f: {  	_ =	shalt  }
0x60: {  	_ =	shalt  }
0x61: {  	_ =	shalt  }
0x62: {  	_ =	shalt  }
0x63: {  	_ =	shalt  }
0x64: {  	_ =	shalt  }
0x65: {  	_ =	shalt  }
0x66: {  	_ =	shalt  }
0x67: {  	_ =	shalt  }
0x68: {  	_ =	shalt  }
0x69: {  	_ =	shalt  }
0x6a: {  	_ =	shalt  }
0x6b: {  	_ =	shalt  }
0x6c: {  	_ =	shalt  }
0x6d: {  	_ =	shalt  }
0x6e: {  	_ =	shalt  }
0x6f: {  	_ =	shalt  }
0x70: {  	_ =	shalt  }
0x71: {  	_ =	shalt  }
0x72: {  	_ =	shalt  }
0x73: {  	_ =	shalt  }
0x74: {  	_ =	shalt  }
0x75: {  	_ =	shalt  }
0x76: {  	_ =	shalt  }
0x77: {  	_ =	shalt  }
0x78: {  	_ =	shalt  }
0x79: {  	_ =	shalt  }
0x7a: {  	_ =	shalt  }
0x7b: {  	_ =	shalt  }
0x7c: {  	_ =	shalt  }
0x7d: {  	_ =	shalt  }
0x7e: {  	_ =	shalt  }
0x7f: {  	_ =	shalt  }
0x80: {  	_ =	shalt  }
0x81: {  	_ =	shalt  }
0x82: {  	_ =	shalt  }
0x83: {  	_ =	shalt  }
0x84: {  	_ =	shalt  }
0x85: {  	_ =	shalt  }
0x86: {  	_ =	shalt  }
0x87: {  	_ =	shalt  }
.Lfunc_end0:
.L_simem_size_0:
called_computation_lowered:
.L_overlay_start_0:
0x88: {  	s2 =	sld [smem:$0x3FD9]  }
0x89: {  	s3 =	sld [smem:$0x3FFE];
	_ =	sdelay $0x1  }
0x8a: {  	s1 =	srdreg.scid  }
0x8b: {  	s0 =	sand.u32 $0x1, s1  }
0x8c: {  	s17 =	sshll.u32 s0, $0xA;
	s2 =	sadd.s32 s3, s2  }
0x8d: {  	s2 =	sadd.s32 s2, s17  }
0x8e: {  	[smem:$0x3FC2] =	sst s2  }
0x8f: {  	_ = 	snop  }
0x90: {  	s2 =	sld [smem:$0x3FD0];
	(tm) =	ssettm $0x1  }
0x91: {  	s18 =	sld [smem:$0x3FFB];
	_ =	sdelay $0x3  }
0x92: {  	_ =	strace s18  }
0x93: {  	s3 =	sld [smem:$0x3FFC];
	_ =	sdelay $0x3  }
0x94: {  	_ =	strace s3  }
0x95: {  	s3 =	sld [smem:$0x3FFD];
	_ =	sdelay $0x3  }
0x96: {  	_ =	strace s3  }
0x97: {  	_ =	strace $0x8FFFFFFF  }
0x98: {  	s19 =	sld [smem:$0x3FDB];
	_ =	sdelay $0x1  }
0x99: {  	s4 =	simm.s32 $_scs_section_size  }
0x9a: {  	s5 =	simm.s32 $_size__tile_overlayer_lowered;
	s6 =	simm.s32 $_tile_overlayer_lowered  }
0x9b: {  	s22 =	simm.s32 $0x1BFF;
	s21 =	sshll.u32 s6, $0x1;
	s3 =	sadd.s32 s4, s19  }
0x9c: {  	s7 =	simm.s32 $0x0;
	s20 =	sshll.u32 s5, $0x1;
	s5 =	sadd.s32 s21, s3  }
0x9d: {  	[timem:s7], [sflag:s22] =	dma.local [hbm:s5], s20  }
0x9e: {  	_ =	swait.ge [sflag:s22], s20  }
0x9f: {  	s4 =	ssub.s32 $0x0, s20;
	[sflag:s22] =	ssyncset.done $0x0  }
0xa0: {  	[sflag:s22] =	ssyncadd.s32 s4;
	_ =	sdelay $0x1  }
0xa1: {  	s23 =	simm.s32 $0x1B8B  }
0xa2: {  	_ =	swait.ge [sflag:s23], $0x1  }
0xa3: {  	[sflag:s23] =	ssyncset.done $0x0  }
0xa4: {  	s25 =	simm.s32 $0x1B8E;
	s24 =	sld [smem:$0x3FFE];
	[sflag:s23] =	ssyncadd.s32 $0xFFFFFFFF  }
0xa5: {  	s26 =	simm.s32 $execute0_lowered;
	[smem:$0x3FD2] =	sst s25  }
0xa6: {  	s5 =	sshll.u32 s26, $0x1;
	_ =	strace $0x80000046;
	[dreg:$0x1] =	wrdreg $0xFFFFFFFF  }
0xa7: {  	s28 =	simm.s32 $_size_execute0_lowered;
	s3 =	sadd.s32 s3, s5;
	[dreg:$0x0] =	wrdreg $0x0  }
0xa8: {  	s5 =	sshll.u32 s28, $0x1;
	[dreg:$0x2] =	wrdreg s3  }
0xa9: {  	[dreg:$0x3] =	wrdreg s5  }
0xaa: {  	[dreg:$0x4] =	wrdreg $0xC0  }
0xab: {  	_ =	task [dreg:s7], $0x5FFFF  }
0xac: {  	[dreg:$0x1] =	wrdreg $0xFFFFFFFF  }
0xad: {  	[dreg:$0x0] =	wrdreg $0x60  }
0xae: {  	[dreg:$0x2] =	wrdreg s2  }
0xaf: {  	[dreg:$0x3] =	wrdreg s24  }
0xb0: {  	[dreg:$0x4] =	wrdreg $0x9  }
0xb1: {  	_ =	task.clear_ibuf [dreg:s7], $0x5FFFF;
	_ =	strace $0x90000046  }
0xb2: {  	s29 =	simm.s32 $0x9;
	_ =	strace $0x80000048  }
0xb3: {  	_ =	swait.ge [sflag:s29], $0x1  }
0xb4: {  	[sflag:s29] =	ssyncadd.s32 $0xFFFFFFFF  }
0xb5: {  	_ =	strace $0x90000048  }
0xb6: {  	_ =	sfence  }
0xb7: {  	s30 =	sld [smem:$0x0];
	_ =	sdelay $0x2  }
0xb8: {  	s31 =	sshll.u32 s1, $0xD;
	s1 =	sshrl.u32 s1, $0x2  }
0xb9: {  	s3 =	sand.u32 $0x4000, s31;
	s1 =	sadd.s32 s1, s30  }
0xba: {  	s0 =	sor.u32 s3, s0;
	s1 =	sshll.u32 s1, $0x11  }
0xbb: {  	s0 =	sor.u32 s1, s0  }
0xbc: {  	s0 =	sadd.s32 $0x8F2B, s0  }
0xbd: {  	[sflag:s0] =	ssyncadd.remote.s32 $0x1  }
0xbe: {  	_ =	sfence.sel $0xFFFF  }
0xbf: {  	[dreg:$0x0] =	wrdreg $0xFFFFFFFF;
	(pc) =	sbr.abs _section_cstart, $3  }
0xc0: {  	[dreg:$0x1] =	wrdreg $0xFFFFFFFF  }
0xc1: {  	_ =	task.clear_ibuf [dreg:s7], $0x2FFFF;
	_ =	strace $0x9FFFFFFF  }
0xc2: {  	(tm) =	ssettm $0x7FFFFFFF  }
0xc3: {  	_ =	shalt  }
tec
execute0_lowered:
.L_overlay_start_1:
0x0: {  	(tag) =	ssettag $0x1  }
0x1: {  	s3 =	rddreg [dreg:$0x0]  }
0x2: {  	s1 =	srdreg.scid;
	s0 =	stileid.u32  }
0x3: {  	s4 =	rddreg [dreg:$0x1];
	s5 =	sand.u32 $0x1, s1;
	s2 =	sshll.u32 s0, $0x1  }
0x4: {  	s1 =	rddreg [dreg:$0x2];
	s6 =	sor.u32 s5, s2  }
0x5: {  	s2 =	simm.s32 $0x0;
	s5 =	ssub.s32 $0x2, s5;
	s7 =	smul.u32 $0x4F0, s6  }
0x6: {  	[smem:$0x7FF] =	sst s2;
	s8 =	sshrl.u32 s5, $0x1;
	s6 =	smul.u32 $0x500, s6  }
0x7: {  	_ =	strace $0x80000047;
	s5 =	ssub.s32 s5, s8;
	s8 =	simm.s32 $0x0  }
0x8: {  	s4 =	sadd.s32 s7, s4;
	s3 =	sadd.s32 s3, s6;
	s5 =	smax.u32 s5, $0x1  }
0x9: {  	v0 =	vimm.f32 $0.0e+00;
	v1 =	vimm.f32 $1.000000000e+00;
	s6 =	simm.s32 $0x1;
	s7 =	simm.s32 $0x2800;
	s4 =	sadd.s32 $0xC000, s4  }
.LBB2_1:
0xa: {  	[tilespmem:s2], [sflag:$0x1] =	stream.linear.gather [hbm4b:s3+s2], $0x2800, $0x38;
	[tilespmem:$0x4F80] =	vst v63  }
0xb: {  	_ =	swait.ge [sflag:s6], $0x2800  }
0xc: {  	[sflag:s6] =	ssyncset.done $0x0  }
0xd: {  	s9 =	simm.s32 $0x0;
	[sflag:s6] =	ssyncadd.s32 $0xFFFFD800  }
.LBB2_2:
0xe: {  	p0 =	sne.s32 s9, $0x9DC0  }
.Ltmp0:
0xf: {  	_ = 	snop;
	(pc) =	sbr.rel @p0 .LBB2_2-.Ltmp0, $3  }
0x10: {  	_ =	sdelay $0x1  }
0x11: {  	s10 =	sshra.s32 s9, $0x2  }
0x12: {  	s9 =	sadd.s32 $0x40, s9;
	[tilespmem:s10+$0x2800] =	vst v0  }
0x13: {  	s9 =	simm.s32 $0x1C0  }
.LBB2_4:
0x14: {  	s10 =	sshra.s32 s9, $0x2  }
0x15: {  	v2 =	vld [tilespmem:s10+$0xFFFFFF90];
	_ =	sdelay $0x7  }
0x16: {  	[tilespmem:v2+s7+$0x0] =	vst.idx.add.f32.msk $0xffff, v1  }
0x17: {  	v2 =	vld [tilespmem:s10+$0xFFFFFFA0];
	_ =	sdelay $0x7  }
0x18: {  	[tilespmem:v2+s7+$0x0] =	vst.idx.add.f32.msk $0xffff, v1  }
0x19: {  	v2 =	vld [tilespmem:s10+$0xFFFFFFB0];
	_ =	sdelay $0x7  }
0x1a: {  	[tilespmem:v2+s7+$0x0] =	vst.idx.add.f32.msk $0xffff, v1  }
0x1b: {  	v2 =	vld [tilespmem:s10+$0xFFFFFFC0];
	_ =	sdelay $0x7  }
0x1c: {  	[tilespmem:v2+s7+$0x0] =	vst.idx.add.f32.msk $0xffff, v1  }
0x1d: {  	v2 =	vld [tilespmem:s10+$0xFFFFFFD0];
	_ =	sdelay $0x7  }
0x1e: {  	[tilespmem:v2+s7+$0x0] =	vst.idx.add.f32.msk $0xffff, v1  }
0x1f: {  	v2 =	vld [tilespmem:s10+$0xFFFFFFE0];
	_ =	sdelay $0x7  }
0x20: {  	[tilespmem:v2+s7+$0x0] =	vst.idx.add.f32.msk $0xffff, v1  }
0x21: {  	v2 =	vld [tilespmem:s10+$0xFFFFFFF0];
	_ =	sdelay $0x7  }
0x22: {  	[tilespmem:v2+s7+$0x0] =	vst.idx.add.f32.msk $0xffff, v1  }
0x23: {  	v2 =	vld [tilespmem:s10+$0x0];
	_ =	sdelay $0x2  }
0x24: {  	p0 =	sne.s32 s9, $0x9FC0  }
.Ltmp1:
0x25: {  	_ = 	snop;
	(pc) =	sbr.rel @p0 .LBB2_4-.Ltmp1, $2  }
0x26: {  	_ =	sdelay $0x2  }
0x27: {  	s9 =	sadd.s32 $0x200, s9;
	[tilespmem:v2+s7+$0x0] =	vst.idx.add.f32.msk $0xffff, v1  }
0x28: {  	s8 =	sadd.s32 $0x1, s8  }
0x29: {  	p0 =	sne.s32 s8, s5  }
.Ltmp2:
0x2a: {  	_ = 	snop;
	(pc) =	sbr.rel @p0 .LBB2_1-.Ltmp2, $4  }
0x2b: {  	[hbm4b:s4+s2] =	stream.linear.scatter [tilespmem:s7], [sflag:$0x1], $0x2780, $0x38;
	[tilespmem:$0x4F80] =	vst v63  }
0x2c: {  	_ =	swait.ge [sflag:s6], $0x2780  }
0x2d: {  	[sflag:s6] =	ssyncset.done $0x0  }
0x2e: {  	[sflag:s6] =	ssyncadd.s32 $0xFFFFD880  }
0x2f: {  	_ =	sfence.sel $0x180000  }
0x30: {  	[bflag:$0x0] =	sbarrier.arrive $0xFFFF  }
0x31: {  	p0 =	sne.s32 s0, $0x0;
	_ =	strace $0x90000047  }
0x32: {  	s0 =	sadd.s32 @!p0 $0x100000, s1;
	[bflag:$0x2] =	sbarrier.arrive $0xFFFF  }
0x33: {  	[sflag:s0] =	ssyncadd.tile.s32 @!p0 $0x1;
	_ =	shalt  }
.Lfunc_end2:
_tile_overlayer_lowered:
.L_overlay_start_2:
0x34: {  	(tag) =	ssettag $0x2  }
0x35: {  	s0 =	rddreg [dreg:$0x0];
	s2 =	stileid.u32  }
0x36: {  	s1 =	rddreg [dreg:$0x1];
	p0 =	sne.s32 s2, $0x0  }
0x37: {  	s3 =	rddreg [dreg:$0x2];
	[bflag:$0x3] =	sbarrier.arrive $0xFFFF;
	s2 =	simm.s32 @!p0 $0x1C01  }
0x38: {  	[timem:s3], [sflag:s2] =	dma.local @!p0 [hbm:s0], s1  }
0x39: {  	s0 =	simm.s32 @!p0 $0x1  }
0x3a: {  	_ =	swait.ge @!p0 [sflag:s0], s1  }
0x3b: {  	s1 =	ssub.s32 @!p0 $0x0, s1;
	[sflag:s0] =	ssyncset.done @!p0 $0x0  }
0x3c: {  	[sflag:s0] =	ssyncadd.s32 @!p0 s1  }
0x3d: {  	[bflag:$0x3] =	sbarrier.arrive $0xFFFF  }
0x3e: {  	_ =	shalt  }

</sc_bundles>
